<compile_context>
chip_gen: v7x
topology: tpu7x:2x2x1
jax: 0.10.2.dev20260603
libtpu: 0.0.44.dev20260713+nightly
codegen_flags: <defaults>
</compile_context>

<pallas_src>
import functools

import jax
import jax.numpy as jnp
from jax import lax
from jax.experimental import pallas as pl
from jax.experimental.pallas import tpu as pltpu
from jax.experimental.pallas import tpu_sc as plsc

N = 10000
NP = 10112
D = 128
E = 320000
N_LAYERS = 8

NW = 32
CHUNK = 128
K = 2
NSTEP = 80
EPT = NSTEP * CHUNK
E_PAD = NW * EPT
RPT = NP // 16

_MESH = plsc.VectorSubcoreMesh(core_axis_name="c", subcore_axis_name="s")



@functools.partial(
    pl.kernel,
    out_type=jax.ShapeDtypeStruct((2, NP, D), jnp.float32),
    mesh=_MESH,
    scratch_types=[
        pltpu.VMEM((K, CHUNK), jnp.int32),
        pltpu.VMEM((CHUNK, D), jnp.float32),
        pltpu.VMEM_SHARED((NP, D), jnp.float32),
        pltpu.SemaphoreType.DMA,
        pltpu.SemaphoreType.DMA,
    ],
)
def _deg_kernel(dst_hbm, ones_hbm, zeros_hbm, out_hbm,
                didx, ones_v, acc, sem_i, sem_s):
    c = lax.axis_index("c")
    s = lax.axis_index("s")
    wid = c * 16 + s
    pltpu.sync_copy(zeros_hbm.at[pl.ds(s * RPT, RPT)], acc.at[pl.ds(s * RPT, RPT)])
    pltpu.sync_copy(ones_hbm, ones_v)
    plsc.subcore_barrier()

    ebase = wid * EPT

    def group(gi, carry):
        base = ebase + gi * (K * CHUNK)
        cps = [
            pltpu.async_copy(dst_hbm.at[pl.ds(base + b * CHUNK, CHUNK)], didx.at[b], sem_i)
            for b in range(K)
        ]
        for cp in cps:
            cp.wait()
        scs = [pltpu.async_copy(ones_v, acc.at[didx.at[b]], sem_s, add=True) for b in range(K)]
        for cp in scs:
            cp.wait()
        return carry

    lax.fori_loop(0, NSTEP // K, group, 0)
    plsc.subcore_barrier()
    pltpu.sync_copy(acc.at[pl.ds(s * RPT, RPT)], out_hbm.at[c, pl.ds(s * RPT, RPT)])



@functools.partial(
    pl.kernel,
    out_type=jax.ShapeDtypeStruct((2, NP, D), jnp.float32),
    mesh=_MESH,
    scratch_types=[
        pltpu.VMEM((K, CHUNK), jnp.int32),
        pltpu.VMEM((K, CHUNK), jnp.int32),
        pltpu.VMEM((K, CHUNK, D), jnp.float32),
        pltpu.VMEM_SHARED((NP, D), jnp.float32),
        pltpu.SemaphoreType.DMA,
        pltpu.SemaphoreType.DMA,
        pltpu.SemaphoreType.DMA,
    ],
)
def _edge_kernel(src_hbm, dst_hbm, table_hbm, zeros_hbm, out_hbm,
                 sidx, didx, rows, acc, sem_i, sem_g, sem_s):
    c = lax.axis_index("c")
    s = lax.axis_index("s")
    wid = c * 16 + s
    pltpu.sync_copy(zeros_hbm.at[pl.ds(s * RPT, RPT)], acc.at[pl.ds(s * RPT, RPT)])
    plsc.subcore_barrier()

    ebase = wid * EPT

    def group(gi, carry):
        base = ebase + gi * (K * CHUNK)
        cps = []
        for b in range(K):
            cps.append(pltpu.async_copy(src_hbm.at[pl.ds(base + b * CHUNK, CHUNK)], sidx.at[b], sem_i))
            cps.append(pltpu.async_copy(dst_hbm.at[pl.ds(base + b * CHUNK, CHUNK)], didx.at[b], sem_i))
        for cp in cps:
            cp.wait()
        gcs = [pltpu.async_copy(table_hbm.at[sidx.at[b]], rows.at[b], sem_g) for b in range(K)]
        for cp in gcs:
            cp.wait()
        scs = [pltpu.async_copy(rows.at[b], acc.at[didx.at[b]], sem_s, add=True) for b in range(K)]
        for cp in scs:
            cp.wait()
        return carry

    lax.fori_loop(0, NSTEP // K, group, 0)
    plsc.subcore_barrier()
    pltpu.sync_copy(acc.at[pl.ds(s * RPT, RPT)], out_hbm.at[c, pl.ds(s * RPT, RPT)])



def _dis(degp_ref):
    deg = degp_ref[0, :, 0:1] + degp_ref[1, :, 0:1] + 1.0
    return lax.rsqrt(deg)


def _first_body(x_ref, w_ref, degp_ref, o_ref):
    dis = _dis(degp_ref)
    g = jnp.dot(x_ref[...], w_ref[...], preferred_element_type=jnp.float32)
    o_ref[...] = g * dis


def _mid_body(s_ref, g_ref, degp_ref, w_ref, b_ref, o_ref):
    dis = _dis(degp_ref)
    h = jnp.maximum(dis * (s_ref[0] + s_ref[1] + g_ref[...]) + b_ref[...], 0.0)
    o_ref[...] = jnp.dot(h, w_ref[...], preferred_element_type=jnp.float32) * dis


def _final_body(s_ref, g_ref, degp_ref, b_ref, wc_ref, bc_ref, o_ref):
    dis = _dis(degp_ref)
    h = jnp.maximum(dis * (s_ref[0] + s_ref[1] + g_ref[...]) + b_ref[...], 0.0)
    o_ref[...] = jnp.dot(h, wc_ref[...], preferred_element_type=jnp.float32) + bc_ref[...]


_first_tc = pl.pallas_call(
    _first_body, out_shape=jax.ShapeDtypeStruct((NP, D), jnp.float32))
_mid_tc = pl.pallas_call(
    _mid_body, out_shape=jax.ShapeDtypeStruct((NP, D), jnp.float32))
_final_tc = pl.pallas_call(
    _final_body, out_shape=jax.ShapeDtypeStruct((NP, D), jnp.float32))



def kernel(x, edge_index, Ws, bs, Wc, bc):
    src = edge_index[0]
    dst = edge_index[1]
    pad = E_PAD - E
    src_p = jnp.concatenate([src, jnp.full((pad,), N, jnp.int32)])
    dst_p = jnp.concatenate([dst, jnp.full((pad,), N, jnp.int32)])

    xp = jnp.pad(x, ((0, NP - N), (0, 0)))
    zerosD = jnp.zeros((NP, D), jnp.float32)
    onesD = jnp.ones((CHUNK, D), jnp.float32)
    wc_pad = jnp.pad(Wc, ((0, 0), (0, D - Wc.shape[1])))
    bc_pad = jnp.pad(bc, (0, D - bc.shape[0])).reshape(1, D)

    degp = _deg_kernel(dst_p, onesD, zerosD)
    degs = degp[:, :, :8]

    g = _first_tc(xp, Ws[0], degs)
    for i in range(1, N_LAYERS):
        sp = _edge_kernel(src_p, dst_p, g, zerosD)
        g = _mid_tc(sp, g, degs, Ws[i], bs[i - 1].reshape(1, D))
    sp = _edge_kernel(src_p, dst_p, g, zerosD)
    out_full = _final_tc(sp, g, degs, bs[N_LAYERS - 1].reshape(1, D), wc_pad, bc_pad)
    return out_full[:N, :Wc.shape[1]]

# --- scband reference (transcript-rebuilt; emitter-appended) ---
"""Pipeline reference for scband-gcnfor-dialog-18923625906416 (READ-ONLY COPY).

The authoritative reference and input builder live on the scoring server;
editing this copy changes nothing except your own understanding.
"""

import jax, jax.numpy as jnp
import numpy as np

N_NODES = 10000
N_EDGES = 320000
D_IN = 128
D_HID = 128
N_LAYERS = 8
N_CLASSES = 4


def setup_inputs(seed: int = 0) -> dict:
    key = jax.random.key(seed)
    ks = jax.random.split(key, 6)
    x = jax.random.normal(ks[0], (N_NODES, D_IN), dtype=jnp.float32)
    edge_index = jax.random.randint(ks[1], (2, N_EDGES), 0, N_NODES, dtype=jnp.int32)
    # stacked per-layer GCNConv weights (input_size == hidden_size so one stack)
    Ws = jax.random.normal(ks[2], (N_LAYERS, D_HID, D_HID), dtype=jnp.float32) * (1.0 / np.sqrt(D_HID))
    bs = jnp.zeros((N_LAYERS, D_HID), dtype=jnp.float32)
    Wc = jax.random.normal(ks[3], (D_HID, N_CLASSES), dtype=jnp.float32) * (1.0 / np.sqrt(D_HID))
    bc = jnp.zeros((N_CLASSES,), dtype=jnp.float32)
    return {"x": x, "edge_index": edge_index, "Ws": Ws, "bs": bs, "Wc": Wc, "bc": bc}


def _gcn_conv(h, src_f, dst_f, norm, W, b, n):
    # h' = D^{-1/2} (A + I) D^{-1/2} (h W) + b  (PyG GCNConv with add_self_loops)
    h = h @ W
    msgs = h[src_f] * norm[:, None]          # gather + per-edge scale
    out = jax.ops.segment_sum(msgs, dst_f, num_segments=n)  # scatter-add
    return out + b


def reference(x, edge_index, Ws, bs, Wc, bc):
    n = x.shape[0]
    src = edge_index[0]
    dst = edge_index[1]
    loop = jnp.arange(n, dtype=src.dtype)
    src_f = jnp.concatenate([src, loop])
    dst_f = jnp.concatenate([dst, loop])
    deg = jax.ops.segment_sum(jnp.ones_like(dst_f, dtype=x.dtype), dst_f, num_segments=n)
    dis = jnp.where(deg > 0, 1.0 / jnp.sqrt(jnp.maximum(deg, 1e-12)), 0.0)
    norm = dis[src_f] * dis[dst_f]
    h = x
    for i in range(N_LAYERS):
        # dropout is identity in eval mode
        h = _gcn_conv(h, src_f, dst_f, norm, Ws[i], bs[i], n)
        h = jax.nn.relu(h)
    out = h @ Wc + bc
    return out

if __name__ == "__main__":
    import jax
    _d = setup_inputs()
    print(jax.jit(kernel)(*tuple(_d.values())))

</pallas_src>

<mosaic_0001>
#map = affine_map<(d0, d1) -> (0)>
#map1 = affine_map<(d0, d1) -> (0, 0)>
#map2 = affine_map<(d0, d1) -> (0, 0, 0)>
module attributes {stable_mosaic.version = 14 : i64} {
  func.func @_deg_kernel(%arg0: i32, %arg1: i32, %arg2: memref<327680xi32, #tpu.memory_space<hbm>>, %arg3: memref<128x128xf32, #tpu.memory_space<hbm>>, %arg4: memref<10112x128xf32, #tpu.memory_space<hbm>>, %arg5: memref<2x10112x128xf32, #tpu.memory_space<hbm>>, %arg6: memref<2x128xi32, #tpu.memory_space<vmem>>, %arg7: memref<128x128xf32, #tpu.memory_space<vmem>>, %arg8: memref<10112x128xf32, #tpu.memory_space<vmem_shared>>, %arg9: memref<!tpu.dma_semaphore, #tpu.memory_space<semaphore_mem>>, %arg10: memref<!tpu.dma_semaphore, #tpu.memory_space<semaphore_mem>>) attributes {dimension_semantics = [#tpu.dimension_semantics<core_parallel>, #tpu.dimension_semantics<subcore_parallel>], iteration_bounds = array<i64: 2, 16>, scalar_prefetch = 0 : i64, scratch_operands = 5 : i64, tpu.core_type = #tpu.core_type<sc_vector_subcore>, window_params = [{transform_indices = #map}, {transform_indices = #map1}, {transform_indices = #map1}, {transform_indices = #map2}]} {
    %mul3A = arith.constant 16 : i32
    %mul3A_0 = arith.muli %arg0, %mul3A : i32
    %add3A = arith.addi %mul3A_0, %arg1 : i32
    %mul3A_1 = arith.constant 632 : i32
    %mul3A_2 = arith.muli %arg1, %mul3A_1 : i32
    %mul3A_3 = arith.constant 632 : i32
    %mul3A_4 = arith.muli %arg1, %mul3A_3 : i32
    "tpu.region"() ({
      %run_scoped3A = tpu.sem_alloc : memref<!tpu.dma_semaphore, #tpu.memory_space<semaphore_mem>>
      %dma_start3A = arith.constant 0 : i32
      %dma_start3A_17 = tpu.memref_slice %arg8[%mul3A_4, %dma_start3A] : memref<10112x128xf32, #tpu.memory_space<vmem_shared>> -> memref<632x128xf32, #tpu.memory_space<vmem_shared>>
      %dma_start3A_18 = arith.constant 0 : i32
      %dma_start3A_19 = tpu.memref_slice %arg4[%mul3A_2, %dma_start3A_18] : memref<10112x128xf32, #tpu.memory_space<hbm>> -> memref<632x128xf32, #tpu.memory_space<hbm>>
      tpu.enqueue_dma source(%dma_start3A_19 : memref<632x128xf32, #tpu.memory_space<hbm>>) target(%dma_start3A_17 : memref<632x128xf32, #tpu.memory_space<vmem_shared>>) target_semaphore(%run_scoped3A : memref<!tpu.dma_semaphore, #tpu.memory_space<semaphore_mem>>)
      %dma_wait3A = arith.constant 0 : i32
      %dma_wait3A_20 = tpu.memref_slice %arg8[%mul3A_4, %dma_wait3A] : memref<10112x128xf32, #tpu.memory_space<vmem_shared>> -> memref<632x128xf32, #tpu.memory_space<vmem_shared>>
      %dma_wait3A_21 = arith.constant 0 : i32
      %dma_wait3A_22 = tpu.memref_slice %arg4[%mul3A_2, %dma_wait3A_21] : memref<10112x128xf32, #tpu.memory_space<hbm>> -> memref<632x128xf32, #tpu.memory_space<hbm>>
      tpu.wait_dma2 semaphore(%run_scoped3A : memref<!tpu.dma_semaphore, #tpu.memory_space<semaphore_mem>>) src(%dma_wait3A_22 : memref<632x128xf32, #tpu.memory_space<hbm>>) dst(%dma_wait3A_20 : memref<632x128xf32, #tpu.memory_space<vmem_shared>>)
      tpu.yield
    }) : () -> ()
    "tpu.region"() ({
      %run_scoped3A = tpu.sem_alloc : memref<!tpu.dma_semaphore, #tpu.memory_space<semaphore_mem>>
      tpu.enqueue_dma source(%arg3 : memref<128x128xf32, #tpu.memory_space<hbm>>) target(%arg7 : memref<128x128xf32, #tpu.memory_space<vmem>>) target_semaphore(%run_scoped3A : memref<!tpu.dma_semaphore, #tpu.memory_space<semaphore_mem>>)
      tpu.wait_dma2 semaphore(%run_scoped3A : memref<!tpu.dma_semaphore, #tpu.memory_space<semaphore_mem>>) src(%arg3 : memref<128x128xf32, #tpu.memory_space<hbm>>) dst(%arg7 : memref<128x128xf32, #tpu.memory_space<vmem>>)
      tpu.yield
    }) : () -> ()
    %barrier3A = arith.constant 0 : index
    tpu.barrier barrier_id(%barrier3A)
    %mul3A_5 = arith.constant 10240 : i32
    %mul3A_6 = arith.muli %add3A, %mul3A_5 : i32
    %scan3A = arith.constant 0 : i32
    %scan3A_7 = arith.constant 0 : i32
    %scan3A_8 = arith.constant 40 : i32
    %scan3A_9 = arith.addi %scan3A_7, %scan3A_8 : i32
    %scan3A_10 = arith.constant 1 : i32
    scf.for %scan3A_17 = %scan3A_7 to %scan3A_9 step %scan3A_10  : i32 {
      %mul3A_18 = arith.constant 256 : i32
      %mul3A_19 = arith.muli %scan3A_17, %mul3A_18 : i32
      %add3A_20 = arith.addi %mul3A_6, %mul3A_19 : i32
      %add3A_21 = arith.constant 0 : i32
      %add3A_22 = arith.addi %add3A_20, %add3A_21 : i32
      %dma_start3A = arith.constant 0 : i32
      %dma_start3A_23 = arith.constant 0 : i32
      %dma_start3A_24 = tpu.memref_slice %arg6[%dma_start3A, %dma_start3A_23] : memref<2x128xi32, #tpu.memory_space<vmem>> -> memref<1x128xi32, #tpu.memory_space<vmem>>
      %dma_start3A_25 = tpu.memref_squeeze %dma_start3A_24 : memref<1x128xi32, #tpu.memory_space<vmem>> -> memref<128xi32, #tpu.memory_space<vmem>>
      %dma_start3A_26 = tpu.memref_slice %arg2[%add3A_22] : memref<327680xi32, #tpu.memory_space<hbm>> -> memref<128xi32, #tpu.memory_space<hbm>>
      %dma_start3A_27 = arith.constant 0 : i32
      %dma_start3A_28 = tpu.memref_slice %arg6[%dma_start3A, %dma_start3A_27] : memref<2x128xi32, #tpu.memory_space<vmem>> -> memref<1x128xi32, #tpu.memory_space<vmem>>
      %dma_start3A_29 = tpu.memref_squeeze %dma_start3A_28 : memref<1x128xi32, #tpu.memory_space<vmem>> -> memref<128xi32, #tpu.memory_space<vmem>>
      %dma_start3A_30 = tpu.memref_slice %arg2[%add3A_22] : memref<327680xi32, #tpu.memory_space<hbm>> -> memref<128xi32, #tpu.memory_space<hbm>>
      tpu.enqueue_dma source(%dma_start3A_30 : memref<128xi32, #tpu.memory_space<hbm>>) target(%dma_start3A_29 : memref<128xi32, #tpu.memory_space<vmem>>) target_semaphore(%arg9 : memref<!tpu.dma_semaphore, #tpu.memory_space<semaphore_mem>>)
      %add3A_31 = arith.constant 128 : i32
      %add3A_32 = arith.addi %add3A_20, %add3A_31 : i32
      %dma_start3A_33 = arith.constant 1 : i32
      %dma_start3A_34 = arith.constant 0 : i32
      %dma_start3A_35 = tpu.memref_slice %arg6[%dma_start3A_33, %dma_start3A_34] : memref<2x128xi32, #tpu.memory_space<vmem>> -> memref<1x128xi32, #tpu.memory_space<vmem>>
      %dma_start3A_36 = tpu.memref_squeeze %dma_start3A_35 : memref<1x128xi32, #tpu.memory_space<vmem>> -> memref<128xi32, #tpu.memory_space<vmem>>
      %dma_start3A_37 = tpu.memref_slice %arg2[%add3A_32] : memref<327680xi32, #tpu.memory_space<hbm>> -> memref<128xi32, #tpu.memory_space<hbm>>
      %dma_start3A_38 = arith.constant 0 : i32
      %dma_start3A_39 = tpu.memref_slice %arg6[%dma_start3A_33, %dma_start3A_38] : memref<2x128xi32, #tpu.memory_space<vmem>> -> memref<1x128xi32, #tpu.memory_space<vmem>>
      %dma_start3A_40 = tpu.memref_squeeze %dma_start3A_39 : memref<1x128xi32, #tpu.memory_space<vmem>> -> memref<128xi32, #tpu.memory_space<vmem>>
      %dma_start3A_41 = tpu.memref_slice %arg2[%add3A_32] : memref<327680xi32, #tpu.memory_space<hbm>> -> memref<128xi32, #tpu.memory_space<hbm>>
      tpu.enqueue_dma source(%dma_start3A_41 : memref<128xi32, #tpu.memory_space<hbm>>) target(%dma_start3A_40 : memref<128xi32, #tpu.memory_space<vmem>>) target_semaphore(%arg9 : memref<!tpu.dma_semaphore, #tpu.memory_space<semaphore_mem>>)
      %dma_wait3A = arith.constant 0 : i32
      %dma_wait3A_42 = arith.constant 0 : i32
      %dma_wait3A_43 = tpu.memref_slice %arg6[%dma_wait3A, %dma_wait3A_42] : memref<2x128xi32, #tpu.memory_space<vmem>> -> memref<1x128xi32, #tpu.memory_space<vmem>>
      %dma_wait3A_44 = tpu.memref_squeeze %dma_wait3A_43 : memref<1x128xi32, #tpu.memory_space<vmem>> -> memref<128xi32, #tpu.memory_space<vmem>>
      %dma_wait3A_45 = tpu.memref_slice %arg2[%add3A_22] : memref<327680xi32, #tpu.memory_space<hbm>> -> memref<128xi32, #tpu.memory_space<hbm>>
      %dma_wait3A_46 = arith.constant 0 : i32
      %dma_wait3A_47 = tpu.memref_slice %arg6[%dma_wait3A, %dma_wait3A_46] : memref<2x128xi32, #tpu.memory_space<vmem>> -> memref<1x128xi32, #tpu.memory_space<vmem>>
      %dma_wait3A_48 = tpu.memref_squeeze %dma_wait3A_47 : memref<1x128xi32, #tpu.memory_space<vmem>> -> memref<128xi32, #tpu.memory_space<vmem>>
      %dma_wait3A_49 = tpu.memref_slice %arg2[%add3A_22] : memref<327680xi32, #tpu.memory_space<hbm>> -> memref<128xi32, #tpu.memory_space<hbm>>
      tpu.wait_dma2 semaphore(%arg9 : memref<!tpu.dma_semaphore, #tpu.memory_space<semaphore_mem>>) src(%dma_wait3A_49 : memref<128xi32, #tpu.memory_space<hbm>>) dst(%dma_wait3A_48 : memref<128xi32, #tpu.memory_space<vmem>>)
      %dma_wait3A_50 = arith.constant 1 : i32
      %dma_wait3A_51 = arith.constant 0 : i32
      %dma_wait3A_52 = tpu.memref_slice %arg6[%dma_wait3A_50, %dma_wait3A_51] : memref<2x128xi32, #tpu.memory_space<vmem>> -> memref<1x128xi32, #tpu.memory_space<vmem>>
      %dma_wait3A_53 = tpu.memref_squeeze %dma_wait3A_52 : memref<1x128xi32, #tpu.memory_space<vmem>> -> memref<128xi32, #tpu.memory_space<vmem>>
      %dma_wait3A_54 = tpu.memref_slice %arg2[%add3A_32] : memref<327680xi32, #tpu.memory_space<hbm>> -> memref<128xi32, #tpu.memory_space<hbm>>
      %dma_wait3A_55 = arith.constant 0 : i32
      %dma_wait3A_56 = tpu.memref_slice %arg6[%dma_wait3A_50, %dma_wait3A_55] : memref<2x128xi32, #tpu.memory_space<vmem>> -> memref<1x128xi32, #tpu.memory_space<vmem>>
      %dma_wait3A_57 = tpu.memref_squeeze %dma_wait3A_56 : memref<1x128xi32, #tpu.memory_space<vmem>> -> memref<128xi32, #tpu.memory_space<vmem>>
      %dma_wait3A_58 = tpu.memref_slice %arg2[%add3A_32] : memref<327680xi32, #tpu.memory_space<hbm>> -> memref<128xi32, #tpu.memory_space<hbm>>
      tpu.wait_dma2 semaphore(%arg9 : memref<!tpu.dma_semaphore, #tpu.memory_space<semaphore_mem>>) src(%dma_wait3A_58 : memref<128xi32, #tpu.memory_space<hbm>>) dst(%dma_wait3A_57 : memref<128xi32, #tpu.memory_space<vmem>>)
      %dma_start3A_59 = arith.constant 0 : i32
      %dma_start3A_60 = arith.constant 0 : i32
      %dma_start3A_61 = tpu.memref_slice %arg6[%dma_start3A_59, %dma_start3A_60] : memref<2x128xi32, #tpu.memory_space<vmem>> -> memref<1x128xi32, #tpu.memory_space<vmem>>
      %dma_start3A_62 = tpu.memref_squeeze %dma_start3A_61 : memref<1x128xi32, #tpu.memory_space<vmem>> -> memref<128xi32, #tpu.memory_space<vmem>>
      %dma_start3A_63 = arith.constant 0 : i32
      %dma_start3A_64 = arith.constant 0 : i32
      %dma_start3A_65 = tpu.memref_slice %arg8[%dma_start3A_63, %dma_start3A_64] : memref<10112x128xf32, #tpu.memory_space<vmem_shared>> -> memref<10112x128xf32, #tpu.memory_space<vmem_shared>>
      tpu.enqueue_indirect_dma source(%arg7 : memref<128x128xf32, #tpu.memory_space<vmem>>) target(%dma_start3A_65 : memref<10112x128xf32, #tpu.memory_space<vmem_shared>>) offsets(%dma_start3A_62 : memref<128xi32, #tpu.memory_space<vmem>>) semaphore(%arg10 : memref<!tpu.dma_semaphore, #tpu.memory_space<semaphore_mem>>) {add = true}
      %dma_start3A_66 = arith.constant 1 : i32
      %dma_start3A_67 = arith.constant 0 : i32
      %dma_start3A_68 = tpu.memref_slice %arg6[%dma_start3A_66, %dma_start3A_67] : memref<2x128xi32, #tpu.memory_space<vmem>> -> memref<1x128xi32, #tpu.memory_space<vmem>>
      %dma_start3A_69 = tpu.memref_squeeze %dma_start3A_68 : memref<1x128xi32, #tpu.memory_space<vmem>> -> memref<128xi32, #tpu.memory_space<vmem>>
      %dma_start3A_70 = arith.constant 0 : i32
      %dma_start3A_71 = arith.constant 0 : i32
      %dma_start3A_72 = tpu.memref_slice %arg8[%dma_start3A_70, %dma_start3A_71] : memref<10112x128xf32, #tpu.memory_space<vmem_shared>> -> memref<10112x128xf32, #tpu.memory_space<vmem_shared>>
      tpu.enqueue_indirect_dma source(%arg7 : memref<128x128xf32, #tpu.memory_space<vmem>>) target(%dma_start3A_72 : memref<10112x128xf32, #tpu.memory_space<vmem_shared>>) offsets(%dma_start3A_69 : memref<128xi32, #tpu.memory_space<vmem>>) semaphore(%arg10 : memref<!tpu.dma_semaphore, #tpu.memory_space<semaphore_mem>>) {add = true}
      %dma_wait3A_73 = arith.constant 0 : i32
      %dma_wait3A_74 = arith.constant 0 : i32
      %dma_wait3A_75 = tpu.memref_slice %arg6[%dma_wait3A_73, %dma_wait3A_74] : memref<2x128xi32, #tpu.memory_space<vmem>> -> memref<1x128xi32, #tpu.memory_space<vmem>>
      %dma_wait3A_76 = tpu.memref_squeeze %dma_wait3A_75 : memref<1x128xi32, #tpu.memory_space<vmem>> -> memref<128xi32, #tpu.memory_space<vmem>>
      %dma_wait3A_77 = arith.constant 0 : i32
      %dma_wait3A_78 = arith.constant 0 : i32
      %dma_wait3A_79 = tpu.memref_slice %arg8[%dma_wait3A_77, %dma_wait3A_78] : memref<10112x128xf32, #tpu.memory_space<vmem_shared>> -> memref<10112x128xf32, #tpu.memory_space<vmem_shared>>
      tpu.wait_indirect_dma semaphore(%arg10 : memref<!tpu.dma_semaphore, #tpu.memory_space<semaphore_mem>>) src(%arg7 : memref<128x128xf32, #tpu.memory_space<vmem>>) dst(%dma_wait3A_79 : memref<10112x128xf32, #tpu.memory_space<vmem_shared>>)
      %dma_wait3A_80 = arith.constant 1 : i32
      %dma_wait3A_81 = arith.constant 0 : i32
      %dma_wait3A_82 = tpu.memref_slice %arg6[%dma_wait3A_80, %dma_wait3A_81] : memref<2x128xi32, #tpu.memory_space<vmem>> -> memref<1x128xi32, #tpu.memory_space<vmem>>
      %dma_wait3A_83 = tpu.memref_squeeze %dma_wait3A_82 : memref<1x128xi32, #tpu.memory_space<vmem>> -> memref<128xi32, #tpu.memory_space<vmem>>
      %dma_wait3A_84 = arith.constant 0 : i32
      %dma_wait3A_85 = arith.constant 0 : i32
      %dma_wait3A_86 = tpu.memref_slice %arg8[%dma_wait3A_84, %dma_wait3A_85] : memref<10112x128xf32, #tpu.memory_space<vmem_shared>> -> memref<10112x128xf32, #tpu.memory_space<vmem_shared>>
      tpu.wait_indirect_dma semaphore(%arg10 : memref<!tpu.dma_semaphore, #tpu.memory_space<semaphore_mem>>) src(%arg7 : memref<128x128xf32, #tpu.memory_space<vmem>>) dst(%dma_wait3A_86 : memref<10112x128xf32, #tpu.memory_space<vmem_shared>>)
    }
    %scan3A_11 = arith.constant 40 : i32
    %barrier3A_12 = arith.constant 0 : index
    tpu.barrier barrier_id(%barrier3A_12)
    %mul3A_13 = arith.constant 632 : i32
    %mul3A_14 = arith.muli %arg1, %mul3A_13 : i32
    %mul3A_15 = arith.constant 632 : i32
    %mul3A_16 = arith.muli %arg1, %mul3A_15 : i32
    "tpu.region"() ({
      %run_scoped3A = tpu.sem_alloc : memref<!tpu.dma_semaphore, #tpu.memory_space<semaphore_mem>>
      %dma_start3A = arith.constant 0 : i32
      %dma_start3A_17 = tpu.memref_slice %arg5[%arg0, %mul3A_16, %dma_start3A] : memref<2x10112x128xf32, #tpu.memory_space<hbm>> -> memref<1x632x128xf32, #tpu.memory_space<hbm>>
      %dma_start3A_18 = tpu.memref_squeeze %dma_start3A_17 : memref<1x632x128xf32, #tpu.memory_space<hbm>> -> memref<632x128xf32, #tpu.memory_space<hbm>>
      %dma_start3A_19 = arith.constant 0 : i32
      %dma_start3A_20 = tpu.memref_slice %arg8[%mul3A_14, %dma_start3A_19] : memref<10112x128xf32, #tpu.memory_space<vmem_shared>> -> memref<632x128xf32, #tpu.memory_space<vmem_shared>>
      tpu.enqueue_dma source(%dma_start3A_20 : memref<632x128xf32, #tpu.memory_space<vmem_shared>>) target(%dma_start3A_18 : memref<632x128xf32, #tpu.memory_space<hbm>>) target_semaphore(%run_scoped3A : memref<!tpu.dma_semaphore, #tpu.memory_space<semaphore_mem>>)
      %dma_wait3A = arith.constant 0 : i32
      %dma_wait3A_21 = tpu.memref_slice %arg5[%arg0, %mul3A_16, %dma_wait3A] : memref<2x10112x128xf32, #tpu.memory_space<hbm>> -> memref<1x632x128xf32, #tpu.memory_space<hbm>>
      %dma_wait3A_22 = tpu.memref_squeeze %dma_wait3A_21 : memref<1x632x128xf32, #tpu.memory_space<hbm>> -> memref<632x128xf32, #tpu.memory_space<hbm>>
      %dma_wait3A_23 = arith.constant 0 : i32
      %dma_wait3A_24 = tpu.memref_slice %arg8[%mul3A_14, %dma_wait3A_23] : memref<10112x128xf32, #tpu.memory_space<vmem_shared>> -> memref<632x128xf32, #tpu.memory_space<vmem_shared>>
      tpu.wait_dma2 semaphore(%run_scoped3A : memref<!tpu.dma_semaphore, #tpu.memory_space<semaphore_mem>>) src(%dma_wait3A_24 : memref<632x128xf32, #tpu.memory_space<vmem_shared>>) dst(%dma_wait3A_22 : memref<632x128xf32, #tpu.memory_space<hbm>>)
      tpu.yield
    }) : () -> ()
    return
  }
}

#map = affine_map<(d0, d1) -> (0)>
#map1 = affine_map<(d0, d1) -> (0, 0)>
#map2 = affine_map<(d0, d1) -> (0, 0, 0)>
module attributes {stable_mosaic.version = 14 : i64} {
  func.func @_edge_kernel(%arg0: i32, %arg1: i32, %arg2: memref<327680xi32, #tpu.memory_space<hbm>>, %arg3: memref<327680xi32, #tpu.memory_space<hbm>>, %arg4: memref<10112x128xf32, #tpu.memory_space<hbm>>, %arg5: memref<10112x128xf32, #tpu.memory_space<hbm>>, %arg6: memref<2x10112x128xf32, #tpu.memory_space<hbm>>, %arg7: memref<2x128xi32, #tpu.memory_space<vmem>>, %arg8: memref<2x128xi32, #tpu.memory_space<vmem>>, %arg9: memref<2x128x128xf32, #tpu.memory_space<vmem>>, %arg10: memref<10112x128xf32, #tpu.memory_space<vmem_shared>>, %arg11: memref<!tpu.dma_semaphore, #tpu.memory_space<semaphore_mem>>, %arg12: memref<!tpu.dma_semaphore, #tpu.memory_space<semaphore_mem>>, %arg13: memref<!tpu.dma_semaphore, #tpu.memory_space<semaphore_mem>>) attributes {dimension_semantics = [#tpu.dimension_semantics<core_parallel>, #tpu.dimension_semantics<subcore_parallel>], iteration_bounds = array<i64: 2, 16>, scalar_prefetch = 0 : i64, scratch_operands = 7 : i64, tpu.core_type = #tpu.core_type<sc_vector_subcore>, window_params = [{transform_indices = #map}, {transform_indices = #map}, {transform_indices = #map1}, {transform_indices = #map1}, {transform_indices = #map2}]} {
    %mul3A = arith.constant 16 : i32
    %mul3A_0 = arith.muli %arg0, %mul3A : i32
    %add3A = arith.addi %mul3A_0, %arg1 : i32
    %mul3A_1 = arith.constant 632 : i32
    %mul3A_2 = arith.muli %arg1, %mul3A_1 : i32
    %mul3A_3 = arith.constant 632 : i32
    %mul3A_4 = arith.muli %arg1, %mul3A_3 : i32
    "tpu.region"() ({
      %run_scoped3A = tpu.sem_alloc : memref<!tpu.dma_semaphore, #tpu.memory_space<semaphore_mem>>
      %dma_start3A = arith.constant 0 : i32
      %dma_start3A_17 = tpu.memref_slice %arg10[%mul3A_4, %dma_start3A] : memref<10112x128xf32, #tpu.memory_space<vmem_shared>> -> memref<632x128xf32, #tpu.memory_space<vmem_shared>>
      %dma_start3A_18 = arith.constant 0 : i32
      %dma_start3A_19 = tpu.memref_slice %arg5[%mul3A_2, %dma_start3A_18] : memref<10112x128xf32, #tpu.memory_space<hbm>> -> memref<632x128xf32, #tpu.memory_space<hbm>>
      tpu.enqueue_dma source(%dma_start3A_19 : memref<632x128xf32, #tpu.memory_space<hbm>>) target(%dma_start3A_17 : memref<632x128xf32, #tpu.memory_space<vmem_shared>>) target_semaphore(%run_scoped3A : memref<!tpu.dma_semaphore, #tpu.memory_space<semaphore_mem>>)
      %dma_wait3A = arith.constant 0 : i32
      %dma_wait3A_20 = tpu.memref_slice %arg10[%mul3A_4, %dma_wait3A] : memref<10112x128xf32, #tpu.memory_space<vmem_shared>> -> memref<632x128xf32, #tpu.memory_space<vmem_shared>>
      %dma_wait3A_21 = arith.constant 0 : i32
      %dma_wait3A_22 = tpu.memref_slice %arg5[%mul3A_2, %dma_wait3A_21] : memref<10112x128xf32, #tpu.memory_space<hbm>> -> memref<632x128xf32, #tpu.memory_space<hbm>>
      tpu.wait_dma2 semaphore(%run_scoped3A : memref<!tpu.dma_semaphore, #tpu.memory_space<semaphore_mem>>) src(%dma_wait3A_22 : memref<632x128xf32, #tpu.memory_space<hbm>>) dst(%dma_wait3A_20 : memref<632x128xf32, #tpu.memory_space<vmem_shared>>)
      tpu.yield
    }) : () -> ()
    %barrier3A = arith.constant 0 : index
    tpu.barrier barrier_id(%barrier3A)
    %mul3A_5 = arith.constant 10240 : i32
    %mul3A_6 = arith.muli %add3A, %mul3A_5 : i32
    %scan3A = arith.constant 0 : i32
    %scan3A_7 = arith.constant 0 : i32
    %scan3A_8 = arith.constant 40 : i32
    %scan3A_9 = arith.addi %scan3A_7, %scan3A_8 : i32
    %scan3A_10 = arith.constant 1 : i32
    scf.for %scan3A_17 = %scan3A_7 to %scan3A_9 step %scan3A_10  : i32 {
      %mul3A_18 = arith.constant 256 : i32
      %mul3A_19 = arith.muli %scan3A_17, %mul3A_18 : i32
      %add3A_20 = arith.addi %mul3A_6, %mul3A_19 : i32
      %add3A_21 = arith.constant 0 : i32
      %add3A_22 = arith.addi %add3A_20, %add3A_21 : i32
      %dma_start3A = arith.constant 0 : i32
      %dma_start3A_23 = arith.constant 0 : i32
      %dma_start3A_24 = tpu.memref_slice %arg7[%dma_start3A, %dma_start3A_23] : memref<2x128xi32, #tpu.memory_space<vmem>> -> memref<1x128xi32, #tpu.memory_space<vmem>>
      %dma_start3A_25 = tpu.memref_squeeze %dma_start3A_24 : memref<1x128xi32, #tpu.memory_space<vmem>> -> memref<128xi32, #tpu.memory_space<vmem>>
      %dma_start3A_26 = tpu.memref_slice %arg2[%add3A_22] : memref<327680xi32, #tpu.memory_space<hbm>> -> memref<128xi32, #tpu.memory_space<hbm>>
      %dma_start3A_27 = arith.constant 0 : i32
      %dma_start3A_28 = tpu.memref_slice %arg7[%dma_start3A, %dma_start3A_27] : memref<2x128xi32, #tpu.memory_space<vmem>> -> memref<1x128xi32, #tpu.memory_space<vmem>>
      %dma_start3A_29 = tpu.memref_squeeze %dma_start3A_28 : memref<1x128xi32, #tpu.memory_space<vmem>> -> memref<128xi32, #tpu.memory_space<vmem>>
      %dma_start3A_30 = tpu.memref_slice %arg2[%add3A_22] : memref<327680xi32, #tpu.memory_space<hbm>> -> memref<128xi32, #tpu.memory_space<hbm>>
      tpu.enqueue_dma source(%dma_start3A_30 : memref<128xi32, #tpu.memory_space<hbm>>) target(%dma_start3A_29 : memref<128xi32, #tpu.memory_space<vmem>>) target_semaphore(%arg11 : memref<!tpu.dma_semaphore, #tpu.memory_space<semaphore_mem>>)
      %add3A_31 = arith.constant 0 : i32
      %add3A_32 = arith.addi %add3A_20, %add3A_31 : i32
      %dma_start3A_33 = arith.constant 0 : i32
      %dma_start3A_34 = arith.constant 0 : i32
      %dma_start3A_35 = tpu.memref_slice %arg8[%dma_start3A_33, %dma_start3A_34] : memref<2x128xi32, #tpu.memory_space<vmem>> -> memref<1x128xi32, #tpu.memory_space<vmem>>
      %dma_start3A_36 = tpu.memref_squeeze %dma_start3A_35 : memref<1x128xi32, #tpu.memory_space<vmem>> -> memref<128xi32, #tpu.memory_space<vmem>>
      %dma_start3A_37 = tpu.memref_slice %arg3[%add3A_32] : memref<327680xi32, #tpu.memory_space<hbm>> -> memref<128xi32, #tpu.memory_space<hbm>>
      %dma_start3A_38 = arith.constant 0 : i32
      %dma_start3A_39 = tpu.memref_slice %arg8[%dma_start3A_33, %dma_start3A_38] : memref<2x128xi32, #tpu.memory_space<vmem>> -> memref<1x128xi32, #tpu.memory_space<vmem>>
      %dma_start3A_40 = tpu.memref_squeeze %dma_start3A_39 : memref<1x128xi32, #tpu.memory_space<vmem>> -> memref<128xi32, #tpu.memory_space<vmem>>
      %dma_start3A_41 = tpu.memref_slice %arg3[%add3A_32] : memref<327680xi32, #tpu.memory_space<hbm>> -> memref<128xi32, #tpu.memory_space<hbm>>
      tpu.enqueue_dma source(%dma_start3A_41 : memref<128xi32, #tpu.memory_space<hbm>>) target(%dma_start3A_40 : memref<128xi32, #tpu.memory_space<vmem>>) target_semaphore(%arg11 : memref<!tpu.dma_semaphore, #tpu.memory_space<semaphore_mem>>)
      %add3A_42 = arith.constant 128 : i32
      %add3A_43 = arith.addi %add3A_20, %add3A_42 : i32
      %dma_start3A_44 = arith.constant 1 : i32
      %dma_start3A_45 = arith.constant 0 : i32
      %dma_start3A_46 = tpu.memref_slice %arg7[%dma_start3A_44, %dma_start3A_45] : memref<2x128xi32, #tpu.memory_space<vmem>> -> memref<1x128xi32, #tpu.memory_space<vmem>>
      %dma_start3A_47 = tpu.memref_squeeze %dma_start3A_46 : memref<1x128xi32, #tpu.memory_space<vmem>> -> memref<128xi32, #tpu.memory_space<vmem>>
      %dma_start3A_48 = tpu.memref_slice %arg2[%add3A_43] : memref<327680xi32, #tpu.memory_space<hbm>> -> memref<128xi32, #tpu.memory_space<hbm>>
      %dma_start3A_49 = arith.constant 0 : i32
      %dma_start3A_50 = tpu.memref_slice %arg7[%dma_start3A_44, %dma_start3A_49] : memref<2x128xi32, #tpu.memory_space<vmem>> -> memref<1x128xi32, #tpu.memory_space<vmem>>
      %dma_start3A_51 = tpu.memref_squeeze %dma_start3A_50 : memref<1x128xi32, #tpu.memory_space<vmem>> -> memref<128xi32, #tpu.memory_space<vmem>>
      %dma_start3A_52 = tpu.memref_slice %arg2[%add3A_43] : memref<327680xi32, #tpu.memory_space<hbm>> -> memref<128xi32, #tpu.memory_space<hbm>>
      tpu.enqueue_dma source(%dma_start3A_52 : memref<128xi32, #tpu.memory_space<hbm>>) target(%dma_start3A_51 : memref<128xi32, #tpu.memory_space<vmem>>) target_semaphore(%arg11 : memref<!tpu.dma_semaphore, #tpu.memory_space<semaphore_mem>>)
      %add3A_53 = arith.constant 128 : i32
      %add3A_54 = arith.addi %add3A_20, %add3A_53 : i32
      %dma_start3A_55 = arith.constant 1 : i32
      %dma_start3A_56 = arith.constant 0 : i32
      %dma_start3A_57 = tpu.memref_slice %arg8[%dma_start3A_55, %dma_start3A_56] : memref<2x128xi32, #tpu.memory_space<vmem>> -> memref<1x128xi32, #tpu.memory_space<vmem>>
      %dma_start3A_58 = tpu.memref_squeeze %dma_start3A_57 : memref<1x128xi32, #tpu.memory_space<vmem>> -> memref<128xi32, #tpu.memory_space<vmem>>
      %dma_start3A_59 = tpu.memref_slice %arg3[%add3A_54] : memref<327680xi32, #tpu.memory_space<hbm>> -> memref<128xi32, #tpu.memory_space<hbm>>
      %dma_start3A_60 = arith.constant 0 : i32
      %dma_start3A_61 = tpu.memref_slice %arg8[%dma_start3A_55, %dma_start3A_60] : memref<2x128xi32, #tpu.memory_space<vmem>> -> memref<1x128xi32, #tpu.memory_space<vmem>>
      %dma_start3A_62 = tpu.memref_squeeze %dma_start3A_61 : memref<1x128xi32, #tpu.memory_space<vmem>> -> memref<128xi32, #tpu.memory_space<vmem>>
      %dma_start3A_63 = tpu.memref_slice %arg3[%add3A_54] : memref<327680xi32, #tpu.memory_space<hbm>> -> memref<128xi32, #tpu.memory_space<hbm>>
      tpu.enqueue_dma source(%dma_start3A_63 : memref<128xi32, #tpu.memory_space<hbm>>) target(%dma_start3A_62 : memref<128xi32, #tpu.memory_space<vmem>>) target_semaphore(%arg11 : memref<!tpu.dma_semaphore, #tpu.memory_space<semaphore_mem>>)
      %dma_wait3A = arith.constant 0 : i32
      %dma_wait3A_64 = arith.constant 0 : i32
      %dma_wait3A_65 = tpu.memref_slice %arg7[%dma_wait3A, %dma_wait3A_64] : memref<2x128xi32, #tpu.memory_space<vmem>> -> memref<1x128xi32, #tpu.memory_space<vmem>>
      %dma_wait3A_66 = tpu.memref_squeeze %dma_wait3A_65 : memref<1x128xi32, #tpu.memory_space<vmem>> -> memref<128xi32, #tpu.memory_space<vmem>>
      %dma_wait3A_67 = tpu.memref_slice %arg2[%add3A_22] : memref<327680xi32, #tpu.memory_space<hbm>> -> memref<128xi32, #tpu.memory_space<hbm>>
      %dma_wait3A_68 = arith.constant 0 : i32
      %dma_wait3A_69 = tpu.memref_slice %arg7[%dma_wait3A, %dma_wait3A_68] : memref<2x128xi32, #tpu.memory_space<vmem>> -> memref<1x128xi32, #tpu.memory_space<vmem>>
      %dma_wait3A_70 = tpu.memref_squeeze %dma_wait3A_69 : memref<1x128xi32, #tpu.memory_space<vmem>> -> memref<128xi32, #tpu.memory_space<vmem>>
      %dma_wait3A_71 = tpu.memref_slice %arg2[%add3A_22] : memref<327680xi32, #tpu.memory_space<hbm>> -> memref<128xi32, #tpu.memory_space<hbm>>
      tpu.wait_dma2 semaphore(%arg11 : memref<!tpu.dma_semaphore, #tpu.memory_space<semaphore_mem>>) src(%dma_wait3A_71 : memref<128xi32, #tpu.memory_space<hbm>>) dst(%dma_wait3A_70 : memref<128xi32, #tpu.memory_space<vmem>>)
      %dma_wait3A_72 = arith.constant 0 : i32
      %dma_wait3A_73 = arith.constant 0 : i32
      %dma_wait3A_74 = tpu.memref_slice %arg8[%dma_wait3A_72, %dma_wait3A_73] : memref<2x128xi32, #tpu.memory_space<vmem>> -> memref<1x128xi32, #tpu.memory_space<vmem>>
      %dma_wait3A_75 = tpu.memref_squeeze %dma_wait3A_74 : memref<1x128xi32, #tpu.memory_space<vmem>> -> memref<128xi32, #tpu.memory_space<vmem>>
      %dma_wait3A_76 = tpu.memref_slice %arg3[%add3A_32] : memref<327680xi32, #tpu.memory_space<hbm>> -> memref<128xi32, #tpu.memory_space<hbm>>
      %dma_wait3A_77 = arith.constant 0 : i32
      %dma_wait3A_78 = tpu.memref_slice %arg8[%dma_wait3A_72, %dma_wait3A_77] : memref<2x128xi32, #tpu.memory_space<vmem>> -> memref<1x128xi32, #tpu.memory_space<vmem>>
      %dma_wait3A_79 = tpu.memref_squeeze %dma_wait3A_78 : memref<1x128xi32, #tpu.memory_space<vmem>> -> memref<128xi32, #tpu.memory_space<vmem>>
      %dma_wait3A_80 = tpu.memref_slice %arg3[%add3A_32] : memref<327680xi32, #tpu.memory_space<hbm>> -> memref<128xi32, #tpu.memory_space<hbm>>
      tpu.wait_dma2 semaphore(%arg11 : memref<!tpu.dma_semaphore, #tpu.memory_space<semaphore_mem>>) src(%dma_wait3A_80 : memref<128xi32, #tpu.memory_space<hbm>>) dst(%dma_wait3A_79 : memref<128xi32, #tpu.memory_space<vmem>>)
      %dma_wait3A_81 = arith.constant 1 : i32
      %dma_wait3A_82 = arith.constant 0 : i32
      %dma_wait3A_83 = tpu.memref_slice %arg7[%dma_wait3A_81, %dma_wait3A_82] : memref<2x128xi32, #tpu.memory_space<vmem>> -> memref<1x128xi32, #tpu.memory_space<vmem>>
      %dma_wait3A_84 = tpu.memref_squeeze %dma_wait3A_83 : memref<1x128xi32, #tpu.memory_space<vmem>> -> memref<128xi32, #tpu.memory_space<vmem>>
      %dma_wait3A_85 = tpu.memref_slice %arg2[%add3A_43] : memref<327680xi32, #tpu.memory_space<hbm>> -> memref<128xi32, #tpu.memory_space<hbm>>
      %dma_wait3A_86 = arith.constant 0 : i32
      %dma_wait3A_87 = tpu.memref_slice %arg7[%dma_wait3A_81, %dma_wait3A_86] : memref<2x128xi32, #tpu.memory_space<vmem>> -> memref<1x128xi32, #tpu.memory_space<vmem>>
      %dma_wait3A_88 = tpu.memref_squeeze %dma_wait3A_87 : memref<1x128xi32, #tpu.memory_space<vmem>> -> memref<128xi32, #tpu.memory_space<vmem>>
      %dma_wait3A_89 = tpu.memref_slice %arg2[%add3A_43] : memref<327680xi32, #tpu.memory_space<hbm>> -> memref<128xi32, #tpu.memory_space<hbm>>
      tpu.wait_dma2 semaphore(%arg11 : memref<!tpu.dma_semaphore, #tpu.memory_space<semaphore_mem>>) src(%dma_wait3A_89 : memref<128xi32, #tpu.memory_space<hbm>>) dst(%dma_wait3A_88 : memref<128xi32, #tpu.memory_space<vmem>>)
      %dma_wait3A_90 = arith.constant 1 : i32
      %dma_wait3A_91 = arith.constant 0 : i32
      %dma_wait3A_92 = tpu.memref_slice %arg8[%dma_wait3A_90, %dma_wait3A_91] : memref<2x128xi32, #tpu.memory_space<vmem>> -> memref<1x128xi32, #tpu.memory_space<vmem>>
      %dma_wait3A_93 = tpu.memref_squeeze %dma_wait3A_92 : memref<1x128xi32, #tpu.memory_space<vmem>> -> memref<128xi32, #tpu.memory_space<vmem>>
      %dma_wait3A_94 = tpu.memref_slice %arg3[%add3A_54] : memref<327680xi32, #tpu.memory_space<hbm>> -> memref<128xi32, #tpu.memory_space<hbm>>
      %dma_wait3A_95 = arith.constant 0 : i32
      %dma_wait3A_96 = tpu.memref_slice %arg8[%dma_wait3A_90, %dma_wait3A_95] : memref<2x128xi32, #tpu.memory_space<vmem>> -> memref<1x128xi32, #tpu.memory_space<vmem>>
      %dma_wait3A_97 = tpu.memref_squeeze %dma_wait3A_96 : memref<1x128xi32, #tpu.memory_space<vmem>> -> memref<128xi32, #tpu.memory_space<vmem>>
      %dma_wait3A_98 = tpu.memref_slice %arg3[%add3A_54] : memref<327680xi32, #tpu.memory_space<hbm>> -> memref<128xi32, #tpu.memory_space<hbm>>
      tpu.wait_dma2 semaphore(%arg11 : memref<!tpu.dma_semaphore, #tpu.memory_space<semaphore_mem>>) src(%dma_wait3A_98 : memref<128xi32, #tpu.memory_space<hbm>>) dst(%dma_wait3A_97 : memref<128xi32, #tpu.memory_space<vmem>>)
      %dma_start3A_99 = arith.constant 0 : i32
      %dma_start3A_100 = arith.constant 0 : i32
      %dma_start3A_101 = arith.constant 0 : i32
      %dma_start3A_102 = arith.constant 0 : i32
      %dma_start3A_103 = tpu.memref_slice %arg9[%dma_start3A_100, %dma_start3A_101, %dma_start3A_102] : memref<2x128x128xf32, #tpu.memory_space<vmem>> -> memref<1x128x128xf32, #tpu.memory_space<vmem>>
      %dma_start3A_104 = tpu.memref_squeeze %dma_start3A_103 : memref<1x128x128xf32, #tpu.memory_space<vmem>> -> memref<128x128xf32, #tpu.memory_space<vmem>>
      %dma_start3A_105 = arith.constant 0 : i32
      %dma_start3A_106 = tpu.memref_slice %arg7[%dma_start3A_99, %dma_start3A_105] : memref<2x128xi32, #tpu.memory_space<vmem>> -> memref<1x128xi32, #tpu.memory_space<vmem>>
      %dma_start3A_107 = tpu.memref_squeeze %dma_start3A_106 : memref<1x128xi32, #tpu.memory_space<vmem>> -> memref<128xi32, #tpu.memory_space<vmem>>
      %dma_start3A_108 = arith.constant 0 : i32
      %dma_start3A_109 = arith.constant 0 : i32
      %dma_start3A_110 = tpu.memref_slice %arg4[%dma_start3A_108, %dma_start3A_109] : memref<10112x128xf32, #tpu.memory_space<hbm>> -> memref<10112x128xf32, #tpu.memory_space<hbm>>
      tpu.enqueue_indirect_dma source(%dma_start3A_110 : memref<10112x128xf32, #tpu.memory_space<hbm>>) target(%dma_start3A_104 : memref<128x128xf32, #tpu.memory_space<vmem>>) offsets(%dma_start3A_107 : memref<128xi32, #tpu.memory_space<vmem>>) semaphore(%arg12 : memref<!tpu.dma_semaphore, #tpu.memory_space<semaphore_mem>>)
      %dma_start3A_111 = arith.constant 1 : i32
      %dma_start3A_112 = arith.constant 1 : i32
      %dma_start3A_113 = arith.constant 0 : i32
      %dma_start3A_114 = arith.constant 0 : i32
      %dma_start3A_115 = tpu.memref_slice %arg9[%dma_start3A_112, %dma_start3A_113, %dma_start3A_114] : memref<2x128x128xf32, #tpu.memory_space<vmem>> -> memref<1x128x128xf32, #tpu.memory_space<vmem>>
      %dma_start3A_116 = tpu.memref_squeeze %dma_start3A_115 : memref<1x128x128xf32, #tpu.memory_space<vmem>> -> memref<128x128xf32, #tpu.memory_space<vmem>>
      %dma_start3A_117 = arith.constant 0 : i32
      %dma_start3A_118 = tpu.memref_slice %arg7[%dma_start3A_111, %dma_start3A_117] : memref<2x128xi32, #tpu.memory_space<vmem>> -> memref<1x128xi32, #tpu.memory_space<vmem>>
      %dma_start3A_119 = tpu.memref_squeeze %dma_start3A_118 : memref<1x128xi32, #tpu.memory_space<vmem>> -> memref<128xi32, #tpu.memory_space<vmem>>
      %dma_start3A_120 = arith.constant 0 : i32
      %dma_start3A_121 = arith.constant 0 : i32
      %dma_start3A_122 = tpu.memref_slice %arg4[%dma_start3A_120, %dma_start3A_121] : memref<10112x128xf32, #tpu.memory_space<hbm>> -> memref<10112x128xf32, #tpu.memory_space<hbm>>
      tpu.enqueue_indirect_dma source(%dma_start3A_122 : memref<10112x128xf32, #tpu.memory_space<hbm>>) target(%dma_start3A_116 : memref<128x128xf32, #tpu.memory_space<vmem>>) offsets(%dma_start3A_119 : memref<128xi32, #tpu.memory_space<vmem>>) semaphore(%arg12 : memref<!tpu.dma_semaphore, #tpu.memory_space<semaphore_mem>>)
      %dma_wait3A_123 = arith.constant 0 : i32
      %dma_wait3A_124 = arith.constant 0 : i32
      %dma_wait3A_125 = arith.constant 0 : i32
      %dma_wait3A_126 = arith.constant 0 : i32
      %dma_wait3A_127 = tpu.memref_slice %arg9[%dma_wait3A_124, %dma_wait3A_125, %dma_wait3A_126] : memref<2x128x128xf32, #tpu.memory_space<vmem>> -> memref<1x128x128xf32, #tpu.memory_space<vmem>>
      %dma_wait3A_128 = tpu.memref_squeeze %dma_wait3A_127 : memref<1x128x128xf32, #tpu.memory_space<vmem>> -> memref<128x128xf32, #tpu.memory_space<vmem>>
      %dma_wait3A_129 = arith.constant 0 : i32
      %dma_wait3A_130 = tpu.memref_slice %arg7[%dma_wait3A_123, %dma_wait3A_129] : memref<2x128xi32, #tpu.memory_space<vmem>> -> memref<1x128xi32, #tpu.memory_space<vmem>>
      %dma_wait3A_131 = tpu.memref_squeeze %dma_wait3A_130 : memref<1x128xi32, #tpu.memory_space<vmem>> -> memref<128xi32, #tpu.memory_space<vmem>>
      %dma_wait3A_132 = arith.constant 0 : i32
      %dma_wait3A_133 = arith.constant 0 : i32
      %dma_wait3A_134 = tpu.memref_slice %arg4[%dma_wait3A_132, %dma_wait3A_133] : memref<10112x128xf32, #tpu.memory_space<hbm>> -> memref<10112x128xf32, #tpu.memory_space<hbm>>
      tpu.wait_indirect_dma semaphore(%arg12 : memref<!tpu.dma_semaphore, #tpu.memory_space<semaphore_mem>>) src(%dma_wait3A_134 : memref<10112x128xf32, #tpu.memory_space<hbm>>) dst(%dma_wait3A_128 : memref<128x128xf32, #tpu.memory_space<vmem>>)
      %dma_wait3A_135 = arith.constant 1 : i32
      %dma_wait3A_136 = arith.constant 1 : i32
      %dma_wait3A_137 = arith.constant 0 : i32
      %dma_wait3A_138 = arith.constant 0 : i32
      %dma_wait3A_139 = tpu.memref_slice %arg9[%dma_wait3A_136, %dma_wait3A_137, %dma_wait3A_138] : memref<2x128x128xf32, #tpu.memory_space<vmem>> -> memref<1x128x128xf32, #tpu.memory_space<vmem>>
      %dma_wait3A_140 = tpu.memref_squeeze %dma_wait3A_139 : memref<1x128x128xf32, #tpu.memory_space<vmem>> -> memref<128x128xf32, #tpu.memory_space<vmem>>
      %dma_wait3A_141 = arith.constant 0 : i32
      %dma_wait3A_142 = tpu.memref_slice %arg7[%dma_wait3A_135, %dma_wait3A_141] : memref<2x128xi32, #tpu.memory_space<vmem>> -> memref<1x128xi32, #tpu.memory_space<vmem>>
      %dma_wait3A_143 = tpu.memref_squeeze %dma_wait3A_142 : memref<1x128xi32, #tpu.memory_space<vmem>> -> memref<128xi32, #tpu.memory_space<vmem>>
      %dma_wait3A_144 = arith.constant 0 : i32
      %dma_wait3A_145 = arith.constant 0 : i32
      %dma_wait3A_146 = tpu.memref_slice %arg4[%dma_wait3A_144, %dma_wait3A_145] : memref<10112x128xf32, #tpu.memory_space<hbm>> -> memref<10112x128xf32, #tpu.memory_space<hbm>>
      tpu.wait_indirect_dma semaphore(%arg12 : memref<!tpu.dma_semaphore, #tpu.memory_space<semaphore_mem>>) src(%dma_wait3A_146 : memref<10112x128xf32, #tpu.memory_space<hbm>>) dst(%dma_wait3A_140 : memref<128x128xf32, #tpu.memory_space<vmem>>)
      %dma_start3A_147 = arith.constant 0 : i32
      %dma_start3A_148 = arith.constant 0 : i32
      %dma_start3A_149 = arith.constant 0 : i32
      %dma_start3A_150 = arith.constant 0 : i32
      %dma_start3A_151 = tpu.memref_slice %arg9[%dma_start3A_147, %dma_start3A_149, %dma_start3A_150] : memref<2x128x128xf32, #tpu.memory_space<vmem>> -> memref<1x128x128xf32, #tpu.memory_space<vmem>>
      %dma_start3A_152 = tpu.memref_squeeze %dma_start3A_151 : memref<1x128x128xf32, #tpu.memory_space<vmem>> -> memref<128x128xf32, #tpu.memory_space<vmem>>
      %dma_start3A_153 = arith.constant 0 : i32
      %dma_start3A_154 = tpu.memref_slice %arg8[%dma_start3A_148, %dma_start3A_153] : memref<2x128xi32, #tpu.memory_space<vmem>> -> memref<1x128xi32, #tpu.memory_space<vmem>>
      %dma_start3A_155 = tpu.memref_squeeze %dma_start3A_154 : memref<1x128xi32, #tpu.memory_space<vmem>> -> memref<128xi32, #tpu.memory_space<vmem>>
      %dma_start3A_156 = arith.constant 0 : i32
      %dma_start3A_157 = arith.constant 0 : i32
      %dma_start3A_158 = tpu.memref_slice %arg10[%dma_start3A_156, %dma_start3A_157] : memref<10112x128xf32, #tpu.memory_space<vmem_shared>> -> memref<10112x128xf32, #tpu.memory_space<vmem_shared>>
      tpu.enqueue_indirect_dma source(%dma_start3A_152 : memref<128x128xf32, #tpu.memory_space<vmem>>) target(%dma_start3A_158 : memref<10112x128xf32, #tpu.memory_space<vmem_shared>>) offsets(%dma_start3A_155 : memref<128xi32, #tpu.memory_space<vmem>>) semaphore(%arg13 : memref<!tpu.dma_semaphore, #tpu.memory_space<semaphore_mem>>) {add = true}
      %dma_start3A_159 = arith.constant 1 : i32
      %dma_start3A_160 = arith.constant 1 : i32
      %dma_start3A_161 = arith.constant 0 : i32
      %dma_start3A_162 = arith.constant 0 : i32
      %dma_start3A_163 = tpu.memref_slice %arg9[%dma_start3A_159, %dma_start3A_161, %dma_start3A_162] : memref<2x128x128xf32, #tpu.memory_space<vmem>> -> memref<1x128x128xf32, #tpu.memory_space<vmem>>
      %dma_start3A_164 = tpu.memref_squeeze %dma_start3A_163 : memref<1x128x128xf32, #tpu.memory_space<vmem>> -> memref<128x128xf32, #tpu.memory_space<vmem>>
      %dma_start3A_165 = arith.constant 0 : i32
      %dma_start3A_166 = tpu.memref_slice %arg8[%dma_start3A_160, %dma_start3A_165] : memref<2x128xi32, #tpu.memory_space<vmem>> -> memref<1x128xi32, #tpu.memory_space<vmem>>
      %dma_start3A_167 = tpu.memref_squeeze %dma_start3A_166 : memref<1x128xi32, #tpu.memory_space<vmem>> -> memref<128xi32, #tpu.memory_space<vmem>>
      %dma_start3A_168 = arith.constant 0 : i32
      %dma_start3A_169 = arith.constant 0 : i32
      %dma_start3A_170 = tpu.memref_slice %arg10[%dma_start3A_168, %dma_start3A_169] : memref<10112x128xf32, #tpu.memory_space<vmem_shared>> -> memref<10112x128xf32, #tpu.memory_space<vmem_shared>>
      tpu.enqueue_indirect_dma source(%dma_start3A_164 : memref<128x128xf32, #tpu.memory_space<vmem>>) target(%dma_start3A_170 : memref<10112x128xf32, #tpu.memory_space<vmem_shared>>) offsets(%dma_start3A_167 : memref<128xi32, #tpu.memory_space<vmem>>) semaphore(%arg13 : memref<!tpu.dma_semaphore, #tpu.memory_space<semaphore_mem>>) {add = true}
      %dma_wait3A_171 = arith.constant 0 : i32
      %dma_wait3A_172 = arith.constant 0 : i32
      %dma_wait3A_173 = arith.constant 0 : i32
      %dma_wait3A_174 = arith.constant 0 : i32
      %dma_wait3A_175 = tpu.memref_slice %arg9[%dma_wait3A_171, %dma_wait3A_173, %dma_wait3A_174] : memref<2x128x128xf32, #tpu.memory_space<vmem>> -> memref<1x128x128xf32, #tpu.memory_space<vmem>>
      %dma_wait3A_176 = tpu.memref_squeeze %dma_wait3A_175 : memref<1x128x128xf32, #tpu.memory_space<vmem>> -> memref<128x128xf32, #tpu.memory_space<vmem>>
      %dma_wait3A_177 = arith.constant 0 : i32
      %dma_wait3A_178 = tpu.memref_slice %arg8[%dma_wait3A_172, %dma_wait3A_177] : memref<2x128xi32, #tpu.memory_space<vmem>> -> memref<1x128xi32, #tpu.memory_space<vmem>>
      %dma_wait3A_179 = tpu.memref_squeeze %dma_wait3A_178 : memref<1x128xi32, #tpu.memory_space<vmem>> -> memref<128xi32, #tpu.memory_space<vmem>>
      %dma_wait3A_180 = arith.constant 0 : i32
      %dma_wait3A_181 = arith.constant 0 : i32
      %dma_wait3A_182 = tpu.memref_slice %arg10[%dma_wait3A_180, %dma_wait3A_181] : memref<10112x128xf32, #tpu.memory_space<vmem_shared>> -> memref<10112x128xf32, #tpu.memory_space<vmem_shared>>
      tpu.wait_indirect_dma semaphore(%arg13 : memref<!tpu.dma_semaphore, #tpu.memory_space<semaphore_mem>>) src(%dma_wait3A_176 : memref<128x128xf32, #tpu.memory_space<vmem>>) dst(%dma_wait3A_182 : memref<10112x128xf32, #tpu.memory_space<vmem_shared>>)
      %dma_wait3A_183 = arith.constant 1 : i32
      %dma_wait3A_184 = arith.constant 1 : i32
      %dma_wait3A_185 = arith.constant 0 : i32
      %dma_wait3A_186 = arith.constant 0 : i32
      %dma_wait3A_187 = tpu.memref_slice %arg9[%dma_wait3A_183, %dma_wait3A_185, %dma_wait3A_186] : memref<2x128x128xf32, #tpu.memory_space<vmem>> -> memref<1x128x128xf32, #tpu.memory_space<vmem>>
      %dma_wait3A_188 = tpu.memref_squeeze %dma_wait3A_187 : memref<1x128x128xf32, #tpu.memory_space<vmem>> -> memref<128x128xf32, #tpu.memory_space<vmem>>
      %dma_wait3A_189 = arith.constant 0 : i32
      %dma_wait3A_190 = tpu.memref_slice %arg8[%dma_wait3A_184, %dma_wait3A_189] : memref<2x128xi32, #tpu.memory_space<vmem>> -> memref<1x128xi32, #tpu.memory_space<vmem>>
      %dma_wait3A_191 = tpu.memref_squeeze %dma_wait3A_190 : memref<1x128xi32, #tpu.memory_space<vmem>> -> memref<128xi32, #tpu.memory_space<vmem>>
      %dma_wait3A_192 = arith.constant 0 : i32
      %dma_wait3A_193 = arith.constant 0 : i32
      %dma_wait3A_194 = tpu.memref_slice %arg10[%dma_wait3A_192, %dma_wait3A_193] : memref<10112x128xf32, #tpu.memory_space<vmem_shared>> -> memref<10112x128xf32, #tpu.memory_space<vmem_shared>>
      tpu.wait_indirect_dma semaphore(%arg13 : memref<!tpu.dma_semaphore, #tpu.memory_space<semaphore_mem>>) src(%dma_wait3A_188 : memref<128x128xf32, #tpu.memory_space<vmem>>) dst(%dma_wait3A_194 : memref<10112x128xf32, #tpu.memory_space<vmem_shared>>)
    }
    %scan3A_11 = arith.constant 40 : i32
    %barrier3A_12 = arith.constant 0 : index
    tpu.barrier barrier_id(%barrier3A_12)
    %mul3A_13 = arith.constant 632 : i32
    %mul3A_14 = arith.muli %arg1, %mul3A_13 : i32
    %mul3A_15 = arith.constant 632 : i32
    %mul3A_16 = arith.muli %arg1, %mul3A_15 : i32
    "tpu.region"() ({
      %run_scoped3A = tpu.sem_alloc : memref<!tpu.dma_semaphore, #tpu.memory_space<semaphore_mem>>
      %dma_start3A = arith.constant 0 : i32
      %dma_start3A_17 = tpu.memref_slice %arg6[%arg0, %mul3A_16, %dma_start3A] : memref<2x10112x128xf32, #tpu.memory_space<hbm>> -> memref<1x632x128xf32, #tpu.memory_space<hbm>>
      %dma_start3A_18 = tpu.memref_squeeze %dma_start3A_17 : memref<1x632x128xf32, #tpu.memory_space<hbm>> -> memref<632x128xf32, #tpu.memory_space<hbm>>
      %dma_start3A_19 = arith.constant 0 : i32
      %dma_start3A_20 = tpu.memref_slice %arg10[%mul3A_14, %dma_start3A_19] : memref<10112x128xf32, #tpu.memory_space<vmem_shared>> -> memref<632x128xf32, #tpu.memory_space<vmem_shared>>
      tpu.enqueue_dma source(%dma_start3A_20 : memref<632x128xf32, #tpu.memory_space<vmem_shared>>) target(%dma_start3A_18 : memref<632x128xf32, #tpu.memory_space<hbm>>) target_semaphore(%run_scoped3A : memref<!tpu.dma_semaphore, #tpu.memory_space<semaphore_mem>>)
      %dma_wait3A = arith.constant 0 : i32
      %dma_wait3A_21 = tpu.memref_slice %arg6[%arg0, %mul3A_16, %dma_wait3A] : memref<2x10112x128xf32, #tpu.memory_space<hbm>> -> memref<1x632x128xf32, #tpu.memory_space<hbm>>
      %dma_wait3A_22 = tpu.memref_squeeze %dma_wait3A_21 : memref<1x632x128xf32, #tpu.memory_space<hbm>> -> memref<632x128xf32, #tpu.memory_space<hbm>>
      %dma_wait3A_23 = arith.constant 0 : i32
      %dma_wait3A_24 = tpu.memref_slice %arg10[%mul3A_14, %dma_wait3A_23] : memref<10112x128xf32, #tpu.memory_space<vmem_shared>> -> memref<632x128xf32, #tpu.memory_space<vmem_shared>>
      tpu.wait_dma2 semaphore(%run_scoped3A : memref<!tpu.dma_semaphore, #tpu.memory_space<semaphore_mem>>) src(%dma_wait3A_24 : memref<632x128xf32, #tpu.memory_space<vmem_shared>>) dst(%dma_wait3A_22 : memref<632x128xf32, #tpu.memory_space<hbm>>)
      tpu.yield
    }) : () -> ()
    return
  }
}

#map = affine_map<(d0, d1) -> (0)>
#map1 = affine_map<(d0, d1) -> (0, 0)>
#map2 = affine_map<(d0, d1) -> (0, 0, 0)>
module attributes {stable_mosaic.version = 14 : i64} {
  func.func @_edge_kernel(%arg0: i32, %arg1: i32, %arg2: memref<327680xi32, #tpu.memory_space<hbm>>, %arg3: memref<327680xi32, #tpu.memory_space<hbm>>, %arg4: memref<10112x128xf32, #tpu.memory_space<hbm>>, %arg5: memref<10112x128xf32, #tpu.memory_space<hbm>>, %arg6: memref<2x10112x128xf32, #tpu.memory_space<hbm>>, %arg7: memref<2x128xi32, #tpu.memory_space<vmem>>, %arg8: memref<2x128xi32, #tpu.memory_space<vmem>>, %arg9: memref<2x128x128xf32, #tpu.memory_space<vmem>>, %arg10: memref<10112x128xf32, #tpu.memory_space<vmem_shared>>, %arg11: memref<!tpu.dma_semaphore, #tpu.memory_space<semaphore_mem>>, %arg12: memref<!tpu.dma_semaphore, #tpu.memory_space<semaphore_mem>>, %arg13: memref<!tpu.dma_semaphore, #tpu.memory_space<semaphore_mem>>) attributes {dimension_semantics = [#tpu.dimension_semantics<core_parallel>, #tpu.dimension_semantics<subcore_parallel>], iteration_bounds = array<i64: 2, 16>, scalar_prefetch = 0 : i64, scratch_operands = 7 : i64, tpu.core_type = #tpu.core_type<sc_vector_subcore>, window_params = [{transform_indices = #map}, {transform_indices = #map}, {transform_indices = #map1}, {transform_indices = #map1}, {transform_indices = #map2}]} {
    %mul3A = arith.constant 16 : i32
    %mul3A_0 = arith.muli %arg0, %mul3A : i32
    %add3A = arith.addi %mul3A_0, %arg1 : i32
    %mul3A_1 = arith.constant 632 : i32
    %mul3A_2 = arith.muli %arg1, %mul3A_1 : i32
    %mul3A_3 = arith.constant 632 : i32
    %mul3A_4 = arith.muli %arg1, %mul3A_3 : i32
    "tpu.region"() ({
      %run_scoped3A = tpu.sem_alloc : memref<!tpu.dma_semaphore, #tpu.memory_space<semaphore_mem>>
      %dma_start3A = arith.constant 0 : i32
      %dma_start3A_17 = tpu.memref_slice %arg10[%mul3A_4, %dma_start3A] : memref<10112x128xf32, #tpu.memory_space<vmem_shared>> -> memref<632x128xf32, #tpu.memory_space<vmem_shared>>
      %dma_start3A_18 = arith.constant 0 : i32
      %dma_start3A_19 = tpu.memref_slice %arg5[%mul3A_2, %dma_start3A_18] : memref<10112x128xf32, #tpu.memory_space<hbm>> -> memref<632x128xf32, #tpu.memory_space<hbm>>
      tpu.enqueue_dma source(%dma_start3A_19 : memref<632x128xf32, #tpu.memory_space<hbm>>) target(%dma_start3A_17 : memref<632x128xf32, #tpu.memory_space<vmem_shared>>) target_semaphore(%run_scoped3A : memref<!tpu.dma_semaphore, #tpu.memory_space<semaphore_mem>>)
      %dma_wait3A = arith.constant 0 : i32
      %dma_wait3A_20 = tpu.memref_slice %arg10[%mul3A_4, %dma_wait3A] : memref<10112x128xf32, #tpu.memory_space<vmem_shared>> -> memref<632x128xf32, #tpu.memory_space<vmem_shared>>
      %dma_wait3A_21 = arith.constant 0 : i32
      %dma_wait3A_22 = tpu.memref_slice %arg5[%mul3A_2, %dma_wait3A_21] : memref<10112x128xf32, #tpu.memory_space<hbm>> -> memref<632x128xf32, #tpu.memory_space<hbm>>
      tpu.wait_dma2 semaphore(%run_scoped3A : memref<!tpu.dma_semaphore, #tpu.memory_space<semaphore_mem>>) src(%dma_wait3A_22 : memref<632x128xf32, #tpu.memory_space<hbm>>) dst(%dma_wait3A_20 : memref<632x128xf32, #tpu.memory_space<vmem_shared>>)
      tpu.yield
    }) : () -> ()
    %barrier3A = arith.constant 0 : index
    tpu.barrier barrier_id(%barrier3A)
    %mul3A_5 = arith.constant 10240 : i32
    %mul3A_6 = arith.muli %add3A, %mul3A_5 : i32
    %scan3A = arith.constant 0 : i32
    %scan3A_7 = arith.constant 0 : i32
    %scan3A_8 = arith.constant 40 : i32
    %scan3A_9 = arith.addi %scan3A_7, %scan3A_8 : i32
    %scan3A_10 = arith.constant 1 : i32
    scf.for %scan3A_17 = %scan3A_7 to %scan3A_9 step %scan3A_10  : i32 {
      %mul3A_18 = arith.constant 256 : i32
      %mul3A_19 = arith.muli %scan3A_17, %mul3A_18 : i32
      %add3A_20 = arith.addi %mul3A_6, %mul3A_19 : i32
      %add3A_21 = arith.constant 0 : i32
      %add3A_22 = arith.addi %add3A_20, %add3A_21 : i32
      %dma_start3A = arith.constant 0 : i32
      %dma_start3A_23 = arith.constant 0 : i32
      %dma_start3A_24 = tpu.memref_slice %arg7[%dma_start3A, %dma_start3A_23] : memref<2x128xi32, #tpu.memory_space<vmem>> -> memref<1x128xi32, #tpu.memory_space<vmem>>
      %dma_start3A_25 = tpu.memref_squeeze %dma_start3A_24 : memref<1x128xi32, #tpu.memory_space<vmem>> -> memref<128xi32, #tpu.memory_space<vmem>>
      %dma_start3A_26 = tpu.memref_slice %arg2[%add3A_22] : memref<327680xi32, #tpu.memory_space<hbm>> -> memref<128xi32, #tpu.memory_space<hbm>>
      %dma_start3A_27 = arith.constant 0 : i32
      %dma_start3A_28 = tpu.memref_slice %arg7[%dma_start3A, %dma_start3A_27] : memref<2x128xi32, #tpu.memory_space<vmem>> -> memref<1x128xi32, #tpu.memory_space<vmem>>
      %dma_start3A_29 = tpu.memref_squeeze %dma_start3A_28 : memref<1x128xi32, #tpu.memory_space<vmem>> -> memref<128xi32, #tpu.memory_space<vmem>>
      %dma_start3A_30 = tpu.memref_slice %arg2[%add3A_22] : memref<327680xi32, #tpu.memory_space<hbm>> -> memref<128xi32, #tpu.memory_space<hbm>>
      tpu.enqueue_dma source(%dma_start3A_30 : memref<128xi32, #tpu.memory_space<hbm>>) target(%dma_start3A_29 : memref<128xi32, #tpu.memory_space<vmem>>) target_semaphore(%arg11 : memref<!tpu.dma_semaphore, #tpu.memory_space<semaphore_mem>>)
      %add3A_31 = arith.constant 0 : i32
      %add3A_32 = arith.addi %add3A_20, %add3A_31 : i32
      %dma_start3A_33 = arith.constant 0 : i32
      %dma_start3A_34 = arith.constant 0 : i32
      %dma_start3A_35 = tpu.memref_slice %arg8[%dma_start3A_33, %dma_start3A_34] : memref<2x128xi32, #tpu.memory_space<vmem>> -> memref<1x128xi32, #tpu.memory_space<vmem>>
      %dma_start3A_36 = tpu.memref_squeeze %dma_start3A_35 : memref<1x128xi32, #tpu.memory_space<vmem>> -> memref<128xi32, #tpu.memory_space<vmem>>
      %dma_start3A_37 = tpu.memref_slice %arg3[%add3A_32] : memref<327680xi32, #tpu.memory_space<hbm>> -> memref<128xi32, #tpu.memory_space<hbm>>
      %dma_start3A_38 = arith.constant 0 : i32
      %dma_start3A_39 = tpu.memref_slice %arg8[%dma_start3A_33, %dma_start3A_38] : memref<2x128xi32, #tpu.memory_space<vmem>> -> memref<1x128xi32, #tpu.memory_space<vmem>>
      %dma_start3A_40 = tpu.memref_squeeze %dma_start3A_39 : memref<1x128xi32, #tpu.memory_space<vmem>> -> memref<128xi32, #tpu.memory_space<vmem>>
      %dma_start3A_41 = tpu.memref_slice %arg3[%add3A_32] : memref<327680xi32, #tpu.memory_space<hbm>> -> memref<128xi32, #tpu.memory_space<hbm>>
      tpu.enqueue_dma source(%dma_start3A_41 : memref<128xi32, #tpu.memory_space<hbm>>) target(%dma_start3A_40 : memref<128xi32, #tpu.memory_space<vmem>>) target_semaphore(%arg11 : memref<!tpu.dma_semaphore, #tpu.memory_space<semaphore_mem>>)
      %add3A_42 = arith.constant 128 : i32
      %add3A_43 = arith.addi %add3A_20, %add3A_42 : i32
      %dma_start3A_44 = arith.constant 1 : i32
      %dma_start3A_45 = arith.constant 0 : i32
      %dma_start3A_46 = tpu.memref_slice %arg7[%dma_start3A_44, %dma_start3A_45] : memref<2x128xi32, #tpu.memory_space<vmem>> -> memref<1x128xi32, #tpu.memory_space<vmem>>
      %dma_start3A_47 = tpu.memref_squeeze %dma_start3A_46 : memref<1x128xi32, #tpu.memory_space<vmem>> -> memref<128xi32, #tpu.memory_space<vmem>>
      %dma_start3A_48 = tpu.memref_slice %arg2[%add3A_43] : memref<327680xi32, #tpu.memory_space<hbm>> -> memref<128xi32, #tpu.memory_space<hbm>>
      %dma_start3A_49 = arith.constant 0 : i32
      %dma_start3A_50 = tpu.memref_slice %arg7[%dma_start3A_44, %dma_start3A_49] : memref<2x128xi32, #tpu.memory_space<vmem>> -> memref<1x128xi32, #tpu.memory_space<vmem>>
      %dma_start3A_51 = tpu.memref_squeeze %dma_start3A_50 : memref<1x128xi32, #tpu.memory_space<vmem>> -> memref<128xi32, #tpu.memory_space<vmem>>
      %dma_start3A_52 = tpu.memref_slice %arg2[%add3A_43] : memref<327680xi32, #tpu.memory_space<hbm>> -> memref<128xi32, #tpu.memory_space<hbm>>
      tpu.enqueue_dma source(%dma_start3A_52 : memref<128xi32, #tpu.memory_space<hbm>>) target(%dma_start3A_51 : memref<128xi32, #tpu.memory_space<vmem>>) target_semaphore(%arg11 : memref<!tpu.dma_semaphore, #tpu.memory_space<semaphore_mem>>)
      %add3A_53 = arith.constant 128 : i32
      %add3A_54 = arith.addi %add3A_20, %add3A_53 : i32
      %dma_start3A_55 = arith.constant 1 : i32
      %dma_start3A_56 = arith.constant 0 : i32
      %dma_start3A_57 = tpu.memref_slice %arg8[%dma_start3A_55, %dma_start3A_56] : memref<2x128xi32, #tpu.memory_space<vmem>> -> memref<1x128xi32, #tpu.memory_space<vmem>>
      %dma_start3A_58 = tpu.memref_squeeze %dma_start3A_57 : memref<1x128xi32, #tpu.memory_space<vmem>> -> memref<128xi32, #tpu.memory_space<vmem>>
      %dma_start3A_59 = tpu.memref_slice %arg3[%add3A_54] : memref<327680xi32, #tpu.memory_space<hbm>> -> memref<128xi32, #tpu.memory_space<hbm>>
      %dma_start3A_60 = arith.constant 0 : i32
      %dma_start3A_61 = tpu.memref_slice %arg8[%dma_start3A_55, %dma_start3A_60] : memref<2x128xi32, #tpu.memory_space<vmem>> -> memref<1x128xi32, #tpu.memory_space<vmem>>
      %dma_start3A_62 = tpu.memref_squeeze %dma_start3A_61 : memref<1x128xi32, #tpu.memory_space<vmem>> -> memref<128xi32, #tpu.memory_space<vmem>>
      %dma_start3A_63 = tpu.memref_slice %arg3[%add3A_54] : memref<327680xi32, #tpu.memory_space<hbm>> -> memref<128xi32, #tpu.memory_space<hbm>>
      tpu.enqueue_dma source(%dma_start3A_63 : memref<128xi32, #tpu.memory_space<hbm>>) target(%dma_start3A_62 : memref<128xi32, #tpu.memory_space<vmem>>) target_semaphore(%arg11 : memref<!tpu.dma_semaphore, #tpu.memory_space<semaphore_mem>>)
      %dma_wait3A = arith.constant 0 : i32
      %dma_wait3A_64 = arith.constant 0 : i32
      %dma_wait3A_65 = tpu.memref_slice %arg7[%dma_wait3A, %dma_wait3A_64] : memref<2x128xi32, #tpu.memory_space<vmem>> -> memref<1x128xi32, #tpu.memory_space<vmem>>
      %dma_wait3A_66 = tpu.memref_squeeze %dma_wait3A_65 : memref<1x128xi32, #tpu.memory_space<vmem>> -> memref<128xi32, #tpu.memory_space<vmem>>
      %dma_wait3A_67 = tpu.memref_slice %arg2[%add3A_22] : memref<327680xi32, #tpu.memory_space<hbm>> -> memref<128xi32, #tpu.memory_space<hbm>>
      %dma_wait3A_68 = arith.constant 0 : i32
      %dma_wait3A_69 = tpu.memref_slice %arg7[%dma_wait3A, %dma_wait3A_68] : memref<2x128xi32, #tpu.memory_space<vmem>> -> memref<1x128xi32, #tpu.memory_space<vmem>>
      %dma_wait3A_70 = tpu.memref_squeeze %dma_wait3A_69 : memref<1x128xi32, #tpu.memory_space<vmem>> -> memref<128xi32, #tpu.memory_space<vmem>>
      %dma_wait3A_71 = tpu.memref_slice %arg2[%add3A_22] : memref<327680xi32, #tpu.memory_space<hbm>> -> memref<128xi32, #tpu.memory_space<hbm>>
      tpu.wait_dma2 semaphore(%arg11 : memref<!tpu.dma_semaphore, #tpu.memory_space<semaphore_mem>>) src(%dma_wait3A_71 : memref<128xi32, #tpu.memory_space<hbm>>) dst(%dma_wait3A_70 : memref<128xi32, #tpu.memory_space<vmem>>)
      %dma_wait3A_72 = arith.constant 0 : i32
      %dma_wait3A_73 = arith.constant 0 : i32
      %dma_wait3A_74 = tpu.memref_slice %arg8[%dma_wait3A_72, %dma_wait3A_73] : memref<2x128xi32, #tpu.memory_space<vmem>> -> memref<1x128xi32, #tpu.memory_space<vmem>>
      %dma_wait3A_75 = tpu.memref_squeeze %dma_wait3A_74 : memref<1x128xi32, #tpu.memory_space<vmem>> -> memref<128xi32, #tpu.memory_space<vmem>>
      %dma_wait3A_76 = tpu.memref_slice %arg3[%add3A_32] : memref<327680xi32, #tpu.memory_space<hbm>> -> memref<128xi32, #tpu.memory_space<hbm>>
      %dma_wait3A_77 = arith.constant 0 : i32
      %dma_wait3A_78 = tpu.memref_slice %arg8[%dma_wait3A_72, %dma_wait3A_77] : memref<2x128xi32, #tpu.memory_space<vmem>> -> memref<1x128xi32, #tpu.memory_space<vmem>>
      %dma_wait3A_79 = tpu.memref_squeeze %dma_wait3A_78 : memref<1x128xi32, #tpu.memory_space<vmem>> -> memref<128xi32, #tpu.memory_space<vmem>>
      %dma_wait3A_80 = tpu.memref_slice %arg3[%add3A_32] : memref<327680xi32, #tpu.memory_space<hbm>> -> memref<128xi32, #tpu.memory_space<hbm>>
      tpu.wait_dma2 semaphore(%arg11 : memref<!tpu.dma_semaphore, #tpu.memory_space<semaphore_mem>>) src(%dma_wait3A_80 : memref<128xi32, #tpu.memory_space<hbm>>) dst(%dma_wait3A_79 : memref<128xi32, #tpu.memory_space<vmem>>)
      %dma_wait3A_81 = arith.constant 1 : i32
      %dma_wait3A_82 = arith.constant 0 : i32
      %dma_wait3A_83 = tpu.memref_slice %arg7[%dma_wait3A_81, %dma_wait3A_82] : memref<2x128xi32, #tpu.memory_space<vmem>> -> memref<1x128xi32, #tpu.memory_space<vmem>>
      %dma_wait3A_84 = tpu.memref_squeeze %dma_wait3A_83 : memref<1x128xi32, #tpu.memory_space<vmem>> -> memref<128xi32, #tpu.memory_space<vmem>>
      %dma_wait3A_85 = tpu.memref_slice %arg2[%add3A_43] : memref<327680xi32, #tpu.memory_space<hbm>> -> memref<128xi32, #tpu.memory_space<hbm>>
      %dma_wait3A_86 = arith.constant 0 : i32
      %dma_wait3A_87 = tpu.memref_slice %arg7[%dma_wait3A_81, %dma_wait3A_86] : memref<2x128xi32, #tpu.memory_space<vmem>> -> memref<1x128xi32, #tpu.memory_space<vmem>>
      %dma_wait3A_88 = tpu.memref_squeeze %dma_wait3A_87 : memref<1x128xi32, #tpu.memory_space<vmem>> -> memref<128xi32, #tpu.memory_space<vmem>>
      %dma_wait3A_89 = tpu.memref_slice %arg2[%add3A_43] : memref<327680xi32, #tpu.memory_space<hbm>> -> memref<128xi32, #tpu.memory_space<hbm>>
      tpu.wait_dma2 semaphore(%arg11 : memref<!tpu.dma_semaphore, #tpu.memory_space<semaphore_mem>>) src(%dma_wait3A_89 : memref<128xi32, #tpu.memory_space<hbm>>) dst(%dma_wait3A_88 : memref<128xi32, #tpu.memory_space<vmem>>)
      %dma_wait3A_90 = arith.constant 1 : i32
      %dma_wait3A_91 = arith.constant 0 : i32
      %dma_wait3A_92 = tpu.memref_slice %arg8[%dma_wait3A_90, %dma_wait3A_91] : memref<2x128xi32, #tpu.memory_space<vmem>> -> memref<1x128xi32, #tpu.memory_space<vmem>>
      %dma_wait3A_93 = tpu.memref_squeeze %dma_wait3A_92 : memref<1x128xi32, #tpu.memory_space<vmem>> -> memref<128xi32, #tpu.memory_space<vmem>>
      %dma_wait3A_94 = tpu.memref_slice %arg3[%add3A_54] : memref<327680xi32, #tpu.memory_space<hbm>> -> memref<128xi32, #tpu.memory_space<hbm>>
      %dma_wait3A_95 = arith.constant 0 : i32
      %dma_wait3A_96 = tpu.memref_slice %arg8[%dma_wait3A_90, %dma_wait3A_95] : memref<2x128xi32, #tpu.memory_space<vmem>> -> memref<1x128xi32, #tpu.memory_space<vmem>>
      %dma_wait3A_97 = tpu.memref_squeeze %dma_wait3A_96 : memref<1x128xi32, #tpu.memory_space<vmem>> -> memref<128xi32, #tpu.memory_space<vmem>>
      %dma_wait3A_98 = tpu.memref_slice %arg3[%add3A_54] : memref<327680xi32, #tpu.memory_space<hbm>> -> memref<128xi32, #tpu.memory_space<hbm>>
      tpu.wait_dma2 semaphore(%arg11 : memref<!tpu.dma_semaphore, #tpu.memory_space<semaphore_mem>>) src(%dma_wait3A_98 : memref<128xi32, #tpu.memory_space<hbm>>) dst(%dma_wait3A_97 : memref<128xi32, #tpu.memory_space<vmem>>)
      %dma_start3A_99 = arith.constant 0 : i32
      %dma_start3A_100 = arith.constant 0 : i32
      %dma_start3A_101 = arith.constant 0 : i32
      %dma_start3A_102 = arith.constant 0 : i32
      %dma_start3A_103 = tpu.memref_slice %arg9[%dma_start3A_100, %dma_start3A_101, %dma_start3A_102] : memref<2x128x128xf32, #tpu.memory_space<vmem>> -> memref<1x128x128xf32, #tpu.memory_space<vmem>>
      %dma_start3A_104 = tpu.memref_squeeze %dma_start3A_103 : memref<1x128x128xf32, #tpu.memory_space<vmem>> -> memref<128x128xf32, #tpu.memory_space<vmem>>
      %dma_start3A_105 = arith.constant 0 : i32
      %dma_start3A_106 = tpu.memref_slice %arg7[%dma_start3A_99, %dma_start3A_105] : memref<2x128xi32, #tpu.memory_space<vmem>> -> memref<1x128xi32, #tpu.memory_space<vmem>>
      %dma_start3A_107 = tpu.memref_squeeze %dma_start3A_106 : memref<1x128xi32, #tpu.memory_space<vmem>> -> memref<128xi32, #tpu.memory_space<vmem>>
      %dma_start3A_108 = arith.constant 0 : i32
      %dma_start3A_109 = arith.constant 0 : i32
      %dma_start3A_110 = tpu.memref_slice %arg4[%dma_start3A_108, %dma_start3A_109] : memref<10112x128xf32, #tpu.memory_space<hbm>> -> memref<10112x128xf32, #tpu.memory_space<hbm>>
      tpu.enqueue_indirect_dma source(%dma_start3A_110 : memref<10112x128xf32, #tpu.memory_space<hbm>>) target(%dma_start3A_104 : memref<128x128xf32, #tpu.memory_space<vmem>>) offsets(%dma_start3A_107 : memref<128xi32, #tpu.memory_space<vmem>>) semaphore(%arg12 : memref<!tpu.dma_semaphore, #tpu.memory_space<semaphore_mem>>)
      %dma_start3A_111 = arith.constant 1 : i32
      %dma_start3A_112 = arith.constant 1 : i32
      %dma_start3A_113 = arith.constant 0 : i32
      %dma_start3A_114 = arith.constant 0 : i32
      %dma_start3A_115 = tpu.memref_slice %arg9[%dma_start3A_112, %dma_start3A_113, %dma_start3A_114] : memref<2x128x128xf32, #tpu.memory_space<vmem>> -> memref<1x128x128xf32, #tpu.memory_space<vmem>>
      %dma_start3A_116 = tpu.memref_squeeze %dma_start3A_115 : memref<1x128x128xf32, #tpu.memory_space<vmem>> -> memref<128x128xf32, #tpu.memory_space<vmem>>
      %dma_start3A_117 = arith.constant 0 : i32
      %dma_start3A_118 = tpu.memref_slice %arg7[%dma_start3A_111, %dma_start3A_117] : memref<2x128xi32, #tpu.memory_space<vmem>> -> memref<1x128xi32, #tpu.memory_space<vmem>>
      %dma_start3A_119 = tpu.memref_squeeze %dma_start3A_118 : memref<1x128xi32, #tpu.memory_space<vmem>> -> memref<128xi32, #tpu.memory_space<vmem>>
      %dma_start3A_120 = arith.constant 0 : i32
      %dma_start3A_121 = arith.constant 0 : i32
      %dma_start3A_122 = tpu.memref_slice %arg4[%dma_start3A_120, %dma_start3A_121] : memref<10112x128xf32, #tpu.memory_space<hbm>> -> memref<10112x128xf32, #tpu.memory_space<hbm>>
      tpu.enqueue_indirect_dma source(%dma_start3A_122 : memref<10112x128xf32, #tpu.memory_space<hbm>>) target(%dma_start3A_116 : memref<128x128xf32, #tpu.memory_space<vmem>>) offsets(%dma_start3A_119 : memref<128xi32, #tpu.memory_space<vmem>>) semaphore(%arg12 : memref<!tpu.dma_semaphore, #tpu.memory_space<semaphore_mem>>)
      %dma_wait3A_123 = arith.constant 0 : i32
      %dma_wait3A_124 = arith.constant 0 : i32
      %dma_wait3A_125 = arith.constant 0 : i32
      %dma_wait3A_126 = arith.constant 0 : i32
      %dma_wait3A_127 = tpu.memref_slice %arg9[%dma_wait3A_124, %dma_wait3A_125, %dma_wait3A_126] : memref<2x128x128xf32, #tpu.memory_space<vmem>> -> memref<1x128x128xf32, #tpu.memory_space<vmem>>
      %dma_wait3A_128 = tpu.memref_squeeze %dma_wait3A_127 : memref<1x128x128xf32, #tpu.memory_space<vmem>> -> memref<128x128xf32, #tpu.memory_space<vmem>>
      %dma_wait3A_129 = arith.constant 0 : i32
      %dma_wait3A_130 = tpu.memref_slice %arg7[%dma_wait3A_123, %dma_wait3A_129] : memref<2x128xi32, #tpu.memory_space<vmem>> -> memref<1x128xi32, #tpu.memory_space<vmem>>
      %dma_wait3A_131 = tpu.memref_squeeze %dma_wait3A_130 : memref<1x128xi32, #tpu.memory_space<vmem>> -> memref<128xi32, #tpu.memory_space<vmem>>
      %dma_wait3A_132 = arith.constant 0 : i32
      %dma_wait3A_133 = arith.constant 0 : i32
      %dma_wait3A_134 = tpu.memref_slice %arg4[%dma_wait3A_132, %dma_wait3A_133] : memref<10112x128xf32, #tpu.memory_space<hbm>> -> memref<10112x128xf32, #tpu.memory_space<hbm>>
      tpu.wait_indirect_dma semaphore(%arg12 : memref<!tpu.dma_semaphore, #tpu.memory_space<semaphore_mem>>) src(%dma_wait3A_134 : memref<10112x128xf32, #tpu.memory_space<hbm>>) dst(%dma_wait3A_128 : memref<128x128xf32, #tpu.memory_space<vmem>>)
      %dma_wait3A_135 = arith.constant 1 : i32
      %dma_wait3A_136 = arith.constant 1 : i32
      %dma_wait3A_137 = arith.constant 0 : i32
      %dma_wait3A_138 = arith.constant 0 : i32
      %dma_wait3A_139 = tpu.memref_slice %arg9[%dma_wait3A_136, %dma_wait3A_137, %dma_wait3A_138] : memref<2x128x128xf32, #tpu.memory_space<vmem>> -> memref<1x128x128xf32, #tpu.memory_space<vmem>>
      %dma_wait3A_140 = tpu.memref_squeeze %dma_wait3A_139 : memref<1x128x128xf32, #tpu.memory_space<vmem>> -> memref<128x128xf32, #tpu.memory_space<vmem>>
      %dma_wait3A_141 = arith.constant 0 : i32
      %dma_wait3A_142 = tpu.memref_slice %arg7[%dma_wait3A_135, %dma_wait3A_141] : memref<2x128xi32, #tpu.memory_space<vmem>> -> memref<1x128xi32, #tpu.memory_space<vmem>>
      %dma_wait3A_143 = tpu.memref_squeeze %dma_wait3A_142 : memref<1x128xi32, #tpu.memory_space<vmem>> -> memref<128xi32, #tpu.memory_space<vmem>>
      %dma_wait3A_144 = arith.constant 0 : i32
      %dma_wait3A_145 = arith.constant 0 : i32
      %dma_wait3A_146 = tpu.memref_slice %arg4[%dma_wait3A_144, %dma_wait3A_145] : memref<10112x128xf32, #tpu.memory_space<hbm>> -> memref<10112x128xf32, #tpu.memory_space<hbm>>
      tpu.wait_indirect_dma semaphore(%arg12 : memref<!tpu.dma_semaphore, #tpu.memory_space<semaphore_mem>>) src(%dma_wait3A_146 : memref<10112x128xf32, #tpu.memory_space<hbm>>) dst(%dma_wait3A_140 : memref<128x128xf32, #tpu.memory_space<vmem>>)
      %dma_start3A_147 = arith.constant 0 : i32
      %dma_start3A_148 = arith.constant 0 : i32
      %dma_start3A_149 = arith.constant 0 : i32
      %dma_start3A_150 = arith.constant 0 : i32
      %dma_start3A_151 = tpu.memref_slice %arg9[%dma_start3A_147, %dma_start3A_149, %dma_start3A_150] : memref<2x128x128xf32, #tpu.memory_space<vmem>> -> memref<1x128x128xf32, #tpu.memory_space<vmem>>
      %dma_start3A_152 = tpu.memref_squeeze %dma_start3A_151 : memref<1x128x128xf32, #tpu.memory_space<vmem>> -> memref<128x128xf32, #tpu.memory_space<vmem>>
      %dma_start3A_153 = arith.constant 0 : i32
      %dma_start3A_154 = tpu.memref_slice %arg8[%dma_start3A_148, %dma_start3A_153] : memref<2x128xi32, #tpu.memory_space<vmem>> -> memref<1x128xi32, #tpu.memory_space<vmem>>
      %dma_start3A_155 = tpu.memref_squeeze %dma_start3A_154 : memref<1x128xi32, #tpu.memory_space<vmem>> -> memref<128xi32, #tpu.memory_space<vmem>>
      %dma_start3A_156 = arith.constant 0 : i32
      %dma_start3A_157 = arith.constant 0 : i32
      %dma_start3A_158 = tpu.memref_slice %arg10[%dma_start3A_156, %dma_start3A_157] : memref<10112x128xf32, #tpu.memory_space<vmem_shared>> -> memref<10112x128xf32, #tpu.memory_space<vmem_shared>>
      tpu.enqueue_indirect_dma source(%dma_start3A_152 : memref<128x128xf32, #tpu.memory_space<vmem>>) target(%dma_start3A_158 : memref<10112x128xf32, #tpu.memory_space<vmem_shared>>) offsets(%dma_start3A_155 : memref<128xi32, #tpu.memory_space<vmem>>) semaphore(%arg13 : memref<!tpu.dma_semaphore, #tpu.memory_space<semaphore_mem>>) {add = true}
      %dma_start3A_159 = arith.constant 1 : i32
      %dma_start3A_160 = arith.constant 1 : i32
      %dma_start3A_161 = arith.constant 0 : i32
      %dma_start3A_162 = arith.constant 0 : i32
      %dma_start3A_163 = tpu.memref_slice %arg9[%dma_start3A_159, %dma_start3A_161, %dma_start3A_162] : memref<2x128x128xf32, #tpu.memory_space<vmem>> -> memref<1x128x128xf32, #tpu.memory_space<vmem>>
      %dma_start3A_164 = tpu.memref_squeeze %dma_start3A_163 : memref<1x128x128xf32, #tpu.memory_space<vmem>> -> memref<128x128xf32, #tpu.memory_space<vmem>>
      %dma_start3A_165 = arith.constant 0 : i32
      %dma_start3A_166 = tpu.memref_slice %arg8[%dma_start3A_160, %dma_start3A_165] : memref<2x128xi32, #tpu.memory_space<vmem>> -> memref<1x128xi32, #tpu.memory_space<vmem>>
      %dma_start3A_167 = tpu.memref_squeeze %dma_start3A_166 : memref<1x128xi32, #tpu.memory_space<vmem>> -> memref<128xi32, #tpu.memory_space<vmem>>
      %dma_start3A_168 = arith.constant 0 : i32
      %dma_start3A_169 = arith.constant 0 : i32
      %dma_start3A_170 = tpu.memref_slice %arg10[%dma_start3A_168, %dma_start3A_169] : memref<10112x128xf32, #tpu.memory_space<vmem_shared>> -> memref<10112x128xf32, #tpu.memory_space<vmem_shared>>
      tpu.enqueue_indirect_dma source(%dma_start3A_164 : memref<128x128xf32, #tpu.memory_space<vmem>>) target(%dma_start3A_170 : memref<10112x128xf32, #tpu.memory_space<vmem_shared>>) offsets(%dma_start3A_167 : memref<128xi32, #tpu.memory_space<vmem>>) semaphore(%arg13 : memref<!tpu.dma_semaphore, #tpu.memory_space<semaphore_mem>>) {add = true}
      %dma_wait3A_171 = arith.constant 0 : i32
      %dma_wait3A_172 = arith.constant 0 : i32
      %dma_wait3A_173 = arith.constant 0 : i32
      %dma_wait3A_174 = arith.constant 0 : i32
      %dma_wait3A_175 = tpu.memref_slice %arg9[%dma_wait3A_171, %dma_wait3A_173, %dma_wait3A_174] : memref<2x128x128xf32, #tpu.memory_space<vmem>> -> memref<1x128x128xf32, #tpu.memory_space<vmem>>
      %dma_wait3A_176 = tpu.memref_squeeze %dma_wait3A_175 : memref<1x128x128xf32, #tpu.memory_space<vmem>> -> memref<128x128xf32, #tpu.memory_space<vmem>>
      %dma_wait3A_177 = arith.constant 0 : i32
      %dma_wait3A_178 = tpu.memref_slice %arg8[%dma_wait3A_172, %dma_wait3A_177] : memref<2x128xi32, #tpu.memory_space<vmem>> -> memref<1x128xi32, #tpu.memory_space<vmem>>
      %dma_wait3A_179 = tpu.memref_squeeze %dma_wait3A_178 : memref<1x128xi32, #tpu.memory_space<vmem>> -> memref<128xi32, #tpu.memory_space<vmem>>
      %dma_wait3A_180 = arith.constant 0 : i32
      %dma_wait3A_181 = arith.constant 0 : i32
      %dma_wait3A_182 = tpu.memref_slice %arg10[%dma_wait3A_180, %dma_wait3A_181] : memref<10112x128xf32, #tpu.memory_space<vmem_shared>> -> memref<10112x128xf32, #tpu.memory_space<vmem_shared>>
      tpu.wait_indirect_dma semaphore(%arg13 : memref<!tpu.dma_semaphore, #tpu.memory_space<semaphore_mem>>) src(%dma_wait3A_176 : memref<128x128xf32, #tpu.memory_space<vmem>>) dst(%dma_wait3A_182 : memref<10112x128xf32, #tpu.memory_space<vmem_shared>>)
      %dma_wait3A_183 = arith.constant 1 : i32
      %dma_wait3A_184 = arith.constant 1 : i32
      %dma_wait3A_185 = arith.constant 0 : i32
      %dma_wait3A_186 = arith.constant 0 : i32
      %dma_wait3A_187 = tpu.memref_slice %arg9[%dma_wait3A_183, %dma_wait3A_185, %dma_wait3A_186] : memref<2x128x128xf32, #tpu.memory_space<vmem>> -> memref<1x128x128xf32, #tpu.memory_space<vmem>>
      %dma_wait3A_188 = tpu.memref_squeeze %dma_wait3A_187 : memref<1x128x128xf32, #tpu.memory_space<vmem>> -> memref<128x128xf32, #tpu.memory_space<vmem>>
      %dma_wait3A_189 = arith.constant 0 : i32
      %dma_wait3A_190 = tpu.memref_slice %arg8[%dma_wait3A_184, %dma_wait3A_189] : memref<2x128xi32, #tpu.memory_space<vmem>> -> memref<1x128xi32, #tpu.memory_space<vmem>>
      %dma_wait3A_191 = tpu.memref_squeeze %dma_wait3A_190 : memref<1x128xi32, #tpu.memory_space<vmem>> -> memref<128xi32, #tpu.memory_space<vmem>>
      %dma_wait3A_192 = arith.constant 0 : i32
      %dma_wait3A_193 = arith.constant 0 : i32
      %dma_wait3A_194 = tpu.memref_slice %arg10[%dma_wait3A_192, %dma_wait3A_193] : memref<10112x128xf32, #tpu.memory_space<vmem_shared>> -> memref<10112x128xf32, #tpu.memory_space<vmem_shared>>
      tpu.wait_indirect_dma semaphore(%arg13 : memref<!tpu.dma_semaphore, #tpu.memory_space<semaphore_mem>>) src(%dma_wait3A_188 : memref<128x128xf32, #tpu.memory_space<vmem>>) dst(%dma_wait3A_194 : memref<10112x128xf32, #tpu.memory_space<vmem_shared>>)
    }
    %scan3A_11 = arith.constant 40 : i32
    %barrier3A_12 = arith.constant 0 : index
    tpu.barrier barrier_id(%barrier3A_12)
    %mul3A_13 = arith.constant 632 : i32
    %mul3A_14 = arith.muli %arg1, %mul3A_13 : i32
    %mul3A_15 = arith.constant 632 : i32
    %mul3A_16 = arith.muli %arg1, %mul3A_15 : i32
    "tpu.region"() ({
      %run_scoped3A = tpu.sem_alloc : memref<!tpu.dma_semaphore, #tpu.memory_space<semaphore_mem>>
      %dma_start3A = arith.constant 0 : i32
      %dma_start3A_17 = tpu.memref_slice %arg6[%arg0, %mul3A_16, %dma_start3A] : memref<2x10112x128xf32, #tpu.memory_space<hbm>> -> memref<1x632x128xf32, #tpu.memory_space<hbm>>
      %dma_start3A_18 = tpu.memref_squeeze %dma_start3A_17 : memref<1x632x128xf32, #tpu.memory_space<hbm>> -> memref<632x128xf32, #tpu.memory_space<hbm>>
      %dma_start3A_19 = arith.constant 0 : i32
      %dma_start3A_20 = tpu.memref_slice %arg10[%mul3A_14, %dma_start3A_19] : memref<10112x128xf32, #tpu.memory_space<vmem_shared>> -> memref<632x128xf32, #tpu.memory_space<vmem_shared>>
      tpu.enqueue_dma source(%dma_start3A_20 : memref<632x128xf32, #tpu.memory_space<vmem_shared>>) target(%dma_start3A_18 : memref<632x128xf32, #tpu.memory_space<hbm>>) target_semaphore(%run_scoped3A : memref<!tpu.dma_semaphore, #tpu.memory_space<semaphore_mem>>)
      %dma_wait3A = arith.constant 0 : i32
      %dma_wait3A_21 = tpu.memref_slice %arg6[%arg0, %mul3A_16, %dma_wait3A] : memref<2x10112x128xf32, #tpu.memory_space<hbm>> -> memref<1x632x128xf32, #tpu.memory_space<hbm>>
      %dma_wait3A_22 = tpu.memref_squeeze %dma_wait3A_21 : memref<1x632x128xf32, #tpu.memory_space<hbm>> -> memref<632x128xf32, #tpu.memory_space<hbm>>
      %dma_wait3A_23 = arith.constant 0 : i32
      %dma_wait3A_24 = tpu.memref_slice %arg10[%mul3A_14, %dma_wait3A_23] : memref<10112x128xf32, #tpu.memory_space<vmem_shared>> -> memref<632x128xf32, #tpu.memory_space<vmem_shared>>
      tpu.wait_dma2 semaphore(%run_scoped3A : memref<!tpu.dma_semaphore, #tpu.memory_space<semaphore_mem>>) src(%dma_wait3A_24 : memref<632x128xf32, #tpu.memory_space<vmem_shared>>) dst(%dma_wait3A_22 : memref<632x128xf32, #tpu.memory_space<hbm>>)
      tpu.yield
    }) : () -> ()
    return
  }
}

#map = affine_map<(d0, d1) -> (0)>
#map1 = affine_map<(d0, d1) -> (0, 0)>
#map2 = affine_map<(d0, d1) -> (0, 0, 0)>
module attributes {stable_mosaic.version = 14 : i64} {
  func.func @_edge_kernel(%arg0: i32, %arg1: i32, %arg2: memref<327680xi32, #tpu.memory_space<hbm>>, %arg3: memref<327680xi32, #tpu.memory_space<hbm>>, %arg4: memref<10112x128xf32, #tpu.memory_space<hbm>>, %arg5: memref<10112x128xf32, #tpu.memory_space<hbm>>, %arg6: memref<2x10112x128xf32, #tpu.memory_space<hbm>>, %arg7: memref<2x128xi32, #tpu.memory_space<vmem>>, %arg8: memref<2x128xi32, #tpu.memory_space<vmem>>, %arg9: memref<2x128x128xf32, #tpu.memory_space<vmem>>, %arg10: memref<10112x128xf32, #tpu.memory_space<vmem_shared>>, %arg11: memref<!tpu.dma_semaphore, #tpu.memory_space<semaphore_mem>>, %arg12: memref<!tpu.dma_semaphore, #tpu.memory_space<semaphore_mem>>, %arg13: memref<!tpu.dma_semaphore, #tpu.memory_space<semaphore_mem>>) attributes {dimension_semantics = [#tpu.dimension_semantics<core_parallel>, #tpu.dimension_semantics<subcore_parallel>], iteration_bounds = array<i64: 2, 16>, scalar_prefetch = 0 : i64, scratch_operands = 7 : i64, tpu.core_type = #tpu.core_type<sc_vector_subcore>, window_params = [{transform_indices = #map}, {transform_indices = #map}, {transform_indices = #map1}, {transform_indices = #map1}, {transform_indices = #map2}]} {
    %mul3A = arith.constant 16 : i32
    %mul3A_0 = arith.muli %arg0, %mul3A : i32
    %add3A = arith.addi %mul3A_0, %arg1 : i32
    %mul3A_1 = arith.constant 632 : i32
    %mul3A_2 = arith.muli %arg1, %mul3A_1 : i32
    %mul3A_3 = arith.constant 632 : i32
    %mul3A_4 = arith.muli %arg1, %mul3A_3 : i32
    "tpu.region"() ({
      %run_scoped3A = tpu.sem_alloc : memref<!tpu.dma_semaphore, #tpu.memory_space<semaphore_mem>>
      %dma_start3A = arith.constant 0 : i32
      %dma_start3A_17 = tpu.memref_slice %arg10[%mul3A_4, %dma_start3A] : memref<10112x128xf32, #tpu.memory_space<vmem_shared>> -> memref<632x128xf32, #tpu.memory_space<vmem_shared>>
      %dma_start3A_18 = arith.constant 0 : i32
      %dma_start3A_19 = tpu.memref_slice %arg5[%mul3A_2, %dma_start3A_18] : memref<10112x128xf32, #tpu.memory_space<hbm>> -> memref<632x128xf32, #tpu.memory_space<hbm>>
      tpu.enqueue_dma source(%dma_start3A_19 : memref<632x128xf32, #tpu.memory_space<hbm>>) target(%dma_start3A_17 : memref<632x128xf32, #tpu.memory_space<vmem_shared>>) target_semaphore(%run_scoped3A : memref<!tpu.dma_semaphore, #tpu.memory_space<semaphore_mem>>)
      %dma_wait3A = arith.constant 0 : i32
      %dma_wait3A_20 = tpu.memref_slice %arg10[%mul3A_4, %dma_wait3A] : memref<10112x128xf32, #tpu.memory_space<vmem_shared>> -> memref<632x128xf32, #tpu.memory_space<vmem_shared>>
      %dma_wait3A_21 = arith.constant 0 : i32
      %dma_wait3A_22 = tpu.memref_slice %arg5[%mul3A_2, %dma_wait3A_21] : memref<10112x128xf32, #tpu.memory_space<hbm>> -> memref<632x128xf32, #tpu.memory_space<hbm>>
      tpu.wait_dma2 semaphore(%run_scoped3A : memref<!tpu.dma_semaphore, #tpu.memory_space<semaphore_mem>>) src(%dma_wait3A_22 : memref<632x128xf32, #tpu.memory_space<hbm>>) dst(%dma_wait3A_20 : memref<632x128xf32, #tpu.memory_space<vmem_shared>>)
      tpu.yield
    }) : () -> ()
    %barrier3A = arith.constant 0 : index
    tpu.barrier barrier_id(%barrier3A)
    %mul3A_5 = arith.constant 10240 : i32
    %mul3A_6 = arith.muli %add3A, %mul3A_5 : i32
    %scan3A = arith.constant 0 : i32
    %scan3A_7 = arith.constant 0 : i32
    %scan3A_8 = arith.constant 40 : i32
    %scan3A_9 = arith.addi %scan3A_7, %scan3A_8 : i32
    %scan3A_10 = arith.constant 1 : i32
    scf.for %scan3A_17 = %scan3A_7 to %scan3A_9 step %scan3A_10  : i32 {
      %mul3A_18 = arith.constant 256 : i32
      %mul3A_19 = arith.muli %scan3A_17, %mul3A_18 : i32
      %add3A_20 = arith.addi %mul3A_6, %mul3A_19 : i32
      %add3A_21 = arith.constant 0 : i32
      %add3A_22 = arith.addi %add3A_20, %add3A_21 : i32
      %dma_start3A = arith.constant 0 : i32
      %dma_start3A_23 = arith.constant 0 : i32
      %dma_start3A_24 = tpu.memref_slice %arg7[%dma_start3A, %dma_start3A_23] : memref<2x128xi32, #tpu.memory_space<vmem>> -> memref<1x128xi32, #tpu.memory_space<vmem>>
      %dma_start3A_25 = tpu.memref_squeeze %dma_start3A_24 : memref<1x128xi32, #tpu.memory_space<vmem>> -> memref<128xi32, #tpu.memory_space<vmem>>
      %dma_start3A_26 = tpu.memref_slice %arg2[%add3A_22] : memref<327680xi32, #tpu.memory_space<hbm>> -> memref<128xi32, #tpu.memory_space<hbm>>
      %dma_start3A_27 = arith.constant 0 : i32
      %dma_start3A_28 = tpu.memref_slice %arg7[%dma_start3A, %dma_start3A_27] : memref<2x128xi32, #tpu.memory_space<vmem>> -> memref<1x128xi32, #tpu.memory_space<vmem>>
      %dma_start3A_29 = tpu.memref_squeeze %dma_start3A_28 : memref<1x128xi32, #tpu.memory_space<vmem>> -> memref<128xi32, #tpu.memory_space<vmem>>
      %dma_start3A_30 = tpu.memref_slice %arg2[%add3A_22] : memref<327680xi32, #tpu.memory_space<hbm>> -> memref<128xi32, #tpu.memory_space<hbm>>
      tpu.enqueue_dma source(%dma_start3A_30 : memref<128xi32, #tpu.memory_space<hbm>>) target(%dma_start3A_29 : memref<128xi32, #tpu.memory_space<vmem>>) target_semaphore(%arg11 : memref<!tpu.dma_semaphore, #tpu.memory_space<semaphore_mem>>)
      %add3A_31 = arith.constant 0 : i32
      %add3A_32 = arith.addi %add3A_20, %add3A_31 : i32
      %dma_start3A_33 = arith.constant 0 : i32
      %dma_start3A_34 = arith.constant 0 : i32
      %dma_start3A_35 = tpu.memref_slice %arg8[%dma_start3A_33, %dma_start3A_34] : memref<2x128xi32, #tpu.memory_space<vmem>> -> memref<1x128xi32, #tpu.memory_space<vmem>>
      %dma_start3A_36 = tpu.memref_squeeze %dma_start3A_35 : memref<1x128xi32, #tpu.memory_space<vmem>> -> memref<128xi32, #tpu.memory_space<vmem>>
      %dma_start3A_37 = tpu.memref_slice %arg3[%add3A_32] : memref<327680xi32, #tpu.memory_space<hbm>> -> memref<128xi32, #tpu.memory_space<hbm>>
      %dma_start3A_38 = arith.constant 0 : i32
      %dma_start3A_39 = tpu.memref_slice %arg8[%dma_start3A_33, %dma_start3A_38] : memref<2x128xi32, #tpu.memory_space<vmem>> -> memref<1x128xi32, #tpu.memory_space<vmem>>
      %dma_start3A_40 = tpu.memref_squeeze %dma_start3A_39 : memref<1x128xi32, #tpu.memory_space<vmem>> -> memref<128xi32, #tpu.memory_space<vmem>>
      %dma_start3A_41 = tpu.memref_slice %arg3[%add3A_32] : memref<327680xi32, #tpu.memory_space<hbm>> -> memref<128xi32, #tpu.memory_space<hbm>>
      tpu.enqueue_dma source(%dma_start3A_41 : memref<128xi32, #tpu.memory_space<hbm>>) target(%dma_start3A_40 : memref<128xi32, #tpu.memory_space<vmem>>) target_semaphore(%arg11 : memref<!tpu.dma_semaphore, #tpu.memory_space<semaphore_mem>>)
      %add3A_42 = arith.constant 128 : i32
      %add3A_43 = arith.addi %add3A_20, %add3A_42 : i32
      %dma_start3A_44 = arith.constant 1 : i32
      %dma_start3A_45 = arith.constant 0 : i32
      %dma_start3A_46 = tpu.memref_slice %arg7[%dma_start3A_44, %dma_start3A_45] : memref<2x128xi32, #tpu.memory_space<vmem>> -> memref<1x128xi32, #tpu.memory_space<vmem>>
      %dma_start3A_47 = tpu.memref_squeeze %dma_start3A_46 : memref<1x128xi32, #tpu.memory_space<vmem>> -> memref<128xi32, #tpu.memory_space<vmem>>
      %dma_start3A_48 = tpu.memref_slice %arg2[%add3A_43] : memref<327680xi32, #tpu.memory_space<hbm>> -> memref<128xi32, #tpu.memory_space<hbm>>
      %dma_start3A_49 = arith.constant 0 : i32
      %dma_start3A_50 = tpu.memref_slice %arg7[%dma_start3A_44, %dma_start3A_49] : memref<2x128xi32, #tpu.memory_space<vmem>> -> memref<1x128xi32, #tpu.memory_space<vmem>>
      %dma_start3A_51 = tpu.memref_squeeze %dma_start3A_50 : memref<1x128xi32, #tpu.memory_space<vmem>> -> memref<128xi32, #tpu.memory_space<vmem>>
      %dma_start3A_52 = tpu.memref_slice %arg2[%add3A_43] : memref<327680xi32, #tpu.memory_space<hbm>> -> memref<128xi32, #tpu.memory_space<hbm>>
      tpu.enqueue_dma source(%dma_start3A_52 : memref<128xi32, #tpu.memory_space<hbm>>) target(%dma_start3A_51 : memref<128xi32, #tpu.memory_space<vmem>>) target_semaphore(%arg11 : memref<!tpu.dma_semaphore, #tpu.memory_space<semaphore_mem>>)
      %add3A_53 = arith.constant 128 : i32
      %add3A_54 = arith.addi %add3A_20, %add3A_53 : i32
      %dma_start3A_55 = arith.constant 1 : i32
      %dma_start3A_56 = arith.constant 0 : i32
      %dma_start3A_57 = tpu.memref_slice %arg8[%dma_start3A_55, %dma_start3A_56] : memref<2x128xi32, #tpu.memory_space<vmem>> -> memref<1x128xi32, #tpu.memory_space<vmem>>
      %dma_start3A_58 = tpu.memref_squeeze %dma_start3A_57 : memref<1x128xi32, #tpu.memory_space<vmem>> -> memref<128xi32, #tpu.memory_space<vmem>>
      %dma_start3A_59 = tpu.memref_slice %arg3[%add3A_54] : memref<327680xi32, #tpu.memory_space<hbm>> -> memref<128xi32, #tpu.memory_space<hbm>>
      %dma_start3A_60 = arith.constant 0 : i32
      %dma_start3A_61 = tpu.memref_slice %arg8[%dma_start3A_55, %dma_start3A_60] : memref<2x128xi32, #tpu.memory_space<vmem>> -> memref<1x128xi32, #tpu.memory_space<vmem>>
      %dma_start3A_62 = tpu.memref_squeeze %dma_start3A_61 : memref<1x128xi32, #tpu.memory_space<vmem>> -> memref<128xi32, #tpu.memory_space<vmem>>
      %dma_start3A_63 = tpu.memref_slice %arg3[%add3A_54] : memref<327680xi32, #tpu.memory_space<hbm>> -> memref<128xi32, #tpu.memory_space<hbm>>
      tpu.enqueue_dma source(%dma_start3A_63 : memref<128xi32, #tpu.memory_space<hbm>>) target(%dma_start3A_62 : memref<128xi32, #tpu.memory_space<vmem>>) target_semaphore(%arg11 : memref<!tpu.dma_semaphore, #tpu.memory_space<semaphore_mem>>)
      %dma_wait3A = arith.constant 0 : i32
      %dma_wait3A_64 = arith.constant 0 : i32
      %dma_wait3A_65 = tpu.memref_slice %arg7[%dma_wait3A, %dma_wait3A_64] : memref<2x128xi32, #tpu.memory_space<vmem>> -> memref<1x128xi32, #tpu.memory_space<vmem>>
      %dma_wait3A_66 = tpu.memref_squeeze %dma_wait3A_65 : memref<1x128xi32, #tpu.memory_space<vmem>> -> memref<128xi32, #tpu.memory_space<vmem>>
      %dma_wait3A_67 = tpu.memref_slice %arg2[%add3A_22] : memref<327680xi32, #tpu.memory_space<hbm>> -> memref<128xi32, #tpu.memory_space<hbm>>
      %dma_wait3A_68 = arith.constant 0 : i32
      %dma_wait3A_69 = tpu.memref_slice %arg7[%dma_wait3A, %dma_wait3A_68] : memref<2x128xi32, #tpu.memory_space<vmem>> -> memref<1x128xi32, #tpu.memory_space<vmem>>
      %dma_wait3A_70 = tpu.memref_squeeze %dma_wait3A_69 : memref<1x128xi32, #tpu.memory_space<vmem>> -> memref<128xi32, #tpu.memory_space<vmem>>
      %dma_wait3A_71 = tpu.memref_slice %arg2[%add3A_22] : memref<327680xi32, #tpu.memory_space<hbm>> -> memref<128xi32, #tpu.memory_space<hbm>>
      tpu.wait_dma2 semaphore(%arg11 : memref<!tpu.dma_semaphore, #tpu.memory_space<semaphore_mem>>) src(%dma_wait3A_71 : memref<128xi32, #tpu.memory_space<hbm>>) dst(%dma_wait3A_70 : memref<128xi32, #tpu.memory_space<vmem>>)
      %dma_wait3A_72 = arith.constant 0 : i32
      %dma_wait3A_73 = arith.constant 0 : i32
      %dma_wait3A_74 = tpu.memref_slice %arg8[%dma_wait3A_72, %dma_wait3A_73] : memref<2x128xi32, #tpu.memory_space<vmem>> -> memref<1x128xi32, #tpu.memory_space<vmem>>
      %dma_wait3A_75 = tpu.memref_squeeze %dma_wait3A_74 : memref<1x128xi32, #tpu.memory_space<vmem>> -> memref<128xi32, #tpu.memory_space<vmem>>
      %dma_wait3A_76 = tpu.memref_slice %arg3[%add3A_32] : memref<327680xi32, #tpu.memory_space<hbm>> -> memref<128xi32, #tpu.memory_space<hbm>>
      %dma_wait3A_77 = arith.constant 0 : i32
      %dma_wait3A_78 = tpu.memref_slice %arg8[%dma_wait3A_72, %dma_wait3A_77] : memref<2x128xi32, #tpu.memory_space<vmem>> -> memref<1x128xi32, #tpu.memory_space<vmem>>
      %dma_wait3A_79 = tpu.memref_squeeze %dma_wait3A_78 : memref<1x128xi32, #tpu.memory_space<vmem>> -> memref<128xi32, #tpu.memory_space<vmem>>
      %dma_wait3A_80 = tpu.memref_slice %arg3[%add3A_32] : memref<327680xi32, #tpu.memory_space<hbm>> -> memref<128xi32, #tpu.memory_space<hbm>>
      tpu.wait_dma2 semaphore(%arg11 : memref<!tpu.dma_semaphore, #tpu.memory_space<semaphore_mem>>) src(%dma_wait3A_80 : memref<128xi32, #tpu.memory_space<hbm>>) dst(%dma_wait3A_79 : memref<128xi32, #tpu.memory_space<vmem>>)
      %dma_wait3A_81 = arith.constant 1 : i32
      %dma_wait3A_82 = arith.constant 0 : i32
      %dma_wait3A_83 = tpu.memref_slice %arg7[%dma_wait3A_81, %dma_wait3A_82] : memref<2x128xi32, #tpu.memory_space<vmem>> -> memref<1x128xi32, #tpu.memory_space<vmem>>
      %dma_wait3A_84 = tpu.memref_squeeze %dma_wait3A_83 : memref<1x128xi32, #tpu.memory_space<vmem>> -> memref<128xi32, #tpu.memory_space<vmem>>
      %dma_wait3A_85 = tpu.memref_slice %arg2[%add3A_43] : memref<327680xi32, #tpu.memory_space<hbm>> -> memref<128xi32, #tpu.memory_space<hbm>>
      %dma_wait3A_86 = arith.constant 0 : i32
      %dma_wait3A_87 = tpu.memref_slice %arg7[%dma_wait3A_81, %dma_wait3A_86] : memref<2x128xi32, #tpu.memory_space<vmem>> -> memref<1x128xi32, #tpu.memory_space<vmem>>
      %dma_wait3A_88 = tpu.memref_squeeze %dma_wait3A_87 : memref<1x128xi32, #tpu.memory_space<vmem>> -> memref<128xi32, #tpu.memory_space<vmem>>
      %dma_wait3A_89 = tpu.memref_slice %arg2[%add3A_43] : memref<327680xi32, #tpu.memory_space<hbm>> -> memref<128xi32, #tpu.memory_space<hbm>>
      tpu.wait_dma2 semaphore(%arg11 : memref<!tpu.dma_semaphore, #tpu.memory_space<semaphore_mem>>) src(%dma_wait3A_89 : memref<128xi32, #tpu.memory_space<hbm>>) dst(%dma_wait3A_88 : memref<128xi32, #tpu.memory_space<vmem>>)
      %dma_wait3A_90 = arith.constant 1 : i32
      %dma_wait3A_91 = arith.constant 0 : i32
      %dma_wait3A_92 = tpu.memref_slice %arg8[%dma_wait3A_90, %dma_wait3A_91] : memref<2x128xi32, #tpu.memory_space<vmem>> -> memref<1x128xi32, #tpu.memory_space<vmem>>
      %dma_wait3A_93 = tpu.memref_squeeze %dma_wait3A_92 : memref<1x128xi32, #tpu.memory_space<vmem>> -> memref<128xi32, #tpu.memory_space<vmem>>
      %dma_wait3A_94 = tpu.memref_slice %arg3[%add3A_54] : memref<327680xi32, #tpu.memory_space<hbm>> -> memref<128xi32, #tpu.memory_space<hbm>>
      %dma_wait3A_95 = arith.constant 0 : i32
      %dma_wait3A_96 = tpu.memref_slice %arg8[%dma_wait3A_90, %dma_wait3A_95] : memref<2x128xi32, #tpu.memory_space<vmem>> -> memref<1x128xi32, #tpu.memory_space<vmem>>
      %dma_wait3A_97 = tpu.memref_squeeze %dma_wait3A_96 : memref<1x128xi32, #tpu.memory_space<vmem>> -> memref<128xi32, #tpu.memory_space<vmem>>
      %dma_wait3A_98 = tpu.memref_slice %arg3[%add3A_54] : memref<327680xi32, #tpu.memory_space<hbm>> -> memref<128xi32, #tpu.memory_space<hbm>>
      tpu.wait_dma2 semaphore(%arg11 : memref<!tpu.dma_semaphore, #tpu.memory_space<semaphore_mem>>) src(%dma_wait3A_98 : memref<128xi32, #tpu.memory_space<hbm>>) dst(%dma_wait3A_97 : memref<128xi32, #tpu.memory_space<vmem>>)
      %dma_start3A_99 = arith.constant 0 : i32
      %dma_start3A_100 = arith.constant 0 : i32
      %dma_start3A_101 = arith.constant 0 : i32
      %dma_start3A_102 = arith.constant 0 : i32
      %dma_start3A_103 = tpu.memref_slice %arg9[%dma_start3A_100, %dma_start3A_101, %dma_start3A_102] : memref<2x128x128xf32, #tpu.memory_space<vmem>> -> memref<1x128x128xf32, #tpu.memory_space<vmem>>
      %dma_start3A_104 = tpu.memref_squeeze %dma_start3A_103 : memref<1x128x128xf32, #tpu.memory_space<vmem>> -> memref<128x128xf32, #tpu.memory_space<vmem>>
      %dma_start3A_105 = arith.constant 0 : i32
      %dma_start3A_106 = tpu.memref_slice %arg7[%dma_start3A_99, %dma_start3A_105] : memref<2x128xi32, #tpu.memory_space<vmem>> -> memref<1x128xi32, #tpu.memory_space<vmem>>
      %dma_start3A_107 = tpu.memref_squeeze %dma_start3A_106 : memref<1x128xi32, #tpu.memory_space<vmem>> -> memref<128xi32, #tpu.memory_space<vmem>>
      %dma_start3A_108 = arith.constant 0 : i32
      %dma_start3A_109 = arith.constant 0 : i32
      %dma_start3A_110 = tpu.memref_slice %arg4[%dma_start3A_108, %dma_start3A_109] : memref<10112x128xf32, #tpu.memory_space<hbm>> -> memref<10112x128xf32, #tpu.memory_space<hbm>>
      tpu.enqueue_indirect_dma source(%dma_start3A_110 : memref<10112x128xf32, #tpu.memory_space<hbm>>) target(%dma_start3A_104 : memref<128x128xf32, #tpu.memory_space<vmem>>) offsets(%dma_start3A_107 : memref<128xi32, #tpu.memory_space<vmem>>) semaphore(%arg12 : memref<!tpu.dma_semaphore, #tpu.memory_space<semaphore_mem>>)
      %dma_start3A_111 = arith.constant 1 : i32
      %dma_start3A_112 = arith.constant 1 : i32
      %dma_start3A_113 = arith.constant 0 : i32
      %dma_start3A_114 = arith.constant 0 : i32
      %dma_start3A_115 = tpu.memref_slice %arg9[%dma_start3A_112, %dma_start3A_113, %dma_start3A_114] : memref<2x128x128xf32, #tpu.memory_space<vmem>> -> memref<1x128x128xf32, #tpu.memory_space<vmem>>
      %dma_start3A_116 = tpu.memref_squeeze %dma_start3A_115 : memref<1x128x128xf32, #tpu.memory_space<vmem>> -> memref<128x128xf32, #tpu.memory_space<vmem>>
      %dma_start3A_117 = arith.constant 0 : i32
      %dma_start3A_118 = tpu.memref_slice %arg7[%dma_start3A_111, %dma_start3A_117] : memref<2x128xi32, #tpu.memory_space<vmem>> -> memref<1x128xi32, #tpu.memory_space<vmem>>
      %dma_start3A_119 = tpu.memref_squeeze %dma_start3A_118 : memref<1x128xi32, #tpu.memory_space<vmem>> -> memref<128xi32, #tpu.memory_space<vmem>>
      %dma_start3A_120 = arith.constant 0 : i32
      %dma_start3A_121 = arith.constant 0 : i32
      %dma_start3A_122 = tpu.memref_slice %arg4[%dma_start3A_120, %dma_start3A_121] : memref<10112x128xf32, #tpu.memory_space<hbm>> -> memref<10112x128xf32, #tpu.memory_space<hbm>>
      tpu.enqueue_indirect_dma source(%dma_start3A_122 : memref<10112x128xf32, #tpu.memory_space<hbm>>) target(%dma_start3A_116 : memref<128x128xf32, #tpu.memory_space<vmem>>) offsets(%dma_start3A_119 : memref<128xi32, #tpu.memory_space<vmem>>) semaphore(%arg12 : memref<!tpu.dma_semaphore, #tpu.memory_space<semaphore_mem>>)
      %dma_wait3A_123 = arith.constant 0 : i32
      %dma_wait3A_124 = arith.constant 0 : i32
      %dma_wait3A_125 = arith.constant 0 : i32
      %dma_wait3A_126 = arith.constant 0 : i32
      %dma_wait3A_127 = tpu.memref_slice %arg9[%dma_wait3A_124, %dma_wait3A_125, %dma_wait3A_126] : memref<2x128x128xf32, #tpu.memory_space<vmem>> -> memref<1x128x128xf32, #tpu.memory_space<vmem>>
      %dma_wait3A_128 = tpu.memref_squeeze %dma_wait3A_127 : memref<1x128x128xf32, #tpu.memory_space<vmem>> -> memref<128x128xf32, #tpu.memory_space<vmem>>
      %dma_wait3A_129 = arith.constant 0 : i32
      %dma_wait3A_130 = tpu.memref_slice %arg7[%dma_wait3A_123, %dma_wait3A_129] : memref<2x128xi32, #tpu.memory_space<vmem>> -> memref<1x128xi32, #tpu.memory_space<vmem>>
      %dma_wait3A_131 = tpu.memref_squeeze %dma_wait3A_130 : memref<1x128xi32, #tpu.memory_space<vmem>> -> memref<128xi32, #tpu.memory_space<vmem>>
      %dma_wait3A_132 = arith.constant 0 : i32
      %dma_wait3A_133 = arith.constant 0 : i32
      %dma_wait3A_134 = tpu.memref_slice %arg4[%dma_wait3A_132, %dma_wait3A_133] : memref<10112x128xf32, #tpu.memory_space<hbm>> -> memref<10112x128xf32, #tpu.memory_space<hbm>>
      tpu.wait_indirect_dma semaphore(%arg12 : memref<!tpu.dma_semaphore, #tpu.memory_space<semaphore_mem>>) src(%dma_wait3A_134 : memref<10112x128xf32, #tpu.memory_space<hbm>>) dst(%dma_wait3A_128 : memref<128x128xf32, #tpu.memory_space<vmem>>)
      %dma_wait3A_135 = arith.constant 1 : i32
      %dma_wait3A_136 = arith.constant 1 : i32
      %dma_wait3A_137 = arith.constant 0 : i32
      %dma_wait3A_138 = arith.constant 0 : i32
      %dma_wait3A_139 = tpu.memref_slice %arg9[%dma_wait3A_136, %dma_wait3A_137, %dma_wait3A_138] : memref<2x128x128xf32, #tpu.memory_space<vmem>> -> memref<1x128x128xf32, #tpu.memory_space<vmem>>
      %dma_wait3A_140 = tpu.memref_squeeze %dma_wait3A_139 : memref<1x128x128xf32, #tpu.memory_space<vmem>> -> memref<128x128xf32, #tpu.memory_space<vmem>>
      %dma_wait3A_141 = arith.constant 0 : i32
      %dma_wait3A_142 = tpu.memref_slice %arg7[%dma_wait3A_135, %dma_wait3A_141] : memref<2x128xi32, #tpu.memory_space<vmem>> -> memref<1x128xi32, #tpu.memory_space<vmem>>
      %dma_wait3A_143 = tpu.memref_squeeze %dma_wait3A_142 : memref<1x128xi32, #tpu.memory_space<vmem>> -> memref<128xi32, #tpu.memory_space<vmem>>
      %dma_wait3A_144 = arith.constant 0 : i32
      %dma_wait3A_145 = arith.constant 0 : i32
      %dma_wait3A_146 = tpu.memref_slice %arg4[%dma_wait3A_144, %dma_wait3A_145] : memref<10112x128xf32, #tpu.memory_space<hbm>> -> memref<10112x128xf32, #tpu.memory_space<hbm>>
      tpu.wait_indirect_dma semaphore(%arg12 : memref<!tpu.dma_semaphore, #tpu.memory_space<semaphore_mem>>) src(%dma_wait3A_146 : memref<10112x128xf32, #tpu.memory_space<hbm>>) dst(%dma_wait3A_140 : memref<128x128xf32, #tpu.memory_space<vmem>>)
      %dma_start3A_147 = arith.constant 0 : i32
      %dma_start3A_148 = arith.constant 0 : i32
      %dma_start3A_149 = arith.constant 0 : i32
      %dma_start3A_150 = arith.constant 0 : i32
      %dma_start3A_151 = tpu.memref_slice %arg9[%dma_start3A_147, %dma_start3A_149, %dma_start3A_150] : memref<2x128x128xf32, #tpu.memory_space<vmem>> -> memref<1x128x128xf32, #tpu.memory_space<vmem>>
      %dma_start3A_152 = tpu.memref_squeeze %dma_start3A_151 : memref<1x128x128xf32, #tpu.memory_space<vmem>> -> memref<128x128xf32, #tpu.memory_space<vmem>>
      %dma_start3A_153 = arith.constant 0 : i32
      %dma_start3A_154 = tpu.memref_slice %arg8[%dma_start3A_148, %dma_start3A_153] : memref<2x128xi32, #tpu.memory_space<vmem>> -> memref<1x128xi32, #tpu.memory_space<vmem>>
      %dma_start3A_155 = tpu.memref_squeeze %dma_start3A_154 : memref<1x128xi32, #tpu.memory_space<vmem>> -> memref<128xi32, #tpu.memory_space<vmem>>
      %dma_start3A_156 = arith.constant 0 : i32
      %dma_start3A_157 = arith.constant 0 : i32
      %dma_start3A_158 = tpu.memref_slice %arg10[%dma_start3A_156, %dma_start3A_157] : memref<10112x128xf32, #tpu.memory_space<vmem_shared>> -> memref<10112x128xf32, #tpu.memory_space<vmem_shared>>
      tpu.enqueue_indirect_dma source(%dma_start3A_152 : memref<128x128xf32, #tpu.memory_space<vmem>>) target(%dma_start3A_158 : memref<10112x128xf32, #tpu.memory_space<vmem_shared>>) offsets(%dma_start3A_155 : memref<128xi32, #tpu.memory_space<vmem>>) semaphore(%arg13 : memref<!tpu.dma_semaphore, #tpu.memory_space<semaphore_mem>>) {add = true}
      %dma_start3A_159 = arith.constant 1 : i32
      %dma_start3A_160 = arith.constant 1 : i32
      %dma_start3A_161 = arith.constant 0 : i32
      %dma_start3A_162 = arith.constant 0 : i32
      %dma_start3A_163 = tpu.memref_slice %arg9[%dma_start3A_159, %dma_start3A_161, %dma_start3A_162] : memref<2x128x128xf32, #tpu.memory_space<vmem>> -> memref<1x128x128xf32, #tpu.memory_space<vmem>>
      %dma_start3A_164 = tpu.memref_squeeze %dma_start3A_163 : memref<1x128x128xf32, #tpu.memory_space<vmem>> -> memref<128x128xf32, #tpu.memory_space<vmem>>
      %dma_start3A_165 = arith.constant 0 : i32
      %dma_start3A_166 = tpu.memref_slice %arg8[%dma_start3A_160, %dma_start3A_165] : memref<2x128xi32, #tpu.memory_space<vmem>> -> memref<1x128xi32, #tpu.memory_space<vmem>>
      %dma_start3A_167 = tpu.memref_squeeze %dma_start3A_166 : memref<1x128xi32, #tpu.memory_space<vmem>> -> memref<128xi32, #tpu.memory_space<vmem>>
      %dma_start3A_168 = arith.constant 0 : i32
      %dma_start3A_169 = arith.constant 0 : i32
      %dma_start3A_170 = tpu.memref_slice %arg10[%dma_start3A_168, %dma_start3A_169] : memref<10112x128xf32, #tpu.memory_space<vmem_shared>> -> memref<10112x128xf32, #tpu.memory_space<vmem_shared>>
      tpu.enqueue_indirect_dma source(%dma_start3A_164 : memref<128x128xf32, #tpu.memory_space<vmem>>) target(%dma_start3A_170 : memref<10112x128xf32, #tpu.memory_space<vmem_shared>>) offsets(%dma_start3A_167 : memref<128xi32, #tpu.memory_space<vmem>>) semaphore(%arg13 : memref<!tpu.dma_semaphore, #tpu.memory_space<semaphore_mem>>) {add = true}
      %dma_wait3A_171 = arith.constant 0 : i32
      %dma_wait3A_172 = arith.constant 0 : i32
      %dma_wait3A_173 = arith.constant 0 : i32
      %dma_wait3A_174 = arith.constant 0 : i32
      %dma_wait3A_175 = tpu.memref_slice %arg9[%dma_wait3A_171, %dma_wait3A_173, %dma_wait3A_174] : memref<2x128x128xf32, #tpu.memory_space<vmem>> -> memref<1x128x128xf32, #tpu.memory_space<vmem>>
      %dma_wait3A_176 = tpu.memref_squeeze %dma_wait3A_175 : memref<1x128x128xf32, #tpu.memory_space<vmem>> -> memref<128x128xf32, #tpu.memory_space<vmem>>
      %dma_wait3A_177 = arith.constant 0 : i32
      %dma_wait3A_178 = tpu.memref_slice %arg8[%dma_wait3A_172, %dma_wait3A_177] : memref<2x128xi32, #tpu.memory_space<vmem>> -> memref<1x128xi32, #tpu.memory_space<vmem>>
      %dma_wait3A_179 = tpu.memref_squeeze %dma_wait3A_178 : memref<1x128xi32, #tpu.memory_space<vmem>> -> memref<128xi32, #tpu.memory_space<vmem>>
      %dma_wait3A_180 = arith.constant 0 : i32
      %dma_wait3A_181 = arith.constant 0 : i32
      %dma_wait3A_182 = tpu.memref_slice %arg10[%dma_wait3A_180, %dma_wait3A_181] : memref<10112x128xf32, #tpu.memory_space<vmem_shared>> -> memref<10112x128xf32, #tpu.memory_space<vmem_shared>>
      tpu.wait_indirect_dma semaphore(%arg13 : memref<!tpu.dma_semaphore, #tpu.memory_space<semaphore_mem>>) src(%dma_wait3A_176 : memref<128x128xf32, #tpu.memory_space<vmem>>) dst(%dma_wait3A_182 : memref<10112x128xf32, #tpu.memory_space<vmem_shared>>)
      %dma_wait3A_183 = arith.constant 1 : i32
      %dma_wait3A_184 = arith.constant 1 : i32
      %dma_wait3A_185 = arith.constant 0 : i32
      %dma_wait3A_186 = arith.constant 0 : i32
      %dma_wait3A_187 = tpu.memref_slice %arg9[%dma_wait3A_183, %dma_wait3A_185, %dma_wait3A_186] : memref<2x128x128xf32, #tpu.memory_space<vmem>> -> memref<1x128x128xf32, #tpu.memory_space<vmem>>
      %dma_wait3A_188 = tpu.memref_squeeze %dma_wait3A_187 : memref<1x128x128xf32, #tpu.memory_space<vmem>> -> memref<128x128xf32, #tpu.memory_space<vmem>>
      %dma_wait3A_189 = arith.constant 0 : i32
      %dma_wait3A_190 = tpu.memref_slice %arg8[%dma_wait3A_184, %dma_wait3A_189] : memref<2x128xi32, #tpu.memory_space<vmem>> -> memref<1x128xi32, #tpu.memory_space<vmem>>
      %dma_wait3A_191 = tpu.memref_squeeze %dma_wait3A_190 : memref<1x128xi32, #tpu.memory_space<vmem>> -> memref<128xi32, #tpu.memory_space<vmem>>
      %dma_wait3A_192 = arith.constant 0 : i32
      %dma_wait3A_193 = arith.constant 0 : i32
      %dma_wait3A_194 = tpu.memref_slice %arg10[%dma_wait3A_192, %dma_wait3A_193] : memref<10112x128xf32, #tpu.memory_space<vmem_shared>> -> memref<10112x128xf32, #tpu.memory_space<vmem_shared>>
      tpu.wait_indirect_dma semaphore(%arg13 : memref<!tpu.dma_semaphore, #tpu.memory_space<semaphore_mem>>) src(%dma_wait3A_188 : memref<128x128xf32, #tpu.memory_space<vmem>>) dst(%dma_wait3A_194 : memref<10112x128xf32, #tpu.memory_space<vmem_shared>>)
    }
    %scan3A_11 = arith.constant 40 : i32
    %barrier3A_12 = arith.constant 0 : index
    tpu.barrier barrier_id(%barrier3A_12)
    %mul3A_13 = arith.constant 632 : i32
    %mul3A_14 = arith.muli %arg1, %mul3A_13 : i32
    %mul3A_15 = arith.constant 632 : i32
    %mul3A_16 = arith.muli %arg1, %mul3A_15 : i32
    "tpu.region"() ({
      %run_scoped3A = tpu.sem_alloc : memref<!tpu.dma_semaphore, #tpu.memory_space<semaphore_mem>>
      %dma_start3A = arith.constant 0 : i32
      %dma_start3A_17 = tpu.memref_slice %arg6[%arg0, %mul3A_16, %dma_start3A] : memref<2x10112x128xf32, #tpu.memory_space<hbm>> -> memref<1x632x128xf32, #tpu.memory_space<hbm>>
      %dma_start3A_18 = tpu.memref_squeeze %dma_start3A_17 : memref<1x632x128xf32, #tpu.memory_space<hbm>> -> memref<632x128xf32, #tpu.memory_space<hbm>>
      %dma_start3A_19 = arith.constant 0 : i32
      %dma_start3A_20 = tpu.memref_slice %arg10[%mul3A_14, %dma_start3A_19] : memref<10112x128xf32, #tpu.memory_space<vmem_shared>> -> memref<632x128xf32, #tpu.memory_space<vmem_shared>>
      tpu.enqueue_dma source(%dma_start3A_20 : memref<632x128xf32, #tpu.memory_space<vmem_shared>>) target(%dma_start3A_18 : memref<632x128xf32, #tpu.memory_space<hbm>>) target_semaphore(%run_scoped3A : memref<!tpu.dma_semaphore, #tpu.memory_space<semaphore_mem>>)
      %dma_wait3A = arith.constant 0 : i32
      %dma_wait3A_21 = tpu.memref_slice %arg6[%arg0, %mul3A_16, %dma_wait3A] : memref<2x10112x128xf32, #tpu.memory_space<hbm>> -> memref<1x632x128xf32, #tpu.memory_space<hbm>>
      %dma_wait3A_22 = tpu.memref_squeeze %dma_wait3A_21 : memref<1x632x128xf32, #tpu.memory_space<hbm>> -> memref<632x128xf32, #tpu.memory_space<hbm>>
      %dma_wait3A_23 = arith.constant 0 : i32
      %dma_wait3A_24 = tpu.memref_slice %arg10[%mul3A_14, %dma_wait3A_23] : memref<10112x128xf32, #tpu.memory_space<vmem_shared>> -> memref<632x128xf32, #tpu.memory_space<vmem_shared>>
      tpu.wait_dma2 semaphore(%run_scoped3A : memref<!tpu.dma_semaphore, #tpu.memory_space<semaphore_mem>>) src(%dma_wait3A_24 : memref<632x128xf32, #tpu.memory_space<vmem_shared>>) dst(%dma_wait3A_22 : memref<632x128xf32, #tpu.memory_space<hbm>>)
      tpu.yield
    }) : () -> ()
    return
  }
}

#map = affine_map<(d0, d1) -> (0)>
#map1 = affine_map<(d0, d1) -> (0, 0)>
#map2 = affine_map<(d0, d1) -> (0, 0, 0)>
module attributes {stable_mosaic.version = 14 : i64} {
  func.func @_edge_kernel(%arg0: i32, %arg1: i32, %arg2: memref<327680xi32, #tpu.memory_space<hbm>>, %arg3: memref<327680xi32, #tpu.memory_space<hbm>>, %arg4: memref<10112x128xf32, #tpu.memory_space<hbm>>, %arg5: memref<10112x128xf32, #tpu.memory_space<hbm>>, %arg6: memref<2x10112x128xf32, #tpu.memory_space<hbm>>, %arg7: memref<2x128xi32, #tpu.memory_space<vmem>>, %arg8: memref<2x128xi32, #tpu.memory_space<vmem>>, %arg9: memref<2x128x128xf32, #tpu.memory_space<vmem>>, %arg10: memref<10112x128xf32, #tpu.memory_space<vmem_shared>>, %arg11: memref<!tpu.dma_semaphore, #tpu.memory_space<semaphore_mem>>, %arg12: memref<!tpu.dma_semaphore, #tpu.memory_space<semaphore_mem>>, %arg13: memref<!tpu.dma_semaphore, #tpu.memory_space<semaphore_mem>>) attributes {dimension_semantics = [#tpu.dimension_semantics<core_parallel>, #tpu.dimension_semantics<subcore_parallel>], iteration_bounds = array<i64: 2, 16>, scalar_prefetch = 0 : i64, scratch_operands = 7 : i64, tpu.core_type = #tpu.core_type<sc_vector_subcore>, window_params = [{transform_indices = #map}, {transform_indices = #map}, {transform_indices = #map1}, {transform_indices = #map1}, {transform_indices = #map2}]} {
    %mul3A = arith.constant 16 : i32
    %mul3A_0 = arith.muli %arg0, %mul3A : i32
    %add3A = arith.addi %mul3A_0, %arg1 : i32
    %mul3A_1 = arith.constant 632 : i32
    %mul3A_2 = arith.muli %arg1, %mul3A_1 : i32
    %mul3A_3 = arith.constant 632 : i32
    %mul3A_4 = arith.muli %arg1, %mul3A_3 : i32
    "tpu.region"() ({
      %run_scoped3A = tpu.sem_alloc : memref<!tpu.dma_semaphore, #tpu.memory_space<semaphore_mem>>
      %dma_start3A = arith.constant 0 : i32
      %dma_start3A_17 = tpu.memref_slice %arg10[%mul3A_4, %dma_start3A] : memref<10112x128xf32, #tpu.memory_space<vmem_shared>> -> memref<632x128xf32, #tpu.memory_space<vmem_shared>>
      %dma_start3A_18 = arith.constant 0 : i32
      %dma_start3A_19 = tpu.memref_slice %arg5[%mul3A_2, %dma_start3A_18] : memref<10112x128xf32, #tpu.memory_space<hbm>> -> memref<632x128xf32, #tpu.memory_space<hbm>>
      tpu.enqueue_dma source(%dma_start3A_19 : memref<632x128xf32, #tpu.memory_space<hbm>>) target(%dma_start3A_17 : memref<632x128xf32, #tpu.memory_space<vmem_shared>>) target_semaphore(%run_scoped3A : memref<!tpu.dma_semaphore, #tpu.memory_space<semaphore_mem>>)
      %dma_wait3A = arith.constant 0 : i32
      %dma_wait3A_20 = tpu.memref_slice %arg10[%mul3A_4, %dma_wait3A] : memref<10112x128xf32, #tpu.memory_space<vmem_shared>> -> memref<632x128xf32, #tpu.memory_space<vmem_shared>>
      %dma_wait3A_21 = arith.constant 0 : i32
      %dma_wait3A_22 = tpu.memref_slice %arg5[%mul3A_2, %dma_wait3A_21] : memref<10112x128xf32, #tpu.memory_space<hbm>> -> memref<632x128xf32, #tpu.memory_space<hbm>>
      tpu.wait_dma2 semaphore(%run_scoped3A : memref<!tpu.dma_semaphore, #tpu.memory_space<semaphore_mem>>) src(%dma_wait3A_22 : memref<632x128xf32, #tpu.memory_space<hbm>>) dst(%dma_wait3A_20 : memref<632x128xf32, #tpu.memory_space<vmem_shared>>)
      tpu.yield
    }) : () -> ()
    %barrier3A = arith.constant 0 : index
    tpu.barrier barrier_id(%barrier3A)
    %mul3A_5 = arith.constant 10240 : i32
    %mul3A_6 = arith.muli %add3A, %mul3A_5 : i32
    %scan3A = arith.constant 0 : i32
    %scan3A_7 = arith.constant 0 : i32
    %scan3A_8 = arith.constant 40 : i32
    %scan3A_9 = arith.addi %scan3A_7, %scan3A_8 : i32
    %scan3A_10 = arith.constant 1 : i32
    scf.for %scan3A_17 = %scan3A_7 to %scan3A_9 step %scan3A_10  : i32 {
      %mul3A_18 = arith.constant 256 : i32
      %mul3A_19 = arith.muli %scan3A_17, %mul3A_18 : i32
      %add3A_20 = arith.addi %mul3A_6, %mul3A_19 : i32
      %add3A_21 = arith.constant 0 : i32
      %add3A_22 = arith.addi %add3A_20, %add3A_21 : i32
      %dma_start3A = arith.constant 0 : i32
      %dma_start3A_23 = arith.constant 0 : i32
      %dma_start3A_24 = tpu.memref_slice %arg7[%dma_start3A, %dma_start3A_23] : memref<2x128xi32, #tpu.memory_space<vmem>> -> memref<1x128xi32, #tpu.memory_space<vmem>>
      %dma_start3A_25 = tpu.memref_squeeze %dma_start3A_24 : memref<1x128xi32, #tpu.memory_space<vmem>> -> memref<128xi32, #tpu.memory_space<vmem>>
      %dma_start3A_26 = tpu.memref_slice %arg2[%add3A_22] : memref<327680xi32, #tpu.memory_space<hbm>> -> memref<128xi32, #tpu.memory_space<hbm>>
      %dma_start3A_27 = arith.constant 0 : i32
      %dma_start3A_28 = tpu.memref_slice %arg7[%dma_start3A, %dma_start3A_27] : memref<2x128xi32, #tpu.memory_space<vmem>> -> memref<1x128xi32, #tpu.memory_space<vmem>>
      %dma_start3A_29 = tpu.memref_squeeze %dma_start3A_28 : memref<1x128xi32, #tpu.memory_space<vmem>> -> memref<128xi32, #tpu.memory_space<vmem>>
      %dma_start3A_30 = tpu.memref_slice %arg2[%add3A_22] : memref<327680xi32, #tpu.memory_space<hbm>> -> memref<128xi32, #tpu.memory_space<hbm>>
      tpu.enqueue_dma source(%dma_start3A_30 : memref<128xi32, #tpu.memory_space<hbm>>) target(%dma_start3A_29 : memref<128xi32, #tpu.memory_space<vmem>>) target_semaphore(%arg11 : memref<!tpu.dma_semaphore, #tpu.memory_space<semaphore_mem>>)
      %add3A_31 = arith.constant 0 : i32
      %add3A_32 = arith.addi %add3A_20, %add3A_31 : i32
      %dma_start3A_33 = arith.constant 0 : i32
      %dma_start3A_34 = arith.constant 0 : i32
      %dma_start3A_35 = tpu.memref_slice %arg8[%dma_start3A_33, %dma_start3A_34] : memref<2x128xi32, #tpu.memory_space<vmem>> -> memref<1x128xi32, #tpu.memory_space<vmem>>
      %dma_start3A_36 = tpu.memref_squeeze %dma_start3A_35 : memref<1x128xi32, #tpu.memory_space<vmem>> -> memref<128xi32, #tpu.memory_space<vmem>>
      %dma_start3A_37 = tpu.memref_slice %arg3[%add3A_32] : memref<327680xi32, #tpu.memory_space<hbm>> -> memref<128xi32, #tpu.memory_space<hbm>>
      %dma_start3A_38 = arith.constant 0 : i32
      %dma_start3A_39 = tpu.memref_slice %arg8[%dma_start3A_33, %dma_start3A_38] : memref<2x128xi32, #tpu.memory_space<vmem>> -> memref<1x128xi32, #tpu.memory_space<vmem>>
      %dma_start3A_40 = tpu.memref_squeeze %dma_start3A_39 : memref<1x128xi32, #tpu.memory_space<vmem>> -> memref<128xi32, #tpu.memory_space<vmem>>
      %dma_start3A_41 = tpu.memref_slice %arg3[%add3A_32] : memref<327680xi32, #tpu.memory_space<hbm>> -> memref<128xi32, #tpu.memory_space<hbm>>
      tpu.enqueue_dma source(%dma_start3A_41 : memref<128xi32, #tpu.memory_space<hbm>>) target(%dma_start3A_40 : memref<128xi32, #tpu.memory_space<vmem>>) target_semaphore(%arg11 : memref<!tpu.dma_semaphore, #tpu.memory_space<semaphore_mem>>)
      %add3A_42 = arith.constant 128 : i32
      %add3A_43 = arith.addi %add3A_20, %add3A_42 : i32
      %dma_start3A_44 = arith.constant 1 : i32
      %dma_start3A_45 = arith.constant 0 : i32
      %dma_start3A_46 = tpu.memref_slice %arg7[%dma_start3A_44, %dma_start3A_45] : memref<2x128xi32, #tpu.memory_space<vmem>> -> memref<1x128xi32, #tpu.memory_space<vmem>>
      %dma_start3A_47 = tpu.memref_squeeze %dma_start3A_46 : memref<1x128xi32, #tpu.memory_space<vmem>> -> memref<128xi32, #tpu.memory_space<vmem>>
      %dma_start3A_48 = tpu.memref_slice %arg2[%add3A_43] : memref<327680xi32, #tpu.memory_space<hbm>> -> memref<128xi32, #tpu.memory_space<hbm>>
      %dma_start3A_49 = arith.constant 0 : i32
      %dma_start3A_50 = tpu.memref_slice %arg7[%dma_start3A_44, %dma_start3A_49] : memref<2x128xi32, #tpu.memory_space<vmem>> -> memref<1x128xi32, #tpu.memory_space<vmem>>
      %dma_start3A_51 = tpu.memref_squeeze %dma_start3A_50 : memref<1x128xi32, #tpu.memory_space<vmem>> -> memref<128xi32, #tpu.memory_space<vmem>>
      %dma_start3A_52 = tpu.memref_slice %arg2[%add3A_43] : memref<327680xi32, #tpu.memory_space<hbm>> -> memref<128xi32, #tpu.memory_space<hbm>>
      tpu.enqueue_dma source(%dma_start3A_52 : memref<128xi32, #tpu.memory_space<hbm>>) target(%dma_start3A_51 : memref<128xi32, #tpu.memory_space<vmem>>) target_semaphore(%arg11 : memref<!tpu.dma_semaphore, #tpu.memory_space<semaphore_mem>>)
      %add3A_53 = arith.constant 128 : i32
      %add3A_54 = arith.addi %add3A_20, %add3A_53 : i32
      %dma_start3A_55 = arith.constant 1 : i32
      %dma_start3A_56 = arith.constant 0 : i32
      %dma_start3A_57 = tpu.memref_slice %arg8[%dma_start3A_55, %dma_start3A_56] : memref<2x128xi32, #tpu.memory_space<vmem>> -> memref<1x128xi32, #tpu.memory_space<vmem>>
      %dma_start3A_58 = tpu.memref_squeeze %dma_start3A_57 : memref<1x128xi32, #tpu.memory_space<vmem>> -> memref<128xi32, #tpu.memory_space<vmem>>
      %dma_start3A_59 = tpu.memref_slice %arg3[%add3A_54] : memref<327680xi32, #tpu.memory_space<hbm>> -> memref<128xi32, #tpu.memory_space<hbm>>
      %dma_start3A_60 = arith.constant 0 : i32
      %dma_start3A_61 = tpu.memref_slice %arg8[%dma_start3A_55, %dma_start3A_60] : memref<2x128xi32, #tpu.memory_space<vmem>> -> memref<1x128xi32, #tpu.memory_space<vmem>>
      %dma_start3A_62 = tpu.memref_squeeze %dma_start3A_61 : memref<1x128xi32, #tpu.memory_space<vmem>> -> memref<128xi32, #tpu.memory_space<vmem>>
      %dma_start3A_63 = tpu.memref_slice %arg3[%add3A_54] : memref<327680xi32, #tpu.memory_space<hbm>> -> memref<128xi32, #tpu.memory_space<hbm>>
      tpu.enqueue_dma source(%dma_start3A_63 : memref<128xi32, #tpu.memory_space<hbm>>) target(%dma_start3A_62 : memref<128xi32, #tpu.memory_space<vmem>>) target_semaphore(%arg11 : memref<!tpu.dma_semaphore, #tpu.memory_space<semaphore_mem>>)
      %dma_wait3A = arith.constant 0 : i32
      %dma_wait3A_64 = arith.constant 0 : i32
      %dma_wait3A_65 = tpu.memref_slice %arg7[%dma_wait3A, %dma_wait3A_64] : memref<2x128xi32, #tpu.memory_space<vmem>> -> memref<1x128xi32, #tpu.memory_space<vmem>>
      %dma_wait3A_66 = tpu.memref_squeeze %dma_wait3A_65 : memref<1x128xi32, #tpu.memory_space<vmem>> -> memref<128xi32, #tpu.memory_space<vmem>>
      %dma_wait3A_67 = tpu.memref_slice %arg2[%add3A_22] : memref<327680xi32, #tpu.memory_space<hbm>> -> memref<128xi32, #tpu.memory_space<hbm>>
      %dma_wait3A_68 = arith.constant 0 : i32
      %dma_wait3A_69 = tpu.memref_slice %arg7[%dma_wait3A, %dma_wait3A_68] : memref<2x128xi32, #tpu.memory_space<vmem>> -> memref<1x128xi32, #tpu.memory_space<vmem>>
      %dma_wait3A_70 = tpu.memref_squeeze %dma_wait3A_69 : memref<1x128xi32, #tpu.memory_space<vmem>> -> memref<128xi32, #tpu.memory_space<vmem>>
      %dma_wait3A_71 = tpu.memref_slice %arg2[%add3A_22] : memref<327680xi32, #tpu.memory_space<hbm>> -> memref<128xi32, #tpu.memory_space<hbm>>
      tpu.wait_dma2 semaphore(%arg11 : memref<!tpu.dma_semaphore, #tpu.memory_space<semaphore_mem>>) src(%dma_wait3A_71 : memref<128xi32, #tpu.memory_space<hbm>>) dst(%dma_wait3A_70 : memref<128xi32, #tpu.memory_space<vmem>>)
      %dma_wait3A_72 = arith.constant 0 : i32
      %dma_wait3A_73 = arith.constant 0 : i32
      %dma_wait3A_74 = tpu.memref_slice %arg8[%dma_wait3A_72, %dma_wait3A_73] : memref<2x128xi32, #tpu.memory_space<vmem>> -> memref<1x128xi32, #tpu.memory_space<vmem>>
      %dma_wait3A_75 = tpu.memref_squeeze %dma_wait3A_74 : memref<1x128xi32, #tpu.memory_space<vmem>> -> memref<128xi32, #tpu.memory_space<vmem>>
      %dma_wait3A_76 = tpu.memref_slice %arg3[%add3A_32] : memref<327680xi32, #tpu.memory_space<hbm>> -> memref<128xi32, #tpu.memory_space<hbm>>
      %dma_wait3A_77 = arith.constant 0 : i32
      %dma_wait3A_78 = tpu.memref_slice %arg8[%dma_wait3A_72, %dma_wait3A_77] : memref<2x128xi32, #tpu.memory_space<vmem>> -> memref<1x128xi32, #tpu.memory_space<vmem>>
      %dma_wait3A_79 = tpu.memref_squeeze %dma_wait3A_78 : memref<1x128xi32, #tpu.memory_space<vmem>> -> memref<128xi32, #tpu.memory_space<vmem>>
      %dma_wait3A_80 = tpu.memref_slice %arg3[%add3A_32] : memref<327680xi32, #tpu.memory_space<hbm>> -> memref<128xi32, #tpu.memory_space<hbm>>
      tpu.wait_dma2 semaphore(%arg11 : memref<!tpu.dma_semaphore, #tpu.memory_space<semaphore_mem>>) src(%dma_wait3A_80 : memref<128xi32, #tpu.memory_space<hbm>>) dst(%dma_wait3A_79 : memref<128xi32, #tpu.memory_space<vmem>>)
      %dma_wait3A_81 = arith.constant 1 : i32
      %dma_wait3A_82 = arith.constant 0 : i32
      %dma_wait3A_83 = tpu.memref_slice %arg7[%dma_wait3A_81, %dma_wait3A_82] : memref<2x128xi32, #tpu.memory_space<vmem>> -> memref<1x128xi32, #tpu.memory_space<vmem>>
      %dma_wait3A_84 = tpu.memref_squeeze %dma_wait3A_83 : memref<1x128xi32, #tpu.memory_space<vmem>> -> memref<128xi32, #tpu.memory_space<vmem>>
      %dma_wait3A_85 = tpu.memref_slice %arg2[%add3A_43] : memref<327680xi32, #tpu.memory_space<hbm>> -> memref<128xi32, #tpu.memory_space<hbm>>
      %dma_wait3A_86 = arith.constant 0 : i32
      %dma_wait3A_87 = tpu.memref_slice %arg7[%dma_wait3A_81, %dma_wait3A_86] : memref<2x128xi32, #tpu.memory_space<vmem>> -> memref<1x128xi32, #tpu.memory_space<vmem>>
      %dma_wait3A_88 = tpu.memref_squeeze %dma_wait3A_87 : memref<1x128xi32, #tpu.memory_space<vmem>> -> memref<128xi32, #tpu.memory_space<vmem>>
      %dma_wait3A_89 = tpu.memref_slice %arg2[%add3A_43] : memref<327680xi32, #tpu.memory_space<hbm>> -> memref<128xi32, #tpu.memory_space<hbm>>
      tpu.wait_dma2 semaphore(%arg11 : memref<!tpu.dma_semaphore, #tpu.memory_space<semaphore_mem>>) src(%dma_wait3A_89 : memref<128xi32, #tpu.memory_space<hbm>>) dst(%dma_wait3A_88 : memref<128xi32, #tpu.memory_space<vmem>>)
      %dma_wait3A_90 = arith.constant 1 : i32
      %dma_wait3A_91 = arith.constant 0 : i32
      %dma_wait3A_92 = tpu.memref_slice %arg8[%dma_wait3A_90, %dma_wait3A_91] : memref<2x128xi32, #tpu.memory_space<vmem>> -> memref<1x128xi32, #tpu.memory_space<vmem>>
      %dma_wait3A_93 = tpu.memref_squeeze %dma_wait3A_92 : memref<1x128xi32, #tpu.memory_space<vmem>> -> memref<128xi32, #tpu.memory_space<vmem>>
      %dma_wait3A_94 = tpu.memref_slice %arg3[%add3A_54] : memref<327680xi32, #tpu.memory_space<hbm>> -> memref<128xi32, #tpu.memory_space<hbm>>
      %dma_wait3A_95 = arith.constant 0 : i32
      %dma_wait3A_96 = tpu.memref_slice %arg8[%dma_wait3A_90, %dma_wait3A_95] : memref<2x128xi32, #tpu.memory_space<vmem>> -> memref<1x128xi32, #tpu.memory_space<vmem>>
      %dma_wait3A_97 = tpu.memref_squeeze %dma_wait3A_96 : memref<1x128xi32, #tpu.memory_space<vmem>> -> memref<128xi32, #tpu.memory_space<vmem>>
      %dma_wait3A_98 = tpu.memref_slice %arg3[%add3A_54] : memref<327680xi32, #tpu.memory_space<hbm>> -> memref<128xi32, #tpu.memory_space<hbm>>
      tpu.wait_dma2 semaphore(%arg11 : memref<!tpu.dma_semaphore, #tpu.memory_space<semaphore_mem>>) src(%dma_wait3A_98 : memref<128xi32, #tpu.memory_space<hbm>>) dst(%dma_wait3A_97 : memref<128xi32, #tpu.memory_space<vmem>>)
      %dma_start3A_99 = arith.constant 0 : i32
      %dma_start3A_100 = arith.constant 0 : i32
      %dma_start3A_101 = arith.constant 0 : i32
      %dma_start3A_102 = arith.constant 0 : i32
      %dma_start3A_103 = tpu.memref_slice %arg9[%dma_start3A_100, %dma_start3A_101, %dma_start3A_102] : memref<2x128x128xf32, #tpu.memory_space<vmem>> -> memref<1x128x128xf32, #tpu.memory_space<vmem>>
      %dma_start3A_104 = tpu.memref_squeeze %dma_start3A_103 : memref<1x128x128xf32, #tpu.memory_space<vmem>> -> memref<128x128xf32, #tpu.memory_space<vmem>>
      %dma_start3A_105 = arith.constant 0 : i32
      %dma_start3A_106 = tpu.memref_slice %arg7[%dma_start3A_99, %dma_start3A_105] : memref<2x128xi32, #tpu.memory_space<vmem>> -> memref<1x128xi32, #tpu.memory_space<vmem>>
      %dma_start3A_107 = tpu.memref_squeeze %dma_start3A_106 : memref<1x128xi32, #tpu.memory_space<vmem>> -> memref<128xi32, #tpu.memory_space<vmem>>
      %dma_start3A_108 = arith.constant 0 : i32
      %dma_start3A_109 = arith.constant 0 : i32
      %dma_start3A_110 = tpu.memref_slice %arg4[%dma_start3A_108, %dma_start3A_109] : memref<10112x128xf32, #tpu.memory_space<hbm>> -> memref<10112x128xf32, #tpu.memory_space<hbm>>
      tpu.enqueue_indirect_dma source(%dma_start3A_110 : memref<10112x128xf32, #tpu.memory_space<hbm>>) target(%dma_start3A_104 : memref<128x128xf32, #tpu.memory_space<vmem>>) offsets(%dma_start3A_107 : memref<128xi32, #tpu.memory_space<vmem>>) semaphore(%arg12 : memref<!tpu.dma_semaphore, #tpu.memory_space<semaphore_mem>>)
      %dma_start3A_111 = arith.constant 1 : i32
      %dma_start3A_112 = arith.constant 1 : i32
      %dma_start3A_113 = arith.constant 0 : i32
      %dma_start3A_114 = arith.constant 0 : i32
      %dma_start3A_115 = tpu.memref_slice %arg9[%dma_start3A_112, %dma_start3A_113, %dma_start3A_114] : memref<2x128x128xf32, #tpu.memory_space<vmem>> -> memref<1x128x128xf32, #tpu.memory_space<vmem>>
      %dma_start3A_116 = tpu.memref_squeeze %dma_start3A_115 : memref<1x128x128xf32, #tpu.memory_space<vmem>> -> memref<128x128xf32, #tpu.memory_space<vmem>>
      %dma_start3A_117 = arith.constant 0 : i32
      %dma_start3A_118 = tpu.memref_slice %arg7[%dma_start3A_111, %dma_start3A_117] : memref<2x128xi32, #tpu.memory_space<vmem>> -> memref<1x128xi32, #tpu.memory_space<vmem>>
      %dma_start3A_119 = tpu.memref_squeeze %dma_start3A_118 : memref<1x128xi32, #tpu.memory_space<vmem>> -> memref<128xi32, #tpu.memory_space<vmem>>
      %dma_start3A_120 = arith.constant 0 : i32
      %dma_start3A_121 = arith.constant 0 : i32
      %dma_start3A_122 = tpu.memref_slice %arg4[%dma_start3A_120, %dma_start3A_121] : memref<10112x128xf32, #tpu.memory_space<hbm>> -> memref<10112x128xf32, #tpu.memory_space<hbm>>
      tpu.enqueue_indirect_dma source(%dma_start3A_122 : memref<10112x128xf32, #tpu.memory_space<hbm>>) target(%dma_start3A_116 : memref<128x128xf32, #tpu.memory_space<vmem>>) offsets(%dma_start3A_119 : memref<128xi32, #tpu.memory_space<vmem>>) semaphore(%arg12 : memref<!tpu.dma_semaphore, #tpu.memory_space<semaphore_mem>>)
      %dma_wait3A_123 = arith.constant 0 : i32
      %dma_wait3A_124 = arith.constant 0 : i32
      %dma_wait3A_125 = arith.constant 0 : i32
      %dma_wait3A_126 = arith.constant 0 : i32
      %dma_wait3A_127 = tpu.memref_slice %arg9[%dma_wait3A_124, %dma_wait3A_125, %dma_wait3A_126] : memref<2x128x128xf32, #tpu.memory_space<vmem>> -> memref<1x128x128xf32, #tpu.memory_space<vmem>>
      %dma_wait3A_128 = tpu.memref_squeeze %dma_wait3A_127 : memref<1x128x128xf32, #tpu.memory_space<vmem>> -> memref<128x128xf32, #tpu.memory_space<vmem>>
      %dma_wait3A_129 = arith.constant 0 : i32
      %dma_wait3A_130 = tpu.memref_slice %arg7[%dma_wait3A_123, %dma_wait3A_129] : memref<2x128xi32, #tpu.memory_space<vmem>> -> memref<1x128xi32, #tpu.memory_space<vmem>>
      %dma_wait3A_131 = tpu.memref_squeeze %dma_wait3A_130 : memref<1x128xi32, #tpu.memory_space<vmem>> -> memref<128xi32, #tpu.memory_space<vmem>>
      %dma_wait3A_132 = arith.constant 0 : i32
      %dma_wait3A_133 = arith.constant 0 : i32
      %dma_wait3A_134 = tpu.memref_slice %arg4[%dma_wait3A_132, %dma_wait3A_133] : memref<10112x128xf32, #tpu.memory_space<hbm>> -> memref<10112x128xf32, #tpu.memory_space<hbm>>
      tpu.wait_indirect_dma semaphore(%arg12 : memref<!tpu.dma_semaphore, #tpu.memory_space<semaphore_mem>>) src(%dma_wait3A_134 : memref<10112x128xf32, #tpu.memory_space<hbm>>) dst(%dma_wait3A_128 : memref<128x128xf32, #tpu.memory_space<vmem>>)
      %dma_wait3A_135 = arith.constant 1 : i32
      %dma_wait3A_136 = arith.constant 1 : i32
      %dma_wait3A_137 = arith.constant 0 : i32
      %dma_wait3A_138 = arith.constant 0 : i32
      %dma_wait3A_139 = tpu.memref_slice %arg9[%dma_wait3A_136, %dma_wait3A_137, %dma_wait3A_138] : memref<2x128x128xf32, #tpu.memory_space<vmem>> -> memref<1x128x128xf32, #tpu.memory_space<vmem>>
      %dma_wait3A_140 = tpu.memref_squeeze %dma_wait3A_139 : memref<1x128x128xf32, #tpu.memory_space<vmem>> -> memref<128x128xf32, #tpu.memory_space<vmem>>
      %dma_wait3A_141 = arith.constant 0 : i32
      %dma_wait3A_142 = tpu.memref_slice %arg7[%dma_wait3A_135, %dma_wait3A_141] : memref<2x128xi32, #tpu.memory_space<vmem>> -> memref<1x128xi32, #tpu.memory_space<vmem>>
      %dma_wait3A_143 = tpu.memref_squeeze %dma_wait3A_142 : memref<1x128xi32, #tpu.memory_space<vmem>> -> memref<128xi32, #tpu.memory_space<vmem>>
      %dma_wait3A_144 = arith.constant 0 : i32
      %dma_wait3A_145 = arith.constant 0 : i32
      %dma_wait3A_146 = tpu.memref_slice %arg4[%dma_wait3A_144, %dma_wait3A_145] : memref<10112x128xf32, #tpu.memory_space<hbm>> -> memref<10112x128xf32, #tpu.memory_space<hbm>>
      tpu.wait_indirect_dma semaphore(%arg12 : memref<!tpu.dma_semaphore, #tpu.memory_space<semaphore_mem>>) src(%dma_wait3A_146 : memref<10112x128xf32, #tpu.memory_space<hbm>>) dst(%dma_wait3A_140 : memref<128x128xf32, #tpu.memory_space<vmem>>)
      %dma_start3A_147 = arith.constant 0 : i32
      %dma_start3A_148 = arith.constant 0 : i32
      %dma_start3A_149 = arith.constant 0 : i32
      %dma_start3A_150 = arith.constant 0 : i32
      %dma_start3A_151 = tpu.memref_slice %arg9[%dma_start3A_147, %dma_start3A_149, %dma_start3A_150] : memref<2x128x128xf32, #tpu.memory_space<vmem>> -> memref<1x128x128xf32, #tpu.memory_space<vmem>>
      %dma_start3A_152 = tpu.memref_squeeze %dma_start3A_151 : memref<1x128x128xf32, #tpu.memory_space<vmem>> -> memref<128x128xf32, #tpu.memory_space<vmem>>
      %dma_start3A_153 = arith.constant 0 : i32
      %dma_start3A_154 = tpu.memref_slice %arg8[%dma_start3A_148, %dma_start3A_153] : memref<2x128xi32, #tpu.memory_space<vmem>> -> memref<1x128xi32, #tpu.memory_space<vmem>>
      %dma_start3A_155 = tpu.memref_squeeze %dma_start3A_154 : memref<1x128xi32, #tpu.memory_space<vmem>> -> memref<128xi32, #tpu.memory_space<vmem>>
      %dma_start3A_156 = arith.constant 0 : i32
      %dma_start3A_157 = arith.constant 0 : i32
      %dma_start3A_158 = tpu.memref_slice %arg10[%dma_start3A_156, %dma_start3A_157] : memref<10112x128xf32, #tpu.memory_space<vmem_shared>> -> memref<10112x128xf32, #tpu.memory_space<vmem_shared>>
      tpu.enqueue_indirect_dma source(%dma_start3A_152 : memref<128x128xf32, #tpu.memory_space<vmem>>) target(%dma_start3A_158 : memref<10112x128xf32, #tpu.memory_space<vmem_shared>>) offsets(%dma_start3A_155 : memref<128xi32, #tpu.memory_space<vmem>>) semaphore(%arg13 : memref<!tpu.dma_semaphore, #tpu.memory_space<semaphore_mem>>) {add = true}
      %dma_start3A_159 = arith.constant 1 : i32
      %dma_start3A_160 = arith.constant 1 : i32
      %dma_start3A_161 = arith.constant 0 : i32
      %dma_start3A_162 = arith.constant 0 : i32
      %dma_start3A_163 = tpu.memref_slice %arg9[%dma_start3A_159, %dma_start3A_161, %dma_start3A_162] : memref<2x128x128xf32, #tpu.memory_space<vmem>> -> memref<1x128x128xf32, #tpu.memory_space<vmem>>
      %dma_start3A_164 = tpu.memref_squeeze %dma_start3A_163 : memref<1x128x128xf32, #tpu.memory_space<vmem>> -> memref<128x128xf32, #tpu.memory_space<vmem>>
      %dma_start3A_165 = arith.constant 0 : i32
      %dma_start3A_166 = tpu.memref_slice %arg8[%dma_start3A_160, %dma_start3A_165] : memref<2x128xi32, #tpu.memory_space<vmem>> -> memref<1x128xi32, #tpu.memory_space<vmem>>
      %dma_start3A_167 = tpu.memref_squeeze %dma_start3A_166 : memref<1x128xi32, #tpu.memory_space<vmem>> -> memref<128xi32, #tpu.memory_space<vmem>>
      %dma_start3A_168 = arith.constant 0 : i32
      %dma_start3A_169 = arith.constant 0 : i32
      %dma_start3A_170 = tpu.memref_slice %arg10[%dma_start3A_168, %dma_start3A_169] : memref<10112x128xf32, #tpu.memory_space<vmem_shared>> -> memref<10112x128xf32, #tpu.memory_space<vmem_shared>>
      tpu.enqueue_indirect_dma source(%dma_start3A_164 : memref<128x128xf32, #tpu.memory_space<vmem>>) target(%dma_start3A_170 : memref<10112x128xf32, #tpu.memory_space<vmem_shared>>) offsets(%dma_start3A_167 : memref<128xi32, #tpu.memory_space<vmem>>) semaphore(%arg13 : memref<!tpu.dma_semaphore, #tpu.memory_space<semaphore_mem>>) {add = true}
      %dma_wait3A_171 = arith.constant 0 : i32
      %dma_wait3A_172 = arith.constant 0 : i32
      %dma_wait3A_173 = arith.constant 0 : i32
      %dma_wait3A_174 = arith.constant 0 : i32
      %dma_wait3A_175 = tpu.memref_slice %arg9[%dma_wait3A_171, %dma_wait3A_173, %dma_wait3A_174] : memref<2x128x128xf32, #tpu.memory_space<vmem>> -> memref<1x128x128xf32, #tpu.memory_space<vmem>>
      %dma_wait3A_176 = tpu.memref_squeeze %dma_wait3A_175 : memref<1x128x128xf32, #tpu.memory_space<vmem>> -> memref<128x128xf32, #tpu.memory_space<vmem>>
      %dma_wait3A_177 = arith.constant 0 : i32
      %dma_wait3A_178 = tpu.memref_slice %arg8[%dma_wait3A_172, %dma_wait3A_177] : memref<2x128xi32, #tpu.memory_space<vmem>> -> memref<1x128xi32, #tpu.memory_space<vmem>>
      %dma_wait3A_179 = tpu.memref_squeeze %dma_wait3A_178 : memref<1x128xi32, #tpu.memory_space<vmem>> -> memref<128xi32, #tpu.memory_space<vmem>>
      %dma_wait3A_180 = arith.constant 0 : i32
      %dma_wait3A_181 = arith.constant 0 : i32
      %dma_wait3A_182 = tpu.memref_slice %arg10[%dma_wait3A_180, %dma_wait3A_181] : memref<10112x128xf32, #tpu.memory_space<vmem_shared>> -> memref<10112x128xf32, #tpu.memory_space<vmem_shared>>
      tpu.wait_indirect_dma semaphore(%arg13 : memref<!tpu.dma_semaphore, #tpu.memory_space<semaphore_mem>>) src(%dma_wait3A_176 : memref<128x128xf32, #tpu.memory_space<vmem>>) dst(%dma_wait3A_182 : memref<10112x128xf32, #tpu.memory_space<vmem_shared>>)
      %dma_wait3A_183 = arith.constant 1 : i32
      %dma_wait3A_184 = arith.constant 1 : i32
      %dma_wait3A_185 = arith.constant 0 : i32
      %dma_wait3A_186 = arith.constant 0 : i32
      %dma_wait3A_187 = tpu.memref_slice %arg9[%dma_wait3A_183, %dma_wait3A_185, %dma_wait3A_186] : memref<2x128x128xf32, #tpu.memory_space<vmem>> -> memref<1x128x128xf32, #tpu.memory_space<vmem>>
      %dma_wait3A_188 = tpu.memref_squeeze %dma_wait3A_187 : memref<1x128x128xf32, #tpu.memory_space<vmem>> -> memref<128x128xf32, #tpu.memory_space<vmem>>
      %dma_wait3A_189 = arith.constant 0 : i32
      %dma_wait3A_190 = tpu.memref_slice %arg8[%dma_wait3A_184, %dma_wait3A_189] : memref<2x128xi32, #tpu.memory_space<vmem>> -> memref<1x128xi32, #tpu.memory_space<vmem>>
      %dma_wait3A_191 = tpu.memref_squeeze %dma_wait3A_190 : memref<1x128xi32, #tpu.memory_space<vmem>> -> memref<128xi32, #tpu.memory_space<vmem>>
      %dma_wait3A_192 = arith.constant 0 : i32
      %dma_wait3A_193 = arith.constant 0 : i32
      %dma_wait3A_194 = tpu.memref_slice %arg10[%dma_wait3A_192, %dma_wait3A_193] : memref<10112x128xf32, #tpu.memory_space<vmem_shared>> -> memref<10112x128xf32, #tpu.memory_space<vmem_shared>>
      tpu.wait_indirect_dma semaphore(%arg13 : memref<!tpu.dma_semaphore, #tpu.memory_space<semaphore_mem>>) src(%dma_wait3A_188 : memref<128x128xf32, #tpu.memory_space<vmem>>) dst(%dma_wait3A_194 : memref<10112x128xf32, #tpu.memory_space<vmem_shared>>)
    }
    %scan3A_11 = arith.constant 40 : i32
    %barrier3A_12 = arith.constant 0 : index
    tpu.barrier barrier_id(%barrier3A_12)
    %mul3A_13 = arith.constant 632 : i32
    %mul3A_14 = arith.muli %arg1, %mul3A_13 : i32
    %mul3A_15 = arith.constant 632 : i32
    %mul3A_16 = arith.muli %arg1, %mul3A_15 : i32
    "tpu.region"() ({
      %run_scoped3A = tpu.sem_alloc : memref<!tpu.dma_semaphore, #tpu.memory_space<semaphore_mem>>
      %dma_start3A = arith.constant 0 : i32
      %dma_start3A_17 = tpu.memref_slice %arg6[%arg0, %mul3A_16, %dma_start3A] : memref<2x10112x128xf32, #tpu.memory_space<hbm>> -> memref<1x632x128xf32, #tpu.memory_space<hbm>>
      %dma_start3A_18 = tpu.memref_squeeze %dma_start3A_17 : memref<1x632x128xf32, #tpu.memory_space<hbm>> -> memref<632x128xf32, #tpu.memory_space<hbm>>
      %dma_start3A_19 = arith.constant 0 : i32
      %dma_start3A_20 = tpu.memref_slice %arg10[%mul3A_14, %dma_start3A_19] : memref<10112x128xf32, #tpu.memory_space<vmem_shared>> -> memref<632x128xf32, #tpu.memory_space<vmem_shared>>
      tpu.enqueue_dma source(%dma_start3A_20 : memref<632x128xf32, #tpu.memory_space<vmem_shared>>) target(%dma_start3A_18 : memref<632x128xf32, #tpu.memory_space<hbm>>) target_semaphore(%run_scoped3A : memref<!tpu.dma_semaphore, #tpu.memory_space<semaphore_mem>>)
      %dma_wait3A = arith.constant 0 : i32
      %dma_wait3A_21 = tpu.memref_slice %arg6[%arg0, %mul3A_16, %dma_wait3A] : memref<2x10112x128xf32, #tpu.memory_space<hbm>> -> memref<1x632x128xf32, #tpu.memory_space<hbm>>
      %dma_wait3A_22 = tpu.memref_squeeze %dma_wait3A_21 : memref<1x632x128xf32, #tpu.memory_space<hbm>> -> memref<632x128xf32, #tpu.memory_space<hbm>>
      %dma_wait3A_23 = arith.constant 0 : i32
      %dma_wait3A_24 = tpu.memref_slice %arg10[%mul3A_14, %dma_wait3A_23] : memref<10112x128xf32, #tpu.memory_space<vmem_shared>> -> memref<632x128xf32, #tpu.memory_space<vmem_shared>>
      tpu.wait_dma2 semaphore(%run_scoped3A : memref<!tpu.dma_semaphore, #tpu.memory_space<semaphore_mem>>) src(%dma_wait3A_24 : memref<632x128xf32, #tpu.memory_space<vmem_shared>>) dst(%dma_wait3A_22 : memref<632x128xf32, #tpu.memory_space<hbm>>)
      tpu.yield
    }) : () -> ()
    return
  }
}

#map = affine_map<(d0, d1) -> (0)>
#map1 = affine_map<(d0, d1) -> (0, 0)>
#map2 = affine_map<(d0, d1) -> (0, 0, 0)>
module attributes {stable_mosaic.version = 14 : i64} {
  func.func @_edge_kernel(%arg0: i32, %arg1: i32, %arg2: memref<327680xi32, #tpu.memory_space<hbm>>, %arg3: memref<327680xi32, #tpu.memory_space<hbm>>, %arg4: memref<10112x128xf32, #tpu.memory_space<hbm>>, %arg5: memref<10112x128xf32, #tpu.memory_space<hbm>>, %arg6: memref<2x10112x128xf32, #tpu.memory_space<hbm>>, %arg7: memref<2x128xi32, #tpu.memory_space<vmem>>, %arg8: memref<2x128xi32, #tpu.memory_space<vmem>>, %arg9: memref<2x128x128xf32, #tpu.memory_space<vmem>>, %arg10: memref<10112x128xf32, #tpu.memory_space<vmem_shared>>, %arg11: memref<!tpu.dma_semaphore, #tpu.memory_space<semaphore_mem>>, %arg12: memref<!tpu.dma_semaphore, #tpu.memory_space<semaphore_mem>>, %arg13: memref<!tpu.dma_semaphore, #tpu.memory_space<semaphore_mem>>) attributes {dimension_semantics = [#tpu.dimension_semantics<core_parallel>, #tpu.dimension_semantics<subcore_parallel>], iteration_bounds = array<i64: 2, 16>, scalar_prefetch = 0 : i64, scratch_operands = 7 : i64, tpu.core_type = #tpu.core_type<sc_vector_subcore>, window_params = [{transform_indices = #map}, {transform_indices = #map}, {transform_indices = #map1}, {transform_indices = #map1}, {transform_indices = #map2}]} {
    %mul3A = arith.constant 16 : i32
    %mul3A_0 = arith.muli %arg0, %mul3A : i32
    %add3A = arith.addi %mul3A_0, %arg1 : i32
    %mul3A_1 = arith.constant 632 : i32
    %mul3A_2 = arith.muli %arg1, %mul3A_1 : i32
    %mul3A_3 = arith.constant 632 : i32
    %mul3A_4 = arith.muli %arg1, %mul3A_3 : i32
    "tpu.region"() ({
      %run_scoped3A = tpu.sem_alloc : memref<!tpu.dma_semaphore, #tpu.memory_space<semaphore_mem>>
      %dma_start3A = arith.constant 0 : i32
      %dma_start3A_17 = tpu.memref_slice %arg10[%mul3A_4, %dma_start3A] : memref<10112x128xf32, #tpu.memory_space<vmem_shared>> -> memref<632x128xf32, #tpu.memory_space<vmem_shared>>
      %dma_start3A_18 = arith.constant 0 : i32
      %dma_start3A_19 = tpu.memref_slice %arg5[%mul3A_2, %dma_start3A_18] : memref<10112x128xf32, #tpu.memory_space<hbm>> -> memref<632x128xf32, #tpu.memory_space<hbm>>
      tpu.enqueue_dma source(%dma_start3A_19 : memref<632x128xf32, #tpu.memory_space<hbm>>) target(%dma_start3A_17 : memref<632x128xf32, #tpu.memory_space<vmem_shared>>) target_semaphore(%run_scoped3A : memref<!tpu.dma_semaphore, #tpu.memory_space<semaphore_mem>>)
      %dma_wait3A = arith.constant 0 : i32
      %dma_wait3A_20 = tpu.memref_slice %arg10[%mul3A_4, %dma_wait3A] : memref<10112x128xf32, #tpu.memory_space<vmem_shared>> -> memref<632x128xf32, #tpu.memory_space<vmem_shared>>
      %dma_wait3A_21 = arith.constant 0 : i32
      %dma_wait3A_22 = tpu.memref_slice %arg5[%mul3A_2, %dma_wait3A_21] : memref<10112x128xf32, #tpu.memory_space<hbm>> -> memref<632x128xf32, #tpu.memory_space<hbm>>
      tpu.wait_dma2 semaphore(%run_scoped3A : memref<!tpu.dma_semaphore, #tpu.memory_space<semaphore_mem>>) src(%dma_wait3A_22 : memref<632x128xf32, #tpu.memory_space<hbm>>) dst(%dma_wait3A_20 : memref<632x128xf32, #tpu.memory_space<vmem_shared>>)
      tpu.yield
    }) : () -> ()
    %barrier3A = arith.constant 0 : index
    tpu.barrier barrier_id(%barrier3A)
    %mul3A_5 = arith.constant 10240 : i32
    %mul3A_6 = arith.muli %add3A, %mul3A_5 : i32
    %scan3A = arith.constant 0 : i32
    %scan3A_7 = arith.constant 0 : i32
    %scan3A_8 = arith.constant 40 : i32
    %scan3A_9 = arith.addi %scan3A_7, %scan3A_8 : i32
    %scan3A_10 = arith.constant 1 : i32
    scf.for %scan3A_17 = %scan3A_7 to %scan3A_9 step %scan3A_10  : i32 {
      %mul3A_18 = arith.constant 256 : i32
      %mul3A_19 = arith.muli %scan3A_17, %mul3A_18 : i32
      %add3A_20 = arith.addi %mul3A_6, %mul3A_19 : i32
      %add3A_21 = arith.constant 0 : i32
      %add3A_22 = arith.addi %add3A_20, %add3A_21 : i32
      %dma_start3A = arith.constant 0 : i32
      %dma_start3A_23 = arith.constant 0 : i32
      %dma_start3A_24 = tpu.memref_slice %arg7[%dma_start3A, %dma_start3A_23] : memref<2x128xi32, #tpu.memory_space<vmem>> -> memref<1x128xi32, #tpu.memory_space<vmem>>
      %dma_start3A_25 = tpu.memref_squeeze %dma_start3A_24 : memref<1x128xi32, #tpu.memory_space<vmem>> -> memref<128xi32, #tpu.memory_space<vmem>>
      %dma_start3A_26 = tpu.memref_slice %arg2[%add3A_22] : memref<327680xi32, #tpu.memory_space<hbm>> -> memref<128xi32, #tpu.memory_space<hbm>>
      %dma_start3A_27 = arith.constant 0 : i32
      %dma_start3A_28 = tpu.memref_slice %arg7[%dma_start3A, %dma_start3A_27] : memref<2x128xi32, #tpu.memory_space<vmem>> -> memref<1x128xi32, #tpu.memory_space<vmem>>
      %dma_start3A_29 = tpu.memref_squeeze %dma_start3A_28 : memref<1x128xi32, #tpu.memory_space<vmem>> -> memref<128xi32, #tpu.memory_space<vmem>>
      %dma_start3A_30 = tpu.memref_slice %arg2[%add3A_22] : memref<327680xi32, #tpu.memory_space<hbm>> -> memref<128xi32, #tpu.memory_space<hbm>>
      tpu.enqueue_dma source(%dma_start3A_30 : memref<128xi32, #tpu.memory_space<hbm>>) target(%dma_start3A_29 : memref<128xi32, #tpu.memory_space<vmem>>) target_semaphore(%arg11 : memref<!tpu.dma_semaphore, #tpu.memory_space<semaphore_mem>>)
      %add3A_31 = arith.constant 0 : i32
      %add3A_32 = arith.addi %add3A_20, %add3A_31 : i32
      %dma_start3A_33 = arith.constant 0 : i32
      %dma_start3A_34 = arith.constant 0 : i32
      %dma_start3A_35 = tpu.memref_slice %arg8[%dma_start3A_33, %dma_start3A_34] : memref<2x128xi32, #tpu.memory_space<vmem>> -> memref<1x128xi32, #tpu.memory_space<vmem>>
      %dma_start3A_36 = tpu.memref_squeeze %dma_start3A_35 : memref<1x128xi32, #tpu.memory_space<vmem>> -> memref<128xi32, #tpu.memory_space<vmem>>
      %dma_start3A_37 = tpu.memref_slice %arg3[%add3A_32] : memref<327680xi32, #tpu.memory_space<hbm>> -> memref<128xi32, #tpu.memory_space<hbm>>
      %dma_start3A_38 = arith.constant 0 : i32
      %dma_start3A_39 = tpu.memref_slice %arg8[%dma_start3A_33, %dma_start3A_38] : memref<2x128xi32, #tpu.memory_space<vmem>> -> memref<1x128xi32, #tpu.memory_space<vmem>>
      %dma_start3A_40 = tpu.memref_squeeze %dma_start3A_39 : memref<1x128xi32, #tpu.memory_space<vmem>> -> memref<128xi32, #tpu.memory_space<vmem>>
      %dma_start3A_41 = tpu.memref_slice %arg3[%add3A_32] : memref<327680xi32, #tpu.memory_space<hbm>> -> memref<128xi32, #tpu.memory_space<hbm>>
      tpu.enqueue_dma source(%dma_start3A_41 : memref<128xi32, #tpu.memory_space<hbm>>) target(%dma_start3A_40 : memref<128xi32, #tpu.memory_space<vmem>>) target_semaphore(%arg11 : memref<!tpu.dma_semaphore, #tpu.memory_space<semaphore_mem>>)
      %add3A_42 = arith.constant 128 : i32
      %add3A_43 = arith.addi %add3A_20, %add3A_42 : i32
      %dma_start3A_44 = arith.constant 1 : i32
      %dma_start3A_45 = arith.constant 0 : i32
      %dma_start3A_46 = tpu.memref_slice %arg7[%dma_start3A_44, %dma_start3A_45] : memref<2x128xi32, #tpu.memory_space<vmem>> -> memref<1x128xi32, #tpu.memory_space<vmem>>
      %dma_start3A_47 = tpu.memref_squeeze %dma_start3A_46 : memref<1x128xi32, #tpu.memory_space<vmem>> -> memref<128xi32, #tpu.memory_space<vmem>>
      %dma_start3A_48 = tpu.memref_slice %arg2[%add3A_43] : memref<327680xi32, #tpu.memory_space<hbm>> -> memref<128xi32, #tpu.memory_space<hbm>>
      %dma_start3A_49 = arith.constant 0 : i32
      %dma_start3A_50 = tpu.memref_slice %arg7[%dma_start3A_44, %dma_start3A_49] : memref<2x128xi32, #tpu.memory_space<vmem>> -> memref<1x128xi32, #tpu.memory_space<vmem>>
      %dma_start3A_51 = tpu.memref_squeeze %dma_start3A_50 : memref<1x128xi32, #tpu.memory_space<vmem>> -> memref<128xi32, #tpu.memory_space<vmem>>
      %dma_start3A_52 = tpu.memref_slice %arg2[%add3A_43] : memref<327680xi32, #tpu.memory_space<hbm>> -> memref<128xi32, #tpu.memory_space<hbm>>
      tpu.enqueue_dma source(%dma_start3A_52 : memref<128xi32, #tpu.memory_space<hbm>>) target(%dma_start3A_51 : memref<128xi32, #tpu.memory_space<vmem>>) target_semaphore(%arg11 : memref<!tpu.dma_semaphore, #tpu.memory_space<semaphore_mem>>)
      %add3A_53 = arith.constant 128 : i32
      %add3A_54 = arith.addi %add3A_20, %add3A_53 : i32
      %dma_start3A_55 = arith.constant 1 : i32
      %dma_start3A_56 = arith.constant 0 : i32
      %dma_start3A_57 = tpu.memref_slice %arg8[%dma_start3A_55, %dma_start3A_56] : memref<2x128xi32, #tpu.memory_space<vmem>> -> memref<1x128xi32, #tpu.memory_space<vmem>>
      %dma_start3A_58 = tpu.memref_squeeze %dma_start3A_57 : memref<1x128xi32, #tpu.memory_space<vmem>> -> memref<128xi32, #tpu.memory_space<vmem>>
      %dma_start3A_59 = tpu.memref_slice %arg3[%add3A_54] : memref<327680xi32, #tpu.memory_space<hbm>> -> memref<128xi32, #tpu.memory_space<hbm>>
      %dma_start3A_60 = arith.constant 0 : i32
      %dma_start3A_61 = tpu.memref_slice %arg8[%dma_start3A_55, %dma_start3A_60] : memref<2x128xi32, #tpu.memory_space<vmem>> -> memref<1x128xi32, #tpu.memory_space<vmem>>
      %dma_start3A_62 = tpu.memref_squeeze %dma_start3A_61 : memref<1x128xi32, #tpu.memory_space<vmem>> -> memref<128xi32, #tpu.memory_space<vmem>>
      %dma_start3A_63 = tpu.memref_slice %arg3[%add3A_54] : memref<327680xi32, #tpu.memory_space<hbm>> -> memref<128xi32, #tpu.memory_space<hbm>>
      tpu.enqueue_dma source(%dma_start3A_63 : memref<128xi32, #tpu.memory_space<hbm>>) target(%dma_start3A_62 : memref<128xi32, #tpu.memory_space<vmem>>) target_semaphore(%arg11 : memref<!tpu.dma_semaphore, #tpu.memory_space<semaphore_mem>>)
      %dma_wait3A = arith.constant 0 : i32
      %dma_wait3A_64 = arith.constant 0 : i32
      %dma_wait3A_65 = tpu.memref_slice %arg7[%dma_wait3A, %dma_wait3A_64] : memref<2x128xi32, #tpu.memory_space<vmem>> -> memref<1x128xi32, #tpu.memory_space<vmem>>
      %dma_wait3A_66 = tpu.memref_squeeze %dma_wait3A_65 : memref<1x128xi32, #tpu.memory_space<vmem>> -> memref<128xi32, #tpu.memory_space<vmem>>
      %dma_wait3A_67 = tpu.memref_slice %arg2[%add3A_22] : memref<327680xi32, #tpu.memory_space<hbm>> -> memref<128xi32, #tpu.memory_space<hbm>>
      %dma_wait3A_68 = arith.constant 0 : i32
      %dma_wait3A_69 = tpu.memref_slice %arg7[%dma_wait3A, %dma_wait3A_68] : memref<2x128xi32, #tpu.memory_space<vmem>> -> memref<1x128xi32, #tpu.memory_space<vmem>>
      %dma_wait3A_70 = tpu.memref_squeeze %dma_wait3A_69 : memref<1x128xi32, #tpu.memory_space<vmem>> -> memref<128xi32, #tpu.memory_space<vmem>>
      %dma_wait3A_71 = tpu.memref_slice %arg2[%add3A_22] : memref<327680xi32, #tpu.memory_space<hbm>> -> memref<128xi32, #tpu.memory_space<hbm>>
      tpu.wait_dma2 semaphore(%arg11 : memref<!tpu.dma_semaphore, #tpu.memory_space<semaphore_mem>>) src(%dma_wait3A_71 : memref<128xi32, #tpu.memory_space<hbm>>) dst(%dma_wait3A_70 : memref<128xi32, #tpu.memory_space<vmem>>)
      %dma_wait3A_72 = arith.constant 0 : i32
      %dma_wait3A_73 = arith.constant 0 : i32
      %dma_wait3A_74 = tpu.memref_slice %arg8[%dma_wait3A_72, %dma_wait3A_73] : memref<2x128xi32, #tpu.memory_space<vmem>> -> memref<1x128xi32, #tpu.memory_space<vmem>>
      %dma_wait3A_75 = tpu.memref_squeeze %dma_wait3A_74 : memref<1x128xi32, #tpu.memory_space<vmem>> -> memref<128xi32, #tpu.memory_space<vmem>>
      %dma_wait3A_76 = tpu.memref_slice %arg3[%add3A_32] : memref<327680xi32, #tpu.memory_space<hbm>> -> memref<128xi32, #tpu.memory_space<hbm>>
      %dma_wait3A_77 = arith.constant 0 : i32
      %dma_wait3A_78 = tpu.memref_slice %arg8[%dma_wait3A_72, %dma_wait3A_77] : memref<2x128xi32, #tpu.memory_space<vmem>> -> memref<1x128xi32, #tpu.memory_space<vmem>>
      %dma_wait3A_79 = tpu.memref_squeeze %dma_wait3A_78 : memref<1x128xi32, #tpu.memory_space<vmem>> -> memref<128xi32, #tpu.memory_space<vmem>>
      %dma_wait3A_80 = tpu.memref_slice %arg3[%add3A_32] : memref<327680xi32, #tpu.memory_space<hbm>> -> memref<128xi32, #tpu.memory_space<hbm>>
      tpu.wait_dma2 semaphore(%arg11 : memref<!tpu.dma_semaphore, #tpu.memory_space<semaphore_mem>>) src(%dma_wait3A_80 : memref<128xi32, #tpu.memory_space<hbm>>) dst(%dma_wait3A_79 : memref<128xi32, #tpu.memory_space<vmem>>)
      %dma_wait3A_81 = arith.constant 1 : i32
      %dma_wait3A_82 = arith.constant 0 : i32
      %dma_wait3A_83 = tpu.memref_slice %arg7[%dma_wait3A_81, %dma_wait3A_82] : memref<2x128xi32, #tpu.memory_space<vmem>> -> memref<1x128xi32, #tpu.memory_space<vmem>>
      %dma_wait3A_84 = tpu.memref_squeeze %dma_wait3A_83 : memref<1x128xi32, #tpu.memory_space<vmem>> -> memref<128xi32, #tpu.memory_space<vmem>>
      %dma_wait3A_85 = tpu.memref_slice %arg2[%add3A_43] : memref<327680xi32, #tpu.memory_space<hbm>> -> memref<128xi32, #tpu.memory_space<hbm>>
      %dma_wait3A_86 = arith.constant 0 : i32
      %dma_wait3A_87 = tpu.memref_slice %arg7[%dma_wait3A_81, %dma_wait3A_86] : memref<2x128xi32, #tpu.memory_space<vmem>> -> memref<1x128xi32, #tpu.memory_space<vmem>>
      %dma_wait3A_88 = tpu.memref_squeeze %dma_wait3A_87 : memref<1x128xi32, #tpu.memory_space<vmem>> -> memref<128xi32, #tpu.memory_space<vmem>>
      %dma_wait3A_89 = tpu.memref_slice %arg2[%add3A_43] : memref<327680xi32, #tpu.memory_space<hbm>> -> memref<128xi32, #tpu.memory_space<hbm>>
      tpu.wait_dma2 semaphore(%arg11 : memref<!tpu.dma_semaphore, #tpu.memory_space<semaphore_mem>>) src(%dma_wait3A_89 : memref<128xi32, #tpu.memory_space<hbm>>) dst(%dma_wait3A_88 : memref<128xi32, #tpu.memory_space<vmem>>)
      %dma_wait3A_90 = arith.constant 1 : i32
      %dma_wait3A_91 = arith.constant 0 : i32
      %dma_wait3A_92 = tpu.memref_slice %arg8[%dma_wait3A_90, %dma_wait3A_91] : memref<2x128xi32, #tpu.memory_space<vmem>> -> memref<1x128xi32, #tpu.memory_space<vmem>>
      %dma_wait3A_93 = tpu.memref_squeeze %dma_wait3A_92 : memref<1x128xi32, #tpu.memory_space<vmem>> -> memref<128xi32, #tpu.memory_space<vmem>>
      %dma_wait3A_94 = tpu.memref_slice %arg3[%add3A_54] : memref<327680xi32, #tpu.memory_space<hbm>> -> memref<128xi32, #tpu.memory_space<hbm>>
      %dma_wait3A_95 = arith.constant 0 : i32
      %dma_wait3A_96 = tpu.memref_slice %arg8[%dma_wait3A_90, %dma_wait3A_95] : memref<2x128xi32, #tpu.memory_space<vmem>> -> memref<1x128xi32, #tpu.memory_space<vmem>>
      %dma_wait3A_97 = tpu.memref_squeeze %dma_wait3A_96 : memref<1x128xi32, #tpu.memory_space<vmem>> -> memref<128xi32, #tpu.memory_space<vmem>>
      %dma_wait3A_98 = tpu.memref_slice %arg3[%add3A_54] : memref<327680xi32, #tpu.memory_space<hbm>> -> memref<128xi32, #tpu.memory_space<hbm>>
      tpu.wait_dma2 semaphore(%arg11 : memref<!tpu.dma_semaphore, #tpu.memory_space<semaphore_mem>>) src(%dma_wait3A_98 : memref<128xi32, #tpu.memory_space<hbm>>) dst(%dma_wait3A_97 : memref<128xi32, #tpu.memory_space<vmem>>)
      %dma_start3A_99 = arith.constant 0 : i32
      %dma_start3A_100 = arith.constant 0 : i32
      %dma_start3A_101 = arith.constant 0 : i32
      %dma_start3A_102 = arith.constant 0 : i32
      %dma_start3A_103 = tpu.memref_slice %arg9[%dma_start3A_100, %dma_start3A_101, %dma_start3A_102] : memref<2x128x128xf32, #tpu.memory_space<vmem>> -> memref<1x128x128xf32, #tpu.memory_space<vmem>>
      %dma_start3A_104 = tpu.memref_squeeze %dma_start3A_103 : memref<1x128x128xf32, #tpu.memory_space<vmem>> -> memref<128x128xf32, #tpu.memory_space<vmem>>
      %dma_start3A_105 = arith.constant 0 : i32
      %dma_start3A_106 = tpu.memref_slice %arg7[%dma_start3A_99, %dma_start3A_105] : memref<2x128xi32, #tpu.memory_space<vmem>> -> memref<1x128xi32, #tpu.memory_space<vmem>>
      %dma_start3A_107 = tpu.memref_squeeze %dma_start3A_106 : memref<1x128xi32, #tpu.memory_space<vmem>> -> memref<128xi32, #tpu.memory_space<vmem>>
      %dma_start3A_108 = arith.constant 0 : i32
      %dma_start3A_109 = arith.constant 0 : i32
      %dma_start3A_110 = tpu.memref_slice %arg4[%dma_start3A_108, %dma_start3A_109] : memref<10112x128xf32, #tpu.memory_space<hbm>> -> memref<10112x128xf32, #tpu.memory_space<hbm>>
      tpu.enqueue_indirect_dma source(%dma_start3A_110 : memref<10112x128xf32, #tpu.memory_space<hbm>>) target(%dma_start3A_104 : memref<128x128xf32, #tpu.memory_space<vmem>>) offsets(%dma_start3A_107 : memref<128xi32, #tpu.memory_space<vmem>>) semaphore(%arg12 : memref<!tpu.dma_semaphore, #tpu.memory_space<semaphore_mem>>)
      %dma_start3A_111 = arith.constant 1 : i32
      %dma_start3A_112 = arith.constant 1 : i32
      %dma_start3A_113 = arith.constant 0 : i32
      %dma_start3A_114 = arith.constant 0 : i32
      %dma_start3A_115 = tpu.memref_slice %arg9[%dma_start3A_112, %dma_start3A_113, %dma_start3A_114] : memref<2x128x128xf32, #tpu.memory_space<vmem>> -> memref<1x128x128xf32, #tpu.memory_space<vmem>>
      %dma_start3A_116 = tpu.memref_squeeze %dma_start3A_115 : memref<1x128x128xf32, #tpu.memory_space<vmem>> -> memref<128x128xf32, #tpu.memory_space<vmem>>
      %dma_start3A_117 = arith.constant 0 : i32
      %dma_start3A_118 = tpu.memref_slice %arg7[%dma_start3A_111, %dma_start3A_117] : memref<2x128xi32, #tpu.memory_space<vmem>> -> memref<1x128xi32, #tpu.memory_space<vmem>>
      %dma_start3A_119 = tpu.memref_squeeze %dma_start3A_118 : memref<1x128xi32, #tpu.memory_space<vmem>> -> memref<128xi32, #tpu.memory_space<vmem>>
      %dma_start3A_120 = arith.constant 0 : i32
      %dma_start3A_121 = arith.constant 0 : i32
      %dma_start3A_122 = tpu.memref_slice %arg4[%dma_start3A_120, %dma_start3A_121] : memref<10112x128xf32, #tpu.memory_space<hbm>> -> memref<10112x128xf32, #tpu.memory_space<hbm>>
      tpu.enqueue_indirect_dma source(%dma_start3A_122 : memref<10112x128xf32, #tpu.memory_space<hbm>>) target(%dma_start3A_116 : memref<128x128xf32, #tpu.memory_space<vmem>>) offsets(%dma_start3A_119 : memref<128xi32, #tpu.memory_space<vmem>>) semaphore(%arg12 : memref<!tpu.dma_semaphore, #tpu.memory_space<semaphore_mem>>)
      %dma_wait3A_123 = arith.constant 0 : i32
      %dma_wait3A_124 = arith.constant 0 : i32
      %dma_wait3A_125 = arith.constant 0 : i32
      %dma_wait3A_126 = arith.constant 0 : i32
      %dma_wait3A_127 = tpu.memref_slice %arg9[%dma_wait3A_124, %dma_wait3A_125, %dma_wait3A_126] : memref<2x128x128xf32, #tpu.memory_space<vmem>> -> memref<1x128x128xf32, #tpu.memory_space<vmem>>
      %dma_wait3A_128 = tpu.memref_squeeze %dma_wait3A_127 : memref<1x128x128xf32, #tpu.memory_space<vmem>> -> memref<128x128xf32, #tpu.memory_space<vmem>>
      %dma_wait3A_129 = arith.constant 0 : i32
      %dma_wait3A_130 = tpu.memref_slice %arg7[%dma_wait3A_123, %dma_wait3A_129] : memref<2x128xi32, #tpu.memory_space<vmem>> -> memref<1x128xi32, #tpu.memory_space<vmem>>
      %dma_wait3A_131 = tpu.memref_squeeze %dma_wait3A_130 : memref<1x128xi32, #tpu.memory_space<vmem>> -> memref<128xi32, #tpu.memory_space<vmem>>
      %dma_wait3A_132 = arith.constant 0 : i32
      %dma_wait3A_133 = arith.constant 0 : i32
      %dma_wait3A_134 = tpu.memref_slice %arg4[%dma_wait3A_132, %dma_wait3A_133] : memref<10112x128xf32, #tpu.memory_space<hbm>> -> memref<10112x128xf32, #tpu.memory_space<hbm>>
      tpu.wait_indirect_dma semaphore(%arg12 : memref<!tpu.dma_semaphore, #tpu.memory_space<semaphore_mem>>) src(%dma_wait3A_134 : memref<10112x128xf32, #tpu.memory_space<hbm>>) dst(%dma_wait3A_128 : memref<128x128xf32, #tpu.memory_space<vmem>>)
      %dma_wait3A_135 = arith.constant 1 : i32
      %dma_wait3A_136 = arith.constant 1 : i32
      %dma_wait3A_137 = arith.constant 0 : i32
      %dma_wait3A_138 = arith.constant 0 : i32
      %dma_wait3A_139 = tpu.memref_slice %arg9[%dma_wait3A_136, %dma_wait3A_137, %dma_wait3A_138] : memref<2x128x128xf32, #tpu.memory_space<vmem>> -> memref<1x128x128xf32, #tpu.memory_space<vmem>>
      %dma_wait3A_140 = tpu.memref_squeeze %dma_wait3A_139 : memref<1x128x128xf32, #tpu.memory_space<vmem>> -> memref<128x128xf32, #tpu.memory_space<vmem>>
      %dma_wait3A_141 = arith.constant 0 : i32
      %dma_wait3A_142 = tpu.memref_slice %arg7[%dma_wait3A_135, %dma_wait3A_141] : memref<2x128xi32, #tpu.memory_space<vmem>> -> memref<1x128xi32, #tpu.memory_space<vmem>>
      %dma_wait3A_143 = tpu.memref_squeeze %dma_wait3A_142 : memref<1x128xi32, #tpu.memory_space<vmem>> -> memref<128xi32, #tpu.memory_space<vmem>>
      %dma_wait3A_144 = arith.constant 0 : i32
      %dma_wait3A_145 = arith.constant 0 : i32
      %dma_wait3A_146 = tpu.memref_slice %arg4[%dma_wait3A_144, %dma_wait3A_145] : memref<10112x128xf32, #tpu.memory_space<hbm>> -> memref<10112x128xf32, #tpu.memory_space<hbm>>
      tpu.wait_indirect_dma semaphore(%arg12 : memref<!tpu.dma_semaphore, #tpu.memory_space<semaphore_mem>>) src(%dma_wait3A_146 : memref<10112x128xf32, #tpu.memory_space<hbm>>) dst(%dma_wait3A_140 : memref<128x128xf32, #tpu.memory_space<vmem>>)
      %dma_start3A_147 = arith.constant 0 : i32
      %dma_start3A_148 = arith.constant 0 : i32
      %dma_start3A_149 = arith.constant 0 : i32
      %dma_start3A_150 = arith.constant 0 : i32
      %dma_start3A_151 = tpu.memref_slice %arg9[%dma_start3A_147, %dma_start3A_149, %dma_start3A_150] : memref<2x128x128xf32, #tpu.memory_space<vmem>> -> memref<1x128x128xf32, #tpu.memory_space<vmem>>
      %dma_start3A_152 = tpu.memref_squeeze %dma_start3A_151 : memref<1x128x128xf32, #tpu.memory_space<vmem>> -> memref<128x128xf32, #tpu.memory_space<vmem>>
      %dma_start3A_153 = arith.constant 0 : i32
      %dma_start3A_154 = tpu.memref_slice %arg8[%dma_start3A_148, %dma_start3A_153] : memref<2x128xi32, #tpu.memory_space<vmem>> -> memref<1x128xi32, #tpu.memory_space<vmem>>
      %dma_start3A_155 = tpu.memref_squeeze %dma_start3A_154 : memref<1x128xi32, #tpu.memory_space<vmem>> -> memref<128xi32, #tpu.memory_space<vmem>>
      %dma_start3A_156 = arith.constant 0 : i32
      %dma_start3A_157 = arith.constant 0 : i32
      %dma_start3A_158 = tpu.memref_slice %arg10[%dma_start3A_156, %dma_start3A_157] : memref<10112x128xf32, #tpu.memory_space<vmem_shared>> -> memref<10112x128xf32, #tpu.memory_space<vmem_shared>>
      tpu.enqueue_indirect_dma source(%dma_start3A_152 : memref<128x128xf32, #tpu.memory_space<vmem>>) target(%dma_start3A_158 : memref<10112x128xf32, #tpu.memory_space<vmem_shared>>) offsets(%dma_start3A_155 : memref<128xi32, #tpu.memory_space<vmem>>) semaphore(%arg13 : memref<!tpu.dma_semaphore, #tpu.memory_space<semaphore_mem>>) {add = true}
      %dma_start3A_159 = arith.constant 1 : i32
      %dma_start3A_160 = arith.constant 1 : i32
      %dma_start3A_161 = arith.constant 0 : i32
      %dma_start3A_162 = arith.constant 0 : i32
      %dma_start3A_163 = tpu.memref_slice %arg9[%dma_start3A_159, %dma_start3A_161, %dma_start3A_162] : memref<2x128x128xf32, #tpu.memory_space<vmem>> -> memref<1x128x128xf32, #tpu.memory_space<vmem>>
      %dma_start3A_164 = tpu.memref_squeeze %dma_start3A_163 : memref<1x128x128xf32, #tpu.memory_space<vmem>> -> memref<128x128xf32, #tpu.memory_space<vmem>>
      %dma_start3A_165 = arith.constant 0 : i32
      %dma_start3A_166 = tpu.memref_slice %arg8[%dma_start3A_160, %dma_start3A_165] : memref<2x128xi32, #tpu.memory_space<vmem>> -> memref<1x128xi32, #tpu.memory_space<vmem>>
      %dma_start3A_167 = tpu.memref_squeeze %dma_start3A_166 : memref<1x128xi32, #tpu.memory_space<vmem>> -> memref<128xi32, #tpu.memory_space<vmem>>
      %dma_start3A_168 = arith.constant 0 : i32
      %dma_start3A_169 = arith.constant 0 : i32
      %dma_start3A_170 = tpu.memref_slice %arg10[%dma_start3A_168, %dma_start3A_169] : memref<10112x128xf32, #tpu.memory_space<vmem_shared>> -> memref<10112x128xf32, #tpu.memory_space<vmem_shared>>
      tpu.enqueue_indirect_dma source(%dma_start3A_164 : memref<128x128xf32, #tpu.memory_space<vmem>>) target(%dma_start3A_170 : memref<10112x128xf32, #tpu.memory_space<vmem_shared>>) offsets(%dma_start3A_167 : memref<128xi32, #tpu.memory_space<vmem>>) semaphore(%arg13 : memref<!tpu.dma_semaphore, #tpu.memory_space<semaphore_mem>>) {add = true}
      %dma_wait3A_171 = arith.constant 0 : i32
      %dma_wait3A_172 = arith.constant 0 : i32
      %dma_wait3A_173 = arith.constant 0 : i32
      %dma_wait3A_174 = arith.constant 0 : i32
      %dma_wait3A_175 = tpu.memref_slice %arg9[%dma_wait3A_171, %dma_wait3A_173, %dma_wait3A_174] : memref<2x128x128xf32, #tpu.memory_space<vmem>> -> memref<1x128x128xf32, #tpu.memory_space<vmem>>
      %dma_wait3A_176 = tpu.memref_squeeze %dma_wait3A_175 : memref<1x128x128xf32, #tpu.memory_space<vmem>> -> memref<128x128xf32, #tpu.memory_space<vmem>>
      %dma_wait3A_177 = arith.constant 0 : i32
      %dma_wait3A_178 = tpu.memref_slice %arg8[%dma_wait3A_172, %dma_wait3A_177] : memref<2x128xi32, #tpu.memory_space<vmem>> -> memref<1x128xi32, #tpu.memory_space<vmem>>
      %dma_wait3A_179 = tpu.memref_squeeze %dma_wait3A_178 : memref<1x128xi32, #tpu.memory_space<vmem>> -> memref<128xi32, #tpu.memory_space<vmem>>
      %dma_wait3A_180 = arith.constant 0 : i32
      %dma_wait3A_181 = arith.constant 0 : i32
      %dma_wait3A_182 = tpu.memref_slice %arg10[%dma_wait3A_180, %dma_wait3A_181] : memref<10112x128xf32, #tpu.memory_space<vmem_shared>> -> memref<10112x128xf32, #tpu.memory_space<vmem_shared>>
      tpu.wait_indirect_dma semaphore(%arg13 : memref<!tpu.dma_semaphore, #tpu.memory_space<semaphore_mem>>) src(%dma_wait3A_176 : memref<128x128xf32, #tpu.memory_space<vmem>>) dst(%dma_wait3A_182 : memref<10112x128xf32, #tpu.memory_space<vmem_shared>>)
      %dma_wait3A_183 = arith.constant 1 : i32
      %dma_wait3A_184 = arith.constant 1 : i32
      %dma_wait3A_185 = arith.constant 0 : i32
      %dma_wait3A_186 = arith.constant 0 : i32
      %dma_wait3A_187 = tpu.memref_slice %arg9[%dma_wait3A_183, %dma_wait3A_185, %dma_wait3A_186] : memref<2x128x128xf32, #tpu.memory_space<vmem>> -> memref<1x128x128xf32, #tpu.memory_space<vmem>>
      %dma_wait3A_188 = tpu.memref_squeeze %dma_wait3A_187 : memref<1x128x128xf32, #tpu.memory_space<vmem>> -> memref<128x128xf32, #tpu.memory_space<vmem>>
      %dma_wait3A_189 = arith.constant 0 : i32
      %dma_wait3A_190 = tpu.memref_slice %arg8[%dma_wait3A_184, %dma_wait3A_189] : memref<2x128xi32, #tpu.memory_space<vmem>> -> memref<1x128xi32, #tpu.memory_space<vmem>>
      %dma_wait3A_191 = tpu.memref_squeeze %dma_wait3A_190 : memref<1x128xi32, #tpu.memory_space<vmem>> -> memref<128xi32, #tpu.memory_space<vmem>>
      %dma_wait3A_192 = arith.constant 0 : i32
      %dma_wait3A_193 = arith.constant 0 : i32
      %dma_wait3A_194 = tpu.memref_slice %arg10[%dma_wait3A_192, %dma_wait3A_193] : memref<10112x128xf32, #tpu.memory_space<vmem_shared>> -> memref<10112x128xf32, #tpu.memory_space<vmem_shared>>
      tpu.wait_indirect_dma semaphore(%arg13 : memref<!tpu.dma_semaphore, #tpu.memory_space<semaphore_mem>>) src(%dma_wait3A_188 : memref<128x128xf32, #tpu.memory_space<vmem>>) dst(%dma_wait3A_194 : memref<10112x128xf32, #tpu.memory_space<vmem_shared>>)
    }
    %scan3A_11 = arith.constant 40 : i32
    %barrier3A_12 = arith.constant 0 : index
    tpu.barrier barrier_id(%barrier3A_12)
    %mul3A_13 = arith.constant 632 : i32
    %mul3A_14 = arith.muli %arg1, %mul3A_13 : i32
    %mul3A_15 = arith.constant 632 : i32
    %mul3A_16 = arith.muli %arg1, %mul3A_15 : i32
    "tpu.region"() ({
      %run_scoped3A = tpu.sem_alloc : memref<!tpu.dma_semaphore, #tpu.memory_space<semaphore_mem>>
      %dma_start3A = arith.constant 0 : i32
      %dma_start3A_17 = tpu.memref_slice %arg6[%arg0, %mul3A_16, %dma_start3A] : memref<2x10112x128xf32, #tpu.memory_space<hbm>> -> memref<1x632x128xf32, #tpu.memory_space<hbm>>
      %dma_start3A_18 = tpu.memref_squeeze %dma_start3A_17 : memref<1x632x128xf32, #tpu.memory_space<hbm>> -> memref<632x128xf32, #tpu.memory_space<hbm>>
      %dma_start3A_19 = arith.constant 0 : i32
      %dma_start3A_20 = tpu.memref_slice %arg10[%mul3A_14, %dma_start3A_19] : memref<10112x128xf32, #tpu.memory_space<vmem_shared>> -> memref<632x128xf32, #tpu.memory_space<vmem_shared>>
      tpu.enqueue_dma source(%dma_start3A_20 : memref<632x128xf32, #tpu.memory_space<vmem_shared>>) target(%dma_start3A_18 : memref<632x128xf32, #tpu.memory_space<hbm>>) target_semaphore(%run_scoped3A : memref<!tpu.dma_semaphore, #tpu.memory_space<semaphore_mem>>)
      %dma_wait3A = arith.constant 0 : i32
      %dma_wait3A_21 = tpu.memref_slice %arg6[%arg0, %mul3A_16, %dma_wait3A] : memref<2x10112x128xf32, #tpu.memory_space<hbm>> -> memref<1x632x128xf32, #tpu.memory_space<hbm>>
      %dma_wait3A_22 = tpu.memref_squeeze %dma_wait3A_21 : memref<1x632x128xf32, #tpu.memory_space<hbm>> -> memref<632x128xf32, #tpu.memory_space<hbm>>
      %dma_wait3A_23 = arith.constant 0 : i32
      %dma_wait3A_24 = tpu.memref_slice %arg10[%mul3A_14, %dma_wait3A_23] : memref<10112x128xf32, #tpu.memory_space<vmem_shared>> -> memref<632x128xf32, #tpu.memory_space<vmem_shared>>
      tpu.wait_dma2 semaphore(%run_scoped3A : memref<!tpu.dma_semaphore, #tpu.memory_space<semaphore_mem>>) src(%dma_wait3A_24 : memref<632x128xf32, #tpu.memory_space<vmem_shared>>) dst(%dma_wait3A_22 : memref<632x128xf32, #tpu.memory_space<hbm>>)
      tpu.yield
    }) : () -> ()
    return
  }
}

#map = affine_map<(d0, d1) -> (0)>
#map1 = affine_map<(d0, d1) -> (0, 0)>
#map2 = affine_map<(d0, d1) -> (0, 0, 0)>
module attributes {stable_mosaic.version = 14 : i64} {
  func.func @_edge_kernel(%arg0: i32, %arg1: i32, %arg2: memref<327680xi32, #tpu.memory_space<hbm>>, %arg3: memref<327680xi32, #tpu.memory_space<hbm>>, %arg4: memref<10112x128xf32, #tpu.memory_space<hbm>>, %arg5: memref<10112x128xf32, #tpu.memory_space<hbm>>, %arg6: memref<2x10112x128xf32, #tpu.memory_space<hbm>>, %arg7: memref<2x128xi32, #tpu.memory_space<vmem>>, %arg8: memref<2x128xi32, #tpu.memory_space<vmem>>, %arg9: memref<2x128x128xf32, #tpu.memory_space<vmem>>, %arg10: memref<10112x128xf32, #tpu.memory_space<vmem_shared>>, %arg11: memref<!tpu.dma_semaphore, #tpu.memory_space<semaphore_mem>>, %arg12: memref<!tpu.dma_semaphore, #tpu.memory_space<semaphore_mem>>, %arg13: memref<!tpu.dma_semaphore, #tpu.memory_space<semaphore_mem>>) attributes {dimension_semantics = [#tpu.dimension_semantics<core_parallel>, #tpu.dimension_semantics<subcore_parallel>], iteration_bounds = array<i64: 2, 16>, scalar_prefetch = 0 : i64, scratch_operands = 7 : i64, tpu.core_type = #tpu.core_type<sc_vector_subcore>, window_params = [{transform_indices = #map}, {transform_indices = #map}, {transform_indices = #map1}, {transform_indices = #map1}, {transform_indices = #map2}]} {
    %mul3A = arith.constant 16 : i32
    %mul3A_0 = arith.muli %arg0, %mul3A : i32
    %add3A = arith.addi %mul3A_0, %arg1 : i32
    %mul3A_1 = arith.constant 632 : i32
    %mul3A_2 = arith.muli %arg1, %mul3A_1 : i32
    %mul3A_3 = arith.constant 632 : i32
    %mul3A_4 = arith.muli %arg1, %mul3A_3 : i32
    "tpu.region"() ({
      %run_scoped3A = tpu.sem_alloc : memref<!tpu.dma_semaphore, #tpu.memory_space<semaphore_mem>>
      %dma_start3A = arith.constant 0 : i32
      %dma_start3A_17 = tpu.memref_slice %arg10[%mul3A_4, %dma_start3A] : memref<10112x128xf32, #tpu.memory_space<vmem_shared>> -> memref<632x128xf32, #tpu.memory_space<vmem_shared>>
      %dma_start3A_18 = arith.constant 0 : i32
      %dma_start3A_19 = tpu.memref_slice %arg5[%mul3A_2, %dma_start3A_18] : memref<10112x128xf32, #tpu.memory_space<hbm>> -> memref<632x128xf32, #tpu.memory_space<hbm>>
      tpu.enqueue_dma source(%dma_start3A_19 : memref<632x128xf32, #tpu.memory_space<hbm>>) target(%dma_start3A_17 : memref<632x128xf32, #tpu.memory_space<vmem_shared>>) target_semaphore(%run_scoped3A : memref<!tpu.dma_semaphore, #tpu.memory_space<semaphore_mem>>)
      %dma_wait3A = arith.constant 0 : i32
      %dma_wait3A_20 = tpu.memref_slice %arg10[%mul3A_4, %dma_wait3A] : memref<10112x128xf32, #tpu.memory_space<vmem_shared>> -> memref<632x128xf32, #tpu.memory_space<vmem_shared>>
      %dma_wait3A_21 = arith.constant 0 : i32
      %dma_wait3A_22 = tpu.memref_slice %arg5[%mul3A_2, %dma_wait3A_21] : memref<10112x128xf32, #tpu.memory_space<hbm>> -> memref<632x128xf32, #tpu.memory_space<hbm>>
      tpu.wait_dma2 semaphore(%run_scoped3A : memref<!tpu.dma_semaphore, #tpu.memory_space<semaphore_mem>>) src(%dma_wait3A_22 : memref<632x128xf32, #tpu.memory_space<hbm>>) dst(%dma_wait3A_20 : memref<632x128xf32, #tpu.memory_space<vmem_shared>>)
      tpu.yield
    }) : () -> ()
    %barrier3A = arith.constant 0 : index
    tpu.barrier barrier_id(%barrier3A)
    %mul3A_5 = arith.constant 10240 : i32
    %mul3A_6 = arith.muli %add3A, %mul3A_5 : i32
    %scan3A = arith.constant 0 : i32
    %scan3A_7 = arith.constant 0 : i32
    %scan3A_8 = arith.constant 40 : i32
    %scan3A_9 = arith.addi %scan3A_7, %scan3A_8 : i32
    %scan3A_10 = arith.constant 1 : i32
    scf.for %scan3A_17 = %scan3A_7 to %scan3A_9 step %scan3A_10  : i32 {
      %mul3A_18 = arith.constant 256 : i32
      %mul3A_19 = arith.muli %scan3A_17, %mul3A_18 : i32
      %add3A_20 = arith.addi %mul3A_6, %mul3A_19 : i32
      %add3A_21 = arith.constant 0 : i32
      %add3A_22 = arith.addi %add3A_20, %add3A_21 : i32
      %dma_start3A = arith.constant 0 : i32
      %dma_start3A_23 = arith.constant 0 : i32
      %dma_start3A_24 = tpu.memref_slice %arg7[%dma_start3A, %dma_start3A_23] : memref<2x128xi32, #tpu.memory_space<vmem>> -> memref<1x128xi32, #tpu.memory_space<vmem>>
      %dma_start3A_25 = tpu.memref_squeeze %dma_start3A_24 : memref<1x128xi32, #tpu.memory_space<vmem>> -> memref<128xi32, #tpu.memory_space<vmem>>
      %dma_start3A_26 = tpu.memref_slice %arg2[%add3A_22] : memref<327680xi32, #tpu.memory_space<hbm>> -> memref<128xi32, #tpu.memory_space<hbm>>
      %dma_start3A_27 = arith.constant 0 : i32
      %dma_start3A_28 = tpu.memref_slice %arg7[%dma_start3A, %dma_start3A_27] : memref<2x128xi32, #tpu.memory_space<vmem>> -> memref<1x128xi32, #tpu.memory_space<vmem>>
      %dma_start3A_29 = tpu.memref_squeeze %dma_start3A_28 : memref<1x128xi32, #tpu.memory_space<vmem>> -> memref<128xi32, #tpu.memory_space<vmem>>
      %dma_start3A_30 = tpu.memref_slice %arg2[%add3A_22] : memref<327680xi32, #tpu.memory_space<hbm>> -> memref<128xi32, #tpu.memory_space<hbm>>
      tpu.enqueue_dma source(%dma_start3A_30 : memref<128xi32, #tpu.memory_space<hbm>>) target(%dma_start3A_29 : memref<128xi32, #tpu.memory_space<vmem>>) target_semaphore(%arg11 : memref<!tpu.dma_semaphore, #tpu.memory_space<semaphore_mem>>)
      %add3A_31 = arith.constant 0 : i32
      %add3A_32 = arith.addi %add3A_20, %add3A_31 : i32
      %dma_start3A_33 = arith.constant 0 : i32
      %dma_start3A_34 = arith.constant 0 : i32
      %dma_start3A_35 = tpu.memref_slice %arg8[%dma_start3A_33, %dma_start3A_34] : memref<2x128xi32, #tpu.memory_space<vmem>> -> memref<1x128xi32, #tpu.memory_space<vmem>>
      %dma_start3A_36 = tpu.memref_squeeze %dma_start3A_35 : memref<1x128xi32, #tpu.memory_space<vmem>> -> memref<128xi32, #tpu.memory_space<vmem>>
      %dma_start3A_37 = tpu.memref_slice %arg3[%add3A_32] : memref<327680xi32, #tpu.memory_space<hbm>> -> memref<128xi32, #tpu.memory_space<hbm>>
      %dma_start3A_38 = arith.constant 0 : i32
      %dma_start3A_39 = tpu.memref_slice %arg8[%dma_start3A_33, %dma_start3A_38] : memref<2x128xi32, #tpu.memory_space<vmem>> -> memref<1x128xi32, #tpu.memory_space<vmem>>
      %dma_start3A_40 = tpu.memref_squeeze %dma_start3A_39 : memref<1x128xi32, #tpu.memory_space<vmem>> -> memref<128xi32, #tpu.memory_space<vmem>>
      %dma_start3A_41 = tpu.memref_slice %arg3[%add3A_32] : memref<327680xi32, #tpu.memory_space<hbm>> -> memref<128xi32, #tpu.memory_space<hbm>>
      tpu.enqueue_dma source(%dma_start3A_41 : memref<128xi32, #tpu.memory_space<hbm>>) target(%dma_start3A_40 : memref<128xi32, #tpu.memory_space<vmem>>) target_semaphore(%arg11 : memref<!tpu.dma_semaphore, #tpu.memory_space<semaphore_mem>>)
      %add3A_42 = arith.constant 128 : i32
      %add3A_43 = arith.addi %add3A_20, %add3A_42 : i32
      %dma_start3A_44 = arith.constant 1 : i32
      %dma_start3A_45 = arith.constant 0 : i32
      %dma_start3A_46 = tpu.memref_slice %arg7[%dma_start3A_44, %dma_start3A_45] : memref<2x128xi32, #tpu.memory_space<vmem>> -> memref<1x128xi32, #tpu.memory_space<vmem>>
      %dma_start3A_47 = tpu.memref_squeeze %dma_start3A_46 : memref<1x128xi32, #tpu.memory_space<vmem>> -> memref<128xi32, #tpu.memory_space<vmem>>
      %dma_start3A_48 = tpu.memref_slice %arg2[%add3A_43] : memref<327680xi32, #tpu.memory_space<hbm>> -> memref<128xi32, #tpu.memory_space<hbm>>
      %dma_start3A_49 = arith.constant 0 : i32
      %dma_start3A_50 = tpu.memref_slice %arg7[%dma_start3A_44, %dma_start3A_49] : memref<2x128xi32, #tpu.memory_space<vmem>> -> memref<1x128xi32, #tpu.memory_space<vmem>>
      %dma_start3A_51 = tpu.memref_squeeze %dma_start3A_50 : memref<1x128xi32, #tpu.memory_space<vmem>> -> memref<128xi32, #tpu.memory_space<vmem>>
      %dma_start3A_52 = tpu.memref_slice %arg2[%add3A_43] : memref<327680xi32, #tpu.memory_space<hbm>> -> memref<128xi32, #tpu.memory_space<hbm>>
      tpu.enqueue_dma source(%dma_start3A_52 : memref<128xi32, #tpu.memory_space<hbm>>) target(%dma_start3A_51 : memref<128xi32, #tpu.memory_space<vmem>>) target_semaphore(%arg11 : memref<!tpu.dma_semaphore, #tpu.memory_space<semaphore_mem>>)
      %add3A_53 = arith.constant 128 : i32
      %add3A_54 = arith.addi %add3A_20, %add3A_53 : i32
      %dma_start3A_55 = arith.constant 1 : i32
      %dma_start3A_56 = arith.constant 0 : i32
      %dma_start3A_57 = tpu.memref_slice %arg8[%dma_start3A_55, %dma_start3A_56] : memref<2x128xi32, #tpu.memory_space<vmem>> -> memref<1x128xi32, #tpu.memory_space<vmem>>
      %dma_start3A_58 = tpu.memref_squeeze %dma_start3A_57 : memref<1x128xi32, #tpu.memory_space<vmem>> -> memref<128xi32, #tpu.memory_space<vmem>>
      %dma_start3A_59 = tpu.memref_slice %arg3[%add3A_54] : memref<327680xi32, #tpu.memory_space<hbm>> -> memref<128xi32, #tpu.memory_space<hbm>>
      %dma_start3A_60 = arith.constant 0 : i32
      %dma_start3A_61 = tpu.memref_slice %arg8[%dma_start3A_55, %dma_start3A_60] : memref<2x128xi32, #tpu.memory_space<vmem>> -> memref<1x128xi32, #tpu.memory_space<vmem>>
      %dma_start3A_62 = tpu.memref_squeeze %dma_start3A_61 : memref<1x128xi32, #tpu.memory_space<vmem>> -> memref<128xi32, #tpu.memory_space<vmem>>
      %dma_start3A_63 = tpu.memref_slice %arg3[%add3A_54] : memref<327680xi32, #tpu.memory_space<hbm>> -> memref<128xi32, #tpu.memory_space<hbm>>
      tpu.enqueue_dma source(%dma_start3A_63 : memref<128xi32, #tpu.memory_space<hbm>>) target(%dma_start3A_62 : memref<128xi32, #tpu.memory_space<vmem>>) target_semaphore(%arg11 : memref<!tpu.dma_semaphore, #tpu.memory_space<semaphore_mem>>)
      %dma_wait3A = arith.constant 0 : i32
      %dma_wait3A_64 = arith.constant 0 : i32
      %dma_wait3A_65 = tpu.memref_slice %arg7[%dma_wait3A, %dma_wait3A_64] : memref<2x128xi32, #tpu.memory_space<vmem>> -> memref<1x128xi32, #tpu.memory_space<vmem>>
      %dma_wait3A_66 = tpu.memref_squeeze %dma_wait3A_65 : memref<1x128xi32, #tpu.memory_space<vmem>> -> memref<128xi32, #tpu.memory_space<vmem>>
      %dma_wait3A_67 = tpu.memref_slice %arg2[%add3A_22] : memref<327680xi32, #tpu.memory_space<hbm>> -> memref<128xi32, #tpu.memory_space<hbm>>
      %dma_wait3A_68 = arith.constant 0 : i32
      %dma_wait3A_69 = tpu.memref_slice %arg7[%dma_wait3A, %dma_wait3A_68] : memref<2x128xi32, #tpu.memory_space<vmem>> -> memref<1x128xi32, #tpu.memory_space<vmem>>
      %dma_wait3A_70 = tpu.memref_squeeze %dma_wait3A_69 : memref<1x128xi32, #tpu.memory_space<vmem>> -> memref<128xi32, #tpu.memory_space<vmem>>
      %dma_wait3A_71 = tpu.memref_slice %arg2[%add3A_22] : memref<327680xi32, #tpu.memory_space<hbm>> -> memref<128xi32, #tpu.memory_space<hbm>>
      tpu.wait_dma2 semaphore(%arg11 : memref<!tpu.dma_semaphore, #tpu.memory_space<semaphore_mem>>) src(%dma_wait3A_71 : memref<128xi32, #tpu.memory_space<hbm>>) dst(%dma_wait3A_70 : memref<128xi32, #tpu.memory_space<vmem>>)
      %dma_wait3A_72 = arith.constant 0 : i32
      %dma_wait3A_73 = arith.constant 0 : i32
      %dma_wait3A_74 = tpu.memref_slice %arg8[%dma_wait3A_72, %dma_wait3A_73] : memref<2x128xi32, #tpu.memory_space<vmem>> -> memref<1x128xi32, #tpu.memory_space<vmem>>
      %dma_wait3A_75 = tpu.memref_squeeze %dma_wait3A_74 : memref<1x128xi32, #tpu.memory_space<vmem>> -> memref<128xi32, #tpu.memory_space<vmem>>
      %dma_wait3A_76 = tpu.memref_slice %arg3[%add3A_32] : memref<327680xi32, #tpu.memory_space<hbm>> -> memref<128xi32, #tpu.memory_space<hbm>>
      %dma_wait3A_77 = arith.constant 0 : i32
      %dma_wait3A_78 = tpu.memref_slice %arg8[%dma_wait3A_72, %dma_wait3A_77] : memref<2x128xi32, #tpu.memory_space<vmem>> -> memref<1x128xi32, #tpu.memory_space<vmem>>
      %dma_wait3A_79 = tpu.memref_squeeze %dma_wait3A_78 : memref<1x128xi32, #tpu.memory_space<vmem>> -> memref<128xi32, #tpu.memory_space<vmem>>
      %dma_wait3A_80 = tpu.memref_slice %arg3[%add3A_32] : memref<327680xi32, #tpu.memory_space<hbm>> -> memref<128xi32, #tpu.memory_space<hbm>>
      tpu.wait_dma2 semaphore(%arg11 : memref<!tpu.dma_semaphore, #tpu.memory_space<semaphore_mem>>) src(%dma_wait3A_80 : memref<128xi32, #tpu.memory_space<hbm>>) dst(%dma_wait3A_79 : memref<128xi32, #tpu.memory_space<vmem>>)
      %dma_wait3A_81 = arith.constant 1 : i32
      %dma_wait3A_82 = arith.constant 0 : i32
      %dma_wait3A_83 = tpu.memref_slice %arg7[%dma_wait3A_81, %dma_wait3A_82] : memref<2x128xi32, #tpu.memory_space<vmem>> -> memref<1x128xi32, #tpu.memory_space<vmem>>
      %dma_wait3A_84 = tpu.memref_squeeze %dma_wait3A_83 : memref<1x128xi32, #tpu.memory_space<vmem>> -> memref<128xi32, #tpu.memory_space<vmem>>
      %dma_wait3A_85 = tpu.memref_slice %arg2[%add3A_43] : memref<327680xi32, #tpu.memory_space<hbm>> -> memref<128xi32, #tpu.memory_space<hbm>>
      %dma_wait3A_86 = arith.constant 0 : i32
      %dma_wait3A_87 = tpu.memref_slice %arg7[%dma_wait3A_81, %dma_wait3A_86] : memref<2x128xi32, #tpu.memory_space<vmem>> -> memref<1x128xi32, #tpu.memory_space<vmem>>
      %dma_wait3A_88 = tpu.memref_squeeze %dma_wait3A_87 : memref<1x128xi32, #tpu.memory_space<vmem>> -> memref<128xi32, #tpu.memory_space<vmem>>
      %dma_wait3A_89 = tpu.memref_slice %arg2[%add3A_43] : memref<327680xi32, #tpu.memory_space<hbm>> -> memref<128xi32, #tpu.memory_space<hbm>>
      tpu.wait_dma2 semaphore(%arg11 : memref<!tpu.dma_semaphore, #tpu.memory_space<semaphore_mem>>) src(%dma_wait3A_89 : memref<128xi32, #tpu.memory_space<hbm>>) dst(%dma_wait3A_88 : memref<128xi32, #tpu.memory_space<vmem>>)
      %dma_wait3A_90 = arith.constant 1 : i32
      %dma_wait3A_91 = arith.constant 0 : i32
      %dma_wait3A_92 = tpu.memref_slice %arg8[%dma_wait3A_90, %dma_wait3A_91] : memref<2x128xi32, #tpu.memory_space<vmem>> -> memref<1x128xi32, #tpu.memory_space<vmem>>
      %dma_wait3A_93 = tpu.memref_squeeze %dma_wait3A_92 : memref<1x128xi32, #tpu.memory_space<vmem>> -> memref<128xi32, #tpu.memory_space<vmem>>
      %dma_wait3A_94 = tpu.memref_slice %arg3[%add3A_54] : memref<327680xi32, #tpu.memory_space<hbm>> -> memref<128xi32, #tpu.memory_space<hbm>>
      %dma_wait3A_95 = arith.constant 0 : i32
      %dma_wait3A_96 = tpu.memref_slice %arg8[%dma_wait3A_90, %dma_wait3A_95] : memref<2x128xi32, #tpu.memory_space<vmem>> -> memref<1x128xi32, #tpu.memory_space<vmem>>
      %dma_wait3A_97 = tpu.memref_squeeze %dma_wait3A_96 : memref<1x128xi32, #tpu.memory_space<vmem>> -> memref<128xi32, #tpu.memory_space<vmem>>
      %dma_wait3A_98 = tpu.memref_slice %arg3[%add3A_54] : memref<327680xi32, #tpu.memory_space<hbm>> -> memref<128xi32, #tpu.memory_space<hbm>>
      tpu.wait_dma2 semaphore(%arg11 : memref<!tpu.dma_semaphore, #tpu.memory_space<semaphore_mem>>) src(%dma_wait3A_98 : memref<128xi32, #tpu.memory_space<hbm>>) dst(%dma_wait3A_97 : memref<128xi32, #tpu.memory_space<vmem>>)
      %dma_start3A_99 = arith.constant 0 : i32
      %dma_start3A_100 = arith.constant 0 : i32
      %dma_start3A_101 = arith.constant 0 : i32
      %dma_start3A_102 = arith.constant 0 : i32
      %dma_start3A_103 = tpu.memref_slice %arg9[%dma_start3A_100, %dma_start3A_101, %dma_start3A_102] : memref<2x128x128xf32, #tpu.memory_space<vmem>> -> memref<1x128x128xf32, #tpu.memory_space<vmem>>
      %dma_start3A_104 = tpu.memref_squeeze %dma_start3A_103 : memref<1x128x128xf32, #tpu.memory_space<vmem>> -> memref<128x128xf32, #tpu.memory_space<vmem>>
      %dma_start3A_105 = arith.constant 0 : i32
      %dma_start3A_106 = tpu.memref_slice %arg7[%dma_start3A_99, %dma_start3A_105] : memref<2x128xi32, #tpu.memory_space<vmem>> -> memref<1x128xi32, #tpu.memory_space<vmem>>
      %dma_start3A_107 = tpu.memref_squeeze %dma_start3A_106 : memref<1x128xi32, #tpu.memory_space<vmem>> -> memref<128xi32, #tpu.memory_space<vmem>>
      %dma_start3A_108 = arith.constant 0 : i32
      %dma_start3A_109 = arith.constant 0 : i32
      %dma_start3A_110 = tpu.memref_slice %arg4[%dma_start3A_108, %dma_start3A_109] : memref<10112x128xf32, #tpu.memory_space<hbm>> -> memref<10112x128xf32, #tpu.memory_space<hbm>>
      tpu.enqueue_indirect_dma source(%dma_start3A_110 : memref<10112x128xf32, #tpu.memory_space<hbm>>) target(%dma_start3A_104 : memref<128x128xf32, #tpu.memory_space<vmem>>) offsets(%dma_start3A_107 : memref<128xi32, #tpu.memory_space<vmem>>) semaphore(%arg12 : memref<!tpu.dma_semaphore, #tpu.memory_space<semaphore_mem>>)
      %dma_start3A_111 = arith.constant 1 : i32
      %dma_start3A_112 = arith.constant 1 : i32
      %dma_start3A_113 = arith.constant 0 : i32
      %dma_start3A_114 = arith.constant 0 : i32
      %dma_start3A_115 = tpu.memref_slice %arg9[%dma_start3A_112, %dma_start3A_113, %dma_start3A_114] : memref<2x128x128xf32, #tpu.memory_space<vmem>> -> memref<1x128x128xf32, #tpu.memory_space<vmem>>
      %dma_start3A_116 = tpu.memref_squeeze %dma_start3A_115 : memref<1x128x128xf32, #tpu.memory_space<vmem>> -> memref<128x128xf32, #tpu.memory_space<vmem>>
      %dma_start3A_117 = arith.constant 0 : i32
      %dma_start3A_118 = tpu.memref_slice %arg7[%dma_start3A_111, %dma_start3A_117] : memref<2x128xi32, #tpu.memory_space<vmem>> -> memref<1x128xi32, #tpu.memory_space<vmem>>
      %dma_start3A_119 = tpu.memref_squeeze %dma_start3A_118 : memref<1x128xi32, #tpu.memory_space<vmem>> -> memref<128xi32, #tpu.memory_space<vmem>>
      %dma_start3A_120 = arith.constant 0 : i32
      %dma_start3A_121 = arith.constant 0 : i32
      %dma_start3A_122 = tpu.memref_slice %arg4[%dma_start3A_120, %dma_start3A_121] : memref<10112x128xf32, #tpu.memory_space<hbm>> -> memref<10112x128xf32, #tpu.memory_space<hbm>>
      tpu.enqueue_indirect_dma source(%dma_start3A_122 : memref<10112x128xf32, #tpu.memory_space<hbm>>) target(%dma_start3A_116 : memref<128x128xf32, #tpu.memory_space<vmem>>) offsets(%dma_start3A_119 : memref<128xi32, #tpu.memory_space<vmem>>) semaphore(%arg12 : memref<!tpu.dma_semaphore, #tpu.memory_space<semaphore_mem>>)
      %dma_wait3A_123 = arith.constant 0 : i32
      %dma_wait3A_124 = arith.constant 0 : i32
      %dma_wait3A_125 = arith.constant 0 : i32
      %dma_wait3A_126 = arith.constant 0 : i32
      %dma_wait3A_127 = tpu.memref_slice %arg9[%dma_wait3A_124, %dma_wait3A_125, %dma_wait3A_126] : memref<2x128x128xf32, #tpu.memory_space<vmem>> -> memref<1x128x128xf32, #tpu.memory_space<vmem>>
      %dma_wait3A_128 = tpu.memref_squeeze %dma_wait3A_127 : memref<1x128x128xf32, #tpu.memory_space<vmem>> -> memref<128x128xf32, #tpu.memory_space<vmem>>
      %dma_wait3A_129 = arith.constant 0 : i32
      %dma_wait3A_130 = tpu.memref_slice %arg7[%dma_wait3A_123, %dma_wait3A_129] : memref<2x128xi32, #tpu.memory_space<vmem>> -> memref<1x128xi32, #tpu.memory_space<vmem>>
      %dma_wait3A_131 = tpu.memref_squeeze %dma_wait3A_130 : memref<1x128xi32, #tpu.memory_space<vmem>> -> memref<128xi32, #tpu.memory_space<vmem>>
      %dma_wait3A_132 = arith.constant 0 : i32
      %dma_wait3A_133 = arith.constant 0 : i32
      %dma_wait3A_134 = tpu.memref_slice %arg4[%dma_wait3A_132, %dma_wait3A_133] : memref<10112x128xf32, #tpu.memory_space<hbm>> -> memref<10112x128xf32, #tpu.memory_space<hbm>>
      tpu.wait_indirect_dma semaphore(%arg12 : memref<!tpu.dma_semaphore, #tpu.memory_space<semaphore_mem>>) src(%dma_wait3A_134 : memref<10112x128xf32, #tpu.memory_space<hbm>>) dst(%dma_wait3A_128 : memref<128x128xf32, #tpu.memory_space<vmem>>)
      %dma_wait3A_135 = arith.constant 1 : i32
      %dma_wait3A_136 = arith.constant 1 : i32
      %dma_wait3A_137 = arith.constant 0 : i32
      %dma_wait3A_138 = arith.constant 0 : i32
      %dma_wait3A_139 = tpu.memref_slice %arg9[%dma_wait3A_136, %dma_wait3A_137, %dma_wait3A_138] : memref<2x128x128xf32, #tpu.memory_space<vmem>> -> memref<1x128x128xf32, #tpu.memory_space<vmem>>
      %dma_wait3A_140 = tpu.memref_squeeze %dma_wait3A_139 : memref<1x128x128xf32, #tpu.memory_space<vmem>> -> memref<128x128xf32, #tpu.memory_space<vmem>>
      %dma_wait3A_141 = arith.constant 0 : i32
      %dma_wait3A_142 = tpu.memref_slice %arg7[%dma_wait3A_135, %dma_wait3A_141] : memref<2x128xi32, #tpu.memory_space<vmem>> -> memref<1x128xi32, #tpu.memory_space<vmem>>
      %dma_wait3A_143 = tpu.memref_squeeze %dma_wait3A_142 : memref<1x128xi32, #tpu.memory_space<vmem>> -> memref<128xi32, #tpu.memory_space<vmem>>
      %dma_wait3A_144 = arith.constant 0 : i32
      %dma_wait3A_145 = arith.constant 0 : i32
      %dma_wait3A_146 = tpu.memref_slice %arg4[%dma_wait3A_144, %dma_wait3A_145] : memref<10112x128xf32, #tpu.memory_space<hbm>> -> memref<10112x128xf32, #tpu.memory_space<hbm>>
      tpu.wait_indirect_dma semaphore(%arg12 : memref<!tpu.dma_semaphore, #tpu.memory_space<semaphore_mem>>) src(%dma_wait3A_146 : memref<10112x128xf32, #tpu.memory_space<hbm>>) dst(%dma_wait3A_140 : memref<128x128xf32, #tpu.memory_space<vmem>>)
      %dma_start3A_147 = arith.constant 0 : i32
      %dma_start3A_148 = arith.constant 0 : i32
      %dma_start3A_149 = arith.constant 0 : i32
      %dma_start3A_150 = arith.constant 0 : i32
      %dma_start3A_151 = tpu.memref_slice %arg9[%dma_start3A_147, %dma_start3A_149, %dma_start3A_150] : memref<2x128x128xf32, #tpu.memory_space<vmem>> -> memref<1x128x128xf32, #tpu.memory_space<vmem>>
      %dma_start3A_152 = tpu.memref_squeeze %dma_start3A_151 : memref<1x128x128xf32, #tpu.memory_space<vmem>> -> memref<128x128xf32, #tpu.memory_space<vmem>>
      %dma_start3A_153 = arith.constant 0 : i32
      %dma_start3A_154 = tpu.memref_slice %arg8[%dma_start3A_148, %dma_start3A_153] : memref<2x128xi32, #tpu.memory_space<vmem>> -> memref<1x128xi32, #tpu.memory_space<vmem>>
      %dma_start3A_155 = tpu.memref_squeeze %dma_start3A_154 : memref<1x128xi32, #tpu.memory_space<vmem>> -> memref<128xi32, #tpu.memory_space<vmem>>
      %dma_start3A_156 = arith.constant 0 : i32
      %dma_start3A_157 = arith.constant 0 : i32
      %dma_start3A_158 = tpu.memref_slice %arg10[%dma_start3A_156, %dma_start3A_157] : memref<10112x128xf32, #tpu.memory_space<vmem_shared>> -> memref<10112x128xf32, #tpu.memory_space<vmem_shared>>
      tpu.enqueue_indirect_dma source(%dma_start3A_152 : memref<128x128xf32, #tpu.memory_space<vmem>>) target(%dma_start3A_158 : memref<10112x128xf32, #tpu.memory_space<vmem_shared>>) offsets(%dma_start3A_155 : memref<128xi32, #tpu.memory_space<vmem>>) semaphore(%arg13 : memref<!tpu.dma_semaphore, #tpu.memory_space<semaphore_mem>>) {add = true}
      %dma_start3A_159 = arith.constant 1 : i32
      %dma_start3A_160 = arith.constant 1 : i32
      %dma_start3A_161 = arith.constant 0 : i32
      %dma_start3A_162 = arith.constant 0 : i32
      %dma_start3A_163 = tpu.memref_slice %arg9[%dma_start3A_159, %dma_start3A_161, %dma_start3A_162] : memref<2x128x128xf32, #tpu.memory_space<vmem>> -> memref<1x128x128xf32, #tpu.memory_space<vmem>>
      %dma_start3A_164 = tpu.memref_squeeze %dma_start3A_163 : memref<1x128x128xf32, #tpu.memory_space<vmem>> -> memref<128x128xf32, #tpu.memory_space<vmem>>
      %dma_start3A_165 = arith.constant 0 : i32
      %dma_start3A_166 = tpu.memref_slice %arg8[%dma_start3A_160, %dma_start3A_165] : memref<2x128xi32, #tpu.memory_space<vmem>> -> memref<1x128xi32, #tpu.memory_space<vmem>>
      %dma_start3A_167 = tpu.memref_squeeze %dma_start3A_166 : memref<1x128xi32, #tpu.memory_space<vmem>> -> memref<128xi32, #tpu.memory_space<vmem>>
      %dma_start3A_168 = arith.constant 0 : i32
      %dma_start3A_169 = arith.constant 0 : i32
      %dma_start3A_170 = tpu.memref_slice %arg10[%dma_start3A_168, %dma_start3A_169] : memref<10112x128xf32, #tpu.memory_space<vmem_shared>> -> memref<10112x128xf32, #tpu.memory_space<vmem_shared>>
      tpu.enqueue_indirect_dma source(%dma_start3A_164 : memref<128x128xf32, #tpu.memory_space<vmem>>) target(%dma_start3A_170 : memref<10112x128xf32, #tpu.memory_space<vmem_shared>>) offsets(%dma_start3A_167 : memref<128xi32, #tpu.memory_space<vmem>>) semaphore(%arg13 : memref<!tpu.dma_semaphore, #tpu.memory_space<semaphore_mem>>) {add = true}
      %dma_wait3A_171 = arith.constant 0 : i32
      %dma_wait3A_172 = arith.constant 0 : i32
      %dma_wait3A_173 = arith.constant 0 : i32
      %dma_wait3A_174 = arith.constant 0 : i32
      %dma_wait3A_175 = tpu.memref_slice %arg9[%dma_wait3A_171, %dma_wait3A_173, %dma_wait3A_174] : memref<2x128x128xf32, #tpu.memory_space<vmem>> -> memref<1x128x128xf32, #tpu.memory_space<vmem>>
      %dma_wait3A_176 = tpu.memref_squeeze %dma_wait3A_175 : memref<1x128x128xf32, #tpu.memory_space<vmem>> -> memref<128x128xf32, #tpu.memory_space<vmem>>
      %dma_wait3A_177 = arith.constant 0 : i32
      %dma_wait3A_178 = tpu.memref_slice %arg8[%dma_wait3A_172, %dma_wait3A_177] : memref<2x128xi32, #tpu.memory_space<vmem>> -> memref<1x128xi32, #tpu.memory_space<vmem>>
      %dma_wait3A_179 = tpu.memref_squeeze %dma_wait3A_178 : memref<1x128xi32, #tpu.memory_space<vmem>> -> memref<128xi32, #tpu.memory_space<vmem>>
      %dma_wait3A_180 = arith.constant 0 : i32
      %dma_wait3A_181 = arith.constant 0 : i32
      %dma_wait3A_182 = tpu.memref_slice %arg10[%dma_wait3A_180, %dma_wait3A_181] : memref<10112x128xf32, #tpu.memory_space<vmem_shared>> -> memref<10112x128xf32, #tpu.memory_space<vmem_shared>>
      tpu.wait_indirect_dma semaphore(%arg13 : memref<!tpu.dma_semaphore, #tpu.memory_space<semaphore_mem>>) src(%dma_wait3A_176 : memref<128x128xf32, #tpu.memory_space<vmem>>) dst(%dma_wait3A_182 : memref<10112x128xf32, #tpu.memory_space<vmem_shared>>)
      %dma_wait3A_183 = arith.constant 1 : i32
      %dma_wait3A_184 = arith.constant 1 : i32
      %dma_wait3A_185 = arith.constant 0 : i32
      %dma_wait3A_186 = arith.constant 0 : i32
      %dma_wait3A_187 = tpu.memref_slice %arg9[%dma_wait3A_183, %dma_wait3A_185, %dma_wait3A_186] : memref<2x128x128xf32, #tpu.memory_space<vmem>> -> memref<1x128x128xf32, #tpu.memory_space<vmem>>
      %dma_wait3A_188 = tpu.memref_squeeze %dma_wait3A_187 : memref<1x128x128xf32, #tpu.memory_space<vmem>> -> memref<128x128xf32, #tpu.memory_space<vmem>>
      %dma_wait3A_189 = arith.constant 0 : i32
      %dma_wait3A_190 = tpu.memref_slice %arg8[%dma_wait3A_184, %dma_wait3A_189] : memref<2x128xi32, #tpu.memory_space<vmem>> -> memref<1x128xi32, #tpu.memory_space<vmem>>
      %dma_wait3A_191 = tpu.memref_squeeze %dma_wait3A_190 : memref<1x128xi32, #tpu.memory_space<vmem>> -> memref<128xi32, #tpu.memory_space<vmem>>
      %dma_wait3A_192 = arith.constant 0 : i32
      %dma_wait3A_193 = arith.constant 0 : i32
      %dma_wait3A_194 = tpu.memref_slice %arg10[%dma_wait3A_192, %dma_wait3A_193] : memref<10112x128xf32, #tpu.memory_space<vmem_shared>> -> memref<10112x128xf32, #tpu.memory_space<vmem_shared>>
      tpu.wait_indirect_dma semaphore(%arg13 : memref<!tpu.dma_semaphore, #tpu.memory_space<semaphore_mem>>) src(%dma_wait3A_188 : memref<128x128xf32, #tpu.memory_space<vmem>>) dst(%dma_wait3A_194 : memref<10112x128xf32, #tpu.memory_space<vmem_shared>>)
    }
    %scan3A_11 = arith.constant 40 : i32
    %barrier3A_12 = arith.constant 0 : index
    tpu.barrier barrier_id(%barrier3A_12)
    %mul3A_13 = arith.constant 632 : i32
    %mul3A_14 = arith.muli %arg1, %mul3A_13 : i32
    %mul3A_15 = arith.constant 632 : i32
    %mul3A_16 = arith.muli %arg1, %mul3A_15 : i32
    "tpu.region"() ({
      %run_scoped3A = tpu.sem_alloc : memref<!tpu.dma_semaphore, #tpu.memory_space<semaphore_mem>>
      %dma_start3A = arith.constant 0 : i32
      %dma_start3A_17 = tpu.memref_slice %arg6[%arg0, %mul3A_16, %dma_start3A] : memref<2x10112x128xf32, #tpu.memory_space<hbm>> -> memref<1x632x128xf32, #tpu.memory_space<hbm>>
      %dma_start3A_18 = tpu.memref_squeeze %dma_start3A_17 : memref<1x632x128xf32, #tpu.memory_space<hbm>> -> memref<632x128xf32, #tpu.memory_space<hbm>>
      %dma_start3A_19 = arith.constant 0 : i32
      %dma_start3A_20 = tpu.memref_slice %arg10[%mul3A_14, %dma_start3A_19] : memref<10112x128xf32, #tpu.memory_space<vmem_shared>> -> memref<632x128xf32, #tpu.memory_space<vmem_shared>>
      tpu.enqueue_dma source(%dma_start3A_20 : memref<632x128xf32, #tpu.memory_space<vmem_shared>>) target(%dma_start3A_18 : memref<632x128xf32, #tpu.memory_space<hbm>>) target_semaphore(%run_scoped3A : memref<!tpu.dma_semaphore, #tpu.memory_space<semaphore_mem>>)
      %dma_wait3A = arith.constant 0 : i32
      %dma_wait3A_21 = tpu.memref_slice %arg6[%arg0, %mul3A_16, %dma_wait3A] : memref<2x10112x128xf32, #tpu.memory_space<hbm>> -> memref<1x632x128xf32, #tpu.memory_space<hbm>>
      %dma_wait3A_22 = tpu.memref_squeeze %dma_wait3A_21 : memref<1x632x128xf32, #tpu.memory_space<hbm>> -> memref<632x128xf32, #tpu.memory_space<hbm>>
      %dma_wait3A_23 = arith.constant 0 : i32
      %dma_wait3A_24 = tpu.memref_slice %arg10[%mul3A_14, %dma_wait3A_23] : memref<10112x128xf32, #tpu.memory_space<vmem_shared>> -> memref<632x128xf32, #tpu.memory_space<vmem_shared>>
      tpu.wait_dma2 semaphore(%run_scoped3A : memref<!tpu.dma_semaphore, #tpu.memory_space<semaphore_mem>>) src(%dma_wait3A_24 : memref<632x128xf32, #tpu.memory_space<vmem_shared>>) dst(%dma_wait3A_22 : memref<632x128xf32, #tpu.memory_space<hbm>>)
      tpu.yield
    }) : () -> ()
    return
  }
}

#map = affine_map<(d0, d1) -> (0)>
#map1 = affine_map<(d0, d1) -> (0, 0)>
#map2 = affine_map<(d0, d1) -> (0, 0, 0)>
module attributes {stable_mosaic.version = 14 : i64} {
  func.func @_edge_kernel(%arg0: i32, %arg1: i32, %arg2: memref<327680xi32, #tpu.memory_space<hbm>>, %arg3: memref<327680xi32, #tpu.memory_space<hbm>>, %arg4: memref<10112x128xf32, #tpu.memory_space<hbm>>, %arg5: memref<10112x128xf32, #tpu.memory_space<hbm>>, %arg6: memref<2x10112x128xf32, #tpu.memory_space<hbm>>, %arg7: memref<2x128xi32, #tpu.memory_space<vmem>>, %arg8: memref<2x128xi32, #tpu.memory_space<vmem>>, %arg9: memref<2x128x128xf32, #tpu.memory_space<vmem>>, %arg10: memref<10112x128xf32, #tpu.memory_space<vmem_shared>>, %arg11: memref<!tpu.dma_semaphore, #tpu.memory_space<semaphore_mem>>, %arg12: memref<!tpu.dma_semaphore, #tpu.memory_space<semaphore_mem>>, %arg13: memref<!tpu.dma_semaphore, #tpu.memory_space<semaphore_mem>>) attributes {dimension_semantics = [#tpu.dimension_semantics<core_parallel>, #tpu.dimension_semantics<subcore_parallel>], iteration_bounds = array<i64: 2, 16>, scalar_prefetch = 0 : i64, scratch_operands = 7 : i64, tpu.core_type = #tpu.core_type<sc_vector_subcore>, window_params = [{transform_indices = #map}, {transform_indices = #map}, {transform_indices = #map1}, {transform_indices = #map1}, {transform_indices = #map2}]} {
    %mul3A = arith.constant 16 : i32
    %mul3A_0 = arith.muli %arg0, %mul3A : i32
    %add3A = arith.addi %mul3A_0, %arg1 : i32
    %mul3A_1 = arith.constant 632 : i32
    %mul3A_2 = arith.muli %arg1, %mul3A_1 : i32
    %mul3A_3 = arith.constant 632 : i32
    %mul3A_4 = arith.muli %arg1, %mul3A_3 : i32
    "tpu.region"() ({
      %run_scoped3A = tpu.sem_alloc : memref<!tpu.dma_semaphore, #tpu.memory_space<semaphore_mem>>
      %dma_start3A = arith.constant 0 : i32
      %dma_start3A_17 = tpu.memref_slice %arg10[%mul3A_4, %dma_start3A] : memref<10112x128xf32, #tpu.memory_space<vmem_shared>> -> memref<632x128xf32, #tpu.memory_space<vmem_shared>>
      %dma_start3A_18 = arith.constant 0 : i32
      %dma_start3A_19 = tpu.memref_slice %arg5[%mul3A_2, %dma_start3A_18] : memref<10112x128xf32, #tpu.memory_space<hbm>> -> memref<632x128xf32, #tpu.memory_space<hbm>>
      tpu.enqueue_dma source(%dma_start3A_19 : memref<632x128xf32, #tpu.memory_space<hbm>>) target(%dma_start3A_17 : memref<632x128xf32, #tpu.memory_space<vmem_shared>>) target_semaphore(%run_scoped3A : memref<!tpu.dma_semaphore, #tpu.memory_space<semaphore_mem>>)
      %dma_wait3A = arith.constant 0 : i32
      %dma_wait3A_20 = tpu.memref_slice %arg10[%mul3A_4, %dma_wait3A] : memref<10112x128xf32, #tpu.memory_space<vmem_shared>> -> memref<632x128xf32, #tpu.memory_space<vmem_shared>>
      %dma_wait3A_21 = arith.constant 0 : i32
      %dma_wait3A_22 = tpu.memref_slice %arg5[%mul3A_2, %dma_wait3A_21] : memref<10112x128xf32, #tpu.memory_space<hbm>> -> memref<632x128xf32, #tpu.memory_space<hbm>>
      tpu.wait_dma2 semaphore(%run_scoped3A : memref<!tpu.dma_semaphore, #tpu.memory_space<semaphore_mem>>) src(%dma_wait3A_22 : memref<632x128xf32, #tpu.memory_space<hbm>>) dst(%dma_wait3A_20 : memref<632x128xf32, #tpu.memory_space<vmem_shared>>)
      tpu.yield
    }) : () -> ()
    %barrier3A = arith.constant 0 : index
    tpu.barrier barrier_id(%barrier3A)
    %mul3A_5 = arith.constant 10240 : i32
    %mul3A_6 = arith.muli %add3A, %mul3A_5 : i32
    %scan3A = arith.constant 0 : i32
    %scan3A_7 = arith.constant 0 : i32
    %scan3A_8 = arith.constant 40 : i32
    %scan3A_9 = arith.addi %scan3A_7, %scan3A_8 : i32
    %scan3A_10 = arith.constant 1 : i32
    scf.for %scan3A_17 = %scan3A_7 to %scan3A_9 step %scan3A_10  : i32 {
      %mul3A_18 = arith.constant 256 : i32
      %mul3A_19 = arith.muli %scan3A_17, %mul3A_18 : i32
      %add3A_20 = arith.addi %mul3A_6, %mul3A_19 : i32
      %add3A_21 = arith.constant 0 : i32
      %add3A_22 = arith.addi %add3A_20, %add3A_21 : i32
      %dma_start3A = arith.constant 0 : i32
      %dma_start3A_23 = arith.constant 0 : i32
      %dma_start3A_24 = tpu.memref_slice %arg7[%dma_start3A, %dma_start3A_23] : memref<2x128xi32, #tpu.memory_space<vmem>> -> memref<1x128xi32, #tpu.memory_space<vmem>>
      %dma_start3A_25 = tpu.memref_squeeze %dma_start3A_24 : memref<1x128xi32, #tpu.memory_space<vmem>> -> memref<128xi32, #tpu.memory_space<vmem>>
      %dma_start3A_26 = tpu.memref_slice %arg2[%add3A_22] : memref<327680xi32, #tpu.memory_space<hbm>> -> memref<128xi32, #tpu.memory_space<hbm>>
      %dma_start3A_27 = arith.constant 0 : i32
      %dma_start3A_28 = tpu.memref_slice %arg7[%dma_start3A, %dma_start3A_27] : memref<2x128xi32, #tpu.memory_space<vmem>> -> memref<1x128xi32, #tpu.memory_space<vmem>>
      %dma_start3A_29 = tpu.memref_squeeze %dma_start3A_28 : memref<1x128xi32, #tpu.memory_space<vmem>> -> memref<128xi32, #tpu.memory_space<vmem>>
      %dma_start3A_30 = tpu.memref_slice %arg2[%add3A_22] : memref<327680xi32, #tpu.memory_space<hbm>> -> memref<128xi32, #tpu.memory_space<hbm>>
      tpu.enqueue_dma source(%dma_start3A_30 : memref<128xi32, #tpu.memory_space<hbm>>) target(%dma_start3A_29 : memref<128xi32, #tpu.memory_space<vmem>>) target_semaphore(%arg11 : memref<!tpu.dma_semaphore, #tpu.memory_space<semaphore_mem>>)
      %add3A_31 = arith.constant 0 : i32
      %add3A_32 = arith.addi %add3A_20, %add3A_31 : i32
      %dma_start3A_33 = arith.constant 0 : i32
      %dma_start3A_34 = arith.constant 0 : i32
      %dma_start3A_35 = tpu.memref_slice %arg8[%dma_start3A_33, %dma_start3A_34] : memref<2x128xi32, #tpu.memory_space<vmem>> -> memref<1x128xi32, #tpu.memory_space<vmem>>
      %dma_start3A_36 = tpu.memref_squeeze %dma_start3A_35 : memref<1x128xi32, #tpu.memory_space<vmem>> -> memref<128xi32, #tpu.memory_space<vmem>>
      %dma_start3A_37 = tpu.memref_slice %arg3[%add3A_32] : memref<327680xi32, #tpu.memory_space<hbm>> -> memref<128xi32, #tpu.memory_space<hbm>>
      %dma_start3A_38 = arith.constant 0 : i32
      %dma_start3A_39 = tpu.memref_slice %arg8[%dma_start3A_33, %dma_start3A_38] : memref<2x128xi32, #tpu.memory_space<vmem>> -> memref<1x128xi32, #tpu.memory_space<vmem>>
      %dma_start3A_40 = tpu.memref_squeeze %dma_start3A_39 : memref<1x128xi32, #tpu.memory_space<vmem>> -> memref<128xi32, #tpu.memory_space<vmem>>
      %dma_start3A_41 = tpu.memref_slice %arg3[%add3A_32] : memref<327680xi32, #tpu.memory_space<hbm>> -> memref<128xi32, #tpu.memory_space<hbm>>
      tpu.enqueue_dma source(%dma_start3A_41 : memref<128xi32, #tpu.memory_space<hbm>>) target(%dma_start3A_40 : memref<128xi32, #tpu.memory_space<vmem>>) target_semaphore(%arg11 : memref<!tpu.dma_semaphore, #tpu.memory_space<semaphore_mem>>)
      %add3A_42 = arith.constant 128 : i32
      %add3A_43 = arith.addi %add3A_20, %add3A_42 : i32
      %dma_start3A_44 = arith.constant 1 : i32
      %dma_start3A_45 = arith.constant 0 : i32
      %dma_start3A_46 = tpu.memref_slice %arg7[%dma_start3A_44, %dma_start3A_45] : memref<2x128xi32, #tpu.memory_space<vmem>> -> memref<1x128xi32, #tpu.memory_space<vmem>>
      %dma_start3A_47 = tpu.memref_squeeze %dma_start3A_46 : memref<1x128xi32, #tpu.memory_space<vmem>> -> memref<128xi32, #tpu.memory_space<vmem>>
      %dma_start3A_48 = tpu.memref_slice %arg2[%add3A_43] : memref<327680xi32, #tpu.memory_space<hbm>> -> memref<128xi32, #tpu.memory_space<hbm>>
      %dma_start3A_49 = arith.constant 0 : i32
      %dma_start3A_50 = tpu.memref_slice %arg7[%dma_start3A_44, %dma_start3A_49] : memref<2x128xi32, #tpu.memory_space<vmem>> -> memref<1x128xi32, #tpu.memory_space<vmem>>
      %dma_start3A_51 = tpu.memref_squeeze %dma_start3A_50 : memref<1x128xi32, #tpu.memory_space<vmem>> -> memref<128xi32, #tpu.memory_space<vmem>>
      %dma_start3A_52 = tpu.memref_slice %arg2[%add3A_43] : memref<327680xi32, #tpu.memory_space<hbm>> -> memref<128xi32, #tpu.memory_space<hbm>>
      tpu.enqueue_dma source(%dma_start3A_52 : memref<128xi32, #tpu.memory_space<hbm>>) target(%dma_start3A_51 : memref<128xi32, #tpu.memory_space<vmem>>) target_semaphore(%arg11 : memref<!tpu.dma_semaphore, #tpu.memory_space<semaphore_mem>>)
      %add3A_53 = arith.constant 128 : i32
      %add3A_54 = arith.addi %add3A_20, %add3A_53 : i32
      %dma_start3A_55 = arith.constant 1 : i32
      %dma_start3A_56 = arith.constant 0 : i32
      %dma_start3A_57 = tpu.memref_slice %arg8[%dma_start3A_55, %dma_start3A_56] : memref<2x128xi32, #tpu.memory_space<vmem>> -> memref<1x128xi32, #tpu.memory_space<vmem>>
      %dma_start3A_58 = tpu.memref_squeeze %dma_start3A_57 : memref<1x128xi32, #tpu.memory_space<vmem>> -> memref<128xi32, #tpu.memory_space<vmem>>
      %dma_start3A_59 = tpu.memref_slice %arg3[%add3A_54] : memref<327680xi32, #tpu.memory_space<hbm>> -> memref<128xi32, #tpu.memory_space<hbm>>
      %dma_start3A_60 = arith.constant 0 : i32
      %dma_start3A_61 = tpu.memref_slice %arg8[%dma_start3A_55, %dma_start3A_60] : memref<2x128xi32, #tpu.memory_space<vmem>> -> memref<1x128xi32, #tpu.memory_space<vmem>>
      %dma_start3A_62 = tpu.memref_squeeze %dma_start3A_61 : memref<1x128xi32, #tpu.memory_space<vmem>> -> memref<128xi32, #tpu.memory_space<vmem>>
      %dma_start3A_63 = tpu.memref_slice %arg3[%add3A_54] : memref<327680xi32, #tpu.memory_space<hbm>> -> memref<128xi32, #tpu.memory_space<hbm>>
      tpu.enqueue_dma source(%dma_start3A_63 : memref<128xi32, #tpu.memory_space<hbm>>) target(%dma_start3A_62 : memref<128xi32, #tpu.memory_space<vmem>>) target_semaphore(%arg11 : memref<!tpu.dma_semaphore, #tpu.memory_space<semaphore_mem>>)
      %dma_wait3A = arith.constant 0 : i32
      %dma_wait3A_64 = arith.constant 0 : i32
      %dma_wait3A_65 = tpu.memref_slice %arg7[%dma_wait3A, %dma_wait3A_64] : memref<2x128xi32, #tpu.memory_space<vmem>> -> memref<1x128xi32, #tpu.memory_space<vmem>>
      %dma_wait3A_66 = tpu.memref_squeeze %dma_wait3A_65 : memref<1x128xi32, #tpu.memory_space<vmem>> -> memref<128xi32, #tpu.memory_space<vmem>>
      %dma_wait3A_67 = tpu.memref_slice %arg2[%add3A_22] : memref<327680xi32, #tpu.memory_space<hbm>> -> memref<128xi32, #tpu.memory_space<hbm>>
      %dma_wait3A_68 = arith.constant 0 : i32
      %dma_wait3A_69 = tpu.memref_slice %arg7[%dma_wait3A, %dma_wait3A_68] : memref<2x128xi32, #tpu.memory_space<vmem>> -> memref<1x128xi32, #tpu.memory_space<vmem>>
      %dma_wait3A_70 = tpu.memref_squeeze %dma_wait3A_69 : memref<1x128xi32, #tpu.memory_space<vmem>> -> memref<128xi32, #tpu.memory_space<vmem>>
      %dma_wait3A_71 = tpu.memref_slice %arg2[%add3A_22] : memref<327680xi32, #tpu.memory_space<hbm>> -> memref<128xi32, #tpu.memory_space<hbm>>
      tpu.wait_dma2 semaphore(%arg11 : memref<!tpu.dma_semaphore, #tpu.memory_space<semaphore_mem>>) src(%dma_wait3A_71 : memref<128xi32, #tpu.memory_space<hbm>>) dst(%dma_wait3A_70 : memref<128xi32, #tpu.memory_space<vmem>>)
      %dma_wait3A_72 = arith.constant 0 : i32
      %dma_wait3A_73 = arith.constant 0 : i32
      %dma_wait3A_74 = tpu.memref_slice %arg8[%dma_wait3A_72, %dma_wait3A_73] : memref<2x128xi32, #tpu.memory_space<vmem>> -> memref<1x128xi32, #tpu.memory_space<vmem>>
      %dma_wait3A_75 = tpu.memref_squeeze %dma_wait3A_74 : memref<1x128xi32, #tpu.memory_space<vmem>> -> memref<128xi32, #tpu.memory_space<vmem>>
      %dma_wait3A_76 = tpu.memref_slice %arg3[%add3A_32] : memref<327680xi32, #tpu.memory_space<hbm>> -> memref<128xi32, #tpu.memory_space<hbm>>
      %dma_wait3A_77 = arith.constant 0 : i32
      %dma_wait3A_78 = tpu.memref_slice %arg8[%dma_wait3A_72, %dma_wait3A_77] : memref<2x128xi32, #tpu.memory_space<vmem>> -> memref<1x128xi32, #tpu.memory_space<vmem>>
      %dma_wait3A_79 = tpu.memref_squeeze %dma_wait3A_78 : memref<1x128xi32, #tpu.memory_space<vmem>> -> memref<128xi32, #tpu.memory_space<vmem>>
      %dma_wait3A_80 = tpu.memref_slice %arg3[%add3A_32] : memref<327680xi32, #tpu.memory_space<hbm>> -> memref<128xi32, #tpu.memory_space<hbm>>
      tpu.wait_dma2 semaphore(%arg11 : memref<!tpu.dma_semaphore, #tpu.memory_space<semaphore_mem>>) src(%dma_wait3A_80 : memref<128xi32, #tpu.memory_space<hbm>>) dst(%dma_wait3A_79 : memref<128xi32, #tpu.memory_space<vmem>>)
      %dma_wait3A_81 = arith.constant 1 : i32
      %dma_wait3A_82 = arith.constant 0 : i32
      %dma_wait3A_83 = tpu.memref_slice %arg7[%dma_wait3A_81, %dma_wait3A_82] : memref<2x128xi32, #tpu.memory_space<vmem>> -> memref<1x128xi32, #tpu.memory_space<vmem>>
      %dma_wait3A_84 = tpu.memref_squeeze %dma_wait3A_83 : memref<1x128xi32, #tpu.memory_space<vmem>> -> memref<128xi32, #tpu.memory_space<vmem>>
      %dma_wait3A_85 = tpu.memref_slice %arg2[%add3A_43] : memref<327680xi32, #tpu.memory_space<hbm>> -> memref<128xi32, #tpu.memory_space<hbm>>
      %dma_wait3A_86 = arith.constant 0 : i32
      %dma_wait3A_87 = tpu.memref_slice %arg7[%dma_wait3A_81, %dma_wait3A_86] : memref<2x128xi32, #tpu.memory_space<vmem>> -> memref<1x128xi32, #tpu.memory_space<vmem>>
      %dma_wait3A_88 = tpu.memref_squeeze %dma_wait3A_87 : memref<1x128xi32, #tpu.memory_space<vmem>> -> memref<128xi32, #tpu.memory_space<vmem>>
      %dma_wait3A_89 = tpu.memref_slice %arg2[%add3A_43] : memref<327680xi32, #tpu.memory_space<hbm>> -> memref<128xi32, #tpu.memory_space<hbm>>
      tpu.wait_dma2 semaphore(%arg11 : memref<!tpu.dma_semaphore, #tpu.memory_space<semaphore_mem>>) src(%dma_wait3A_89 : memref<128xi32, #tpu.memory_space<hbm>>) dst(%dma_wait3A_88 : memref<128xi32, #tpu.memory_space<vmem>>)
      %dma_wait3A_90 = arith.constant 1 : i32
      %dma_wait3A_91 = arith.constant 0 : i32
      %dma_wait3A_92 = tpu.memref_slice %arg8[%dma_wait3A_90, %dma_wait3A_91] : memref<2x128xi32, #tpu.memory_space<vmem>> -> memref<1x128xi32, #tpu.memory_space<vmem>>
      %dma_wait3A_93 = tpu.memref_squeeze %dma_wait3A_92 : memref<1x128xi32, #tpu.memory_space<vmem>> -> memref<128xi32, #tpu.memory_space<vmem>>
      %dma_wait3A_94 = tpu.memref_slice %arg3[%add3A_54] : memref<327680xi32, #tpu.memory_space<hbm>> -> memref<128xi32, #tpu.memory_space<hbm>>
      %dma_wait3A_95 = arith.constant 0 : i32
      %dma_wait3A_96 = tpu.memref_slice %arg8[%dma_wait3A_90, %dma_wait3A_95] : memref<2x128xi32, #tpu.memory_space<vmem>> -> memref<1x128xi32, #tpu.memory_space<vmem>>
      %dma_wait3A_97 = tpu.memref_squeeze %dma_wait3A_96 : memref<1x128xi32, #tpu.memory_space<vmem>> -> memref<128xi32, #tpu.memory_space<vmem>>
      %dma_wait3A_98 = tpu.memref_slice %arg3[%add3A_54] : memref<327680xi32, #tpu.memory_space<hbm>> -> memref<128xi32, #tpu.memory_space<hbm>>
      tpu.wait_dma2 semaphore(%arg11 : memref<!tpu.dma_semaphore, #tpu.memory_space<semaphore_mem>>) src(%dma_wait3A_98 : memref<128xi32, #tpu.memory_space<hbm>>) dst(%dma_wait3A_97 : memref<128xi32, #tpu.memory_space<vmem>>)
      %dma_start3A_99 = arith.constant 0 : i32
      %dma_start3A_100 = arith.constant 0 : i32
      %dma_start3A_101 = arith.constant 0 : i32
      %dma_start3A_102 = arith.constant 0 : i32
      %dma_start3A_103 = tpu.memref_slice %arg9[%dma_start3A_100, %dma_start3A_101, %dma_start3A_102] : memref<2x128x128xf32, #tpu.memory_space<vmem>> -> memref<1x128x128xf32, #tpu.memory_space<vmem>>
      %dma_start3A_104 = tpu.memref_squeeze %dma_start3A_103 : memref<1x128x128xf32, #tpu.memory_space<vmem>> -> memref<128x128xf32, #tpu.memory_space<vmem>>
      %dma_start3A_105 = arith.constant 0 : i32
      %dma_start3A_106 = tpu.memref_slice %arg7[%dma_start3A_99, %dma_start3A_105] : memref<2x128xi32, #tpu.memory_space<vmem>> -> memref<1x128xi32, #tpu.memory_space<vmem>>
      %dma_start3A_107 = tpu.memref_squeeze %dma_start3A_106 : memref<1x128xi32, #tpu.memory_space<vmem>> -> memref<128xi32, #tpu.memory_space<vmem>>
      %dma_start3A_108 = arith.constant 0 : i32
      %dma_start3A_109 = arith.constant 0 : i32
      %dma_start3A_110 = tpu.memref_slice %arg4[%dma_start3A_108, %dma_start3A_109] : memref<10112x128xf32, #tpu.memory_space<hbm>> -> memref<10112x128xf32, #tpu.memory_space<hbm>>
      tpu.enqueue_indirect_dma source(%dma_start3A_110 : memref<10112x128xf32, #tpu.memory_space<hbm>>) target(%dma_start3A_104 : memref<128x128xf32, #tpu.memory_space<vmem>>) offsets(%dma_start3A_107 : memref<128xi32, #tpu.memory_space<vmem>>) semaphore(%arg12 : memref<!tpu.dma_semaphore, #tpu.memory_space<semaphore_mem>>)
      %dma_start3A_111 = arith.constant 1 : i32
      %dma_start3A_112 = arith.constant 1 : i32
      %dma_start3A_113 = arith.constant 0 : i32
      %dma_start3A_114 = arith.constant 0 : i32
      %dma_start3A_115 = tpu.memref_slice %arg9[%dma_start3A_112, %dma_start3A_113, %dma_start3A_114] : memref<2x128x128xf32, #tpu.memory_space<vmem>> -> memref<1x128x128xf32, #tpu.memory_space<vmem>>
      %dma_start3A_116 = tpu.memref_squeeze %dma_start3A_115 : memref<1x128x128xf32, #tpu.memory_space<vmem>> -> memref<128x128xf32, #tpu.memory_space<vmem>>
      %dma_start3A_117 = arith.constant 0 : i32
      %dma_start3A_118 = tpu.memref_slice %arg7[%dma_start3A_111, %dma_start3A_117] : memref<2x128xi32, #tpu.memory_space<vmem>> -> memref<1x128xi32, #tpu.memory_space<vmem>>
      %dma_start3A_119 = tpu.memref_squeeze %dma_start3A_118 : memref<1x128xi32, #tpu.memory_space<vmem>> -> memref<128xi32, #tpu.memory_space<vmem>>
      %dma_start3A_120 = arith.constant 0 : i32
      %dma_start3A_121 = arith.constant 0 : i32
      %dma_start3A_122 = tpu.memref_slice %arg4[%dma_start3A_120, %dma_start3A_121] : memref<10112x128xf32, #tpu.memory_space<hbm>> -> memref<10112x128xf32, #tpu.memory_space<hbm>>
      tpu.enqueue_indirect_dma source(%dma_start3A_122 : memref<10112x128xf32, #tpu.memory_space<hbm>>) target(%dma_start3A_116 : memref<128x128xf32, #tpu.memory_space<vmem>>) offsets(%dma_start3A_119 : memref<128xi32, #tpu.memory_space<vmem>>) semaphore(%arg12 : memref<!tpu.dma_semaphore, #tpu.memory_space<semaphore_mem>>)
      %dma_wait3A_123 = arith.constant 0 : i32
      %dma_wait3A_124 = arith.constant 0 : i32
      %dma_wait3A_125 = arith.constant 0 : i32
      %dma_wait3A_126 = arith.constant 0 : i32
      %dma_wait3A_127 = tpu.memref_slice %arg9[%dma_wait3A_124, %dma_wait3A_125, %dma_wait3A_126] : memref<2x128x128xf32, #tpu.memory_space<vmem>> -> memref<1x128x128xf32, #tpu.memory_space<vmem>>
      %dma_wait3A_128 = tpu.memref_squeeze %dma_wait3A_127 : memref<1x128x128xf32, #tpu.memory_space<vmem>> -> memref<128x128xf32, #tpu.memory_space<vmem>>
      %dma_wait3A_129 = arith.constant 0 : i32
      %dma_wait3A_130 = tpu.memref_slice %arg7[%dma_wait3A_123, %dma_wait3A_129] : memref<2x128xi32, #tpu.memory_space<vmem>> -> memref<1x128xi32, #tpu.memory_space<vmem>>
      %dma_wait3A_131 = tpu.memref_squeeze %dma_wait3A_130 : memref<1x128xi32, #tpu.memory_space<vmem>> -> memref<128xi32, #tpu.memory_space<vmem>>
      %dma_wait3A_132 = arith.constant 0 : i32
      %dma_wait3A_133 = arith.constant 0 : i32
      %dma_wait3A_134 = tpu.memref_slice %arg4[%dma_wait3A_132, %dma_wait3A_133] : memref<10112x128xf32, #tpu.memory_space<hbm>> -> memref<10112x128xf32, #tpu.memory_space<hbm>>
      tpu.wait_indirect_dma semaphore(%arg12 : memref<!tpu.dma_semaphore, #tpu.memory_space<semaphore_mem>>) src(%dma_wait3A_134 : memref<10112x128xf32, #tpu.memory_space<hbm>>) dst(%dma_wait3A_128 : memref<128x128xf32, #tpu.memory_space<vmem>>)
      %dma_wait3A_135 = arith.constant 1 : i32
      %dma_wait3A_136 = arith.constant 1 : i32
      %dma_wait3A_137 = arith.constant 0 : i32
      %dma_wait3A_138 = arith.constant 0 : i32
      %dma_wait3A_139 = tpu.memref_slice %arg9[%dma_wait3A_136, %dma_wait3A_137, %dma_wait3A_138] : memref<2x128x128xf32, #tpu.memory_space<vmem>> -> memref<1x128x128xf32, #tpu.memory_space<vmem>>
      %dma_wait3A_140 = tpu.memref_squeeze %dma_wait3A_139 : memref<1x128x128xf32, #tpu.memory_space<vmem>> -> memref<128x128xf32, #tpu.memory_space<vmem>>
      %dma_wait3A_141 = arith.constant 0 : i32
      %dma_wait3A_142 = tpu.memref_slice %arg7[%dma_wait3A_135, %dma_wait3A_141] : memref<2x128xi32, #tpu.memory_space<vmem>> -> memref<1x128xi32, #tpu.memory_space<vmem>>
      %dma_wait3A_143 = tpu.memref_squeeze %dma_wait3A_142 : memref<1x128xi32, #tpu.memory_space<vmem>> -> memref<128xi32, #tpu.memory_space<vmem>>
      %dma_wait3A_144 = arith.constant 0 : i32
      %dma_wait3A_145 = arith.constant 0 : i32
      %dma_wait3A_146 = tpu.memref_slice %arg4[%dma_wait3A_144, %dma_wait3A_145] : memref<10112x128xf32, #tpu.memory_space<hbm>> -> memref<10112x128xf32, #tpu.memory_space<hbm>>
      tpu.wait_indirect_dma semaphore(%arg12 : memref<!tpu.dma_semaphore, #tpu.memory_space<semaphore_mem>>) src(%dma_wait3A_146 : memref<10112x128xf32, #tpu.memory_space<hbm>>) dst(%dma_wait3A_140 : memref<128x128xf32, #tpu.memory_space<vmem>>)
      %dma_start3A_147 = arith.constant 0 : i32
      %dma_start3A_148 = arith.constant 0 : i32
      %dma_start3A_149 = arith.constant 0 : i32
      %dma_start3A_150 = arith.constant 0 : i32
      %dma_start3A_151 = tpu.memref_slice %arg9[%dma_start3A_147, %dma_start3A_149, %dma_start3A_150] : memref<2x128x128xf32, #tpu.memory_space<vmem>> -> memref<1x128x128xf32, #tpu.memory_space<vmem>>
      %dma_start3A_152 = tpu.memref_squeeze %dma_start3A_151 : memref<1x128x128xf32, #tpu.memory_space<vmem>> -> memref<128x128xf32, #tpu.memory_space<vmem>>
      %dma_start3A_153 = arith.constant 0 : i32
      %dma_start3A_154 = tpu.memref_slice %arg8[%dma_start3A_148, %dma_start3A_153] : memref<2x128xi32, #tpu.memory_space<vmem>> -> memref<1x128xi32, #tpu.memory_space<vmem>>
      %dma_start3A_155 = tpu.memref_squeeze %dma_start3A_154 : memref<1x128xi32, #tpu.memory_space<vmem>> -> memref<128xi32, #tpu.memory_space<vmem>>
      %dma_start3A_156 = arith.constant 0 : i32
      %dma_start3A_157 = arith.constant 0 : i32
      %dma_start3A_158 = tpu.memref_slice %arg10[%dma_start3A_156, %dma_start3A_157] : memref<10112x128xf32, #tpu.memory_space<vmem_shared>> -> memref<10112x128xf32, #tpu.memory_space<vmem_shared>>
      tpu.enqueue_indirect_dma source(%dma_start3A_152 : memref<128x128xf32, #tpu.memory_space<vmem>>) target(%dma_start3A_158 : memref<10112x128xf32, #tpu.memory_space<vmem_shared>>) offsets(%dma_start3A_155 : memref<128xi32, #tpu.memory_space<vmem>>) semaphore(%arg13 : memref<!tpu.dma_semaphore, #tpu.memory_space<semaphore_mem>>) {add = true}
      %dma_start3A_159 = arith.constant 1 : i32
      %dma_start3A_160 = arith.constant 1 : i32
      %dma_start3A_161 = arith.constant 0 : i32
      %dma_start3A_162 = arith.constant 0 : i32
      %dma_start3A_163 = tpu.memref_slice %arg9[%dma_start3A_159, %dma_start3A_161, %dma_start3A_162] : memref<2x128x128xf32, #tpu.memory_space<vmem>> -> memref<1x128x128xf32, #tpu.memory_space<vmem>>
      %dma_start3A_164 = tpu.memref_squeeze %dma_start3A_163 : memref<1x128x128xf32, #tpu.memory_space<vmem>> -> memref<128x128xf32, #tpu.memory_space<vmem>>
      %dma_start3A_165 = arith.constant 0 : i32
      %dma_start3A_166 = tpu.memref_slice %arg8[%dma_start3A_160, %dma_start3A_165] : memref<2x128xi32, #tpu.memory_space<vmem>> -> memref<1x128xi32, #tpu.memory_space<vmem>>
      %dma_start3A_167 = tpu.memref_squeeze %dma_start3A_166 : memref<1x128xi32, #tpu.memory_space<vmem>> -> memref<128xi32, #tpu.memory_space<vmem>>
      %dma_start3A_168 = arith.constant 0 : i32
      %dma_start3A_169 = arith.constant 0 : i32
      %dma_start3A_170 = tpu.memref_slice %arg10[%dma_start3A_168, %dma_start3A_169] : memref<10112x128xf32, #tpu.memory_space<vmem_shared>> -> memref<10112x128xf32, #tpu.memory_space<vmem_shared>>
      tpu.enqueue_indirect_dma source(%dma_start3A_164 : memref<128x128xf32, #tpu.memory_space<vmem>>) target(%dma_start3A_170 : memref<10112x128xf32, #tpu.memory_space<vmem_shared>>) offsets(%dma_start3A_167 : memref<128xi32, #tpu.memory_space<vmem>>) semaphore(%arg13 : memref<!tpu.dma_semaphore, #tpu.memory_space<semaphore_mem>>) {add = true}
      %dma_wait3A_171 = arith.constant 0 : i32
      %dma_wait3A_172 = arith.constant 0 : i32
      %dma_wait3A_173 = arith.constant 0 : i32
      %dma_wait3A_174 = arith.constant 0 : i32
      %dma_wait3A_175 = tpu.memref_slice %arg9[%dma_wait3A_171, %dma_wait3A_173, %dma_wait3A_174] : memref<2x128x128xf32, #tpu.memory_space<vmem>> -> memref<1x128x128xf32, #tpu.memory_space<vmem>>
      %dma_wait3A_176 = tpu.memref_squeeze %dma_wait3A_175 : memref<1x128x128xf32, #tpu.memory_space<vmem>> -> memref<128x128xf32, #tpu.memory_space<vmem>>
      %dma_wait3A_177 = arith.constant 0 : i32
      %dma_wait3A_178 = tpu.memref_slice %arg8[%dma_wait3A_172, %dma_wait3A_177] : memref<2x128xi32, #tpu.memory_space<vmem>> -> memref<1x128xi32, #tpu.memory_space<vmem>>
      %dma_wait3A_179 = tpu.memref_squeeze %dma_wait3A_178 : memref<1x128xi32, #tpu.memory_space<vmem>> -> memref<128xi32, #tpu.memory_space<vmem>>
      %dma_wait3A_180 = arith.constant 0 : i32
      %dma_wait3A_181 = arith.constant 0 : i32
      %dma_wait3A_182 = tpu.memref_slice %arg10[%dma_wait3A_180, %dma_wait3A_181] : memref<10112x128xf32, #tpu.memory_space<vmem_shared>> -> memref<10112x128xf32, #tpu.memory_space<vmem_shared>>
      tpu.wait_indirect_dma semaphore(%arg13 : memref<!tpu.dma_semaphore, #tpu.memory_space<semaphore_mem>>) src(%dma_wait3A_176 : memref<128x128xf32, #tpu.memory_space<vmem>>) dst(%dma_wait3A_182 : memref<10112x128xf32, #tpu.memory_space<vmem_shared>>)
      %dma_wait3A_183 = arith.constant 1 : i32
      %dma_wait3A_184 = arith.constant 1 : i32
      %dma_wait3A_185 = arith.constant 0 : i32
      %dma_wait3A_186 = arith.constant 0 : i32
      %dma_wait3A_187 = tpu.memref_slice %arg9[%dma_wait3A_183, %dma_wait3A_185, %dma_wait3A_186] : memref<2x128x128xf32, #tpu.memory_space<vmem>> -> memref<1x128x128xf32, #tpu.memory_space<vmem>>
      %dma_wait3A_188 = tpu.memref_squeeze %dma_wait3A_187 : memref<1x128x128xf32, #tpu.memory_space<vmem>> -> memref<128x128xf32, #tpu.memory_space<vmem>>
      %dma_wait3A_189 = arith.constant 0 : i32
      %dma_wait3A_190 = tpu.memref_slice %arg8[%dma_wait3A_184, %dma_wait3A_189] : memref<2x128xi32, #tpu.memory_space<vmem>> -> memref<1x128xi32, #tpu.memory_space<vmem>>
      %dma_wait3A_191 = tpu.memref_squeeze %dma_wait3A_190 : memref<1x128xi32, #tpu.memory_space<vmem>> -> memref<128xi32, #tpu.memory_space<vmem>>
      %dma_wait3A_192 = arith.constant 0 : i32
      %dma_wait3A_193 = arith.constant 0 : i32
      %dma_wait3A_194 = tpu.memref_slice %arg10[%dma_wait3A_192, %dma_wait3A_193] : memref<10112x128xf32, #tpu.memory_space<vmem_shared>> -> memref<10112x128xf32, #tpu.memory_space<vmem_shared>>
      tpu.wait_indirect_dma semaphore(%arg13 : memref<!tpu.dma_semaphore, #tpu.memory_space<semaphore_mem>>) src(%dma_wait3A_188 : memref<128x128xf32, #tpu.memory_space<vmem>>) dst(%dma_wait3A_194 : memref<10112x128xf32, #tpu.memory_space<vmem_shared>>)
    }
    %scan3A_11 = arith.constant 40 : i32
    %barrier3A_12 = arith.constant 0 : index
    tpu.barrier barrier_id(%barrier3A_12)
    %mul3A_13 = arith.constant 632 : i32
    %mul3A_14 = arith.muli %arg1, %mul3A_13 : i32
    %mul3A_15 = arith.constant 632 : i32
    %mul3A_16 = arith.muli %arg1, %mul3A_15 : i32
    "tpu.region"() ({
      %run_scoped3A = tpu.sem_alloc : memref<!tpu.dma_semaphore, #tpu.memory_space<semaphore_mem>>
      %dma_start3A = arith.constant 0 : i32
      %dma_start3A_17 = tpu.memref_slice %arg6[%arg0, %mul3A_16, %dma_start3A] : memref<2x10112x128xf32, #tpu.memory_space<hbm>> -> memref<1x632x128xf32, #tpu.memory_space<hbm>>
      %dma_start3A_18 = tpu.memref_squeeze %dma_start3A_17 : memref<1x632x128xf32, #tpu.memory_space<hbm>> -> memref<632x128xf32, #tpu.memory_space<hbm>>
      %dma_start3A_19 = arith.constant 0 : i32
      %dma_start3A_20 = tpu.memref_slice %arg10[%mul3A_14, %dma_start3A_19] : memref<10112x128xf32, #tpu.memory_space<vmem_shared>> -> memref<632x128xf32, #tpu.memory_space<vmem_shared>>
      tpu.enqueue_dma source(%dma_start3A_20 : memref<632x128xf32, #tpu.memory_space<vmem_shared>>) target(%dma_start3A_18 : memref<632x128xf32, #tpu.memory_space<hbm>>) target_semaphore(%run_scoped3A : memref<!tpu.dma_semaphore, #tpu.memory_space<semaphore_mem>>)
      %dma_wait3A = arith.constant 0 : i32
      %dma_wait3A_21 = tpu.memref_slice %arg6[%arg0, %mul3A_16, %dma_wait3A] : memref<2x10112x128xf32, #tpu.memory_space<hbm>> -> memref<1x632x128xf32, #tpu.memory_space<hbm>>
      %dma_wait3A_22 = tpu.memref_squeeze %dma_wait3A_21 : memref<1x632x128xf32, #tpu.memory_space<hbm>> -> memref<632x128xf32, #tpu.memory_space<hbm>>
      %dma_wait3A_23 = arith.constant 0 : i32
      %dma_wait3A_24 = tpu.memref_slice %arg10[%mul3A_14, %dma_wait3A_23] : memref<10112x128xf32, #tpu.memory_space<vmem_shared>> -> memref<632x128xf32, #tpu.memory_space<vmem_shared>>
      tpu.wait_dma2 semaphore(%run_scoped3A : memref<!tpu.dma_semaphore, #tpu.memory_space<semaphore_mem>>) src(%dma_wait3A_24 : memref<632x128xf32, #tpu.memory_space<vmem_shared>>) dst(%dma_wait3A_22 : memref<632x128xf32, #tpu.memory_space<hbm>>)
      tpu.yield
    }) : () -> ()
    return
  }
}

#map = affine_map<(d0, d1) -> (0)>
#map1 = affine_map<(d0, d1) -> (0, 0)>
#map2 = affine_map<(d0, d1) -> (0, 0, 0)>
module attributes {stable_mosaic.version = 14 : i64} {
  func.func @_edge_kernel(%arg0: i32, %arg1: i32, %arg2: memref<327680xi32, #tpu.memory_space<hbm>>, %arg3: memref<327680xi32, #tpu.memory_space<hbm>>, %arg4: memref<10112x128xf32, #tpu.memory_space<hbm>>, %arg5: memref<10112x128xf32, #tpu.memory_space<hbm>>, %arg6: memref<2x10112x128xf32, #tpu.memory_space<hbm>>, %arg7: memref<2x128xi32, #tpu.memory_space<vmem>>, %arg8: memref<2x128xi32, #tpu.memory_space<vmem>>, %arg9: memref<2x128x128xf32, #tpu.memory_space<vmem>>, %arg10: memref<10112x128xf32, #tpu.memory_space<vmem_shared>>, %arg11: memref<!tpu.dma_semaphore, #tpu.memory_space<semaphore_mem>>, %arg12: memref<!tpu.dma_semaphore, #tpu.memory_space<semaphore_mem>>, %arg13: memref<!tpu.dma_semaphore, #tpu.memory_space<semaphore_mem>>) attributes {dimension_semantics = [#tpu.dimension_semantics<core_parallel>, #tpu.dimension_semantics<subcore_parallel>], iteration_bounds = array<i64: 2, 16>, scalar_prefetch = 0 : i64, scratch_operands = 7 : i64, tpu.core_type = #tpu.core_type<sc_vector_subcore>, window_params = [{transform_indices = #map}, {transform_indices = #map}, {transform_indices = #map1}, {transform_indices = #map1}, {transform_indices = #map2}]} {
    %mul3A = arith.constant 16 : i32
    %mul3A_0 = arith.muli %arg0, %mul3A : i32
    %add3A = arith.addi %mul3A_0, %arg1 : i32
    %mul3A_1 = arith.constant 632 : i32
    %mul3A_2 = arith.muli %arg1, %mul3A_1 : i32
    %mul3A_3 = arith.constant 632 : i32
    %mul3A_4 = arith.muli %arg1, %mul3A_3 : i32
    "tpu.region"() ({
      %run_scoped3A = tpu.sem_alloc : memref<!tpu.dma_semaphore, #tpu.memory_space<semaphore_mem>>
      %dma_start3A = arith.constant 0 : i32
      %dma_start3A_17 = tpu.memref_slice %arg10[%mul3A_4, %dma_start3A] : memref<10112x128xf32, #tpu.memory_space<vmem_shared>> -> memref<632x128xf32, #tpu.memory_space<vmem_shared>>
      %dma_start3A_18 = arith.constant 0 : i32
      %dma_start3A_19 = tpu.memref_slice %arg5[%mul3A_2, %dma_start3A_18] : memref<10112x128xf32, #tpu.memory_space<hbm>> -> memref<632x128xf32, #tpu.memory_space<hbm>>
      tpu.enqueue_dma source(%dma_start3A_19 : memref<632x128xf32, #tpu.memory_space<hbm>>) target(%dma_start3A_17 : memref<632x128xf32, #tpu.memory_space<vmem_shared>>) target_semaphore(%run_scoped3A : memref<!tpu.dma_semaphore, #tpu.memory_space<semaphore_mem>>)
      %dma_wait3A = arith.constant 0 : i32
      %dma_wait3A_20 = tpu.memref_slice %arg10[%mul3A_4, %dma_wait3A] : memref<10112x128xf32, #tpu.memory_space<vmem_shared>> -> memref<632x128xf32, #tpu.memory_space<vmem_shared>>
      %dma_wait3A_21 = arith.constant 0 : i32
      %dma_wait3A_22 = tpu.memref_slice %arg5[%mul3A_2, %dma_wait3A_21] : memref<10112x128xf32, #tpu.memory_space<hbm>> -> memref<632x128xf32, #tpu.memory_space<hbm>>
      tpu.wait_dma2 semaphore(%run_scoped3A : memref<!tpu.dma_semaphore, #tpu.memory_space<semaphore_mem>>) src(%dma_wait3A_22 : memref<632x128xf32, #tpu.memory_space<hbm>>) dst(%dma_wait3A_20 : memref<632x128xf32, #tpu.memory_space<vmem_shared>>)
      tpu.yield
    }) : () -> ()
    %barrier3A = arith.constant 0 : index
    tpu.barrier barrier_id(%barrier3A)
    %mul3A_5 = arith.constant 10240 : i32
    %mul3A_6 = arith.muli %add3A, %mul3A_5 : i32
    %scan3A = arith.constant 0 : i32
    %scan3A_7 = arith.constant 0 : i32
    %scan3A_8 = arith.constant 40 : i32
    %scan3A_9 = arith.addi %scan3A_7, %scan3A_8 : i32
    %scan3A_10 = arith.constant 1 : i32
    scf.for %scan3A_17 = %scan3A_7 to %scan3A_9 step %scan3A_10  : i32 {
      %mul3A_18 = arith.constant 256 : i32
      %mul3A_19 = arith.muli %scan3A_17, %mul3A_18 : i32
      %add3A_20 = arith.addi %mul3A_6, %mul3A_19 : i32
      %add3A_21 = arith.constant 0 : i32
      %add3A_22 = arith.addi %add3A_20, %add3A_21 : i32
      %dma_start3A = arith.constant 0 : i32
      %dma_start3A_23 = arith.constant 0 : i32
      %dma_start3A_24 = tpu.memref_slice %arg7[%dma_start3A, %dma_start3A_23] : memref<2x128xi32, #tpu.memory_space<vmem>> -> memref<1x128xi32, #tpu.memory_space<vmem>>
      %dma_start3A_25 = tpu.memref_squeeze %dma_start3A_24 : memref<1x128xi32, #tpu.memory_space<vmem>> -> memref<128xi32, #tpu.memory_space<vmem>>
      %dma_start3A_26 = tpu.memref_slice %arg2[%add3A_22] : memref<327680xi32, #tpu.memory_space<hbm>> -> memref<128xi32, #tpu.memory_space<hbm>>
      %dma_start3A_27 = arith.constant 0 : i32
      %dma_start3A_28 = tpu.memref_slice %arg7[%dma_start3A, %dma_start3A_27] : memref<2x128xi32, #tpu.memory_space<vmem>> -> memref<1x128xi32, #tpu.memory_space<vmem>>
      %dma_start3A_29 = tpu.memref_squeeze %dma_start3A_28 : memref<1x128xi32, #tpu.memory_space<vmem>> -> memref<128xi32, #tpu.memory_space<vmem>>
      %dma_start3A_30 = tpu.memref_slice %arg2[%add3A_22] : memref<327680xi32, #tpu.memory_space<hbm>> -> memref<128xi32, #tpu.memory_space<hbm>>
      tpu.enqueue_dma source(%dma_start3A_30 : memref<128xi32, #tpu.memory_space<hbm>>) target(%dma_start3A_29 : memref<128xi32, #tpu.memory_space<vmem>>) target_semaphore(%arg11 : memref<!tpu.dma_semaphore, #tpu.memory_space<semaphore_mem>>)
      %add3A_31 = arith.constant 0 : i32
      %add3A_32 = arith.addi %add3A_20, %add3A_31 : i32
      %dma_start3A_33 = arith.constant 0 : i32
      %dma_start3A_34 = arith.constant 0 : i32
      %dma_start3A_35 = tpu.memref_slice %arg8[%dma_start3A_33, %dma_start3A_34] : memref<2x128xi32, #tpu.memory_space<vmem>> -> memref<1x128xi32, #tpu.memory_space<vmem>>
      %dma_start3A_36 = tpu.memref_squeeze %dma_start3A_35 : memref<1x128xi32, #tpu.memory_space<vmem>> -> memref<128xi32, #tpu.memory_space<vmem>>
      %dma_start3A_37 = tpu.memref_slice %arg3[%add3A_32] : memref<327680xi32, #tpu.memory_space<hbm>> -> memref<128xi32, #tpu.memory_space<hbm>>
      %dma_start3A_38 = arith.constant 0 : i32
      %dma_start3A_39 = tpu.memref_slice %arg8[%dma_start3A_33, %dma_start3A_38] : memref<2x128xi32, #tpu.memory_space<vmem>> -> memref<1x128xi32, #tpu.memory_space<vmem>>
      %dma_start3A_40 = tpu.memref_squeeze %dma_start3A_39 : memref<1x128xi32, #tpu.memory_space<vmem>> -> memref<128xi32, #tpu.memory_space<vmem>>
      %dma_start3A_41 = tpu.memref_slice %arg3[%add3A_32] : memref<327680xi32, #tpu.memory_space<hbm>> -> memref<128xi32, #tpu.memory_space<hbm>>
      tpu.enqueue_dma source(%dma_start3A_41 : memref<128xi32, #tpu.memory_space<hbm>>) target(%dma_start3A_40 : memref<128xi32, #tpu.memory_space<vmem>>) target_semaphore(%arg11 : memref<!tpu.dma_semaphore, #tpu.memory_space<semaphore_mem>>)
      %add3A_42 = arith.constant 128 : i32
      %add3A_43 = arith.addi %add3A_20, %add3A_42 : i32
      %dma_start3A_44 = arith.constant 1 : i32
      %dma_start3A_45 = arith.constant 0 : i32
      %dma_start3A_46 = tpu.memref_slice %arg7[%dma_start3A_44, %dma_start3A_45] : memref<2x128xi32, #tpu.memory_space<vmem>> -> memref<1x128xi32, #tpu.memory_space<vmem>>
      %dma_start3A_47 = tpu.memref_squeeze %dma_start3A_46 : memref<1x128xi32, #tpu.memory_space<vmem>> -> memref<128xi32, #tpu.memory_space<vmem>>
      %dma_start3A_48 = tpu.memref_slice %arg2[%add3A_43] : memref<327680xi32, #tpu.memory_space<hbm>> -> memref<128xi32, #tpu.memory_space<hbm>>
      %dma_start3A_49 = arith.constant 0 : i32
      %dma_start3A_50 = tpu.memref_slice %arg7[%dma_start3A_44, %dma_start3A_49] : memref<2x128xi32, #tpu.memory_space<vmem>> -> memref<1x128xi32, #tpu.memory_space<vmem>>
      %dma_start3A_51 = tpu.memref_squeeze %dma_start3A_50 : memref<1x128xi32, #tpu.memory_space<vmem>> -> memref<128xi32, #tpu.memory_space<vmem>>
      %dma_start3A_52 = tpu.memref_slice %arg2[%add3A_43] : memref<327680xi32, #tpu.memory_space<hbm>> -> memref<128xi32, #tpu.memory_space<hbm>>
      tpu.enqueue_dma source(%dma_start3A_52 : memref<128xi32, #tpu.memory_space<hbm>>) target(%dma_start3A_51 : memref<128xi32, #tpu.memory_space<vmem>>) target_semaphore(%arg11 : memref<!tpu.dma_semaphore, #tpu.memory_space<semaphore_mem>>)
      %add3A_53 = arith.constant 128 : i32
      %add3A_54 = arith.addi %add3A_20, %add3A_53 : i32
      %dma_start3A_55 = arith.constant 1 : i32
      %dma_start3A_56 = arith.constant 0 : i32
      %dma_start3A_57 = tpu.memref_slice %arg8[%dma_start3A_55, %dma_start3A_56] : memref<2x128xi32, #tpu.memory_space<vmem>> -> memref<1x128xi32, #tpu.memory_space<vmem>>
      %dma_start3A_58 = tpu.memref_squeeze %dma_start3A_57 : memref<1x128xi32, #tpu.memory_space<vmem>> -> memref<128xi32, #tpu.memory_space<vmem>>
      %dma_start3A_59 = tpu.memref_slice %arg3[%add3A_54] : memref<327680xi32, #tpu.memory_space<hbm>> -> memref<128xi32, #tpu.memory_space<hbm>>
      %dma_start3A_60 = arith.constant 0 : i32
      %dma_start3A_61 = tpu.memref_slice %arg8[%dma_start3A_55, %dma_start3A_60] : memref<2x128xi32, #tpu.memory_space<vmem>> -> memref<1x128xi32, #tpu.memory_space<vmem>>
      %dma_start3A_62 = tpu.memref_squeeze %dma_start3A_61 : memref<1x128xi32, #tpu.memory_space<vmem>> -> memref<128xi32, #tpu.memory_space<vmem>>
      %dma_start3A_63 = tpu.memref_slice %arg3[%add3A_54] : memref<327680xi32, #tpu.memory_space<hbm>> -> memref<128xi32, #tpu.memory_space<hbm>>
      tpu.enqueue_dma source(%dma_start3A_63 : memref<128xi32, #tpu.memory_space<hbm>>) target(%dma_start3A_62 : memref<128xi32, #tpu.memory_space<vmem>>) target_semaphore(%arg11 : memref<!tpu.dma_semaphore, #tpu.memory_space<semaphore_mem>>)
      %dma_wait3A = arith.constant 0 : i32
      %dma_wait3A_64 = arith.constant 0 : i32
      %dma_wait3A_65 = tpu.memref_slice %arg7[%dma_wait3A, %dma_wait3A_64] : memref<2x128xi32, #tpu.memory_space<vmem>> -> memref<1x128xi32, #tpu.memory_space<vmem>>
      %dma_wait3A_66 = tpu.memref_squeeze %dma_wait3A_65 : memref<1x128xi32, #tpu.memory_space<vmem>> -> memref<128xi32, #tpu.memory_space<vmem>>
      %dma_wait3A_67 = tpu.memref_slice %arg2[%add3A_22] : memref<327680xi32, #tpu.memory_space<hbm>> -> memref<128xi32, #tpu.memory_space<hbm>>
      %dma_wait3A_68 = arith.constant 0 : i32
      %dma_wait3A_69 = tpu.memref_slice %arg7[%dma_wait3A, %dma_wait3A_68] : memref<2x128xi32, #tpu.memory_space<vmem>> -> memref<1x128xi32, #tpu.memory_space<vmem>>
      %dma_wait3A_70 = tpu.memref_squeeze %dma_wait3A_69 : memref<1x128xi32, #tpu.memory_space<vmem>> -> memref<128xi32, #tpu.memory_space<vmem>>
      %dma_wait3A_71 = tpu.memref_slice %arg2[%add3A_22] : memref<327680xi32, #tpu.memory_space<hbm>> -> memref<128xi32, #tpu.memory_space<hbm>>
      tpu.wait_dma2 semaphore(%arg11 : memref<!tpu.dma_semaphore, #tpu.memory_space<semaphore_mem>>) src(%dma_wait3A_71 : memref<128xi32, #tpu.memory_space<hbm>>) dst(%dma_wait3A_70 : memref<128xi32, #tpu.memory_space<vmem>>)
      %dma_wait3A_72 = arith.constant 0 : i32
      %dma_wait3A_73 = arith.constant 0 : i32
      %dma_wait3A_74 = tpu.memref_slice %arg8[%dma_wait3A_72, %dma_wait3A_73] : memref<2x128xi32, #tpu.memory_space<vmem>> -> memref<1x128xi32, #tpu.memory_space<vmem>>
      %dma_wait3A_75 = tpu.memref_squeeze %dma_wait3A_74 : memref<1x128xi32, #tpu.memory_space<vmem>> -> memref<128xi32, #tpu.memory_space<vmem>>
      %dma_wait3A_76 = tpu.memref_slice %arg3[%add3A_32] : memref<327680xi32, #tpu.memory_space<hbm>> -> memref<128xi32, #tpu.memory_space<hbm>>
      %dma_wait3A_77 = arith.constant 0 : i32
      %dma_wait3A_78 = tpu.memref_slice %arg8[%dma_wait3A_72, %dma_wait3A_77] : memref<2x128xi32, #tpu.memory_space<vmem>> -> memref<1x128xi32, #tpu.memory_space<vmem>>
      %dma_wait3A_79 = tpu.memref_squeeze %dma_wait3A_78 : memref<1x128xi32, #tpu.memory_space<vmem>> -> memref<128xi32, #tpu.memory_space<vmem>>
      %dma_wait3A_80 = tpu.memref_slice %arg3[%add3A_32] : memref<327680xi32, #tpu.memory_space<hbm>> -> memref<128xi32, #tpu.memory_space<hbm>>
      tpu.wait_dma2 semaphore(%arg11 : memref<!tpu.dma_semaphore, #tpu.memory_space<semaphore_mem>>) src(%dma_wait3A_80 : memref<128xi32, #tpu.memory_space<hbm>>) dst(%dma_wait3A_79 : memref<128xi32, #tpu.memory_space<vmem>>)
      %dma_wait3A_81 = arith.constant 1 : i32
      %dma_wait3A_82 = arith.constant 0 : i32
      %dma_wait3A_83 = tpu.memref_slice %arg7[%dma_wait3A_81, %dma_wait3A_82] : memref<2x128xi32, #tpu.memory_space<vmem>> -> memref<1x128xi32, #tpu.memory_space<vmem>>
      %dma_wait3A_84 = tpu.memref_squeeze %dma_wait3A_83 : memref<1x128xi32, #tpu.memory_space<vmem>> -> memref<128xi32, #tpu.memory_space<vmem>>
      %dma_wait3A_85 = tpu.memref_slice %arg2[%add3A_43] : memref<327680xi32, #tpu.memory_space<hbm>> -> memref<128xi32, #tpu.memory_space<hbm>>
      %dma_wait3A_86 = arith.constant 0 : i32
      %dma_wait3A_87 = tpu.memref_slice %arg7[%dma_wait3A_81, %dma_wait3A_86] : memref<2x128xi32, #tpu.memory_space<vmem>> -> memref<1x128xi32, #tpu.memory_space<vmem>>
      %dma_wait3A_88 = tpu.memref_squeeze %dma_wait3A_87 : memref<1x128xi32, #tpu.memory_space<vmem>> -> memref<128xi32, #tpu.memory_space<vmem>>
      %dma_wait3A_89 = tpu.memref_slice %arg2[%add3A_43] : memref<327680xi32, #tpu.memory_space<hbm>> -> memref<128xi32, #tpu.memory_space<hbm>>
      tpu.wait_dma2 semaphore(%arg11 : memref<!tpu.dma_semaphore, #tpu.memory_space<semaphore_mem>>) src(%dma_wait3A_89 : memref<128xi32, #tpu.memory_space<hbm>>) dst(%dma_wait3A_88 : memref<128xi32, #tpu.memory_space<vmem>>)
      %dma_wait3A_90 = arith.constant 1 : i32
      %dma_wait3A_91 = arith.constant 0 : i32
      %dma_wait3A_92 = tpu.memref_slice %arg8[%dma_wait3A_90, %dma_wait3A_91] : memref<2x128xi32, #tpu.memory_space<vmem>> -> memref<1x128xi32, #tpu.memory_space<vmem>>
      %dma_wait3A_93 = tpu.memref_squeeze %dma_wait3A_92 : memref<1x128xi32, #tpu.memory_space<vmem>> -> memref<128xi32, #tpu.memory_space<vmem>>
      %dma_wait3A_94 = tpu.memref_slice %arg3[%add3A_54] : memref<327680xi32, #tpu.memory_space<hbm>> -> memref<128xi32, #tpu.memory_space<hbm>>
      %dma_wait3A_95 = arith.constant 0 : i32
      %dma_wait3A_96 = tpu.memref_slice %arg8[%dma_wait3A_90, %dma_wait3A_95] : memref<2x128xi32, #tpu.memory_space<vmem>> -> memref<1x128xi32, #tpu.memory_space<vmem>>
      %dma_wait3A_97 = tpu.memref_squeeze %dma_wait3A_96 : memref<1x128xi32, #tpu.memory_space<vmem>> -> memref<128xi32, #tpu.memory_space<vmem>>
      %dma_wait3A_98 = tpu.memref_slice %arg3[%add3A_54] : memref<327680xi32, #tpu.memory_space<hbm>> -> memref<128xi32, #tpu.memory_space<hbm>>
      tpu.wait_dma2 semaphore(%arg11 : memref<!tpu.dma_semaphore, #tpu.memory_space<semaphore_mem>>) src(%dma_wait3A_98 : memref<128xi32, #tpu.memory_space<hbm>>) dst(%dma_wait3A_97 : memref<128xi32, #tpu.memory_space<vmem>>)
      %dma_start3A_99 = arith.constant 0 : i32
      %dma_start3A_100 = arith.constant 0 : i32
      %dma_start3A_101 = arith.constant 0 : i32
      %dma_start3A_102 = arith.constant 0 : i32
      %dma_start3A_103 = tpu.memref_slice %arg9[%dma_start3A_100, %dma_start3A_101, %dma_start3A_102] : memref<2x128x128xf32, #tpu.memory_space<vmem>> -> memref<1x128x128xf32, #tpu.memory_space<vmem>>
      %dma_start3A_104 = tpu.memref_squeeze %dma_start3A_103 : memref<1x128x128xf32, #tpu.memory_space<vmem>> -> memref<128x128xf32, #tpu.memory_space<vmem>>
      %dma_start3A_105 = arith.constant 0 : i32
      %dma_start3A_106 = tpu.memref_slice %arg7[%dma_start3A_99, %dma_start3A_105] : memref<2x128xi32, #tpu.memory_space<vmem>> -> memref<1x128xi32, #tpu.memory_space<vmem>>
      %dma_start3A_107 = tpu.memref_squeeze %dma_start3A_106 : memref<1x128xi32, #tpu.memory_space<vmem>> -> memref<128xi32, #tpu.memory_space<vmem>>
      %dma_start3A_108 = arith.constant 0 : i32
      %dma_start3A_109 = arith.constant 0 : i32
      %dma_start3A_110 = tpu.memref_slice %arg4[%dma_start3A_108, %dma_start3A_109] : memref<10112x128xf32, #tpu.memory_space<hbm>> -> memref<10112x128xf32, #tpu.memory_space<hbm>>
      tpu.enqueue_indirect_dma source(%dma_start3A_110 : memref<10112x128xf32, #tpu.memory_space<hbm>>) target(%dma_start3A_104 : memref<128x128xf32, #tpu.memory_space<vmem>>) offsets(%dma_start3A_107 : memref<128xi32, #tpu.memory_space<vmem>>) semaphore(%arg12 : memref<!tpu.dma_semaphore, #tpu.memory_space<semaphore_mem>>)
      %dma_start3A_111 = arith.constant 1 : i32
      %dma_start3A_112 = arith.constant 1 : i32
      %dma_start3A_113 = arith.constant 0 : i32
      %dma_start3A_114 = arith.constant 0 : i32
      %dma_start3A_115 = tpu.memref_slice %arg9[%dma_start3A_112, %dma_start3A_113, %dma_start3A_114] : memref<2x128x128xf32, #tpu.memory_space<vmem>> -> memref<1x128x128xf32, #tpu.memory_space<vmem>>
      %dma_start3A_116 = tpu.memref_squeeze %dma_start3A_115 : memref<1x128x128xf32, #tpu.memory_space<vmem>> -> memref<128x128xf32, #tpu.memory_space<vmem>>
      %dma_start3A_117 = arith.constant 0 : i32
      %dma_start3A_118 = tpu.memref_slice %arg7[%dma_start3A_111, %dma_start3A_117] : memref<2x128xi32, #tpu.memory_space<vmem>> -> memref<1x128xi32, #tpu.memory_space<vmem>>
      %dma_start3A_119 = tpu.memref_squeeze %dma_start3A_118 : memref<1x128xi32, #tpu.memory_space<vmem>> -> memref<128xi32, #tpu.memory_space<vmem>>
      %dma_start3A_120 = arith.constant 0 : i32
      %dma_start3A_121 = arith.constant 0 : i32
      %dma_start3A_122 = tpu.memref_slice %arg4[%dma_start3A_120, %dma_start3A_121] : memref<10112x128xf32, #tpu.memory_space<hbm>> -> memref<10112x128xf32, #tpu.memory_space<hbm>>
      tpu.enqueue_indirect_dma source(%dma_start3A_122 : memref<10112x128xf32, #tpu.memory_space<hbm>>) target(%dma_start3A_116 : memref<128x128xf32, #tpu.memory_space<vmem>>) offsets(%dma_start3A_119 : memref<128xi32, #tpu.memory_space<vmem>>) semaphore(%arg12 : memref<!tpu.dma_semaphore, #tpu.memory_space<semaphore_mem>>)
      %dma_wait3A_123 = arith.constant 0 : i32
      %dma_wait3A_124 = arith.constant 0 : i32
      %dma_wait3A_125 = arith.constant 0 : i32
      %dma_wait3A_126 = arith.constant 0 : i32
      %dma_wait3A_127 = tpu.memref_slice %arg9[%dma_wait3A_124, %dma_wait3A_125, %dma_wait3A_126] : memref<2x128x128xf32, #tpu.memory_space<vmem>> -> memref<1x128x128xf32, #tpu.memory_space<vmem>>
      %dma_wait3A_128 = tpu.memref_squeeze %dma_wait3A_127 : memref<1x128x128xf32, #tpu.memory_space<vmem>> -> memref<128x128xf32, #tpu.memory_space<vmem>>
      %dma_wait3A_129 = arith.constant 0 : i32
      %dma_wait3A_130 = tpu.memref_slice %arg7[%dma_wait3A_123, %dma_wait3A_129] : memref<2x128xi32, #tpu.memory_space<vmem>> -> memref<1x128xi32, #tpu.memory_space<vmem>>
      %dma_wait3A_131 = tpu.memref_squeeze %dma_wait3A_130 : memref<1x128xi32, #tpu.memory_space<vmem>> -> memref<128xi32, #tpu.memory_space<vmem>>
      %dma_wait3A_132 = arith.constant 0 : i32
      %dma_wait3A_133 = arith.constant 0 : i32
      %dma_wait3A_134 = tpu.memref_slice %arg4[%dma_wait3A_132, %dma_wait3A_133] : memref<10112x128xf32, #tpu.memory_space<hbm>> -> memref<10112x128xf32, #tpu.memory_space<hbm>>
      tpu.wait_indirect_dma semaphore(%arg12 : memref<!tpu.dma_semaphore, #tpu.memory_space<semaphore_mem>>) src(%dma_wait3A_134 : memref<10112x128xf32, #tpu.memory_space<hbm>>) dst(%dma_wait3A_128 : memref<128x128xf32, #tpu.memory_space<vmem>>)
      %dma_wait3A_135 = arith.constant 1 : i32
      %dma_wait3A_136 = arith.constant 1 : i32
      %dma_wait3A_137 = arith.constant 0 : i32
      %dma_wait3A_138 = arith.constant 0 : i32
      %dma_wait3A_139 = tpu.memref_slice %arg9[%dma_wait3A_136, %dma_wait3A_137, %dma_wait3A_138] : memref<2x128x128xf32, #tpu.memory_space<vmem>> -> memref<1x128x128xf32, #tpu.memory_space<vmem>>
      %dma_wait3A_140 = tpu.memref_squeeze %dma_wait3A_139 : memref<1x128x128xf32, #tpu.memory_space<vmem>> -> memref<128x128xf32, #tpu.memory_space<vmem>>
      %dma_wait3A_141 = arith.constant 0 : i32
      %dma_wait3A_142 = tpu.memref_slice %arg7[%dma_wait3A_135, %dma_wait3A_141] : memref<2x128xi32, #tpu.memory_space<vmem>> -> memref<1x128xi32, #tpu.memory_space<vmem>>
      %dma_wait3A_143 = tpu.memref_squeeze %dma_wait3A_142 : memref<1x128xi32, #tpu.memory_space<vmem>> -> memref<128xi32, #tpu.memory_space<vmem>>
      %dma_wait3A_144 = arith.constant 0 : i32
      %dma_wait3A_145 = arith.constant 0 : i32
      %dma_wait3A_146 = tpu.memref_slice %arg4[%dma_wait3A_144, %dma_wait3A_145] : memref<10112x128xf32, #tpu.memory_space<hbm>> -> memref<10112x128xf32, #tpu.memory_space<hbm>>
      tpu.wait_indirect_dma semaphore(%arg12 : memref<!tpu.dma_semaphore, #tpu.memory_space<semaphore_mem>>) src(%dma_wait3A_146 : memref<10112x128xf32, #tpu.memory_space<hbm>>) dst(%dma_wait3A_140 : memref<128x128xf32, #tpu.memory_space<vmem>>)
      %dma_start3A_147 = arith.constant 0 : i32
      %dma_start3A_148 = arith.constant 0 : i32
      %dma_start3A_149 = arith.constant 0 : i32
      %dma_start3A_150 = arith.constant 0 : i32
      %dma_start3A_151 = tpu.memref_slice %arg9[%dma_start3A_147, %dma_start3A_149, %dma_start3A_150] : memref<2x128x128xf32, #tpu.memory_space<vmem>> -> memref<1x128x128xf32, #tpu.memory_space<vmem>>
      %dma_start3A_152 = tpu.memref_squeeze %dma_start3A_151 : memref<1x128x128xf32, #tpu.memory_space<vmem>> -> memref<128x128xf32, #tpu.memory_space<vmem>>
      %dma_start3A_153 = arith.constant 0 : i32
      %dma_start3A_154 = tpu.memref_slice %arg8[%dma_start3A_148, %dma_start3A_153] : memref<2x128xi32, #tpu.memory_space<vmem>> -> memref<1x128xi32, #tpu.memory_space<vmem>>
      %dma_start3A_155 = tpu.memref_squeeze %dma_start3A_154 : memref<1x128xi32, #tpu.memory_space<vmem>> -> memref<128xi32, #tpu.memory_space<vmem>>
      %dma_start3A_156 = arith.constant 0 : i32
      %dma_start3A_157 = arith.constant 0 : i32
      %dma_start3A_158 = tpu.memref_slice %arg10[%dma_start3A_156, %dma_start3A_157] : memref<10112x128xf32, #tpu.memory_space<vmem_shared>> -> memref<10112x128xf32, #tpu.memory_space<vmem_shared>>
      tpu.enqueue_indirect_dma source(%dma_start3A_152 : memref<128x128xf32, #tpu.memory_space<vmem>>) target(%dma_start3A_158 : memref<10112x128xf32, #tpu.memory_space<vmem_shared>>) offsets(%dma_start3A_155 : memref<128xi32, #tpu.memory_space<vmem>>) semaphore(%arg13 : memref<!tpu.dma_semaphore, #tpu.memory_space<semaphore_mem>>) {add = true}
      %dma_start3A_159 = arith.constant 1 : i32
      %dma_start3A_160 = arith.constant 1 : i32
      %dma_start3A_161 = arith.constant 0 : i32
      %dma_start3A_162 = arith.constant 0 : i32
      %dma_start3A_163 = tpu.memref_slice %arg9[%dma_start3A_159, %dma_start3A_161, %dma_start3A_162] : memref<2x128x128xf32, #tpu.memory_space<vmem>> -> memref<1x128x128xf32, #tpu.memory_space<vmem>>
      %dma_start3A_164 = tpu.memref_squeeze %dma_start3A_163 : memref<1x128x128xf32, #tpu.memory_space<vmem>> -> memref<128x128xf32, #tpu.memory_space<vmem>>
      %dma_start3A_165 = arith.constant 0 : i32
      %dma_start3A_166 = tpu.memref_slice %arg8[%dma_start3A_160, %dma_start3A_165] : memref<2x128xi32, #tpu.memory_space<vmem>> -> memref<1x128xi32, #tpu.memory_space<vmem>>
      %dma_start3A_167 = tpu.memref_squeeze %dma_start3A_166 : memref<1x128xi32, #tpu.memory_space<vmem>> -> memref<128xi32, #tpu.memory_space<vmem>>
      %dma_start3A_168 = arith.constant 0 : i32
      %dma_start3A_169 = arith.constant 0 : i32
      %dma_start3A_170 = tpu.memref_slice %arg10[%dma_start3A_168, %dma_start3A_169] : memref<10112x128xf32, #tpu.memory_space<vmem_shared>> -> memref<10112x128xf32, #tpu.memory_space<vmem_shared>>
      tpu.enqueue_indirect_dma source(%dma_start3A_164 : memref<128x128xf32, #tpu.memory_space<vmem>>) target(%dma_start3A_170 : memref<10112x128xf32, #tpu.memory_space<vmem_shared>>) offsets(%dma_start3A_167 : memref<128xi32, #tpu.memory_space<vmem>>) semaphore(%arg13 : memref<!tpu.dma_semaphore, #tpu.memory_space<semaphore_mem>>) {add = true}
      %dma_wait3A_171 = arith.constant 0 : i32
      %dma_wait3A_172 = arith.constant 0 : i32
      %dma_wait3A_173 = arith.constant 0 : i32
      %dma_wait3A_174 = arith.constant 0 : i32
      %dma_wait3A_175 = tpu.memref_slice %arg9[%dma_wait3A_171, %dma_wait3A_173, %dma_wait3A_174] : memref<2x128x128xf32, #tpu.memory_space<vmem>> -> memref<1x128x128xf32, #tpu.memory_space<vmem>>
      %dma_wait3A_176 = tpu.memref_squeeze %dma_wait3A_175 : memref<1x128x128xf32, #tpu.memory_space<vmem>> -> memref<128x128xf32, #tpu.memory_space<vmem>>
      %dma_wait3A_177 = arith.constant 0 : i32
      %dma_wait3A_178 = tpu.memref_slice %arg8[%dma_wait3A_172, %dma_wait3A_177] : memref<2x128xi32, #tpu.memory_space<vmem>> -> memref<1x128xi32, #tpu.memory_space<vmem>>
      %dma_wait3A_179 = tpu.memref_squeeze %dma_wait3A_178 : memref<1x128xi32, #tpu.memory_space<vmem>> -> memref<128xi32, #tpu.memory_space<vmem>>
      %dma_wait3A_180 = arith.constant 0 : i32
      %dma_wait3A_181 = arith.constant 0 : i32
      %dma_wait3A_182 = tpu.memref_slice %arg10[%dma_wait3A_180, %dma_wait3A_181] : memref<10112x128xf32, #tpu.memory_space<vmem_shared>> -> memref<10112x128xf32, #tpu.memory_space<vmem_shared>>
      tpu.wait_indirect_dma semaphore(%arg13 : memref<!tpu.dma_semaphore, #tpu.memory_space<semaphore_mem>>) src(%dma_wait3A_176 : memref<128x128xf32, #tpu.memory_space<vmem>>) dst(%dma_wait3A_182 : memref<10112x128xf32, #tpu.memory_space<vmem_shared>>)
      %dma_wait3A_183 = arith.constant 1 : i32
      %dma_wait3A_184 = arith.constant 1 : i32
      %dma_wait3A_185 = arith.constant 0 : i32
      %dma_wait3A_186 = arith.constant 0 : i32
      %dma_wait3A_187 = tpu.memref_slice %arg9[%dma_wait3A_183, %dma_wait3A_185, %dma_wait3A_186] : memref<2x128x128xf32, #tpu.memory_space<vmem>> -> memref<1x128x128xf32, #tpu.memory_space<vmem>>
      %dma_wait3A_188 = tpu.memref_squeeze %dma_wait3A_187 : memref<1x128x128xf32, #tpu.memory_space<vmem>> -> memref<128x128xf32, #tpu.memory_space<vmem>>
      %dma_wait3A_189 = arith.constant 0 : i32
      %dma_wait3A_190 = tpu.memref_slice %arg8[%dma_wait3A_184, %dma_wait3A_189] : memref<2x128xi32, #tpu.memory_space<vmem>> -> memref<1x128xi32, #tpu.memory_space<vmem>>
      %dma_wait3A_191 = tpu.memref_squeeze %dma_wait3A_190 : memref<1x128xi32, #tpu.memory_space<vmem>> -> memref<128xi32, #tpu.memory_space<vmem>>
      %dma_wait3A_192 = arith.constant 0 : i32
      %dma_wait3A_193 = arith.constant 0 : i32
      %dma_wait3A_194 = tpu.memref_slice %arg10[%dma_wait3A_192, %dma_wait3A_193] : memref<10112x128xf32, #tpu.memory_space<vmem_shared>> -> memref<10112x128xf32, #tpu.memory_space<vmem_shared>>
      tpu.wait_indirect_dma semaphore(%arg13 : memref<!tpu.dma_semaphore, #tpu.memory_space<semaphore_mem>>) src(%dma_wait3A_188 : memref<128x128xf32, #tpu.memory_space<vmem>>) dst(%dma_wait3A_194 : memref<10112x128xf32, #tpu.memory_space<vmem_shared>>)
    }
    %scan3A_11 = arith.constant 40 : i32
    %barrier3A_12 = arith.constant 0 : index
    tpu.barrier barrier_id(%barrier3A_12)
    %mul3A_13 = arith.constant 632 : i32
    %mul3A_14 = arith.muli %arg1, %mul3A_13 : i32
    %mul3A_15 = arith.constant 632 : i32
    %mul3A_16 = arith.muli %arg1, %mul3A_15 : i32
    "tpu.region"() ({
      %run_scoped3A = tpu.sem_alloc : memref<!tpu.dma_semaphore, #tpu.memory_space<semaphore_mem>>
      %dma_start3A = arith.constant 0 : i32
      %dma_start3A_17 = tpu.memref_slice %arg6[%arg0, %mul3A_16, %dma_start3A] : memref<2x10112x128xf32, #tpu.memory_space<hbm>> -> memref<1x632x128xf32, #tpu.memory_space<hbm>>
      %dma_start3A_18 = tpu.memref_squeeze %dma_start3A_17 : memref<1x632x128xf32, #tpu.memory_space<hbm>> -> memref<632x128xf32, #tpu.memory_space<hbm>>
      %dma_start3A_19 = arith.constant 0 : i32
      %dma_start3A_20 = tpu.memref_slice %arg10[%mul3A_14, %dma_start3A_19] : memref<10112x128xf32, #tpu.memory_space<vmem_shared>> -> memref<632x128xf32, #tpu.memory_space<vmem_shared>>
      tpu.enqueue_dma source(%dma_start3A_20 : memref<632x128xf32, #tpu.memory_space<vmem_shared>>) target(%dma_start3A_18 : memref<632x128xf32, #tpu.memory_space<hbm>>) target_semaphore(%run_scoped3A : memref<!tpu.dma_semaphore, #tpu.memory_space<semaphore_mem>>)
      %dma_wait3A = arith.constant 0 : i32
      %dma_wait3A_21 = tpu.memref_slice %arg6[%arg0, %mul3A_16, %dma_wait3A] : memref<2x10112x128xf32, #tpu.memory_space<hbm>> -> memref<1x632x128xf32, #tpu.memory_space<hbm>>
      %dma_wait3A_22 = tpu.memref_squeeze %dma_wait3A_21 : memref<1x632x128xf32, #tpu.memory_space<hbm>> -> memref<632x128xf32, #tpu.memory_space<hbm>>
      %dma_wait3A_23 = arith.constant 0 : i32
      %dma_wait3A_24 = tpu.memref_slice %arg10[%mul3A_14, %dma_wait3A_23] : memref<10112x128xf32, #tpu.memory_space<vmem_shared>> -> memref<632x128xf32, #tpu.memory_space<vmem_shared>>
      tpu.wait_dma2 semaphore(%run_scoped3A : memref<!tpu.dma_semaphore, #tpu.memory_space<semaphore_mem>>) src(%dma_wait3A_24 : memref<632x128xf32, #tpu.memory_space<vmem_shared>>) dst(%dma_wait3A_22 : memref<632x128xf32, #tpu.memory_space<hbm>>)
      tpu.yield
    }) : () -> ()
    return
  }
}

module attributes {stable_mosaic.version = 14 : i64} {
  func.func @_first_body(%arg0: memref<10112x128xf32, #tpu.memory_space<vmem>>, %arg1: memref<128x128xf32, #tpu.memory_space<vmem>>, %arg2: memref<2x10112x8xf32, #tpu.memory_space<vmem>>, %arg3: memref<10112x128xf32, #tpu.memory_space<vmem>>) attributes {dimension_semantics = [], scalar_prefetch = 0 : i64, scratch_operands = 0 : i64, tpu.core_type = #tpu.core_type<tc>} {
    %get3A = arith.constant 0 : index
    %get3A_0 = arith.constant 0 : index
    %get3A_1 = arith.constant 0 : index
    %get3A_2 = vector.load %arg2[%get3A, %get3A_0, %get3A_1] : memref<2x10112x8xf32, #tpu.memory_space<vmem>>, vector<1x10112x1xf32>
    %get3A_3 = vector.shape_cast %get3A_2 : vector<1x10112x1xf32> to vector<10112x1xf32>
    %get3A_4 = arith.constant 1 : index
    %get3A_5 = arith.constant 0 : index
    %get3A_6 = arith.constant 0 : index
    %get3A_7 = vector.load %arg2[%get3A_4, %get3A_5, %get3A_6] : memref<2x10112x8xf32, #tpu.memory_space<vmem>>, vector<1x10112x1xf32>
    %get3A_8 = vector.shape_cast %get3A_7 : vector<1x10112x1xf32> to vector<10112x1xf32>
    %add3A = arith.addf %get3A_3, %get3A_8 : vector<10112x1xf32>
    %add3A_9 = arith.constant 1.000000e+00 : f32
    %add3A_10 = vector.broadcast %add3A_9 : f32 to vector<10112x1xf32>
    %add3A_11 = arith.addf %add3A, %add3A_10 : vector<10112x1xf32>
    %rsqrt3A = math.rsqrt %add3A_11 : vector<10112x1xf32>
    %get3A_12 = arith.constant 0 : index
    %get3A_13 = arith.constant 0 : index
    %get3A_14 = vector.load %arg0[%get3A_12, %get3A_13] : memref<10112x128xf32, #tpu.memory_space<vmem>>, vector<10112x128xf32>
    %get3A_15 = arith.constant 0 : index
    %get3A_16 = arith.constant 0 : index
    %get3A_17 = vector.load %arg1[%get3A_15, %get3A_16] : memref<128x128xf32, #tpu.memory_space<vmem>>, vector<128x128xf32>
    %dot_general3A = arith.constant dense<0.000000e+00> : vector<10112x128xf32>
    %dot_general3A_18 = tpu.matmul %get3A_14, %get3A_17, %dot_general3A {dimension_numbers = #tpu.dot_dimension_numbers<[1], [0], [0], [1], [0, 0, 1, 1], [], []>, transpose_lhs_hint = false} : vector<10112x128xf32>, vector<128x128xf32>, vector<10112x128xf32> -> vector<10112x128xf32>
    %mul3A = vector.broadcast %rsqrt3A : vector<10112x1xf32> to vector<10112x128xf32>
    %mul3A_19 = arith.mulf %dot_general3A_18, %mul3A : vector<10112x128xf32>
    %swap3A = arith.constant 0 : index
    %swap3A_20 = arith.constant 0 : index
    %swap3A_21 = vector.load %arg3[%swap3A, %swap3A_20] : memref<10112x128xf32, #tpu.memory_space<vmem>>, vector<10112x128xf32>
    tpu.vector_store %arg3[%swap3A, %swap3A_20], %mul3A_19 {strides = array<i32>} : memref<10112x128xf32, #tpu.memory_space<vmem>>, vector<10112x128xf32>,
    return
  }
}

module attributes {stable_mosaic.version = 14 : i64} {
  func.func @_final_body(%arg0: memref<2x10112x128xf32, #tpu.memory_space<vmem>>, %arg1: memref<10112x128xf32, #tpu.memory_space<vmem>>, %arg2: memref<2x10112x8xf32, #tpu.memory_space<vmem>>, %arg3: memref<1x128xf32, #tpu.memory_space<vmem>>, %arg4: memref<128x128xf32, #tpu.memory_space<vmem>>, %arg5: memref<1x128xf32, #tpu.memory_space<vmem>>, %arg6: memref<10112x128xf32, #tpu.memory_space<vmem>>) attributes {dimension_semantics = [], scalar_prefetch = 0 : i64, scratch_operands = 0 : i64, tpu.core_type = #tpu.core_type<tc>} {
    %get3A = arith.constant 0 : index
    %get3A_0 = arith.constant 0 : index
    %get3A_1 = arith.constant 0 : index
    %get3A_2 = vector.load %arg2[%get3A, %get3A_0, %get3A_1] : memref<2x10112x8xf32, #tpu.memory_space<vmem>>, vector<1x10112x1xf32>
    %get3A_3 = vector.shape_cast %get3A_2 : vector<1x10112x1xf32> to vector<10112x1xf32>
    %get3A_4 = arith.constant 1 : index
    %get3A_5 = arith.constant 0 : index
    %get3A_6 = arith.constant 0 : index
    %get3A_7 = vector.load %arg2[%get3A_4, %get3A_5, %get3A_6] : memref<2x10112x8xf32, #tpu.memory_space<vmem>>, vector<1x10112x1xf32>
    %get3A_8 = vector.shape_cast %get3A_7 : vector<1x10112x1xf32> to vector<10112x1xf32>
    %add3A = arith.addf %get3A_3, %get3A_8 : vector<10112x1xf32>
    %add3A_9 = arith.constant 1.000000e+00 : f32
    %add3A_10 = vector.broadcast %add3A_9 : f32 to vector<10112x1xf32>
    %add3A_11 = arith.addf %add3A, %add3A_10 : vector<10112x1xf32>
    %rsqrt3A = math.rsqrt %add3A_11 : vector<10112x1xf32>
    %get3A_12 = arith.constant 0 : index
    %get3A_13 = arith.constant 0 : index
    %get3A_14 = arith.constant 0 : index
    %get3A_15 = vector.load %arg0[%get3A_12, %get3A_13, %get3A_14] : memref<2x10112x128xf32, #tpu.memory_space<vmem>>, vector<1x10112x128xf32>
    %get3A_16 = vector.shape_cast %get3A_15 : vector<1x10112x128xf32> to vector<10112x128xf32>
    %get3A_17 = arith.constant 1 : index
    %get3A_18 = arith.constant 0 : index
    %get3A_19 = arith.constant 0 : index
    %get3A_20 = vector.load %arg0[%get3A_17, %get3A_18, %get3A_19] : memref<2x10112x128xf32, #tpu.memory_space<vmem>>, vector<1x10112x128xf32>
    %get3A_21 = vector.shape_cast %get3A_20 : vector<1x10112x128xf32> to vector<10112x128xf32>
    %add3A_22 = arith.addf %get3A_16, %get3A_21 : vector<10112x128xf32>
    %get3A_23 = arith.constant 0 : index
    %get3A_24 = arith.constant 0 : index
    %get3A_25 = vector.load %arg1[%get3A_23, %get3A_24] : memref<10112x128xf32, #tpu.memory_space<vmem>>, vector<10112x128xf32>
    %add3A_26 = arith.addf %add3A_22, %get3A_25 : vector<10112x128xf32>
    %mul3A = vector.broadcast %rsqrt3A : vector<10112x1xf32> to vector<10112x128xf32>
    %mul3A_27 = arith.mulf %mul3A, %add3A_26 : vector<10112x128xf32>
    %get3A_28 = arith.constant 0 : index
    %get3A_29 = arith.constant 0 : index
    %get3A_30 = vector.load %arg3[%get3A_28, %get3A_29] : memref<1x128xf32, #tpu.memory_space<vmem>>, vector<1x128xf32>
    %add3A_31 = vector.broadcast %get3A_30 : vector<1x128xf32> to vector<10112x128xf32>
    %add3A_32 = arith.addf %mul3A_27, %add3A_31 : vector<10112x128xf32>
    %max3A = arith.constant 0.000000e+00 : f32
    %max3A_33 = vector.broadcast %max3A : f32 to vector<10112x128xf32>
    %max3A_34 = arith.maximumf %add3A_32, %max3A_33 : vector<10112x128xf32>
    %get3A_35 = arith.constant 0 : index
    %get3A_36 = arith.constant 0 : index
    %get3A_37 = vector.load %arg4[%get3A_35, %get3A_36] : memref<128x128xf32, #tpu.memory_space<vmem>>, vector<128x128xf32>
    %dot_general3A = arith.constant dense<0.000000e+00> : vector<10112x128xf32>
    %dot_general3A_38 = tpu.matmul %max3A_34, %get3A_37, %dot_general3A {dimension_numbers = #tpu.dot_dimension_numbers<[1], [0], [0], [1], [0, 0, 1, 1], [], []>, transpose_lhs_hint = false} : vector<10112x128xf32>, vector<128x128xf32>, vector<10112x128xf32> -> vector<10112x128xf32>
    %get3A_39 = arith.constant 0 : index
    %get3A_40 = arith.constant 0 : index
    %get3A_41 = vector.load %arg5[%get3A_39, %get3A_40] : memref<1x128xf32, #tpu.memory_space<vmem>>, vector<1x128xf32>
    %add3A_42 = vector.broadcast %get3A_41 : vector<1x128xf32> to vector<10112x128xf32>
    %add3A_43 = arith.addf %dot_general3A_38, %add3A_42 : vector<10112x128xf32>
    %swap3A = arith.constant 0 : index
    %swap3A_44 = arith.constant 0 : index
    %swap3A_45 = vector.load %arg6[%swap3A, %swap3A_44] : memref<10112x128xf32, #tpu.memory_space<vmem>>, vector<10112x128xf32>
    tpu.vector_store %arg6[%swap3A, %swap3A_44], %add3A_43 {strides = array<i32>} : memref<10112x128xf32, #tpu.memory_space<vmem>>, vector<10112x128xf32>,
    return
  }
}

module attributes {stable_mosaic.version = 14 : i64} {
  func.func @_mid_body(%arg0: memref<2x10112x128xf32, #tpu.memory_space<vmem>>, %arg1: memref<10112x128xf32, #tpu.memory_space<vmem>>, %arg2: memref<2x10112x8xf32, #tpu.memory_space<vmem>>, %arg3: memref<128x128xf32, #tpu.memory_space<vmem>>, %arg4: memref<1x128xf32, #tpu.memory_space<vmem>>, %arg5: memref<10112x128xf32, #tpu.memory_space<vmem>>) attributes {dimension_semantics = [], scalar_prefetch = 0 : i64, scratch_operands = 0 : i64, tpu.core_type = #tpu.core_type<tc>} {
    %get3A = arith.constant 0 : index
    %get3A_0 = arith.constant 0 : index
    %get3A_1 = arith.constant 0 : index
    %get3A_2 = vector.load %arg2[%get3A, %get3A_0, %get3A_1] : memref<2x10112x8xf32, #tpu.memory_space<vmem>>, vector<1x10112x1xf32>
    %get3A_3 = vector.shape_cast %get3A_2 : vector<1x10112x1xf32> to vector<10112x1xf32>
    %get3A_4 = arith.constant 1 : index
    %get3A_5 = arith.constant 0 : index
    %get3A_6 = arith.constant 0 : index
    %get3A_7 = vector.load %arg2[%get3A_4, %get3A_5, %get3A_6] : memref<2x10112x8xf32, #tpu.memory_space<vmem>>, vector<1x10112x1xf32>
    %get3A_8 = vector.shape_cast %get3A_7 : vector<1x10112x1xf32> to vector<10112x1xf32>
    %add3A = arith.addf %get3A_3, %get3A_8 : vector<10112x1xf32>
    %add3A_9 = arith.constant 1.000000e+00 : f32
    %add3A_10 = vector.broadcast %add3A_9 : f32 to vector<10112x1xf32>
    %add3A_11 = arith.addf %add3A, %add3A_10 : vector<10112x1xf32>
    %rsqrt3A = math.rsqrt %add3A_11 : vector<10112x1xf32>
    %get3A_12 = arith.constant 0 : index
    %get3A_13 = arith.constant 0 : index
    %get3A_14 = arith.constant 0 : index
    %get3A_15 = vector.load %arg0[%get3A_12, %get3A_13, %get3A_14] : memref<2x10112x128xf32, #tpu.memory_space<vmem>>, vector<1x10112x128xf32>
    %get3A_16 = vector.shape_cast %get3A_15 : vector<1x10112x128xf32> to vector<10112x128xf32>
    %get3A_17 = arith.constant 1 : index
    %get3A_18 = arith.constant 0 : index
    %get3A_19 = arith.constant 0 : index
    %get3A_20 = vector.load %arg0[%get3A_17, %get3A_18, %get3A_19] : memref<2x10112x128xf32, #tpu.memory_space<vmem>>, vector<1x10112x128xf32>
    %get3A_21 = vector.shape_cast %get3A_20 : vector<1x10112x128xf32> to vector<10112x128xf32>
    %add3A_22 = arith.addf %get3A_16, %get3A_21 : vector<10112x128xf32>
    %get3A_23 = arith.constant 0 : index
    %get3A_24 = arith.constant 0 : index
    %get3A_25 = vector.load %arg1[%get3A_23, %get3A_24] : memref<10112x128xf32, #tpu.memory_space<vmem>>, vector<10112x128xf32>
    %add3A_26 = arith.addf %add3A_22, %get3A_25 : vector<10112x128xf32>
    %mul3A = vector.broadcast %rsqrt3A : vector<10112x1xf32> to vector<10112x128xf32>
    %mul3A_27 = arith.mulf %mul3A, %add3A_26 : vector<10112x128xf32>
    %get3A_28 = arith.constant 0 : index
    %get3A_29 = arith.constant 0 : index
    %get3A_30 = vector.load %arg4[%get3A_28, %get3A_29] : memref<1x128xf32, #tpu.memory_space<vmem>>, vector<1x128xf32>
    %add3A_31 = vector.broadcast %get3A_30 : vector<1x128xf32> to vector<10112x128xf32>
    %add3A_32 = arith.addf %mul3A_27, %add3A_31 : vector<10112x128xf32>
    %max3A = arith.constant 0.000000e+00 : f32
    %max3A_33 = vector.broadcast %max3A : f32 to vector<10112x128xf32>
    %max3A_34 = arith.maximumf %add3A_32, %max3A_33 : vector<10112x128xf32>
    %get3A_35 = arith.constant 0 : index
    %get3A_36 = arith.constant 0 : index
    %get3A_37 = vector.load %arg3[%get3A_35, %get3A_36] : memref<128x128xf32, #tpu.memory_space<vmem>>, vector<128x128xf32>
    %dot_general3A = arith.constant dense<0.000000e+00> : vector<10112x128xf32>
    %dot_general3A_38 = tpu.matmul %max3A_34, %get3A_37, %dot_general3A {dimension_numbers = #tpu.dot_dimension_numbers<[1], [0], [0], [1], [0, 0, 1, 1], [], []>, transpose_lhs_hint = false} : vector<10112x128xf32>, vector<128x128xf32>, vector<10112x128xf32> -> vector<10112x128xf32>
    %mul3A_39 = vector.broadcast %rsqrt3A : vector<10112x1xf32> to vector<10112x128xf32>
    %mul3A_40 = arith.mulf %dot_general3A_38, %mul3A_39 : vector<10112x128xf32>
    %swap3A = arith.constant 0 : index
    %swap3A_41 = arith.constant 0 : index
    %swap3A_42 = vector.load %arg5[%swap3A, %swap3A_41] : memref<10112x128xf32, #tpu.memory_space<vmem>>, vector<10112x128xf32>
    tpu.vector_store %arg5[%swap3A, %swap3A_41], %mul3A_40 {strides = array<i32>} : memref<10112x128xf32, #tpu.memory_space<vmem>>, vector<10112x128xf32>,
    return
  }
}

</mosaic_0001>

<sc_bundles>
// kernel: kernel.20.cloned.1.call-start
scs
__scs_entry_jumppad:
0x0: {  	(pc) =	sbr.rel $0x88, $3  }
0x1: {  	(tag) =	ssettag $0x0;
	lr =	simm.s32 $0x1  }
0x2: {  	[smem:$0x3F9B] =	sst lr;
	_ =	strace $0xD0000000  }
0x3: {  	_ = 	snop  }
0x4: {  	_ = 	snop  }
0x5: {  	_ = 	snop  }
0x6: {  	_ = 	snop  }
0x7: {  	_ = 	snop  }
__scs_overlays_trampoline_lowered:
0x8: {  	[smem:$0x3FAA] =	sst s0  }
0x9: {  	[smem:$0x3FAB] =	sst s1  }
0xa: {  	[smem:$0x3FAC] =	sst s2  }
0xb: {  	[smem:$0x3FAD] =	sst s3  }
0xc: {  	[smem:$0x3FAE] =	sst s4  }
0xd: {  	[smem:$0x3FAF] =	sst s5  }
0xe: {  	[smem:$0x3FB0] =	sst s6  }
0xf: {  	[smem:$0x3FB1] =	sst s7  }
0x10: {  	[smem:$0x3FB2] =	sst s8  }
0x11: {  	[smem:$0x3FB3] =	sst s9;
	s0 =	simm.s32 @!p0 $0x0  }
0x12: {  	s1 =	sld [smem:$0x3F99];
	s0 =	simm.s32 @p0 $0x1  }
0x13: {  	[smem:$0x3FB4] =	sst s0;
	s0 =	simm.s32 @!p1 $0x0  }
0x14: {  	s2 =	sld [smem:$0x3F98];
	s0 =	simm.s32 @p1 $0x1  }
0x15: {  	[smem:$0x3FB5] =	sst s0;
	s0 =	simm.s32 @!p2 $0x0  }
0x16: {  	s3 =	sld [smem:$0x3FDB];
	s0 =	simm.s32 @p2 $0x1  }
0x17: {  	s4 =	simm.s32 $0x1BF5;
	[smem:$0x3FB7] =	sst s0  }
0x18: {  	s0 =	sld [smem:$0x3F9A];
	_ =	swait.ge [sflag:s4], $0x0  }
0x19: {  	s7 =	sld [smem:$0x3F9B]  }
0x1a: {  	s8 =	sadd.s32 $0xFFFFE003, lr  }
0x1b: {  	s9 =	sadd.s32 $0xFFFFFEF7, lr;
	s5 =	simm.s32 $0xFFFFFFFF;
	p2 =	slt.u32 s8, $0xFFFFF086  }
0x1c: {  	p1 =	slt.u32 s9, $0xF7A;
	s5 =	simm.s32 @!p2 $0x0  }
0x1d: {  	s5 =	simm.s32 @p1 $0x1;
	p0 =	seq.s32 s7, s2  }
0x1e: {  	s7 =	smul.u32 @!p0 $0xF7A, s2;
	p2 =	seq.s32 @!p0 s5, $0x0  }
0x1f: {  	s9 =	smul.u32 $0xF7A, s1;
	s8 =	simm.s32 @!p0 $0x1BF5;
	p2 =	por !p2, p0  }
0x20: {  	[sflag:s8] =	ssyncset.s32 @!p0 $0xFFFFF086;
	s6 =	sadd.s32 @!p0 s3, s7;
	s7 =	simm.s32 @!p0 $0x108  }
0x21: {  	s3 =	sadd.s32 s3, s9;
	s6 =	sadd.s32 @!p0 $0x88, s6;
	s7 =	simm.s32 @p2 $0x1082  }
0x22: {  	[simem:s7], [sflag:s8] =	dma.local @!p0 [hbm:s6], $0xF7A  }
0x23: {  	s9 =	sor.u32 $0xD0000000, s2;
	s6 =	simm.s32 $0x108;
	_ =	swait.ge @!p0 [sflag:s8], $0x0  }
0x24: {  	s3 =	sadd.s32 $0x88, s3;
	s6 =	simm.s32 @!p1 $0x1082;
	[sflag:s4] =	ssyncset.s32 $0xFFFFF086  }
0x25: {  	[simem:s6], [sflag:s4] =	dma.local [hbm:s3], $0xF7A  }
0x26: {  	[smem:$0x3F9B] =	sst s1;
	(tag) =	ssettag s2;
	_ =	strace s9  }
0x27: {  	s1 =	sld [smem:$0x3FAB]  }
0x28: {  	s2 =	sld [smem:$0x3FAC]  }
0x29: {  	s4 =	sld [smem:$0x3FAE]  }
0x2a: {  	p0 =	seq.s32 s5, $0x0;
	s5 =	sld [smem:$0x3FAF]  }
0x2b: {  	s6 =	sld [smem:$0x3FB0]  }
0x2c: {  	s7 =	sld [smem:$0x3FB1]  }
0x2d: {  	s3 =	simm.s32 $0x108;
	s8 =	sld [smem:$0x3FB2]  }
0x2e: {  	s3 =	simm.s32 @!p0 $0x1082;
	s9 =	sld [smem:$0x3FB3]  }
0x2f: {  	lr =	sadd.s32 s0, s3;
	s0 =	sld [smem:$0x3FAA]  }
0x30: {  	s3 =	sld [smem:$0x3FAD]  }
0x31: {  	[smem:$0x3FB6] =	sst s10  }
0x32: {  	s10 =	sld [smem:$0x3FB4];
	_ =	sdelay $0x3  }
0x33: {  	p0 =	seq.s32 s10, $0x1;
	s10 =	sld [smem:$0x3FB6];
	_ =	sdelay $0x3  }
0x34: {  	[smem:$0x3FB6] =	sst s10  }
0x35: {  	s10 =	sld [smem:$0x3FB5];
	_ =	sdelay $0x3  }
0x36: {  	p1 =	seq.s32 s10, $0x1;
	s10 =	sld [smem:$0x3FB6];
	_ =	sdelay $0x3  }
0x37: {  	[smem:$0x3FB6] =	sst s10  }
0x38: {  	s10 =	sld [smem:$0x3FB7]  }
0x39: {  	_ = 	snop;
	(pc) =	sbr.ind lr, $3  }
0x3a: {  	_ = 	snop  }
0x3b: {  	_ = 	snop  }
0x3c: {  	p2 =	seq.s32 s10, $0x1;
	s10 =	sld [smem:$0x3FB6]  }
0x3d: {  	_ =	shalt  }
0x3e: {  	_ =	shalt  }
0x3f: {  	_ =	shalt  }
0x40: {  	_ =	shalt  }
0x41: {  	_ =	shalt  }
0x42: {  	_ =	shalt  }
0x43: {  	_ =	shalt  }
0x44: {  	_ =	shalt  }
0x45: {  	_ =	shalt  }
0x46: {  	_ =	shalt  }
0x47: {  	_ =	shalt  }
0x48: {  	_ =	shalt  }
0x49: {  	_ =	shalt  }
0x4a: {  	_ =	shalt  }
0x4b: {  	_ =	shalt  }
0x4c: {  	_ =	shalt  }
0x4d: {  	_ =	shalt  }
0x4e: {  	_ =	shalt  }
0x4f: {  	_ =	shalt  }
0x50: {  	_ =	shalt  }
0x51: {  	_ =	shalt  }
0x52: {  	_ =	shalt  }
0x53: {  	_ =	shalt  }
0x54: {  	_ =	shalt  }
0x55: {  	_ =	shalt  }
0x56: {  	_ =	shalt  }
0x57: {  	_ =	shalt  }
0x58: {  	_ =	shalt  }
0x59: {  	_ =	shalt  }
0x5a: {  	_ =	shalt  }
0x5b: {  	_ =	shalt  }
0x5c: {  	_ =	shalt  }
0x5d: {  	_ =	shalt  }
0x5e: {  	_ =	shalt  }
0x5f: {  	_ =	shalt  }
0x60: {  	_ =	shalt  }
0x61: {  	_ =	shalt  }
0x62: {  	_ =	shalt  }
0x63: {  	_ =	shalt  }
0x64: {  	_ =	shalt  }
0x65: {  	_ =	shalt  }
0x66: {  	_ =	shalt  }
0x67: {  	_ =	shalt  }
0x68: {  	_ =	shalt  }
0x69: {  	_ =	shalt  }
0x6a: {  	_ =	shalt  }
0x6b: {  	_ =	shalt  }
0x6c: {  	_ =	shalt  }
0x6d: {  	_ =	shalt  }
0x6e: {  	_ =	shalt  }
0x6f: {  	_ =	shalt  }
0x70: {  	_ =	shalt  }
0x71: {  	_ =	shalt  }
0x72: {  	_ =	shalt  }
0x73: {  	_ =	shalt  }
0x74: {  	_ =	shalt  }
0x75: {  	_ =	shalt  }
0x76: {  	_ =	shalt  }
0x77: {  	_ =	shalt  }
0x78: {  	_ =	shalt  }
0x79: {  	_ =	shalt  }
0x7a: {  	_ =	shalt  }
0x7b: {  	_ =	shalt  }
0x7c: {  	_ =	shalt  }
0x7d: {  	_ =	shalt  }
0x7e: {  	_ =	shalt  }
0x7f: {  	_ =	shalt  }
0x80: {  	_ =	shalt  }
0x81: {  	_ =	shalt  }
0x82: {  	_ =	shalt  }
0x83: {  	_ =	shalt  }
0x84: {  	_ =	shalt  }
0x85: {  	_ =	shalt  }
0x86: {  	_ =	shalt  }
0x87: {  	_ =	shalt  }
.Lfunc_end0:
.L_simem_size_0:
called_computation_lowered:
.L_overlay_start_0:
0x88: {  	s2 =	sld [smem:$0x3FD9]  }
0x89: {  	s3 =	sld [smem:$0x3FFE];
	_ =	sdelay $0x1  }
0x8a: {  	s1 =	srdreg.scid  }
0x8b: {  	s0 =	sand.u32 $0x1, s1  }
0x8c: {  	s16 =	sshll.u32 s0, $0xA;
	s2 =	sadd.s32 s3, s2  }
0x8d: {  	s2 =	sadd.s32 s2, s16  }
0x8e: {  	[smem:$0x3FC2] =	sst s2  }
0x8f: {  	_ = 	snop  }
0x90: {  	(tm) =	ssettm $0x1  }
0x91: {  	s17 =	sld [smem:$0x3FFB];
	_ =	sdelay $0x3  }
0x92: {  	_ =	strace s17  }
0x93: {  	s2 =	sld [smem:$0x3FFC];
	_ =	sdelay $0x3  }
0x94: {  	_ =	strace s2  }
0x95: {  	s2 =	sld [smem:$0x3FFD];
	_ =	sdelay $0x3  }
0x96: {  	_ =	strace s2  }
0x97: {  	_ =	strace $0x8FFFFFFF  }
0x98: {  	s18 =	sld [smem:$0x3FDB];
	_ =	sdelay $0x1  }
0x99: {  	s19 =	simm.s32 $_scs_section_size  }
0x9a: {  	s4 =	simm.s32 $_size__tile_overlayer_lowered;
	s5 =	simm.s32 $_tile_overlayer_lowered  }
0x9b: {  	s22 =	simm.s32 $0x1BFF;
	s21 =	sshll.u32 s5, $0x1;
	s2 =	sadd.s32 s19, s18  }
0x9c: {  	s6 =	simm.s32 $0x0;
	s20 =	sshll.u32 s4, $0x1;
	s4 =	sadd.s32 s21, s2  }
0x9d: {  	[timem:s6], [sflag:s22] =	dma.local [hbm:s4], s20  }
0x9e: {  	_ =	swait.ge [sflag:s22], s20  }
0x9f: {  	s3 =	ssub.s32 $0x0, s20;
	[sflag:s22] =	ssyncset.done $0x0  }
0xa0: {  	[sflag:s22] =	ssyncadd.s32 s3;
	_ =	sdelay $0x1  }
0xa1: {  	s23 =	simm.s32 $0x1B8B  }
0xa2: {  	_ =	swait.ge [sflag:s23], $0x1  }
0xa3: {  	[sflag:s23] =	ssyncset.done $0x0  }
0xa4: {  	s25 =	simm.s32 $0x1B8E;
	s24 =	sld [smem:$0x3FFE];
	[sflag:s23] =	ssyncadd.s32 $0xFFFFFFFF  }
0xa5: {  	s26 =	simm.s32 $execute0_lowered;
	[smem:$0x3FD2] =	sst s25  }
0xa6: {  	s4 =	sshll.u32 s26, $0x1;
	_ =	strace $0x80000046;
	[dreg:$0x1] =	wrdreg $0xFFFFFFFF  }
0xa7: {  	s28 =	simm.s32 $_size_execute0_lowered;
	s2 =	sadd.s32 s2, s4;
	[dreg:$0x0] =	wrdreg $0x0  }
0xa8: {  	s4 =	sshll.u32 s28, $0x1;
	[dreg:$0x2] =	wrdreg s2  }
0xa9: {  	[dreg:$0x3] =	wrdreg s4  }
0xaa: {  	[dreg:$0x4] =	wrdreg $0xC0  }
0xab: {  	_ =	task [dreg:s6], $0x5FFFF  }
0xac: {  	[dreg:$0x1] =	wrdreg $0xFFFFFFFF  }
0xad: {  	[dreg:$0x0] =	wrdreg $0x60  }
0xae: {  	[dreg:$0x2] =	wrdreg s24  }
0xaf: {  	[dreg:$0x3] =	wrdreg $0x41000  }
0xb0: {  	[dreg:$0x4] =	wrdreg $0x9  }
0xb1: {  	_ =	task.clear_ibuf [dreg:s6], $0x5FFFF;
	_ =	strace $0x90000046  }
0xb2: {  	s29 =	simm.s32 $0x9;
	_ =	strace $0x80000048  }
0xb3: {  	_ =	swait.ge [sflag:s29], $0x1  }
0xb4: {  	[sflag:s29] =	ssyncadd.s32 $0xFFFFFFFF  }
0xb5: {  	_ =	strace $0x90000048  }
0xb6: {  	_ =	sfence  }
0xb7: {  	s30 =	sld [smem:$0x0];
	_ =	sdelay $0x2  }
0xb8: {  	s31 =	sshll.u32 s1, $0xD;
	s1 =	sshrl.u32 s1, $0x2  }
0xb9: {  	s3 =	sand.u32 $0x4000, s31;
	s1 =	sadd.s32 s1, s30  }
0xba: {  	s0 =	sor.u32 s3, s0;
	s1 =	sshll.u32 s1, $0x11  }
0xbb: {  	s0 =	sor.u32 s1, s0  }
0xbc: {  	s0 =	sadd.s32 $0x8F2B, s0  }
0xbd: {  	[sflag:s0] =	ssyncadd.remote.s32 $0x1  }
0xbe: {  	_ =	sfence.sel $0xFFFF  }
0xbf: {  	[dreg:$0x0] =	wrdreg $0xFFFFFFFF;
	(pc) =	sbr.abs _section_cstart, $3  }
0xc0: {  	[dreg:$0x1] =	wrdreg $0xFFFFFFFF  }
0xc1: {  	_ =	task.clear_ibuf [dreg:s6], $0x2FFFF;
	_ =	strace $0x9FFFFFFF  }
0xc2: {  	(tm) =	ssettm $0x7FFFFFFF  }
0xc3: {  	_ =	shalt  }
tec
execute0_lowered:
.L_overlay_start_1:
0x0: {  	(tag) =	ssettag $0x1  }
0x1: {  	s5 =	rddreg [dreg:$0x0]  }
0x2: {  	s0 =	srdreg.scid;
	s2 =	rddreg [dreg:$0x1]  }
0x3: {  	s1 =	rddreg [dreg:$0x2];
	s6 =	sand.u32 $0x1, s0  }
0x4: {  	s3 =	simm.s32 $0x0;
	s0 =	stileid.u32;
	s4 =	smul.u32 $0x28000, s6  }
0x5: {  	s13 =	simm.s32 $0x80;
	s14 =	simm.s32 $0x1;
	s7 =	smul.u32 $0x2800, s0  }
0x6: {  	s15 =	simm.s32 $0x2;
	[smem:$0x7FF] =	sst s3;
	s28 =	smul.u32 $0x13C00, s0  }
0x7: {  	s16 =	simm.s32 $0x0;
	s8 =	smul.u32 $0x13C000, s6;
	_ =	strace $0x80000047  }
0x8: {  	s29 =	smul.u32 $0x4F000, s0;
	s6 =	ssub.s32 $0x2, s6;
	s31 =	sshll.u32 s0, $0x6  }
0x9: {  	s30 =	sshrl.u32 s6, $0x1;
	s4 =	sadd.s32 s7, s4;
	s10 =	sshrl.u32 s28, $0x3  }
0xa: {  	s7 =	sadd.s32 s28, s8;
	s8 =	sshrl.u32 s29, $0x2;
	s11 =	ssub.s32 s6, s30  }
0xb: {  	s6 =	sor.u32 $0x1C03, s31;
	s4 =	sshrl.u32 s4, $0x3;
	s10 =	sadd.s32 s10, s5  }
0xc: {  	s7 =	sshrl.u32 s7, $0x3;
	s12 =	sadd.s32 s8, s2;
	s8 =	smax.u32 s11, $0x1  }
0xd: {  	s11 =	simm.s32 $0x3;
	s9 =	sadd.s32 s4, s5;
	s4 =	sadd.s32 $0x38600, s5  }
0xe: {  	s7 =	sadd.s32 s7, s5;
	s5 =	sadd.s32 $0x10E00, s10;
	s10 =	sshrl.u32 s12, $0x3  }
0xf: {  	s12 =	simm.s32 $0x100;
	s7 =	sadd.s32 $0x38E00, s7;
	s9 =	sadd.s32 $0x6E00, s9  }
.LBB2_1:
0x10: {  	[spmem:s10], [sflag:s6] =	dma.local [hbm:s5], $0x2780  }
0x11: {  	_ =	swait.ge [sflag:s11], $0x2780  }
0x12: {  	[sflag:s11] =	ssyncset.done $0x0  }
0x13: {  	[sflag:s11] =	ssyncadd.s32 $0xFFFFD880  }
0x14: {  	[tilespmem:s12], [sflag:$0x3] =	stream.linear.gather [hbm4b:s4+s3], $0x4000, $0x38;
	[tilespmem:$0x17D00] =	vst v63  }
0x15: {  	_ =	swait.ge [sflag:s11], $0x4000  }
0x16: {  	[sflag:s11] =	ssyncset.done $0x0  }
0x17: {  	[sflag:s11] =	ssyncadd.s32 $0xFFFFC000  }
0x18: {  	s17 =	sadd.s32 $0x0, s9;
	[bflag:$0x0] =	sbarrier.arrive $0xFFFF  }
0x19: {  	[tilespmem:s3], [sflag:$0x1] =	stream.linear.gather [hbm4b:s17+s3], $0x80, $0x38;
	[tilespmem:$0x17D00] =	vst v63  }
0x1a: {  	s17 =	sadd.s32 $0x10, s17  }
0x1b: {  	[tilespmem:s13], [sflag:$0x1] =	stream.linear.gather [hbm4b:s17+s3], $0x80, $0x38;
	[tilespmem:$0x17D00] =	vst v63  }
0x1c: {  	_ =	swait.ge [sflag:s14], $0x80  }
0x1d: {  	[sflag:s14] =	ssyncset.done $0x0  }
0x1e: {  	[sflag:s14] =	ssyncadd.s32 $0xFFFFFF80  }
0x1f: {  	_ =	swait.ge [sflag:s14], $0x80  }
0x20: {  	[sflag:s14] =	ssyncset.done $0x0  }
0x21: {  	[sflag:s14] =	ssyncadd.s32 $0xFFFFFF80  }
0x22: {  	[spmem:s2] =	stream.indirect.scatter.add.f32 [tilespmem:s12], [sflag:$0x2], $0x80, s3, s13, $0xb8;
	[tilespmem:$0x17D00] =	vst v63  }
0x23: {  	_ = 	snop  }
0x24: {  	[spmem:s2] =	stream.indirect.scatter.add.f32 [tilespmem:s12], [sflag:$0x2], $0x80, s13, s13, $0xb8;
	[tilespmem:$0x17D00] =	vst v63  }
0x25: {  	_ =	swait.ge [sflag:s15], $0x4000  }
0x26: {  	[sflag:s15] =	ssyncset.done $0x0  }
0x27: {  	[sflag:s15] =	ssyncadd.s32 $0xFFFFC000  }
0x28: {  	_ =	swait.ge [sflag:s15], $0x4000  }
0x29: {  	s18 =	simm.s32 $0x40;
	s17 =	simm.s32 $0x20;
	[sflag:s15] =	ssyncset.done $0x0  }
.LBB2_2:
0x2a: {  	s19 =	sadd.s32 s17, s9  }
0x2b: {  	[sflag:s15] =	ssyncadd.s32 $0xFFFFC000;
	s17 =	smov.u32 s18;
	s20 =	sadd.s32 $0x20, s18  }
0x2c: {  	[tilespmem:s3], [sflag:$0x1] =	stream.linear.gather [hbm4b:s19+s3], $0x80, $0x38;
	[tilespmem:$0x17D00] =	vst v63  }
0x2d: {  	p0 =	sne.s32 s18, $0x4E0;
	s18 =	sadd.s32 $0x10, s19  }
0x2e: {  	[tilespmem:s13], [sflag:$0x1] =	stream.linear.gather [hbm4b:s18+s3], $0x80, $0x38;
	[tilespmem:$0x17D00] =	vst v63  }
0x2f: {  	_ =	swait.ge [sflag:s14], $0x80  }
0x30: {  	[sflag:s14] =	ssyncset.done $0x0  }
0x31: {  	[sflag:s14] =	ssyncadd.s32 $0xFFFFFF80  }
0x32: {  	_ =	swait.ge [sflag:s14], $0x80  }
0x33: {  	[sflag:s14] =	ssyncset.done $0x0  }
0x34: {  	[sflag:s14] =	ssyncadd.s32 $0xFFFFFF80  }
0x35: {  	[spmem:s2] =	stream.indirect.scatter.add.f32 [tilespmem:s12], [sflag:$0x2], $0x80, s3, s13, $0xb8;
	[tilespmem:$0x17D00] =	vst v63  }
0x36: {  	_ = 	snop  }
0x37: {  	[spmem:s2] =	stream.indirect.scatter.add.f32 [tilespmem:s12], [sflag:$0x2], $0x80, s13, s13, $0xb8;
	[tilespmem:$0x17D00] =	vst v63  }
.Ltmp0:
0x38: {  	_ =	swait.ge [sflag:s15], $0x4000;
	(pc) =	sbr.rel @p0 .LBB2_2-.Ltmp0, $4  }
0x39: {  	[sflag:s15] =	ssyncset.done $0x0  }
0x3a: {  	[sflag:s15] =	ssyncadd.s32 $0xFFFFC000  }
0x3b: {  	_ =	swait.ge [sflag:s15], $0x4000  }
0x3c: {  	s18 =	smov.u32 s20;
	[sflag:s15] =	ssyncset.done $0x0  }
0x3d: {  	s17 =	sadd.s32 s17, s9;
	[sflag:s15] =	ssyncadd.s32 $0xFFFFC000  }
0x3e: {  	[tilespmem:s3], [sflag:$0x1] =	stream.linear.gather [hbm4b:s17+s3], $0x80, $0x38;
	[tilespmem:$0x17D00] =	vst v63  }
0x3f: {  	s17 =	sadd.s32 $0x10, s17  }
0x40: {  	[tilespmem:s13], [sflag:$0x1] =	stream.linear.gather [hbm4b:s17+s3], $0x80, $0x38;
	[tilespmem:$0x17D00] =	vst v63  }
0x41: {  	_ =	swait.ge [sflag:s14], $0x80  }
0x42: {  	[sflag:s14] =	ssyncset.done $0x0  }
0x43: {  	[sflag:s14] =	ssyncadd.s32 $0xFFFFFF80  }
0x44: {  	_ =	swait.ge [sflag:s14], $0x80  }
0x45: {  	[sflag:s14] =	ssyncset.done $0x0  }
0x46: {  	[sflag:s14] =	ssyncadd.s32 $0xFFFFFF80  }
0x47: {  	[spmem:s2] =	stream.indirect.scatter.add.f32 [tilespmem:s12], [sflag:$0x2], $0x80, s3, s13, $0xb8;
	[tilespmem:$0x17D00] =	vst v63  }
0x48: {  	_ = 	snop  }
0x49: {  	[spmem:s2] =	stream.indirect.scatter.add.f32 [tilespmem:s12], [sflag:$0x2], $0x80, s13, s13, $0xb8;
	[tilespmem:$0x17D00] =	vst v63  }
0x4a: {  	_ =	swait.ge [sflag:s15], $0x4000  }
0x4b: {  	[sflag:s15] =	ssyncset.done $0x0  }
0x4c: {  	[sflag:s15] =	ssyncadd.s32 $0xFFFFC000  }
0x4d: {  	_ =	swait.ge [sflag:s15], $0x4000  }
0x4e: {  	s16 =	sadd.s32 $0x1, s16;
	[sflag:s15] =	ssyncset.done $0x0  }
0x4f: {  	p0 =	sne.s32 s16, s8;
	[sflag:s15] =	ssyncadd.s32 $0xFFFFC000  }
.Ltmp1:
0x50: {  	[bflag:$0x0] =	sbarrier.arrive $0xFFFF;
	(pc) =	sbr.rel @p0 .LBB2_1-.Ltmp1, $4  }
0x51: {  	[hbm:s7], [sflag:s6] =	dma.local [spmem:s10], $0x2780  }
0x52: {  	_ =	swait.ge [sflag:s11], $0x2780  }
0x53: {  	[sflag:s11] =	ssyncset.done $0x0  }
0x54: {  	[sflag:s11] =	ssyncadd.s32 $0xFFFFD880  }
0x55: {  	_ =	sfence.sel $0x180000  }
0x56: {  	[bflag:$0x0] =	sbarrier.arrive $0xFFFF  }
0x57: {  	p0 =	sne.s32 s0, $0x0;
	_ =	strace $0x90000047  }
0x58: {  	s0 =	sadd.s32 @!p0 $0x100000, s1;
	[bflag:$0x2] =	sbarrier.arrive $0xFFFF  }
0x59: {  	[sflag:s0] =	ssyncadd.tile.s32 @!p0 $0x1;
	_ =	shalt  }
.Lfunc_end2:
_tile_overlayer_lowered:
.L_overlay_start_2:
0x5a: {  	(tag) =	ssettag $0x2  }
0x5b: {  	s0 =	rddreg [dreg:$0x0];
	s2 =	stileid.u32  }
0x5c: {  	s1 =	rddreg [dreg:$0x1];
	p0 =	sne.s32 s2, $0x0  }
0x5d: {  	s3 =	rddreg [dreg:$0x2];
	[bflag:$0x3] =	sbarrier.arrive $0xFFFF;
	s2 =	simm.s32 @!p0 $0x1C03  }
0x5e: {  	[timem:s3], [sflag:s2] =	dma.local @!p0 [hbm:s0], s1  }
0x5f: {  	s0 =	simm.s32 @!p0 $0x3  }
0x60: {  	_ =	swait.ge @!p0 [sflag:s0], s1  }
0x61: {  	s1 =	ssub.s32 @!p0 $0x0, s1;
	[sflag:s0] =	ssyncset.done @!p0 $0x0  }
0x62: {  	[sflag:s0] =	ssyncadd.s32 @!p0 s1  }
0x63: {  	[bflag:$0x3] =	sbarrier.arrive $0xFFFF  }
0x64: {  	_ =	shalt  }

// kernel: kernel.23.cloned.1.call-start
scs
__scs_entry_jumppad:
0x0: {  	(pc) =	sbr.rel $0x88, $3  }
0x1: {  	(tag) =	ssettag $0x0;
	lr =	simm.s32 $0x1  }
0x2: {  	[smem:$0x3F9B] =	sst lr;
	_ =	strace $0xD0000000  }
0x3: {  	_ = 	snop  }
0x4: {  	_ = 	snop  }
0x5: {  	_ = 	snop  }
0x6: {  	_ = 	snop  }
0x7: {  	_ = 	snop  }
__scs_overlays_trampoline_lowered:
0x8: {  	[smem:$0x3FAA] =	sst s0  }
0x9: {  	[smem:$0x3FAB] =	sst s1  }
0xa: {  	[smem:$0x3FAC] =	sst s2  }
0xb: {  	[smem:$0x3FAD] =	sst s3  }
0xc: {  	[smem:$0x3FAE] =	sst s4  }
0xd: {  	[smem:$0x3FAF] =	sst s5  }
0xe: {  	[smem:$0x3FB0] =	sst s6  }
0xf: {  	[smem:$0x3FB1] =	sst s7  }
0x10: {  	[smem:$0x3FB2] =	sst s8  }
0x11: {  	[smem:$0x3FB3] =	sst s9;
	s0 =	simm.s32 @!p0 $0x0  }
0x12: {  	s1 =	sld [smem:$0x3F99];
	s0 =	simm.s32 @p0 $0x1  }
0x13: {  	[smem:$0x3FB4] =	sst s0;
	s0 =	simm.s32 @!p1 $0x0  }
0x14: {  	s2 =	sld [smem:$0x3F98];
	s0 =	simm.s32 @p1 $0x1  }
0x15: {  	[smem:$0x3FB5] =	sst s0;
	s0 =	simm.s32 @!p2 $0x0  }
0x16: {  	s3 =	sld [smem:$0x3FDB];
	s0 =	simm.s32 @p2 $0x1  }
0x17: {  	s4 =	simm.s32 $0x1BF5;
	[smem:$0x3FB7] =	sst s0  }
0x18: {  	s0 =	sld [smem:$0x3F9A];
	_ =	swait.ge [sflag:s4], $0x0  }
0x19: {  	s7 =	sld [smem:$0x3F9B]  }
0x1a: {  	s8 =	sadd.s32 $0xFFFFE003, lr  }
0x1b: {  	s9 =	sadd.s32 $0xFFFFFEF7, lr;
	s5 =	simm.s32 $0xFFFFFFFF;
	p2 =	slt.u32 s8, $0xFFFFF086  }
0x1c: {  	p1 =	slt.u32 s9, $0xF7A;
	s5 =	simm.s32 @!p2 $0x0  }
0x1d: {  	s5 =	simm.s32 @p1 $0x1;
	p0 =	seq.s32 s7, s2  }
0x1e: {  	s7 =	smul.u32 @!p0 $0xF7A, s2;
	p2 =	seq.s32 @!p0 s5, $0x0  }
0x1f: {  	s9 =	smul.u32 $0xF7A, s1;
	s8 =	simm.s32 @!p0 $0x1BF5;
	p2 =	por !p2, p0  }
0x20: {  	[sflag:s8] =	ssyncset.s32 @!p0 $0xFFFFF086;
	s6 =	sadd.s32 @!p0 s3, s7;
	s7 =	simm.s32 @!p0 $0x108  }
0x21: {  	s3 =	sadd.s32 s3, s9;
	s6 =	sadd.s32 @!p0 $0x88, s6;
	s7 =	simm.s32 @p2 $0x1082  }
0x22: {  	[simem:s7], [sflag:s8] =	dma.local @!p0 [hbm:s6], $0xF7A  }
0x23: {  	s9 =	sor.u32 $0xD0000000, s2;
	s6 =	simm.s32 $0x108;
	_ =	swait.ge @!p0 [sflag:s8], $0x0  }
0x24: {  	s3 =	sadd.s32 $0x88, s3;
	s6 =	simm.s32 @!p1 $0x1082;
	[sflag:s4] =	ssyncset.s32 $0xFFFFF086  }
0x25: {  	[simem:s6], [sflag:s4] =	dma.local [hbm:s3], $0xF7A  }
0x26: {  	[smem:$0x3F9B] =	sst s1;
	(tag) =	ssettag s2;
	_ =	strace s9  }
0x27: {  	s1 =	sld [smem:$0x3FAB]  }
0x28: {  	s2 =	sld [smem:$0x3FAC]  }
0x29: {  	s4 =	sld [smem:$0x3FAE]  }
0x2a: {  	p0 =	seq.s32 s5, $0x0;
	s5 =	sld [smem:$0x3FAF]  }
0x2b: {  	s6 =	sld [smem:$0x3FB0]  }
0x2c: {  	s7 =	sld [smem:$0x3FB1]  }
0x2d: {  	s3 =	simm.s32 $0x108;
	s8 =	sld [smem:$0x3FB2]  }
0x2e: {  	s3 =	simm.s32 @!p0 $0x1082;
	s9 =	sld [smem:$0x3FB3]  }
0x2f: {  	lr =	sadd.s32 s0, s3;
	s0 =	sld [smem:$0x3FAA]  }
0x30: {  	s3 =	sld [smem:$0x3FAD]  }
0x31: {  	[smem:$0x3FB6] =	sst s10  }
0x32: {  	s10 =	sld [smem:$0x3FB4];
	_ =	sdelay $0x3  }
0x33: {  	p0 =	seq.s32 s10, $0x1;
	s10 =	sld [smem:$0x3FB6];
	_ =	sdelay $0x3  }
0x34: {  	[smem:$0x3FB6] =	sst s10  }
0x35: {  	s10 =	sld [smem:$0x3FB5];
	_ =	sdelay $0x3  }
0x36: {  	p1 =	seq.s32 s10, $0x1;
	s10 =	sld [smem:$0x3FB6];
	_ =	sdelay $0x3  }
0x37: {  	[smem:$0x3FB6] =	sst s10  }
0x38: {  	s10 =	sld [smem:$0x3FB7]  }
0x39: {  	_ = 	snop;
	(pc) =	sbr.ind lr, $3  }
0x3a: {  	_ = 	snop  }
0x3b: {  	_ = 	snop  }
0x3c: {  	p2 =	seq.s32 s10, $0x1;
	s10 =	sld [smem:$0x3FB6]  }
0x3d: {  	_ =	shalt  }
0x3e: {  	_ =	shalt  }
0x3f: {  	_ =	shalt  }
0x40: {  	_ =	shalt  }
0x41: {  	_ =	shalt  }
0x42: {  	_ =	shalt  }
0x43: {  	_ =	shalt  }
0x44: {  	_ =	shalt  }
0x45: {  	_ =	shalt  }
0x46: {  	_ =	shalt  }
0x47: {  	_ =	shalt  }
0x48: {  	_ =	shalt  }
0x49: {  	_ =	shalt  }
0x4a: {  	_ =	shalt  }
0x4b: {  	_ =	shalt  }
0x4c: {  	_ =	shalt  }
0x4d: {  	_ =	shalt  }
0x4e: {  	_ =	shalt  }
0x4f: {  	_ =	shalt  }
0x50: {  	_ =	shalt  }
0x51: {  	_ =	shalt  }
0x52: {  	_ =	shalt  }
0x53: {  	_ =	shalt  }
0x54: {  	_ =	shalt  }
0x55: {  	_ =	shalt  }
0x56: {  	_ =	shalt  }
0x57: {  	_ =	shalt  }
0x58: {  	_ =	shalt  }
0x59: {  	_ =	shalt  }
0x5a: {  	_ =	shalt  }
0x5b: {  	_ =	shalt  }
0x5c: {  	_ =	shalt  }
0x5d: {  	_ =	shalt  }
0x5e: {  	_ =	shalt  }
0x5f: {  	_ =	shalt  }
0x60: {  	_ =	shalt  }
0x61: {  	_ =	shalt  }
0x62: {  	_ =	shalt  }
0x63: {  	_ =	shalt  }
0x64: {  	_ =	shalt  }
0x65: {  	_ =	shalt  }
0x66: {  	_ =	shalt  }
0x67: {  	_ =	shalt  }
0x68: {  	_ =	shalt  }
0x69: {  	_ =	shalt  }
0x6a: {  	_ =	shalt  }
0x6b: {  	_ =	shalt  }
0x6c: {  	_ =	shalt  }
0x6d: {  	_ =	shalt  }
0x6e: {  	_ =	shalt  }
0x6f: {  	_ =	shalt  }
0x70: {  	_ =	shalt  }
0x71: {  	_ =	shalt  }
0x72: {  	_ =	shalt  }
0x73: {  	_ =	shalt  }
0x74: {  	_ =	shalt  }
0x75: {  	_ =	shalt  }
0x76: {  	_ =	shalt  }
0x77: {  	_ =	shalt  }
0x78: {  	_ =	shalt  }
0x79: {  	_ =	shalt  }
0x7a: {  	_ =	shalt  }
0x7b: {  	_ =	shalt  }
0x7c: {  	_ =	shalt  }
0x7d: {  	_ =	shalt  }
0x7e: {  	_ =	shalt  }
0x7f: {  	_ =	shalt  }
0x80: {  	_ =	shalt  }
0x81: {  	_ =	shalt  }
0x82: {  	_ =	shalt  }
0x83: {  	_ =	shalt  }
0x84: {  	_ =	shalt  }
0x85: {  	_ =	shalt  }
0x86: {  	_ =	shalt  }
0x87: {  	_ =	shalt  }
.Lfunc_end0:
.L_simem_size_0:
called_computation.1_lowered:
.L_overlay_start_0:
0x88: {  	s2 =	sld [smem:$0x3FD9]  }
0x89: {  	s3 =	sld [smem:$0x3FFE];
	_ =	sdelay $0x1  }
0x8a: {  	s1 =	srdreg.scid  }
0x8b: {  	s0 =	sand.u32 $0x1, s1  }
0x8c: {  	s16 =	sshll.u32 s0, $0xA;
	s2 =	sadd.s32 s3, s2  }
0x8d: {  	s2 =	sadd.s32 s2, s16  }
0x8e: {  	[smem:$0x3FC2] =	sst s2  }
0x8f: {  	_ = 	snop  }
0x90: {  	(tm) =	ssettm $0x1  }
0x91: {  	s17 =	sld [smem:$0x3FFB];
	_ =	sdelay $0x3  }
0x92: {  	_ =	strace s17  }
0x93: {  	s2 =	sld [smem:$0x3FFC];
	_ =	sdelay $0x3  }
0x94: {  	_ =	strace s2  }
0x95: {  	s2 =	sld [smem:$0x3FFD];
	_ =	sdelay $0x3  }
0x96: {  	_ =	strace s2  }
0x97: {  	_ =	strace $0x8FFFFFFF  }
0x98: {  	s18 =	sld [smem:$0x3FDB];
	_ =	sdelay $0x1  }
0x99: {  	s19 =	simm.s32 $_scs_section_size  }
0x9a: {  	s4 =	simm.s32 $_size__tile_overlayer_lowered;
	s5 =	simm.s32 $_tile_overlayer_lowered  }
0x9b: {  	s22 =	simm.s32 $0x1BFF;
	s21 =	sshll.u32 s5, $0x1;
	s2 =	sadd.s32 s19, s18  }
0x9c: {  	s6 =	simm.s32 $0x0;
	s20 =	sshll.u32 s4, $0x1;
	s4 =	sadd.s32 s21, s2  }
0x9d: {  	[timem:s6], [sflag:s22] =	dma.local [hbm:s4], s20  }
0x9e: {  	_ =	swait.ge [sflag:s22], s20  }
0x9f: {  	s3 =	ssub.s32 $0x0, s20;
	[sflag:s22] =	ssyncset.done $0x0  }
0xa0: {  	[sflag:s22] =	ssyncadd.s32 s3;
	_ =	sdelay $0x1  }
0xa1: {  	s23 =	simm.s32 $0x1B8B  }
0xa2: {  	_ =	swait.ge [sflag:s23], $0x1  }
0xa3: {  	[sflag:s23] =	ssyncset.done $0x0  }
0xa4: {  	s25 =	simm.s32 $0x1B8E;
	s24 =	sld [smem:$0x3FFE];
	[sflag:s23] =	ssyncadd.s32 $0xFFFFFFFF  }
0xa5: {  	s26 =	simm.s32 $execute0_lowered;
	[smem:$0x3FD2] =	sst s25  }
0xa6: {  	s4 =	sshll.u32 s26, $0x1;
	_ =	strace $0x80000049;
	[dreg:$0x1] =	wrdreg $0xFFFFFFFF  }
0xa7: {  	s28 =	simm.s32 $_size_execute0_lowered;
	s2 =	sadd.s32 s2, s4;
	[dreg:$0x0] =	wrdreg $0x0  }
0xa8: {  	s4 =	sshll.u32 s28, $0x1;
	[dreg:$0x2] =	wrdreg s2  }
0xa9: {  	[dreg:$0x3] =	wrdreg s4  }
0xaa: {  	[dreg:$0x4] =	wrdreg $0xC0  }
0xab: {  	_ =	task [dreg:s6], $0x5FFFF  }
0xac: {  	[dreg:$0x1] =	wrdreg $0xFFFFFFFF  }
0xad: {  	[dreg:$0x0] =	wrdreg $0x60  }
0xae: {  	[dreg:$0x2] =	wrdreg s24  }
0xaf: {  	[dreg:$0x3] =	wrdreg $0x82000  }
0xb0: {  	[dreg:$0x4] =	wrdreg $0x9  }
0xb1: {  	_ =	task.clear_ibuf [dreg:s6], $0x5FFFF;
	_ =	strace $0x90000049  }
0xb2: {  	s29 =	simm.s32 $0x9;
	_ =	strace $0x8000004B  }
0xb3: {  	_ =	swait.ge [sflag:s29], $0x1  }
0xb4: {  	[sflag:s29] =	ssyncadd.s32 $0xFFFFFFFF  }
0xb5: {  	_ =	strace $0x9000004B  }
0xb6: {  	_ =	sfence  }
0xb7: {  	s30 =	sld [smem:$0x0];
	_ =	sdelay $0x2  }
0xb8: {  	s31 =	sshll.u32 s1, $0xD;
	s1 =	sshrl.u32 s1, $0x2  }
0xb9: {  	s3 =	sand.u32 $0x4000, s31;
	s1 =	sadd.s32 s1, s30  }
0xba: {  	s0 =	sor.u32 s3, s0;
	s1 =	sshll.u32 s1, $0x11  }
0xbb: {  	s0 =	sor.u32 s1, s0  }
0xbc: {  	s0 =	sadd.s32 $0x8F2B, s0  }
0xbd: {  	[sflag:s0] =	ssyncadd.remote.s32 $0x1  }
0xbe: {  	_ =	sfence.sel $0xFFFF  }
0xbf: {  	[dreg:$0x0] =	wrdreg $0xFFFFFFFF;
	(pc) =	sbr.abs _section_cstart, $3  }
0xc0: {  	[dreg:$0x1] =	wrdreg $0xFFFFFFFF  }
0xc1: {  	_ =	task.clear_ibuf [dreg:s6], $0x2FFFF;
	_ =	strace $0x9FFFFFFF  }
0xc2: {  	(tm) =	ssettm $0x7FFFFFFF  }
0xc3: {  	_ =	shalt  }
tec
execute0_lowered:
.L_overlay_start_1:
0x0: {  	(tag) =	ssettag $0x1  }
0x1: {  	s5 =	rddreg [dreg:$0x0]  }
0x2: {  	s2 =	rddreg [dreg:$0x1]  }
0x3: {  	s0 =	srdreg.scid;
	s1 =	rddreg [dreg:$0x2]  }
0x4: {  	s3 =	simm.s32 $0x0;
	s13 =	simm.s32 $0x100;
	s14 =	simm.s32 $0x80  }
0x5: {  	s15 =	simm.s32 $0x180;
	s16 =	simm.s32 $0x1;
	s6 =	sand.u32 $0x1, s0  }
0x6: {  	s17 =	simm.s32 $0x200;
	s0 =	stileid.u32;
	s4 =	smul.u32 $0x28000, s6  }
0x7: {  	s18 =	simm.s32 $0x4200;
	s19 =	simm.s32 $0x2;
	s7 =	smul.u32 $0x2800, s0  }
0x8: {  	s20 =	simm.s32 $0x3;
	[smem:$0x7FF] =	sst s3;
	s26 =	smul.u32 $0x13C00, s0  }
0x9: {  	s21 =	simm.s32 $0x0;
	s8 =	smul.u32 $0x13C000, s6;
	_ =	strace $0x8000004A  }
0xa: {  	s6 =	ssub.s32 $0x2, s6;
	s28 =	smul.u32 $0x4F000, s0;
	s31 =	sshll.u32 s0, $0x6  }
0xb: {  	s29 =	sshrl.u32 s6, $0x1;
	s4 =	sadd.s32 s7, s4;
	s9 =	sshrl.u32 s26, $0x3  }
0xc: {  	s7 =	sadd.s32 s26, s8;
	s11 =	ssub.s32 s6, s29;
	s30 =	sshrl.u32 s28, $0x2  }
0xd: {  	s6 =	sor.u32 $0x1C04, s31;
	s4 =	sshrl.u32 s4, $0x3;
	s7 =	sshrl.u32 s7, $0x3  }
0xe: {  	s9 =	sadd.s32 s9, s5;
	s12 =	sadd.s32 s30, s2;
	s8 =	smax.u32 s11, $0x1  }
0xf: {  	s10 =	sadd.s32 s4, s5;
	s4 =	sadd.s32 $0x92E00, s5;
	s7 =	sadd.s32 s7, s5  }
0x10: {  	s5 =	sadd.s32 $0x10E00, s9;
	s11 =	sshrl.u32 s12, $0x3;
	s12 =	simm.s32 $0x4  }
0x11: {  	s7 =	sadd.s32 $0xBA600, s7;
	s9 =	sadd.s32 $0x87E00, s10;
	s10 =	sadd.s32 $0x6E00, s10  }
.LBB2_1:
0x12: {  	[spmem:s11], [sflag:s6] =	dma.local [hbm:s5], $0x2780  }
0x13: {  	_ =	swait.ge [sflag:s12], $0x2780  }
0x14: {  	[sflag:s12] =	ssyncset.done $0x0  }
0x15: {  	[sflag:s12] =	ssyncadd.s32 $0xFFFFD880  }
0x16: {  	s22 =	sadd.s32 $0x0, s9;
	[bflag:$0x0] =	sbarrier.arrive $0xFFFF  }
0x17: {  	[tilespmem:s3], [sflag:$0x1] =	stream.linear.gather [hbm4b:s22+s3], $0x80, $0x38;
	[tilespmem:$0x1BE00] =	vst v63  }
0x18: {  	s23 =	sadd.s32 $0x0, s10  }
0x19: {  	[tilespmem:s13], [sflag:$0x1] =	stream.linear.gather [hbm4b:s23+s3], $0x80, $0x38;
	[tilespmem:$0x1BE00] =	vst v63  }
0x1a: {  	s22 =	sadd.s32 $0x10, s22  }
0x1b: {  	[tilespmem:s14], [sflag:$0x1] =	stream.linear.gather [hbm4b:s22+s3], $0x80, $0x38;
	[tilespmem:$0x1BE00] =	vst v63  }
0x1c: {  	s31 =	sadd.s32 $0x10, s23  }
0x1d: {  	[tilespmem:s15], [sflag:$0x1] =	stream.linear.gather [hbm4b:s31+s3], $0x80, $0x38;
	[tilespmem:$0x1BE00] =	vst v63  }
0x1e: {  	_ =	swait.ge [sflag:s16], $0x80  }
0x1f: {  	[sflag:s16] =	ssyncset.done $0x0  }
0x20: {  	[sflag:s16] =	ssyncadd.s32 $0xFFFFFF80  }
0x21: {  	_ =	swait.ge [sflag:s16], $0x80  }
0x22: {  	[sflag:s16] =	ssyncset.done $0x0  }
0x23: {  	[sflag:s16] =	ssyncadd.s32 $0xFFFFFF80  }
0x24: {  	_ =	swait.ge [sflag:s16], $0x80  }
0x25: {  	[sflag:s16] =	ssyncset.done $0x0  }
0x26: {  	[sflag:s16] =	ssyncadd.s32 $0xFFFFFF80  }
0x27: {  	_ =	swait.ge [sflag:s16], $0x80  }
0x28: {  	[sflag:s16] =	ssyncset.done $0x0  }
0x29: {  	[sflag:s16] =	ssyncadd.s32 $0xFFFFFF80  }
0x2a: {  	[tilespmem:s17], [sflag:$0x2] =	stream.indirect.gather [hbm4b:s4+s14], $0x80, s3, s14, $0xb8;
	[tilespmem:$0x1BE00] =	vst v63  }
0x2b: {  	_ = 	snop  }
0x2c: {  	[tilespmem:s18], [sflag:$0x2] =	stream.indirect.gather [hbm4b:s4+s14], $0x80, s14, s14, $0xb8;
	[tilespmem:$0x1BE00] =	vst v63  }
0x2d: {  	_ =	swait.ge [sflag:s19], $0x4000  }
0x2e: {  	[sflag:s19] =	ssyncset.done $0x0  }
0x2f: {  	[sflag:s19] =	ssyncadd.s32 $0xFFFFC000  }
0x30: {  	_ =	swait.ge [sflag:s19], $0x4000  }
0x31: {  	[sflag:s19] =	ssyncset.done $0x0  }
0x32: {  	[sflag:s19] =	ssyncadd.s32 $0xFFFFC000  }
0x33: {  	[spmem:s2] =	stream.indirect.scatter.add.f32 [tilespmem:s17], [sflag:$0x3], $0x80, s13, s14, $0xb8;
	[tilespmem:$0x1BE00] =	vst v63  }
0x34: {  	_ = 	snop  }
0x35: {  	[spmem:s2] =	stream.indirect.scatter.add.f32 [tilespmem:s18], [sflag:$0x3], $0x80, s15, s14, $0xb8;
	[tilespmem:$0x1BE00] =	vst v63  }
0x36: {  	_ =	swait.ge [sflag:s20], $0x4000  }
0x37: {  	[sflag:s20] =	ssyncset.done $0x0  }
0x38: {  	[sflag:s20] =	ssyncadd.s32 $0xFFFFC000  }
0x39: {  	_ =	swait.ge [sflag:s20], $0x4000  }
0x3a: {  	s24 =	simm.s32 $0x40;
	s22 =	simm.s32 $0x20;
	[sflag:s20] =	ssyncset.done $0x0  }
.LBB2_2:
0x3b: {  	s25 =	sadd.s32 s22, s9  }
0x3c: {  	[sflag:s20] =	ssyncadd.s32 $0xFFFFC000;
	s26 =	smov.u32 s24;
	s23 =	sadd.s32 $0x20, s24  }
0x3d: {  	[tilespmem:s3], [sflag:$0x1] =	stream.linear.gather [hbm4b:s25+s3], $0x80, $0x38;
	[tilespmem:$0x1BE00] =	vst v63  }
0x3e: {  	p0 =	sne.s32 s24, $0x4E0;
	s24 =	sadd.s32 s22, s10;
	s22 =	smov.u32 s26  }
0x3f: {  	[tilespmem:s13], [sflag:$0x1] =	stream.linear.gather [hbm4b:s24+s3], $0x80, $0x38;
	[tilespmem:$0x1BE00] =	vst v63  }
0x40: {  	s25 =	sadd.s32 $0x10, s25  }
0x41: {  	[tilespmem:s14], [sflag:$0x1] =	stream.linear.gather [hbm4b:s25+s3], $0x80, $0x38;
	[tilespmem:$0x1BE00] =	vst v63  }
0x42: {  	s24 =	sadd.s32 $0x10, s24  }
0x43: {  	[tilespmem:s15], [sflag:$0x1] =	stream.linear.gather [hbm4b:s24+s3], $0x80, $0x38;
	[tilespmem:$0x1BE00] =	vst v63  }
0x44: {  	_ =	swait.ge [sflag:s16], $0x80  }
0x45: {  	[sflag:s16] =	ssyncset.done $0x0  }
0x46: {  	[sflag:s16] =	ssyncadd.s32 $0xFFFFFF80  }
0x47: {  	_ =	swait.ge [sflag:s16], $0x80  }
0x48: {  	[sflag:s16] =	ssyncset.done $0x0  }
0x49: {  	[sflag:s16] =	ssyncadd.s32 $0xFFFFFF80  }
0x4a: {  	_ =	swait.ge [sflag:s16], $0x80  }
0x4b: {  	[sflag:s16] =	ssyncset.done $0x0  }
0x4c: {  	[sflag:s16] =	ssyncadd.s32 $0xFFFFFF80  }
0x4d: {  	_ =	swait.ge [sflag:s16], $0x80  }
0x4e: {  	[sflag:s16] =	ssyncset.done $0x0  }
0x4f: {  	[sflag:s16] =	ssyncadd.s32 $0xFFFFFF80  }
0x50: {  	[tilespmem:s17], [sflag:$0x2] =	stream.indirect.gather [hbm4b:s4+s14], $0x80, s3, s14, $0xb8;
	[tilespmem:$0x1BE00] =	vst v63  }
0x51: {  	_ = 	snop  }
0x52: {  	[tilespmem:s18], [sflag:$0x2] =	stream.indirect.gather [hbm4b:s4+s14], $0x80, s14, s14, $0xb8;
	[tilespmem:$0x1BE00] =	vst v63  }
0x53: {  	_ =	swait.ge [sflag:s19], $0x4000  }
0x54: {  	[sflag:s19] =	ssyncset.done $0x0  }
0x55: {  	[sflag:s19] =	ssyncadd.s32 $0xFFFFC000  }
0x56: {  	_ =	swait.ge [sflag:s19], $0x4000  }
0x57: {  	[sflag:s19] =	ssyncset.done $0x0  }
0x58: {  	[sflag:s19] =	ssyncadd.s32 $0xFFFFC000  }
0x59: {  	[spmem:s2] =	stream.indirect.scatter.add.f32 [tilespmem:s17], [sflag:$0x3], $0x80, s13, s14, $0xb8;
	[tilespmem:$0x1BE00] =	vst v63  }
0x5a: {  	_ = 	snop  }
0x5b: {  	[spmem:s2] =	stream.indirect.scatter.add.f32 [tilespmem:s18], [sflag:$0x3], $0x80, s15, s14, $0xb8;
	[tilespmem:$0x1BE00] =	vst v63  }
.Ltmp0:
0x5c: {  	_ =	swait.ge [sflag:s20], $0x4000;
	(pc) =	sbr.rel @p0 .LBB2_2-.Ltmp0, $4  }
0x5d: {  	[sflag:s20] =	ssyncset.done $0x0  }
0x5e: {  	[sflag:s20] =	ssyncadd.s32 $0xFFFFC000  }
0x5f: {  	_ =	swait.ge [sflag:s20], $0x4000  }
0x60: {  	s24 =	smov.u32 s23;
	[sflag:s20] =	ssyncset.done $0x0  }
0x61: {  	s23 =	sadd.s32 s22, s9;
	[sflag:s20] =	ssyncadd.s32 $0xFFFFC000  }
0x62: {  	[tilespmem:s3], [sflag:$0x1] =	stream.linear.gather [hbm4b:s23+s3], $0x80, $0x38;
	[tilespmem:$0x1BE00] =	vst v63  }
0x63: {  	s31 =	sadd.s32 s22, s10  }
0x64: {  	[tilespmem:s13], [sflag:$0x1] =	stream.linear.gather [hbm4b:s31+s3], $0x80, $0x38;
	[tilespmem:$0x1BE00] =	vst v63  }
0x65: {  	s23 =	sadd.s32 $0x10, s23  }
0x66: {  	[tilespmem:s14], [sflag:$0x1] =	stream.linear.gather [hbm4b:s23+s3], $0x80, $0x38;
	[tilespmem:$0x1BE00] =	vst v63  }
0x67: {  	s22 =	sadd.s32 $0x10, s31  }
0x68: {  	[tilespmem:s15], [sflag:$0x1] =	stream.linear.gather [hbm4b:s22+s3], $0x80, $0x38;
	[tilespmem:$0x1BE00] =	vst v63  }
0x69: {  	_ =	swait.ge [sflag:s16], $0x80  }
0x6a: {  	[sflag:s16] =	ssyncset.done $0x0  }
0x6b: {  	[sflag:s16] =	ssyncadd.s32 $0xFFFFFF80  }
0x6c: {  	_ =	swait.ge [sflag:s16], $0x80  }
0x6d: {  	[sflag:s16] =	ssyncset.done $0x0  }
0x6e: {  	[sflag:s16] =	ssyncadd.s32 $0xFFFFFF80  }
0x6f: {  	_ =	swait.ge [sflag:s16], $0x80  }
0x70: {  	[sflag:s16] =	ssyncset.done $0x0  }
0x71: {  	[sflag:s16] =	ssyncadd.s32 $0xFFFFFF80  }
0x72: {  	_ =	swait.ge [sflag:s16], $0x80  }
0x73: {  	[sflag:s16] =	ssyncset.done $0x0  }
0x74: {  	[sflag:s16] =	ssyncadd.s32 $0xFFFFFF80  }
0x75: {  	[tilespmem:s17], [sflag:$0x2] =	stream.indirect.gather [hbm4b:s4+s14], $0x80, s3, s14, $0xb8;
	[tilespmem:$0x1BE00] =	vst v63  }
0x76: {  	_ = 	snop  }
0x77: {  	[tilespmem:s18], [sflag:$0x2] =	stream.indirect.gather [hbm4b:s4+s14], $0x80, s14, s14, $0xb8;
	[tilespmem:$0x1BE00] =	vst v63  }
0x78: {  	_ =	swait.ge [sflag:s19], $0x4000  }
0x79: {  	[sflag:s19] =	ssyncset.done $0x0  }
0x7a: {  	[sflag:s19] =	ssyncadd.s32 $0xFFFFC000  }
0x7b: {  	_ =	swait.ge [sflag:s19], $0x4000  }
0x7c: {  	[sflag:s19] =	ssyncset.done $0x0  }
0x7d: {  	[sflag:s19] =	ssyncadd.s32 $0xFFFFC000  }
0x7e: {  	[spmem:s2] =	stream.indirect.scatter.add.f32 [tilespmem:s17], [sflag:$0x3], $0x80, s13, s14, $0xb8;
	[tilespmem:$0x1BE00] =	vst v63  }
0x7f: {  	_ = 	snop  }
0x80: {  	[spmem:s2] =	stream.indirect.scatter.add.f32 [tilespmem:s18], [sflag:$0x3], $0x80, s15, s14, $0xb8;
	[tilespmem:$0x1BE00] =	vst v63  }
0x81: {  	_ =	swait.ge [sflag:s20], $0x4000  }
0x82: {  	[sflag:s20] =	ssyncset.done $0x0  }
0x83: {  	[sflag:s20] =	ssyncadd.s32 $0xFFFFC000  }
0x84: {  	_ =	swait.ge [sflag:s20], $0x4000  }
0x85: {  	s21 =	sadd.s32 $0x1, s21;
	[sflag:s20] =	ssyncset.done $0x0  }
0x86: {  	p0 =	sne.s32 s21, s8;
	[sflag:s20] =	ssyncadd.s32 $0xFFFFC000  }
.Ltmp1:
0x87: {  	[bflag:$0x0] =	sbarrier.arrive $0xFFFF;
	(pc) =	sbr.rel @p0 .LBB2_1-.Ltmp1, $4  }
0x88: {  	[hbm:s7], [sflag:s6] =	dma.local [spmem:s11], $0x2780  }
0x89: {  	_ =	swait.ge [sflag:s12], $0x2780  }
0x8a: {  	[sflag:s12] =	ssyncset.done $0x0  }
0x8b: {  	[sflag:s12] =	ssyncadd.s32 $0xFFFFD880  }
0x8c: {  	_ =	sfence.sel $0x180000  }
0x8d: {  	[bflag:$0x0] =	sbarrier.arrive $0xFFFF  }
0x8e: {  	p0 =	sne.s32 s0, $0x0;
	_ =	strace $0x9000004A  }
0x8f: {  	s0 =	sadd.s32 @!p0 $0x100000, s1;
	[bflag:$0x2] =	sbarrier.arrive $0xFFFF  }
0x90: {  	[sflag:s0] =	ssyncadd.tile.s32 @!p0 $0x1;
	_ =	shalt  }
.Lfunc_end2:
_tile_overlayer_lowered:
.L_overlay_start_2:
0x91: {  	(tag) =	ssettag $0x2  }
0x92: {  	s0 =	rddreg [dreg:$0x0];
	s2 =	stileid.u32  }
0x93: {  	s1 =	rddreg [dreg:$0x1];
	p0 =	sne.s32 s2, $0x0  }
0x94: {  	s3 =	rddreg [dreg:$0x2];
	[bflag:$0x3] =	sbarrier.arrive $0xFFFF;
	s2 =	simm.s32 @!p0 $0x1C04  }
0x95: {  	[timem:s3], [sflag:s2] =	dma.local @!p0 [hbm:s0], s1  }
0x96: {  	s0 =	simm.s32 @!p0 $0x4  }
0x97: {  	_ =	swait.ge @!p0 [sflag:s0], s1  }
0x98: {  	s1 =	ssub.s32 @!p0 $0x0, s1;
	[sflag:s0] =	ssyncset.done @!p0 $0x0  }
0x99: {  	[sflag:s0] =	ssyncadd.s32 @!p0 s1  }
0x9a: {  	[bflag:$0x3] =	sbarrier.arrive $0xFFFF  }
0x9b: {  	_ =	shalt  }

// kernel: kernel.26.cloned.1.call-start
scs
__scs_entry_jumppad:
0x0: {  	(pc) =	sbr.rel $0x88, $3  }
0x1: {  	(tag) =	ssettag $0x0;
	lr =	simm.s32 $0x1  }
0x2: {  	[smem:$0x3F9B] =	sst lr;
	_ =	strace $0xD0000000  }
0x3: {  	_ = 	snop  }
0x4: {  	_ = 	snop  }
0x5: {  	_ = 	snop  }
0x6: {  	_ = 	snop  }
0x7: {  	_ = 	snop  }
__scs_overlays_trampoline_lowered:
0x8: {  	[smem:$0x3FAA] =	sst s0  }
0x9: {  	[smem:$0x3FAB] =	sst s1  }
0xa: {  	[smem:$0x3FAC] =	sst s2  }
0xb: {  	[smem:$0x3FAD] =	sst s3  }
0xc: {  	[smem:$0x3FAE] =	sst s4  }
0xd: {  	[smem:$0x3FAF] =	sst s5  }
0xe: {  	[smem:$0x3FB0] =	sst s6  }
0xf: {  	[smem:$0x3FB1] =	sst s7  }
0x10: {  	[smem:$0x3FB2] =	sst s8  }
0x11: {  	[smem:$0x3FB3] =	sst s9;
	s0 =	simm.s32 @!p0 $0x0  }
0x12: {  	s1 =	sld [smem:$0x3F99];
	s0 =	simm.s32 @p0 $0x1  }
0x13: {  	[smem:$0x3FB4] =	sst s0;
	s0 =	simm.s32 @!p1 $0x0  }
0x14: {  	s2 =	sld [smem:$0x3F98];
	s0 =	simm.s32 @p1 $0x1  }
0x15: {  	[smem:$0x3FB5] =	sst s0;
	s0 =	simm.s32 @!p2 $0x0  }
0x16: {  	s3 =	sld [smem:$0x3FDB];
	s0 =	simm.s32 @p2 $0x1  }
0x17: {  	s4 =	simm.s32 $0x1BF5;
	[smem:$0x3FB7] =	sst s0  }
0x18: {  	s0 =	sld [smem:$0x3F9A];
	_ =	swait.ge [sflag:s4], $0x0  }
0x19: {  	s7 =	sld [smem:$0x3F9B]  }
0x1a: {  	s8 =	sadd.s32 $0xFFFFE003, lr  }
0x1b: {  	s9 =	sadd.s32 $0xFFFFFEF7, lr;
	s5 =	simm.s32 $0xFFFFFFFF;
	p2 =	slt.u32 s8, $0xFFFFF086  }
0x1c: {  	p1 =	slt.u32 s9, $0xF7A;
	s5 =	simm.s32 @!p2 $0x0  }
0x1d: {  	s5 =	simm.s32 @p1 $0x1;
	p0 =	seq.s32 s7, s2  }
0x1e: {  	s7 =	smul.u32 @!p0 $0xF7A, s2;
	p2 =	seq.s32 @!p0 s5, $0x0  }
0x1f: {  	s9 =	smul.u32 $0xF7A, s1;
	s8 =	simm.s32 @!p0 $0x1BF5;
	p2 =	por !p2, p0  }
0x20: {  	[sflag:s8] =	ssyncset.s32 @!p0 $0xFFFFF086;
	s6 =	sadd.s32 @!p0 s3, s7;
	s7 =	simm.s32 @!p0 $0x108  }
0x21: {  	s3 =	sadd.s32 s3, s9;
	s6 =	sadd.s32 @!p0 $0x88, s6;
	s7 =	simm.s32 @p2 $0x1082  }
0x22: {  	[simem:s7], [sflag:s8] =	dma.local @!p0 [hbm:s6], $0xF7A  }
0x23: {  	s9 =	sor.u32 $0xD0000000, s2;
	s6 =	simm.s32 $0x108;
	_ =	swait.ge @!p0 [sflag:s8], $0x0  }
0x24: {  	s3 =	sadd.s32 $0x88, s3;
	s6 =	simm.s32 @!p1 $0x1082;
	[sflag:s4] =	ssyncset.s32 $0xFFFFF086  }
0x25: {  	[simem:s6], [sflag:s4] =	dma.local [hbm:s3], $0xF7A  }
0x26: {  	[smem:$0x3F9B] =	sst s1;
	(tag) =	ssettag s2;
	_ =	strace s9  }
0x27: {  	s1 =	sld [smem:$0x3FAB]  }
0x28: {  	s2 =	sld [smem:$0x3FAC]  }
0x29: {  	s4 =	sld [smem:$0x3FAE]  }
0x2a: {  	p0 =	seq.s32 s5, $0x0;
	s5 =	sld [smem:$0x3FAF]  }
0x2b: {  	s6 =	sld [smem:$0x3FB0]  }
0x2c: {  	s7 =	sld [smem:$0x3FB1]  }
0x2d: {  	s3 =	simm.s32 $0x108;
	s8 =	sld [smem:$0x3FB2]  }
0x2e: {  	s3 =	simm.s32 @!p0 $0x1082;
	s9 =	sld [smem:$0x3FB3]  }
0x2f: {  	lr =	sadd.s32 s0, s3;
	s0 =	sld [smem:$0x3FAA]  }
0x30: {  	s3 =	sld [smem:$0x3FAD]  }
0x31: {  	[smem:$0x3FB6] =	sst s10  }
0x32: {  	s10 =	sld [smem:$0x3FB4];
	_ =	sdelay $0x3  }
0x33: {  	p0 =	seq.s32 s10, $0x1;
	s10 =	sld [smem:$0x3FB6];
	_ =	sdelay $0x3  }
0x34: {  	[smem:$0x3FB6] =	sst s10  }
0x35: {  	s10 =	sld [smem:$0x3FB5];
	_ =	sdelay $0x3  }
0x36: {  	p1 =	seq.s32 s10, $0x1;
	s10 =	sld [smem:$0x3FB6];
	_ =	sdelay $0x3  }
0x37: {  	[smem:$0x3FB6] =	sst s10  }
0x38: {  	s10 =	sld [smem:$0x3FB7]  }
0x39: {  	_ = 	snop;
	(pc) =	sbr.ind lr, $3  }
0x3a: {  	_ = 	snop  }
0x3b: {  	_ = 	snop  }
0x3c: {  	p2 =	seq.s32 s10, $0x1;
	s10 =	sld [smem:$0x3FB6]  }
0x3d: {  	_ =	shalt  }
0x3e: {  	_ =	shalt  }
0x3f: {  	_ =	shalt  }
0x40: {  	_ =	shalt  }
0x41: {  	_ =	shalt  }
0x42: {  	_ =	shalt  }
0x43: {  	_ =	shalt  }
0x44: {  	_ =	shalt  }
0x45: {  	_ =	shalt  }
0x46: {  	_ =	shalt  }
0x47: {  	_ =	shalt  }
0x48: {  	_ =	shalt  }
0x49: {  	_ =	shalt  }
0x4a: {  	_ =	shalt  }
0x4b: {  	_ =	shalt  }
0x4c: {  	_ =	shalt  }
0x4d: {  	_ =	shalt  }
0x4e: {  	_ =	shalt  }
0x4f: {  	_ =	shalt  }
0x50: {  	_ =	shalt  }
0x51: {  	_ =	shalt  }
0x52: {  	_ =	shalt  }
0x53: {  	_ =	shalt  }
0x54: {  	_ =	shalt  }
0x55: {  	_ =	shalt  }
0x56: {  	_ =	shalt  }
0x57: {  	_ =	shalt  }
0x58: {  	_ =	shalt  }
0x59: {  	_ =	shalt  }
0x5a: {  	_ =	shalt  }
0x5b: {  	_ =	shalt  }
0x5c: {  	_ =	shalt  }
0x5d: {  	_ =	shalt  }
0x5e: {  	_ =	shalt  }
0x5f: {  	_ =	shalt  }
0x60: {  	_ =	shalt  }
0x61: {  	_ =	shalt  }
0x62: {  	_ =	shalt  }
0x63: {  	_ =	shalt  }
0x64: {  	_ =	shalt  }
0x65: {  	_ =	shalt  }
0x66: {  	_ =	shalt  }
0x67: {  	_ =	shalt  }
0x68: {  	_ =	shalt  }
0x69: {  	_ =	shalt  }
0x6a: {  	_ =	shalt  }
0x6b: {  	_ =	shalt  }
0x6c: {  	_ =	shalt  }
0x6d: {  	_ =	shalt  }
0x6e: {  	_ =	shalt  }
0x6f: {  	_ =	shalt  }
0x70: {  	_ =	shalt  }
0x71: {  	_ =	shalt  }
0x72: {  	_ =	shalt  }
0x73: {  	_ =	shalt  }
0x74: {  	_ =	shalt  }
0x75: {  	_ =	shalt  }
0x76: {  	_ =	shalt  }
0x77: {  	_ =	shalt  }
0x78: {  	_ =	shalt  }
0x79: {  	_ =	shalt  }
0x7a: {  	_ =	shalt  }
0x7b: {  	_ =	shalt  }
0x7c: {  	_ =	shalt  }
0x7d: {  	_ =	shalt  }
0x7e: {  	_ =	shalt  }
0x7f: {  	_ =	shalt  }
0x80: {  	_ =	shalt  }
0x81: {  	_ =	shalt  }
0x82: {  	_ =	shalt  }
0x83: {  	_ =	shalt  }
0x84: {  	_ =	shalt  }
0x85: {  	_ =	shalt  }
0x86: {  	_ =	shalt  }
0x87: {  	_ =	shalt  }
.Lfunc_end0:
.L_simem_size_0:
called_computation.2_lowered:
.L_overlay_start_0:
0x88: {  	s2 =	sld [smem:$0x3FD9]  }
0x89: {  	s3 =	sld [smem:$0x3FFE];
	_ =	sdelay $0x1  }
0x8a: {  	s1 =	srdreg.scid  }
0x8b: {  	s0 =	sand.u32 $0x1, s1  }
0x8c: {  	s16 =	sshll.u32 s0, $0xA;
	s2 =	sadd.s32 s3, s2  }
0x8d: {  	s2 =	sadd.s32 s2, s16  }
0x8e: {  	[smem:$0x3FC2] =	sst s2  }
0x8f: {  	_ = 	snop  }
0x90: {  	(tm) =	ssettm $0x1  }
0x91: {  	s17 =	sld [smem:$0x3FFB];
	_ =	sdelay $0x3  }
0x92: {  	_ =	strace s17  }
0x93: {  	s2 =	sld [smem:$0x3FFC];
	_ =	sdelay $0x3  }
0x94: {  	_ =	strace s2  }
0x95: {  	s2 =	sld [smem:$0x3FFD];
	_ =	sdelay $0x3  }
0x96: {  	_ =	strace s2  }
0x97: {  	_ =	strace $0x8FFFFFFF  }
0x98: {  	s18 =	sld [smem:$0x3FDB];
	_ =	sdelay $0x1  }
0x99: {  	s19 =	simm.s32 $_scs_section_size  }
0x9a: {  	s4 =	simm.s32 $_size__tile_overlayer_lowered;
	s5 =	simm.s32 $_tile_overlayer_lowered  }
0x9b: {  	s22 =	simm.s32 $0x1BFF;
	s21 =	sshll.u32 s5, $0x1;
	s2 =	sadd.s32 s19, s18  }
0x9c: {  	s6 =	simm.s32 $0x0;
	s20 =	sshll.u32 s4, $0x1;
	s4 =	sadd.s32 s21, s2  }
0x9d: {  	[timem:s6], [sflag:s22] =	dma.local [hbm:s4], s20  }
0x9e: {  	_ =	swait.ge [sflag:s22], s20  }
0x9f: {  	s3 =	ssub.s32 $0x0, s20;
	[sflag:s22] =	ssyncset.done $0x0  }
0xa0: {  	[sflag:s22] =	ssyncadd.s32 s3;
	_ =	sdelay $0x1  }
0xa1: {  	s23 =	simm.s32 $0x1B8B  }
0xa2: {  	_ =	swait.ge [sflag:s23], $0x1  }
0xa3: {  	[sflag:s23] =	ssyncset.done $0x0  }
0xa4: {  	s25 =	simm.s32 $0x1B8E;
	s24 =	sld [smem:$0x3FFE];
	[sflag:s23] =	ssyncadd.s32 $0xFFFFFFFF  }
0xa5: {  	s26 =	simm.s32 $execute0_lowered;
	[smem:$0x3FD2] =	sst s25  }
0xa6: {  	s4 =	sshll.u32 s26, $0x1;
	_ =	strace $0x8000004C;
	[dreg:$0x1] =	wrdreg $0xFFFFFFFF  }
0xa7: {  	s28 =	simm.s32 $_size_execute0_lowered;
	s2 =	sadd.s32 s2, s4;
	[dreg:$0x0] =	wrdreg $0x0  }
0xa8: {  	s4 =	sshll.u32 s28, $0x1;
	[dreg:$0x2] =	wrdreg s2  }
0xa9: {  	[dreg:$0x3] =	wrdreg s4  }
0xaa: {  	[dreg:$0x4] =	wrdreg $0xC0  }
0xab: {  	_ =	task [dreg:s6], $0x5FFFF  }
0xac: {  	[dreg:$0x1] =	wrdreg $0xFFFFFFFF  }
0xad: {  	[dreg:$0x0] =	wrdreg $0x60  }
0xae: {  	[dreg:$0x2] =	wrdreg s24  }
0xaf: {  	[dreg:$0x3] =	wrdreg $0x82000  }
0xb0: {  	[dreg:$0x4] =	wrdreg $0x9  }
0xb1: {  	_ =	task.clear_ibuf [dreg:s6], $0x5FFFF;
	_ =	strace $0x9000004C  }
0xb2: {  	s29 =	simm.s32 $0x9;
	_ =	strace $0x8000004E  }
0xb3: {  	_ =	swait.ge [sflag:s29], $0x1  }
0xb4: {  	[sflag:s29] =	ssyncadd.s32 $0xFFFFFFFF  }
0xb5: {  	_ =	strace $0x9000004E  }
0xb6: {  	_ =	sfence  }
0xb7: {  	s30 =	sld [smem:$0x0];
	_ =	sdelay $0x2  }
0xb8: {  	s31 =	sshll.u32 s1, $0xD;
	s1 =	sshrl.u32 s1, $0x2  }
0xb9: {  	s3 =	sand.u32 $0x4000, s31;
	s1 =	sadd.s32 s1, s30  }
0xba: {  	s0 =	sor.u32 s3, s0;
	s1 =	sshll.u32 s1, $0x11  }
0xbb: {  	s0 =	sor.u32 s1, s0  }
0xbc: {  	s0 =	sadd.s32 $0x8F2B, s0  }
0xbd: {  	[sflag:s0] =	ssyncadd.remote.s32 $0x1  }
0xbe: {  	_ =	sfence.sel $0xFFFF  }
0xbf: {  	[dreg:$0x0] =	wrdreg $0xFFFFFFFF;
	(pc) =	sbr.abs _section_cstart, $3  }
0xc0: {  	[dreg:$0x1] =	wrdreg $0xFFFFFFFF  }
0xc1: {  	_ =	task.clear_ibuf [dreg:s6], $0x2FFFF;
	_ =	strace $0x9FFFFFFF  }
0xc2: {  	(tm) =	ssettm $0x7FFFFFFF  }
0xc3: {  	_ =	shalt  }
tec
execute0_lowered:
.L_overlay_start_1:
0x0: {  	(tag) =	ssettag $0x1  }
0x1: {  	s5 =	rddreg [dreg:$0x0]  }
0x2: {  	s2 =	rddreg [dreg:$0x1]  }
0x3: {  	s0 =	srdreg.scid;
	s1 =	rddreg [dreg:$0x2]  }
0x4: {  	s3 =	simm.s32 $0x0;
	s13 =	simm.s32 $0x100;
	s14 =	simm.s32 $0x80  }
0x5: {  	s15 =	simm.s32 $0x180;
	s16 =	simm.s32 $0x1;
	s6 =	sand.u32 $0x1, s0  }
0x6: {  	s17 =	simm.s32 $0x200;
	s0 =	stileid.u32;
	s4 =	smul.u32 $0x28000, s6  }
0x7: {  	s18 =	simm.s32 $0x4200;
	s19 =	simm.s32 $0x2;
	s7 =	smul.u32 $0x2800, s0  }
0x8: {  	s20 =	simm.s32 $0x3;
	[smem:$0x7FF] =	sst s3;
	s26 =	smul.u32 $0x13C00, s0  }
0x9: {  	s21 =	simm.s32 $0x0;
	s8 =	smul.u32 $0x13C000, s6;
	_ =	strace $0x8000004D  }
0xa: {  	s6 =	ssub.s32 $0x2, s6;
	s28 =	smul.u32 $0x4F000, s0;
	s31 =	sshll.u32 s0, $0x6  }
0xb: {  	s29 =	sshrl.u32 s6, $0x1;
	s4 =	sadd.s32 s7, s4;
	s9 =	sshrl.u32 s26, $0x3  }
0xc: {  	s7 =	sadd.s32 s26, s8;
	s11 =	ssub.s32 s6, s29;
	s30 =	sshrl.u32 s28, $0x2  }
0xd: {  	s6 =	sor.u32 $0x1C04, s31;
	s4 =	sshrl.u32 s4, $0x3;
	s7 =	sshrl.u32 s7, $0x3  }
0xe: {  	s9 =	sadd.s32 s9, s5;
	s12 =	sadd.s32 s30, s2;
	s8 =	smax.u32 s11, $0x1  }
0xf: {  	s10 =	sadd.s32 s4, s5;
	s4 =	sadd.s32 $0x92E00, s5;
	s7 =	sadd.s32 s7, s5  }
0x10: {  	s5 =	sadd.s32 $0x10E00, s9;
	s11 =	sshrl.u32 s12, $0x3;
	s12 =	simm.s32 $0x4  }
0x11: {  	s7 =	sadd.s32 $0xBA600, s7;
	s9 =	sadd.s32 $0x87E00, s10;
	s10 =	sadd.s32 $0x6E00, s10  }
.LBB2_1:
0x12: {  	[spmem:s11], [sflag:s6] =	dma.local [hbm:s5], $0x2780  }
0x13: {  	_ =	swait.ge [sflag:s12], $0x2780  }
0x14: {  	[sflag:s12] =	ssyncset.done $0x0  }
0x15: {  	[sflag:s12] =	ssyncadd.s32 $0xFFFFD880  }
0x16: {  	s22 =	sadd.s32 $0x0, s9;
	[bflag:$0x0] =	sbarrier.arrive $0xFFFF  }
0x17: {  	[tilespmem:s3], [sflag:$0x1] =	stream.linear.gather [hbm4b:s22+s3], $0x80, $0x38;
	[tilespmem:$0x1BE00] =	vst v63  }
0x18: {  	s23 =	sadd.s32 $0x0, s10  }
0x19: {  	[tilespmem:s13], [sflag:$0x1] =	stream.linear.gather [hbm4b:s23+s3], $0x80, $0x38;
	[tilespmem:$0x1BE00] =	vst v63  }
0x1a: {  	s22 =	sadd.s32 $0x10, s22  }
0x1b: {  	[tilespmem:s14], [sflag:$0x1] =	stream.linear.gather [hbm4b:s22+s3], $0x80, $0x38;
	[tilespmem:$0x1BE00] =	vst v63  }
0x1c: {  	s31 =	sadd.s32 $0x10, s23  }
0x1d: {  	[tilespmem:s15], [sflag:$0x1] =	stream.linear.gather [hbm4b:s31+s3], $0x80, $0x38;
	[tilespmem:$0x1BE00] =	vst v63  }
0x1e: {  	_ =	swait.ge [sflag:s16], $0x80  }
0x1f: {  	[sflag:s16] =	ssyncset.done $0x0  }
0x20: {  	[sflag:s16] =	ssyncadd.s32 $0xFFFFFF80  }
0x21: {  	_ =	swait.ge [sflag:s16], $0x80  }
0x22: {  	[sflag:s16] =	ssyncset.done $0x0  }
0x23: {  	[sflag:s16] =	ssyncadd.s32 $0xFFFFFF80  }
0x24: {  	_ =	swait.ge [sflag:s16], $0x80  }
0x25: {  	[sflag:s16] =	ssyncset.done $0x0  }
0x26: {  	[sflag:s16] =	ssyncadd.s32 $0xFFFFFF80  }
0x27: {  	_ =	swait.ge [sflag:s16], $0x80  }
0x28: {  	[sflag:s16] =	ssyncset.done $0x0  }
0x29: {  	[sflag:s16] =	ssyncadd.s32 $0xFFFFFF80  }
0x2a: {  	[tilespmem:s17], [sflag:$0x2] =	stream.indirect.gather [hbm4b:s4+s14], $0x80, s3, s14, $0xb8;
	[tilespmem:$0x1BE00] =	vst v63  }
0x2b: {  	_ = 	snop  }
0x2c: {  	[tilespmem:s18], [sflag:$0x2] =	stream.indirect.gather [hbm4b:s4+s14], $0x80, s14, s14, $0xb8;
	[tilespmem:$0x1BE00] =	vst v63  }
0x2d: {  	_ =	swait.ge [sflag:s19], $0x4000  }
0x2e: {  	[sflag:s19] =	ssyncset.done $0x0  }
0x2f: {  	[sflag:s19] =	ssyncadd.s32 $0xFFFFC000  }
0x30: {  	_ =	swait.ge [sflag:s19], $0x4000  }
0x31: {  	[sflag:s19] =	ssyncset.done $0x0  }
0x32: {  	[sflag:s19] =	ssyncadd.s32 $0xFFFFC000  }
0x33: {  	[spmem:s2] =	stream.indirect.scatter.add.f32 [tilespmem:s17], [sflag:$0x3], $0x80, s13, s14, $0xb8;
	[tilespmem:$0x1BE00] =	vst v63  }
0x34: {  	_ = 	snop  }
0x35: {  	[spmem:s2] =	stream.indirect.scatter.add.f32 [tilespmem:s18], [sflag:$0x3], $0x80, s15, s14, $0xb8;
	[tilespmem:$0x1BE00] =	vst v63  }
0x36: {  	_ =	swait.ge [sflag:s20], $0x4000  }
0x37: {  	[sflag:s20] =	ssyncset.done $0x0  }
0x38: {  	[sflag:s20] =	ssyncadd.s32 $0xFFFFC000  }
0x39: {  	_ =	swait.ge [sflag:s20], $0x4000  }
0x3a: {  	s24 =	simm.s32 $0x40;
	s22 =	simm.s32 $0x20;
	[sflag:s20] =	ssyncset.done $0x0  }
.LBB2_2:
0x3b: {  	s25 =	sadd.s32 s22, s9  }
0x3c: {  	[sflag:s20] =	ssyncadd.s32 $0xFFFFC000;
	s26 =	smov.u32 s24;
	s23 =	sadd.s32 $0x20, s24  }
0x3d: {  	[tilespmem:s3], [sflag:$0x1] =	stream.linear.gather [hbm4b:s25+s3], $0x80, $0x38;
	[tilespmem:$0x1BE00] =	vst v63  }
0x3e: {  	p0 =	sne.s32 s24, $0x4E0;
	s24 =	sadd.s32 s22, s10;
	s22 =	smov.u32 s26  }
0x3f: {  	[tilespmem:s13], [sflag:$0x1] =	stream.linear.gather [hbm4b:s24+s3], $0x80, $0x38;
	[tilespmem:$0x1BE00] =	vst v63  }
0x40: {  	s25 =	sadd.s32 $0x10, s25  }
0x41: {  	[tilespmem:s14], [sflag:$0x1] =	stream.linear.gather [hbm4b:s25+s3], $0x80, $0x38;
	[tilespmem:$0x1BE00] =	vst v63  }
0x42: {  	s24 =	sadd.s32 $0x10, s24  }
0x43: {  	[tilespmem:s15], [sflag:$0x1] =	stream.linear.gather [hbm4b:s24+s3], $0x80, $0x38;
	[tilespmem:$0x1BE00] =	vst v63  }
0x44: {  	_ =	swait.ge [sflag:s16], $0x80  }
0x45: {  	[sflag:s16] =	ssyncset.done $0x0  }
0x46: {  	[sflag:s16] =	ssyncadd.s32 $0xFFFFFF80  }
0x47: {  	_ =	swait.ge [sflag:s16], $0x80  }
0x48: {  	[sflag:s16] =	ssyncset.done $0x0  }
0x49: {  	[sflag:s16] =	ssyncadd.s32 $0xFFFFFF80  }
0x4a: {  	_ =	swait.ge [sflag:s16], $0x80  }
0x4b: {  	[sflag:s16] =	ssyncset.done $0x0  }
0x4c: {  	[sflag:s16] =	ssyncadd.s32 $0xFFFFFF80  }
0x4d: {  	_ =	swait.ge [sflag:s16], $0x80  }
0x4e: {  	[sflag:s16] =	ssyncset.done $0x0  }
0x4f: {  	[sflag:s16] =	ssyncadd.s32 $0xFFFFFF80  }
0x50: {  	[tilespmem:s17], [sflag:$0x2] =	stream.indirect.gather [hbm4b:s4+s14], $0x80, s3, s14, $0xb8;
	[tilespmem:$0x1BE00] =	vst v63  }
0x51: {  	_ = 	snop  }
0x52: {  	[tilespmem:s18], [sflag:$0x2] =	stream.indirect.gather [hbm4b:s4+s14], $0x80, s14, s14, $0xb8;
	[tilespmem:$0x1BE00] =	vst v63  }
0x53: {  	_ =	swait.ge [sflag:s19], $0x4000  }
0x54: {  	[sflag:s19] =	ssyncset.done $0x0  }
0x55: {  	[sflag:s19] =	ssyncadd.s32 $0xFFFFC000  }
0x56: {  	_ =	swait.ge [sflag:s19], $0x4000  }
0x57: {  	[sflag:s19] =	ssyncset.done $0x0  }
0x58: {  	[sflag:s19] =	ssyncadd.s32 $0xFFFFC000  }
0x59: {  	[spmem:s2] =	stream.indirect.scatter.add.f32 [tilespmem:s17], [sflag:$0x3], $0x80, s13, s14, $0xb8;
	[tilespmem:$0x1BE00] =	vst v63  }
0x5a: {  	_ = 	snop  }
0x5b: {  	[spmem:s2] =	stream.indirect.scatter.add.f32 [tilespmem:s18], [sflag:$0x3], $0x80, s15, s14, $0xb8;
	[tilespmem:$0x1BE00] =	vst v63  }
.Ltmp0:
0x5c: {  	_ =	swait.ge [sflag:s20], $0x4000;
	(pc) =	sbr.rel @p0 .LBB2_2-.Ltmp0, $4  }
0x5d: {  	[sflag:s20] =	ssyncset.done $0x0  }
0x5e: {  	[sflag:s20] =	ssyncadd.s32 $0xFFFFC000  }
0x5f: {  	_ =	swait.ge [sflag:s20], $0x4000  }
0x60: {  	s24 =	smov.u32 s23;
	[sflag:s20] =	ssyncset.done $0x0  }
0x61: {  	s23 =	sadd.s32 s22, s9;
	[sflag:s20] =	ssyncadd.s32 $0xFFFFC000  }
0x62: {  	[tilespmem:s3], [sflag:$0x1] =	stream.linear.gather [hbm4b:s23+s3], $0x80, $0x38;
	[tilespmem:$0x1BE00] =	vst v63  }
0x63: {  	s31 =	sadd.s32 s22, s10  }
0x64: {  	[tilespmem:s13], [sflag:$0x1] =	stream.linear.gather [hbm4b:s31+s3], $0x80, $0x38;
	[tilespmem:$0x1BE00] =	vst v63  }
0x65: {  	s23 =	sadd.s32 $0x10, s23  }
0x66: {  	[tilespmem:s14], [sflag:$0x1] =	stream.linear.gather [hbm4b:s23+s3], $0x80, $0x38;
	[tilespmem:$0x1BE00] =	vst v63  }
0x67: {  	s22 =	sadd.s32 $0x10, s31  }
0x68: {  	[tilespmem:s15], [sflag:$0x1] =	stream.linear.gather [hbm4b:s22+s3], $0x80, $0x38;
	[tilespmem:$0x1BE00] =	vst v63  }
0x69: {  	_ =	swait.ge [sflag:s16], $0x80  }
0x6a: {  	[sflag:s16] =	ssyncset.done $0x0  }
0x6b: {  	[sflag:s16] =	ssyncadd.s32 $0xFFFFFF80  }
0x6c: {  	_ =	swait.ge [sflag:s16], $0x80  }
0x6d: {  	[sflag:s16] =	ssyncset.done $0x0  }
0x6e: {  	[sflag:s16] =	ssyncadd.s32 $0xFFFFFF80  }
0x6f: {  	_ =	swait.ge [sflag:s16], $0x80  }
0x70: {  	[sflag:s16] =	ssyncset.done $0x0  }
0x71: {  	[sflag:s16] =	ssyncadd.s32 $0xFFFFFF80  }
0x72: {  	_ =	swait.ge [sflag:s16], $0x80  }
0x73: {  	[sflag:s16] =	ssyncset.done $0x0  }
0x74: {  	[sflag:s16] =	ssyncadd.s32 $0xFFFFFF80  }
0x75: {  	[tilespmem:s17], [sflag:$0x2] =	stream.indirect.gather [hbm4b:s4+s14], $0x80, s3, s14, $0xb8;
	[tilespmem:$0x1BE00] =	vst v63  }
0x76: {  	_ = 	snop  }
0x77: {  	[tilespmem:s18], [sflag:$0x2] =	stream.indirect.gather [hbm4b:s4+s14], $0x80, s14, s14, $0xb8;
	[tilespmem:$0x1BE00] =	vst v63  }
0x78: {  	_ =	swait.ge [sflag:s19], $0x4000  }
0x79: {  	[sflag:s19] =	ssyncset.done $0x0  }
0x7a: {  	[sflag:s19] =	ssyncadd.s32 $0xFFFFC000  }
0x7b: {  	_ =	swait.ge [sflag:s19], $0x4000  }
0x7c: {  	[sflag:s19] =	ssyncset.done $0x0  }
0x7d: {  	[sflag:s19] =	ssyncadd.s32 $0xFFFFC000  }
0x7e: {  	[spmem:s2] =	stream.indirect.scatter.add.f32 [tilespmem:s17], [sflag:$0x3], $0x80, s13, s14, $0xb8;
	[tilespmem:$0x1BE00] =	vst v63  }
0x7f: {  	_ = 	snop  }
0x80: {  	[spmem:s2] =	stream.indirect.scatter.add.f32 [tilespmem:s18], [sflag:$0x3], $0x80, s15, s14, $0xb8;
	[tilespmem:$0x1BE00] =	vst v63  }
0x81: {  	_ =	swait.ge [sflag:s20], $0x4000  }
0x82: {  	[sflag:s20] =	ssyncset.done $0x0  }
0x83: {  	[sflag:s20] =	ssyncadd.s32 $0xFFFFC000  }
0x84: {  	_ =	swait.ge [sflag:s20], $0x4000  }
0x85: {  	s21 =	sadd.s32 $0x1, s21;
	[sflag:s20] =	ssyncset.done $0x0  }
0x86: {  	p0 =	sne.s32 s21, s8;
	[sflag:s20] =	ssyncadd.s32 $0xFFFFC000  }
.Ltmp1:
0x87: {  	[bflag:$0x0] =	sbarrier.arrive $0xFFFF;
	(pc) =	sbr.rel @p0 .LBB2_1-.Ltmp1, $4  }
0x88: {  	[hbm:s7], [sflag:s6] =	dma.local [spmem:s11], $0x2780  }
0x89: {  	_ =	swait.ge [sflag:s12], $0x2780  }
0x8a: {  	[sflag:s12] =	ssyncset.done $0x0  }
0x8b: {  	[sflag:s12] =	ssyncadd.s32 $0xFFFFD880  }
0x8c: {  	_ =	sfence.sel $0x180000  }
0x8d: {  	[bflag:$0x0] =	sbarrier.arrive $0xFFFF  }
0x8e: {  	p0 =	sne.s32 s0, $0x0;
	_ =	strace $0x9000004D  }
0x8f: {  	s0 =	sadd.s32 @!p0 $0x100000, s1;
	[bflag:$0x2] =	sbarrier.arrive $0xFFFF  }
0x90: {  	[sflag:s0] =	ssyncadd.tile.s32 @!p0 $0x1;
	_ =	shalt  }
.Lfunc_end2:
_tile_overlayer_lowered:
.L_overlay_start_2:
0x91: {  	(tag) =	ssettag $0x2  }
0x92: {  	s0 =	rddreg [dreg:$0x0];
	s2 =	stileid.u32  }
0x93: {  	s1 =	rddreg [dreg:$0x1];
	p0 =	sne.s32 s2, $0x0  }
0x94: {  	s3 =	rddreg [dreg:$0x2];
	[bflag:$0x3] =	sbarrier.arrive $0xFFFF;
	s2 =	simm.s32 @!p0 $0x1C04  }
0x95: {  	[timem:s3], [sflag:s2] =	dma.local @!p0 [hbm:s0], s1  }
0x96: {  	s0 =	simm.s32 @!p0 $0x4  }
0x97: {  	_ =	swait.ge @!p0 [sflag:s0], s1  }
0x98: {  	s1 =	ssub.s32 @!p0 $0x0, s1;
	[sflag:s0] =	ssyncset.done @!p0 $0x0  }
0x99: {  	[sflag:s0] =	ssyncadd.s32 @!p0 s1  }
0x9a: {  	[bflag:$0x3] =	sbarrier.arrive $0xFFFF  }
0x9b: {  	_ =	shalt  }

// kernel: kernel.29.cloned.1.call-start
scs
__scs_entry_jumppad:
0x0: {  	(pc) =	sbr.rel $0x88, $3  }
0x1: {  	(tag) =	ssettag $0x0;
	lr =	simm.s32 $0x1  }
0x2: {  	[smem:$0x3F9B] =	sst lr;
	_ =	strace $0xD0000000  }
0x3: {  	_ = 	snop  }
0x4: {  	_ = 	snop  }
0x5: {  	_ = 	snop  }
0x6: {  	_ = 	snop  }
0x7: {  	_ = 	snop  }
__scs_overlays_trampoline_lowered:
0x8: {  	[smem:$0x3FAA] =	sst s0  }
0x9: {  	[smem:$0x3FAB] =	sst s1  }
0xa: {  	[smem:$0x3FAC] =	sst s2  }
0xb: {  	[smem:$0x3FAD] =	sst s3  }
0xc: {  	[smem:$0x3FAE] =	sst s4  }
0xd: {  	[smem:$0x3FAF] =	sst s5  }
0xe: {  	[smem:$0x3FB0] =	sst s6  }
0xf: {  	[smem:$0x3FB1] =	sst s7  }
0x10: {  	[smem:$0x3FB2] =	sst s8  }
0x11: {  	[smem:$0x3FB3] =	sst s9;
	s0 =	simm.s32 @!p0 $0x0  }
0x12: {  	s1 =	sld [smem:$0x3F99];
	s0 =	simm.s32 @p0 $0x1  }
0x13: {  	[smem:$0x3FB4] =	sst s0;
	s0 =	simm.s32 @!p1 $0x0  }
0x14: {  	s2 =	sld [smem:$0x3F98];
	s0 =	simm.s32 @p1 $0x1  }
0x15: {  	[smem:$0x3FB5] =	sst s0;
	s0 =	simm.s32 @!p2 $0x0  }
0x16: {  	s3 =	sld [smem:$0x3FDB];
	s0 =	simm.s32 @p2 $0x1  }
0x17: {  	s4 =	simm.s32 $0x1BF5;
	[smem:$0x3FB7] =	sst s0  }
0x18: {  	s0 =	sld [smem:$0x3F9A];
	_ =	swait.ge [sflag:s4], $0x0  }
0x19: {  	s7 =	sld [smem:$0x3F9B]  }
0x1a: {  	s8 =	sadd.s32 $0xFFFFE003, lr  }
0x1b: {  	s9 =	sadd.s32 $0xFFFFFEF7, lr;
	s5 =	simm.s32 $0xFFFFFFFF;
	p2 =	slt.u32 s8, $0xFFFFF086  }
0x1c: {  	p1 =	slt.u32 s9, $0xF7A;
	s5 =	simm.s32 @!p2 $0x0  }
0x1d: {  	s5 =	simm.s32 @p1 $0x1;
	p0 =	seq.s32 s7, s2  }
0x1e: {  	s7 =	smul.u32 @!p0 $0xF7A, s2;
	p2 =	seq.s32 @!p0 s5, $0x0  }
0x1f: {  	s9 =	smul.u32 $0xF7A, s1;
	s8 =	simm.s32 @!p0 $0x1BF5;
	p2 =	por !p2, p0  }
0x20: {  	[sflag:s8] =	ssyncset.s32 @!p0 $0xFFFFF086;
	s6 =	sadd.s32 @!p0 s3, s7;
	s7 =	simm.s32 @!p0 $0x108  }
0x21: {  	s3 =	sadd.s32 s3, s9;
	s6 =	sadd.s32 @!p0 $0x88, s6;
	s7 =	simm.s32 @p2 $0x1082  }
0x22: {  	[simem:s7], [sflag:s8] =	dma.local @!p0 [hbm:s6], $0xF7A  }
0x23: {  	s9 =	sor.u32 $0xD0000000, s2;
	s6 =	simm.s32 $0x108;
	_ =	swait.ge @!p0 [sflag:s8], $0x0  }
0x24: {  	s3 =	sadd.s32 $0x88, s3;
	s6 =	simm.s32 @!p1 $0x1082;
	[sflag:s4] =	ssyncset.s32 $0xFFFFF086  }
0x25: {  	[simem:s6], [sflag:s4] =	dma.local [hbm:s3], $0xF7A  }
0x26: {  	[smem:$0x3F9B] =	sst s1;
	(tag) =	ssettag s2;
	_ =	strace s9  }
0x27: {  	s1 =	sld [smem:$0x3FAB]  }
0x28: {  	s2 =	sld [smem:$0x3FAC]  }
0x29: {  	s4 =	sld [smem:$0x3FAE]  }
0x2a: {  	p0 =	seq.s32 s5, $0x0;
	s5 =	sld [smem:$0x3FAF]  }
0x2b: {  	s6 =	sld [smem:$0x3FB0]  }
0x2c: {  	s7 =	sld [smem:$0x3FB1]  }
0x2d: {  	s3 =	simm.s32 $0x108;
	s8 =	sld [smem:$0x3FB2]  }
0x2e: {  	s3 =	simm.s32 @!p0 $0x1082;
	s9 =	sld [smem:$0x3FB3]  }
0x2f: {  	lr =	sadd.s32 s0, s3;
	s0 =	sld [smem:$0x3FAA]  }
0x30: {  	s3 =	sld [smem:$0x3FAD]  }
0x31: {  	[smem:$0x3FB6] =	sst s10  }
0x32: {  	s10 =	sld [smem:$0x3FB4];
	_ =	sdelay $0x3  }
0x33: {  	p0 =	seq.s32 s10, $0x1;
	s10 =	sld [smem:$0x3FB6];
	_ =	sdelay $0x3  }
0x34: {  	[smem:$0x3FB6] =	sst s10  }
0x35: {  	s10 =	sld [smem:$0x3FB5];
	_ =	sdelay $0x3  }
0x36: {  	p1 =	seq.s32 s10, $0x1;
	s10 =	sld [smem:$0x3FB6];
	_ =	sdelay $0x3  }
0x37: {  	[smem:$0x3FB6] =	sst s10  }
0x38: {  	s10 =	sld [smem:$0x3FB7]  }
0x39: {  	_ = 	snop;
	(pc) =	sbr.ind lr, $3  }
0x3a: {  	_ = 	snop  }
0x3b: {  	_ = 	snop  }
0x3c: {  	p2 =	seq.s32 s10, $0x1;
	s10 =	sld [smem:$0x3FB6]  }
0x3d: {  	_ =	shalt  }
0x3e: {  	_ =	shalt  }
0x3f: {  	_ =	shalt  }
0x40: {  	_ =	shalt  }
0x41: {  	_ =	shalt  }
0x42: {  	_ =	shalt  }
0x43: {  	_ =	shalt  }
0x44: {  	_ =	shalt  }
0x45: {  	_ =	shalt  }
0x46: {  	_ =	shalt  }
0x47: {  	_ =	shalt  }
0x48: {  	_ =	shalt  }
0x49: {  	_ =	shalt  }
0x4a: {  	_ =	shalt  }
0x4b: {  	_ =	shalt  }
0x4c: {  	_ =	shalt  }
0x4d: {  	_ =	shalt  }
0x4e: {  	_ =	shalt  }
0x4f: {  	_ =	shalt  }
0x50: {  	_ =	shalt  }
0x51: {  	_ =	shalt  }
0x52: {  	_ =	shalt  }
0x53: {  	_ =	shalt  }
0x54: {  	_ =	shalt  }
0x55: {  	_ =	shalt  }
0x56: {  	_ =	shalt  }
0x57: {  	_ =	shalt  }
0x58: {  	_ =	shalt  }
0x59: {  	_ =	shalt  }
0x5a: {  	_ =	shalt  }
0x5b: {  	_ =	shalt  }
0x5c: {  	_ =	shalt  }
0x5d: {  	_ =	shalt  }
0x5e: {  	_ =	shalt  }
0x5f: {  	_ =	shalt  }
0x60: {  	_ =	shalt  }
0x61: {  	_ =	shalt  }
0x62: {  	_ =	shalt  }
0x63: {  	_ =	shalt  }
0x64: {  	_ =	shalt  }
0x65: {  	_ =	shalt  }
0x66: {  	_ =	shalt  }
0x67: {  	_ =	shalt  }
0x68: {  	_ =	shalt  }
0x69: {  	_ =	shalt  }
0x6a: {  	_ =	shalt  }
0x6b: {  	_ =	shalt  }
0x6c: {  	_ =	shalt  }
0x6d: {  	_ =	shalt  }
0x6e: {  	_ =	shalt  }
0x6f: {  	_ =	shalt  }
0x70: {  	_ =	shalt  }
0x71: {  	_ =	shalt  }
0x72: {  	_ =	shalt  }
0x73: {  	_ =	shalt  }
0x74: {  	_ =	shalt  }
0x75: {  	_ =	shalt  }
0x76: {  	_ =	shalt  }
0x77: {  	_ =	shalt  }
0x78: {  	_ =	shalt  }
0x79: {  	_ =	shalt  }
0x7a: {  	_ =	shalt  }
0x7b: {  	_ =	shalt  }
0x7c: {  	_ =	shalt  }
0x7d: {  	_ =	shalt  }
0x7e: {  	_ =	shalt  }
0x7f: {  	_ =	shalt  }
0x80: {  	_ =	shalt  }
0x81: {  	_ =	shalt  }
0x82: {  	_ =	shalt  }
0x83: {  	_ =	shalt  }
0x84: {  	_ =	shalt  }
0x85: {  	_ =	shalt  }
0x86: {  	_ =	shalt  }
0x87: {  	_ =	shalt  }
.Lfunc_end0:
.L_simem_size_0:
called_computation.3_lowered:
.L_overlay_start_0:
0x88: {  	s2 =	sld [smem:$0x3FD9]  }
0x89: {  	s3 =	sld [smem:$0x3FFE];
	_ =	sdelay $0x1  }
0x8a: {  	s1 =	srdreg.scid  }
0x8b: {  	s0 =	sand.u32 $0x1, s1  }
0x8c: {  	s16 =	sshll.u32 s0, $0xA;
	s2 =	sadd.s32 s3, s2  }
0x8d: {  	s2 =	sadd.s32 s2, s16  }
0x8e: {  	[smem:$0x3FC2] =	sst s2  }
0x8f: {  	_ = 	snop  }
0x90: {  	(tm) =	ssettm $0x1  }
0x91: {  	s17 =	sld [smem:$0x3FFB];
	_ =	sdelay $0x3  }
0x92: {  	_ =	strace s17  }
0x93: {  	s2 =	sld [smem:$0x3FFC];
	_ =	sdelay $0x3  }
0x94: {  	_ =	strace s2  }
0x95: {  	s2 =	sld [smem:$0x3FFD];
	_ =	sdelay $0x3  }
0x96: {  	_ =	strace s2  }
0x97: {  	_ =	strace $0x8FFFFFFF  }
0x98: {  	s18 =	sld [smem:$0x3FDB];
	_ =	sdelay $0x1  }
0x99: {  	s19 =	simm.s32 $_scs_section_size  }
0x9a: {  	s4 =	simm.s32 $_size__tile_overlayer_lowered;
	s5 =	simm.s32 $_tile_overlayer_lowered  }
0x9b: {  	s22 =	simm.s32 $0x1BFF;
	s21 =	sshll.u32 s5, $0x1;
	s2 =	sadd.s32 s19, s18  }
0x9c: {  	s6 =	simm.s32 $0x0;
	s20 =	sshll.u32 s4, $0x1;
	s4 =	sadd.s32 s21, s2  }
0x9d: {  	[timem:s6], [sflag:s22] =	dma.local [hbm:s4], s20  }
0x9e: {  	_ =	swait.ge [sflag:s22], s20  }
0x9f: {  	s3 =	ssub.s32 $0x0, s20;
	[sflag:s22] =	ssyncset.done $0x0  }
0xa0: {  	[sflag:s22] =	ssyncadd.s32 s3;
	_ =	sdelay $0x1  }
0xa1: {  	s23 =	simm.s32 $0x1B8B  }
0xa2: {  	_ =	swait.ge [sflag:s23], $0x1  }
0xa3: {  	[sflag:s23] =	ssyncset.done $0x0  }
0xa4: {  	s25 =	simm.s32 $0x1B8E;
	s24 =	sld [smem:$0x3FFE];
	[sflag:s23] =	ssyncadd.s32 $0xFFFFFFFF  }
0xa5: {  	s26 =	simm.s32 $execute0_lowered;
	[smem:$0x3FD2] =	sst s25  }
0xa6: {  	s4 =	sshll.u32 s26, $0x1;
	_ =	strace $0x8000004F;
	[dreg:$0x1] =	wrdreg $0xFFFFFFFF  }
0xa7: {  	s28 =	simm.s32 $_size_execute0_lowered;
	s2 =	sadd.s32 s2, s4;
	[dreg:$0x0] =	wrdreg $0x0  }
0xa8: {  	s4 =	sshll.u32 s28, $0x1;
	[dreg:$0x2] =	wrdreg s2  }
0xa9: {  	[dreg:$0x3] =	wrdreg s4  }
0xaa: {  	[dreg:$0x4] =	wrdreg $0xC0  }
0xab: {  	_ =	task [dreg:s6], $0x5FFFF  }
0xac: {  	[dreg:$0x1] =	wrdreg $0xFFFFFFFF  }
0xad: {  	[dreg:$0x0] =	wrdreg $0x60  }
0xae: {  	[dreg:$0x2] =	wrdreg s24  }
0xaf: {  	[dreg:$0x3] =	wrdreg $0x82000  }
0xb0: {  	[dreg:$0x4] =	wrdreg $0x9  }
0xb1: {  	_ =	task.clear_ibuf [dreg:s6], $0x5FFFF;
	_ =	strace $0x9000004F  }
0xb2: {  	s29 =	simm.s32 $0x9;
	_ =	strace $0x80000051  }
0xb3: {  	_ =	swait.ge [sflag:s29], $0x1  }
0xb4: {  	[sflag:s29] =	ssyncadd.s32 $0xFFFFFFFF  }
0xb5: {  	_ =	strace $0x90000051  }
0xb6: {  	_ =	sfence  }
0xb7: {  	s30 =	sld [smem:$0x0];
	_ =	sdelay $0x2  }
0xb8: {  	s31 =	sshll.u32 s1, $0xD;
	s1 =	sshrl.u32 s1, $0x2  }
0xb9: {  	s3 =	sand.u32 $0x4000, s31;
	s1 =	sadd.s32 s1, s30  }
0xba: {  	s0 =	sor.u32 s3, s0;
	s1 =	sshll.u32 s1, $0x11  }
0xbb: {  	s0 =	sor.u32 s1, s0  }
0xbc: {  	s0 =	sadd.s32 $0x8F2B, s0  }
0xbd: {  	[sflag:s0] =	ssyncadd.remote.s32 $0x1  }
0xbe: {  	_ =	sfence.sel $0xFFFF  }
0xbf: {  	[dreg:$0x0] =	wrdreg $0xFFFFFFFF;
	(pc) =	sbr.abs _section_cstart, $3  }
0xc0: {  	[dreg:$0x1] =	wrdreg $0xFFFFFFFF  }
0xc1: {  	_ =	task.clear_ibuf [dreg:s6], $0x2FFFF;
	_ =	strace $0x9FFFFFFF  }
0xc2: {  	(tm) =	ssettm $0x7FFFFFFF  }
0xc3: {  	_ =	shalt  }
tec
execute0_lowered:
.L_overlay_start_1:
0x0: {  	(tag) =	ssettag $0x1  }
0x1: {  	s5 =	rddreg [dreg:$0x0]  }
0x2: {  	s2 =	rddreg [dreg:$0x1]  }
0x3: {  	s0 =	srdreg.scid;
	s1 =	rddreg [dreg:$0x2]  }
0x4: {  	s3 =	simm.s32 $0x0;
	s13 =	simm.s32 $0x100;
	s14 =	simm.s32 $0x80  }
0x5: {  	s15 =	simm.s32 $0x180;
	s16 =	simm.s32 $0x1;
	s6 =	sand.u32 $0x1, s0  }
0x6: {  	s17 =	simm.s32 $0x200;
	s0 =	stileid.u32;
	s4 =	smul.u32 $0x28000, s6  }
0x7: {  	s18 =	simm.s32 $0x4200;
	s19 =	simm.s32 $0x2;
	s7 =	smul.u32 $0x2800, s0  }
0x8: {  	s20 =	simm.s32 $0x3;
	[smem:$0x7FF] =	sst s3;
	s26 =	smul.u32 $0x13C00, s0  }
0x9: {  	s21 =	simm.s32 $0x0;
	s8 =	smul.u32 $0x13C000, s6;
	_ =	strace $0x80000050  }
0xa: {  	s6 =	ssub.s32 $0x2, s6;
	s28 =	smul.u32 $0x4F000, s0;
	s31 =	sshll.u32 s0, $0x6  }
0xb: {  	s29 =	sshrl.u32 s6, $0x1;
	s4 =	sadd.s32 s7, s4;
	s9 =	sshrl.u32 s26, $0x3  }
0xc: {  	s7 =	sadd.s32 s26, s8;
	s11 =	ssub.s32 s6, s29;
	s30 =	sshrl.u32 s28, $0x2  }
0xd: {  	s6 =	sor.u32 $0x1C04, s31;
	s4 =	sshrl.u32 s4, $0x3;
	s7 =	sshrl.u32 s7, $0x3  }
0xe: {  	s9 =	sadd.s32 s9, s5;
	s12 =	sadd.s32 s30, s2;
	s8 =	smax.u32 s11, $0x1  }
0xf: {  	s10 =	sadd.s32 s4, s5;
	s4 =	sadd.s32 $0x92E00, s5;
	s7 =	sadd.s32 s7, s5  }
0x10: {  	s5 =	sadd.s32 $0x10E00, s9;
	s11 =	sshrl.u32 s12, $0x3;
	s12 =	simm.s32 $0x4  }
0x11: {  	s7 =	sadd.s32 $0xBA600, s7;
	s9 =	sadd.s32 $0x87E00, s10;
	s10 =	sadd.s32 $0x6E00, s10  }
.LBB2_1:
0x12: {  	[spmem:s11], [sflag:s6] =	dma.local [hbm:s5], $0x2780  }
0x13: {  	_ =	swait.ge [sflag:s12], $0x2780  }
0x14: {  	[sflag:s12] =	ssyncset.done $0x0  }
0x15: {  	[sflag:s12] =	ssyncadd.s32 $0xFFFFD880  }
0x16: {  	s22 =	sadd.s32 $0x0, s9;
	[bflag:$0x0] =	sbarrier.arrive $0xFFFF  }
0x17: {  	[tilespmem:s3], [sflag:$0x1] =	stream.linear.gather [hbm4b:s22+s3], $0x80, $0x38;
	[tilespmem:$0x1BE00] =	vst v63  }
0x18: {  	s23 =	sadd.s32 $0x0, s10  }
0x19: {  	[tilespmem:s13], [sflag:$0x1] =	stream.linear.gather [hbm4b:s23+s3], $0x80, $0x38;
	[tilespmem:$0x1BE00] =	vst v63  }
0x1a: {  	s22 =	sadd.s32 $0x10, s22  }
0x1b: {  	[tilespmem:s14], [sflag:$0x1] =	stream.linear.gather [hbm4b:s22+s3], $0x80, $0x38;
	[tilespmem:$0x1BE00] =	vst v63  }
0x1c: {  	s31 =	sadd.s32 $0x10, s23  }
0x1d: {  	[tilespmem:s15], [sflag:$0x1] =	stream.linear.gather [hbm4b:s31+s3], $0x80, $0x38;
	[tilespmem:$0x1BE00] =	vst v63  }
0x1e: {  	_ =	swait.ge [sflag:s16], $0x80  }
0x1f: {  	[sflag:s16] =	ssyncset.done $0x0  }
0x20: {  	[sflag:s16] =	ssyncadd.s32 $0xFFFFFF80  }
0x21: {  	_ =	swait.ge [sflag:s16], $0x80  }
0x22: {  	[sflag:s16] =	ssyncset.done $0x0  }
0x23: {  	[sflag:s16] =	ssyncadd.s32 $0xFFFFFF80  }
0x24: {  	_ =	swait.ge [sflag:s16], $0x80  }
0x25: {  	[sflag:s16] =	ssyncset.done $0x0  }
0x26: {  	[sflag:s16] =	ssyncadd.s32 $0xFFFFFF80  }
0x27: {  	_ =	swait.ge [sflag:s16], $0x80  }
0x28: {  	[sflag:s16] =	ssyncset.done $0x0  }
0x29: {  	[sflag:s16] =	ssyncadd.s32 $0xFFFFFF80  }
0x2a: {  	[tilespmem:s17], [sflag:$0x2] =	stream.indirect.gather [hbm4b:s4+s14], $0x80, s3, s14, $0xb8;
	[tilespmem:$0x1BE00] =	vst v63  }
0x2b: {  	_ = 	snop  }
0x2c: {  	[tilespmem:s18], [sflag:$0x2] =	stream.indirect.gather [hbm4b:s4+s14], $0x80, s14, s14, $0xb8;
	[tilespmem:$0x1BE00] =	vst v63  }
0x2d: {  	_ =	swait.ge [sflag:s19], $0x4000  }
0x2e: {  	[sflag:s19] =	ssyncset.done $0x0  }
0x2f: {  	[sflag:s19] =	ssyncadd.s32 $0xFFFFC000  }
0x30: {  	_ =	swait.ge [sflag:s19], $0x4000  }
0x31: {  	[sflag:s19] =	ssyncset.done $0x0  }
0x32: {  	[sflag:s19] =	ssyncadd.s32 $0xFFFFC000  }
0x33: {  	[spmem:s2] =	stream.indirect.scatter.add.f32 [tilespmem:s17], [sflag:$0x3], $0x80, s13, s14, $0xb8;
	[tilespmem:$0x1BE00] =	vst v63  }
0x34: {  	_ = 	snop  }
0x35: {  	[spmem:s2] =	stream.indirect.scatter.add.f32 [tilespmem:s18], [sflag:$0x3], $0x80, s15, s14, $0xb8;
	[tilespmem:$0x1BE00] =	vst v63  }
0x36: {  	_ =	swait.ge [sflag:s20], $0x4000  }
0x37: {  	[sflag:s20] =	ssyncset.done $0x0  }
0x38: {  	[sflag:s20] =	ssyncadd.s32 $0xFFFFC000  }
0x39: {  	_ =	swait.ge [sflag:s20], $0x4000  }
0x3a: {  	s24 =	simm.s32 $0x40;
	s22 =	simm.s32 $0x20;
	[sflag:s20] =	ssyncset.done $0x0  }
.LBB2_2:
0x3b: {  	s25 =	sadd.s32 s22, s9  }
0x3c: {  	[sflag:s20] =	ssyncadd.s32 $0xFFFFC000;
	s26 =	smov.u32 s24;
	s23 =	sadd.s32 $0x20, s24  }
0x3d: {  	[tilespmem:s3], [sflag:$0x1] =	stream.linear.gather [hbm4b:s25+s3], $0x80, $0x38;
	[tilespmem:$0x1BE00] =	vst v63  }
0x3e: {  	p0 =	sne.s32 s24, $0x4E0;
	s24 =	sadd.s32 s22, s10;
	s22 =	smov.u32 s26  }
0x3f: {  	[tilespmem:s13], [sflag:$0x1] =	stream.linear.gather [hbm4b:s24+s3], $0x80, $0x38;
	[tilespmem:$0x1BE00] =	vst v63  }
0x40: {  	s25 =	sadd.s32 $0x10, s25  }
0x41: {  	[tilespmem:s14], [sflag:$0x1] =	stream.linear.gather [hbm4b:s25+s3], $0x80, $0x38;
	[tilespmem:$0x1BE00] =	vst v63  }
0x42: {  	s24 =	sadd.s32 $0x10, s24  }
0x43: {  	[tilespmem:s15], [sflag:$0x1] =	stream.linear.gather [hbm4b:s24+s3], $0x80, $0x38;
	[tilespmem:$0x1BE00] =	vst v63  }
0x44: {  	_ =	swait.ge [sflag:s16], $0x80  }
0x45: {  	[sflag:s16] =	ssyncset.done $0x0  }
0x46: {  	[sflag:s16] =	ssyncadd.s32 $0xFFFFFF80  }
0x47: {  	_ =	swait.ge [sflag:s16], $0x80  }
0x48: {  	[sflag:s16] =	ssyncset.done $0x0  }
0x49: {  	[sflag:s16] =	ssyncadd.s32 $0xFFFFFF80  }
0x4a: {  	_ =	swait.ge [sflag:s16], $0x80  }
0x4b: {  	[sflag:s16] =	ssyncset.done $0x0  }
0x4c: {  	[sflag:s16] =	ssyncadd.s32 $0xFFFFFF80  }
0x4d: {  	_ =	swait.ge [sflag:s16], $0x80  }
0x4e: {  	[sflag:s16] =	ssyncset.done $0x0  }
0x4f: {  	[sflag:s16] =	ssyncadd.s32 $0xFFFFFF80  }
0x50: {  	[tilespmem:s17], [sflag:$0x2] =	stream.indirect.gather [hbm4b:s4+s14], $0x80, s3, s14, $0xb8;
	[tilespmem:$0x1BE00] =	vst v63  }
0x51: {  	_ = 	snop  }
0x52: {  	[tilespmem:s18], [sflag:$0x2] =	stream.indirect.gather [hbm4b:s4+s14], $0x80, s14, s14, $0xb8;
	[tilespmem:$0x1BE00] =	vst v63  }
0x53: {  	_ =	swait.ge [sflag:s19], $0x4000  }
0x54: {  	[sflag:s19] =	ssyncset.done $0x0  }
0x55: {  	[sflag:s19] =	ssyncadd.s32 $0xFFFFC000  }
0x56: {  	_ =	swait.ge [sflag:s19], $0x4000  }
0x57: {  	[sflag:s19] =	ssyncset.done $0x0  }
0x58: {  	[sflag:s19] =	ssyncadd.s32 $0xFFFFC000  }
0x59: {  	[spmem:s2] =	stream.indirect.scatter.add.f32 [tilespmem:s17], [sflag:$0x3], $0x80, s13, s14, $0xb8;
	[tilespmem:$0x1BE00] =	vst v63  }
0x5a: {  	_ = 	snop  }
0x5b: {  	[spmem:s2] =	stream.indirect.scatter.add.f32 [tilespmem:s18], [sflag:$0x3], $0x80, s15, s14, $0xb8;
	[tilespmem:$0x1BE00] =	vst v63  }
.Ltmp0:
0x5c: {  	_ =	swait.ge [sflag:s20], $0x4000;
	(pc) =	sbr.rel @p0 .LBB2_2-.Ltmp0, $4  }
0x5d: {  	[sflag:s20] =	ssyncset.done $0x0  }
0x5e: {  	[sflag:s20] =	ssyncadd.s32 $0xFFFFC000  }
0x5f: {  	_ =	swait.ge [sflag:s20], $0x4000  }
0x60: {  	s24 =	smov.u32 s23;
	[sflag:s20] =	ssyncset.done $0x0  }
0x61: {  	s23 =	sadd.s32 s22, s9;
	[sflag:s20] =	ssyncadd.s32 $0xFFFFC000  }
0x62: {  	[tilespmem:s3], [sflag:$0x1] =	stream.linear.gather [hbm4b:s23+s3], $0x80, $0x38;
	[tilespmem:$0x1BE00] =	vst v63  }
0x63: {  	s31 =	sadd.s32 s22, s10  }
0x64: {  	[tilespmem:s13], [sflag:$0x1] =	stream.linear.gather [hbm4b:s31+s3], $0x80, $0x38;
	[tilespmem:$0x1BE00] =	vst v63  }
0x65: {  	s23 =	sadd.s32 $0x10, s23  }
0x66: {  	[tilespmem:s14], [sflag:$0x1] =	stream.linear.gather [hbm4b:s23+s3], $0x80, $0x38;
	[tilespmem:$0x1BE00] =	vst v63  }
0x67: {  	s22 =	sadd.s32 $0x10, s31  }
0x68: {  	[tilespmem:s15], [sflag:$0x1] =	stream.linear.gather [hbm4b:s22+s3], $0x80, $0x38;
	[tilespmem:$0x1BE00] =	vst v63  }
0x69: {  	_ =	swait.ge [sflag:s16], $0x80  }
0x6a: {  	[sflag:s16] =	ssyncset.done $0x0  }
0x6b: {  	[sflag:s16] =	ssyncadd.s32 $0xFFFFFF80  }
0x6c: {  	_ =	swait.ge [sflag:s16], $0x80  }
0x6d: {  	[sflag:s16] =	ssyncset.done $0x0  }
0x6e: {  	[sflag:s16] =	ssyncadd.s32 $0xFFFFFF80  }
0x6f: {  	_ =	swait.ge [sflag:s16], $0x80  }
0x70: {  	[sflag:s16] =	ssyncset.done $0x0  }
0x71: {  	[sflag:s16] =	ssyncadd.s32 $0xFFFFFF80  }
0x72: {  	_ =	swait.ge [sflag:s16], $0x80  }
0x73: {  	[sflag:s16] =	ssyncset.done $0x0  }
0x74: {  	[sflag:s16] =	ssyncadd.s32 $0xFFFFFF80  }
0x75: {  	[tilespmem:s17], [sflag:$0x2] =	stream.indirect.gather [hbm4b:s4+s14], $0x80, s3, s14, $0xb8;
	[tilespmem:$0x1BE00] =	vst v63  }
0x76: {  	_ = 	snop  }
0x77: {  	[tilespmem:s18], [sflag:$0x2] =	stream.indirect.gather [hbm4b:s4+s14], $0x80, s14, s14, $0xb8;
	[tilespmem:$0x1BE00] =	vst v63  }
0x78: {  	_ =	swait.ge [sflag:s19], $0x4000  }
0x79: {  	[sflag:s19] =	ssyncset.done $0x0  }
0x7a: {  	[sflag:s19] =	ssyncadd.s32 $0xFFFFC000  }
0x7b: {  	_ =	swait.ge [sflag:s19], $0x4000  }
0x7c: {  	[sflag:s19] =	ssyncset.done $0x0  }
0x7d: {  	[sflag:s19] =	ssyncadd.s32 $0xFFFFC000  }
0x7e: {  	[spmem:s2] =	stream.indirect.scatter.add.f32 [tilespmem:s17], [sflag:$0x3], $0x80, s13, s14, $0xb8;
	[tilespmem:$0x1BE00] =	vst v63  }
0x7f: {  	_ = 	snop  }
0x80: {  	[spmem:s2] =	stream.indirect.scatter.add.f32 [tilespmem:s18], [sflag:$0x3], $0x80, s15, s14, $0xb8;
	[tilespmem:$0x1BE00] =	vst v63  }
0x81: {  	_ =	swait.ge [sflag:s20], $0x4000  }
0x82: {  	[sflag:s20] =	ssyncset.done $0x0  }
0x83: {  	[sflag:s20] =	ssyncadd.s32 $0xFFFFC000  }
0x84: {  	_ =	swait.ge [sflag:s20], $0x4000  }
0x85: {  	s21 =	sadd.s32 $0x1, s21;
	[sflag:s20] =	ssyncset.done $0x0  }
0x86: {  	p0 =	sne.s32 s21, s8;
	[sflag:s20] =	ssyncadd.s32 $0xFFFFC000  }
.Ltmp1:
0x87: {  	[bflag:$0x0] =	sbarrier.arrive $0xFFFF;
	(pc) =	sbr.rel @p0 .LBB2_1-.Ltmp1, $4  }
0x88: {  	[hbm:s7], [sflag:s6] =	dma.local [spmem:s11], $0x2780  }
0x89: {  	_ =	swait.ge [sflag:s12], $0x2780  }
0x8a: {  	[sflag:s12] =	ssyncset.done $0x0  }
0x8b: {  	[sflag:s12] =	ssyncadd.s32 $0xFFFFD880  }
0x8c: {  	_ =	sfence.sel $0x180000  }
0x8d: {  	[bflag:$0x0] =	sbarrier.arrive $0xFFFF  }
0x8e: {  	p0 =	sne.s32 s0, $0x0;
	_ =	strace $0x90000050  }
0x8f: {  	s0 =	sadd.s32 @!p0 $0x100000, s1;
	[bflag:$0x2] =	sbarrier.arrive $0xFFFF  }
0x90: {  	[sflag:s0] =	ssyncadd.tile.s32 @!p0 $0x1;
	_ =	shalt  }
.Lfunc_end2:
_tile_overlayer_lowered:
.L_overlay_start_2:
0x91: {  	(tag) =	ssettag $0x2  }
0x92: {  	s0 =	rddreg [dreg:$0x0];
	s2 =	stileid.u32  }
0x93: {  	s1 =	rddreg [dreg:$0x1];
	p0 =	sne.s32 s2, $0x0  }
0x94: {  	s3 =	rddreg [dreg:$0x2];
	[bflag:$0x3] =	sbarrier.arrive $0xFFFF;
	s2 =	simm.s32 @!p0 $0x1C04  }
0x95: {  	[timem:s3], [sflag:s2] =	dma.local @!p0 [hbm:s0], s1  }
0x96: {  	s0 =	simm.s32 @!p0 $0x4  }
0x97: {  	_ =	swait.ge @!p0 [sflag:s0], s1  }
0x98: {  	s1 =	ssub.s32 @!p0 $0x0, s1;
	[sflag:s0] =	ssyncset.done @!p0 $0x0  }
0x99: {  	[sflag:s0] =	ssyncadd.s32 @!p0 s1  }
0x9a: {  	[bflag:$0x3] =	sbarrier.arrive $0xFFFF  }
0x9b: {  	_ =	shalt  }

// kernel: kernel.32.cloned.1.call-start
scs
__scs_entry_jumppad:
0x0: {  	(pc) =	sbr.rel $0x88, $3  }
0x1: {  	(tag) =	ssettag $0x0;
	lr =	simm.s32 $0x1  }
0x2: {  	[smem:$0x3F9B] =	sst lr;
	_ =	strace $0xD0000000  }
0x3: {  	_ = 	snop  }
0x4: {  	_ = 	snop  }
0x5: {  	_ = 	snop  }
0x6: {  	_ = 	snop  }
0x7: {  	_ = 	snop  }
__scs_overlays_trampoline_lowered:
0x8: {  	[smem:$0x3FAA] =	sst s0  }
0x9: {  	[smem:$0x3FAB] =	sst s1  }
0xa: {  	[smem:$0x3FAC] =	sst s2  }
0xb: {  	[smem:$0x3FAD] =	sst s3  }
0xc: {  	[smem:$0x3FAE] =	sst s4  }
0xd: {  	[smem:$0x3FAF] =	sst s5  }
0xe: {  	[smem:$0x3FB0] =	sst s6  }
0xf: {  	[smem:$0x3FB1] =	sst s7  }
0x10: {  	[smem:$0x3FB2] =	sst s8  }
0x11: {  	[smem:$0x3FB3] =	sst s9;
	s0 =	simm.s32 @!p0 $0x0  }
0x12: {  	s1 =	sld [smem:$0x3F99];
	s0 =	simm.s32 @p0 $0x1  }
0x13: {  	[smem:$0x3FB4] =	sst s0;
	s0 =	simm.s32 @!p1 $0x0  }
0x14: {  	s2 =	sld [smem:$0x3F98];
	s0 =	simm.s32 @p1 $0x1  }
0x15: {  	[smem:$0x3FB5] =	sst s0;
	s0 =	simm.s32 @!p2 $0x0  }
0x16: {  	s3 =	sld [smem:$0x3FDB];
	s0 =	simm.s32 @p2 $0x1  }
0x17: {  	s4 =	simm.s32 $0x1BF5;
	[smem:$0x3FB7] =	sst s0  }
0x18: {  	s0 =	sld [smem:$0x3F9A];
	_ =	swait.ge [sflag:s4], $0x0  }
0x19: {  	s7 =	sld [smem:$0x3F9B]  }
0x1a: {  	s8 =	sadd.s32 $0xFFFFE003, lr  }
0x1b: {  	s9 =	sadd.s32 $0xFFFFFEF7, lr;
	s5 =	simm.s32 $0xFFFFFFFF;
	p2 =	slt.u32 s8, $0xFFFFF086  }
0x1c: {  	p1 =	slt.u32 s9, $0xF7A;
	s5 =	simm.s32 @!p2 $0x0  }
0x1d: {  	s5 =	simm.s32 @p1 $0x1;
	p0 =	seq.s32 s7, s2  }
0x1e: {  	s7 =	smul.u32 @!p0 $0xF7A, s2;
	p2 =	seq.s32 @!p0 s5, $0x0  }
0x1f: {  	s9 =	smul.u32 $0xF7A, s1;
	s8 =	simm.s32 @!p0 $0x1BF5;
	p2 =	por !p2, p0  }
0x20: {  	[sflag:s8] =	ssyncset.s32 @!p0 $0xFFFFF086;
	s6 =	sadd.s32 @!p0 s3, s7;
	s7 =	simm.s32 @!p0 $0x108  }
0x21: {  	s3 =	sadd.s32 s3, s9;
	s6 =	sadd.s32 @!p0 $0x88, s6;
	s7 =	simm.s32 @p2 $0x1082  }
0x22: {  	[simem:s7], [sflag:s8] =	dma.local @!p0 [hbm:s6], $0xF7A  }
0x23: {  	s9 =	sor.u32 $0xD0000000, s2;
	s6 =	simm.s32 $0x108;
	_ =	swait.ge @!p0 [sflag:s8], $0x0  }
0x24: {  	s3 =	sadd.s32 $0x88, s3;
	s6 =	simm.s32 @!p1 $0x1082;
	[sflag:s4] =	ssyncset.s32 $0xFFFFF086  }
0x25: {  	[simem:s6], [sflag:s4] =	dma.local [hbm:s3], $0xF7A  }
0x26: {  	[smem:$0x3F9B] =	sst s1;
	(tag) =	ssettag s2;
	_ =	strace s9  }
0x27: {  	s1 =	sld [smem:$0x3FAB]  }
0x28: {  	s2 =	sld [smem:$0x3FAC]  }
0x29: {  	s4 =	sld [smem:$0x3FAE]  }
0x2a: {  	p0 =	seq.s32 s5, $0x0;
	s5 =	sld [smem:$0x3FAF]  }
0x2b: {  	s6 =	sld [smem:$0x3FB0]  }
0x2c: {  	s7 =	sld [smem:$0x3FB1]  }
0x2d: {  	s3 =	simm.s32 $0x108;
	s8 =	sld [smem:$0x3FB2]  }
0x2e: {  	s3 =	simm.s32 @!p0 $0x1082;
	s9 =	sld [smem:$0x3FB3]  }
0x2f: {  	lr =	sadd.s32 s0, s3;
	s0 =	sld [smem:$0x3FAA]  }
0x30: {  	s3 =	sld [smem:$0x3FAD]  }
0x31: {  	[smem:$0x3FB6] =	sst s10  }
0x32: {  	s10 =	sld [smem:$0x3FB4];
	_ =	sdelay $0x3  }
0x33: {  	p0 =	seq.s32 s10, $0x1;
	s10 =	sld [smem:$0x3FB6];
	_ =	sdelay $0x3  }
0x34: {  	[smem:$0x3FB6] =	sst s10  }
0x35: {  	s10 =	sld [smem:$0x3FB5];
	_ =	sdelay $0x3  }
0x36: {  	p1 =	seq.s32 s10, $0x1;
	s10 =	sld [smem:$0x3FB6];
	_ =	sdelay $0x3  }
0x37: {  	[smem:$0x3FB6] =	sst s10  }
0x38: {  	s10 =	sld [smem:$0x3FB7]  }
0x39: {  	_ = 	snop;
	(pc) =	sbr.ind lr, $3  }
0x3a: {  	_ = 	snop  }
0x3b: {  	_ = 	snop  }
0x3c: {  	p2 =	seq.s32 s10, $0x1;
	s10 =	sld [smem:$0x3FB6]  }
0x3d: {  	_ =	shalt  }
0x3e: {  	_ =	shalt  }
0x3f: {  	_ =	shalt  }
0x40: {  	_ =	shalt  }
0x41: {  	_ =	shalt  }
0x42: {  	_ =	shalt  }
0x43: {  	_ =	shalt  }
0x44: {  	_ =	shalt  }
0x45: {  	_ =	shalt  }
0x46: {  	_ =	shalt  }
0x47: {  	_ =	shalt  }
0x48: {  	_ =	shalt  }
0x49: {  	_ =	shalt  }
0x4a: {  	_ =	shalt  }
0x4b: {  	_ =	shalt  }
0x4c: {  	_ =	shalt  }
0x4d: {  	_ =	shalt  }
0x4e: {  	_ =	shalt  }
0x4f: {  	_ =	shalt  }
0x50: {  	_ =	shalt  }
0x51: {  	_ =	shalt  }
0x52: {  	_ =	shalt  }
0x53: {  	_ =	shalt  }
0x54: {  	_ =	shalt  }
0x55: {  	_ =	shalt  }
0x56: {  	_ =	shalt  }
0x57: {  	_ =	shalt  }
0x58: {  	_ =	shalt  }
0x59: {  	_ =	shalt  }
0x5a: {  	_ =	shalt  }
0x5b: {  	_ =	shalt  }
0x5c: {  	_ =	shalt  }
0x5d: {  	_ =	shalt  }
0x5e: {  	_ =	shalt  }
0x5f: {  	_ =	shalt  }
0x60: {  	_ =	shalt  }
0x61: {  	_ =	shalt  }
0x62: {  	_ =	shalt  }
0x63: {  	_ =	shalt  }
0x64: {  	_ =	shalt  }
0x65: {  	_ =	shalt  }
0x66: {  	_ =	shalt  }
0x67: {  	_ =	shalt  }
0x68: {  	_ =	shalt  }
0x69: {  	_ =	shalt  }
0x6a: {  	_ =	shalt  }
0x6b: {  	_ =	shalt  }
0x6c: {  	_ =	shalt  }
0x6d: {  	_ =	shalt  }
0x6e: {  	_ =	shalt  }
0x6f: {  	_ =	shalt  }
0x70: {  	_ =	shalt  }
0x71: {  	_ =	shalt  }
0x72: {  	_ =	shalt  }
0x73: {  	_ =	shalt  }
0x74: {  	_ =	shalt  }
0x75: {  	_ =	shalt  }
0x76: {  	_ =	shalt  }
0x77: {  	_ =	shalt  }
0x78: {  	_ =	shalt  }
0x79: {  	_ =	shalt  }
0x7a: {  	_ =	shalt  }
0x7b: {  	_ =	shalt  }
0x7c: {  	_ =	shalt  }
0x7d: {  	_ =	shalt  }
0x7e: {  	_ =	shalt  }
0x7f: {  	_ =	shalt  }
0x80: {  	_ =	shalt  }
0x81: {  	_ =	shalt  }
0x82: {  	_ =	shalt  }
0x83: {  	_ =	shalt  }
0x84: {  	_ =	shalt  }
0x85: {  	_ =	shalt  }
0x86: {  	_ =	shalt  }
0x87: {  	_ =	shalt  }
.Lfunc_end0:
.L_simem_size_0:
called_computation.4_lowered:
.L_overlay_start_0:
0x88: {  	s2 =	sld [smem:$0x3FD9]  }
0x89: {  	s3 =	sld [smem:$0x3FFE];
	_ =	sdelay $0x1  }
0x8a: {  	s1 =	srdreg.scid  }
0x8b: {  	s0 =	sand.u32 $0x1, s1  }
0x8c: {  	s16 =	sshll.u32 s0, $0xA;
	s2 =	sadd.s32 s3, s2  }
0x8d: {  	s2 =	sadd.s32 s2, s16  }
0x8e: {  	[smem:$0x3FC2] =	sst s2  }
0x8f: {  	_ = 	snop  }
0x90: {  	(tm) =	ssettm $0x1  }
0x91: {  	s17 =	sld [smem:$0x3FFB];
	_ =	sdelay $0x3  }
0x92: {  	_ =	strace s17  }
0x93: {  	s2 =	sld [smem:$0x3FFC];
	_ =	sdelay $0x3  }
0x94: {  	_ =	strace s2  }
0x95: {  	s2 =	sld [smem:$0x3FFD];
	_ =	sdelay $0x3  }
0x96: {  	_ =	strace s2  }
0x97: {  	_ =	strace $0x8FFFFFFF  }
0x98: {  	s18 =	sld [smem:$0x3FDB];
	_ =	sdelay $0x1  }
0x99: {  	s19 =	simm.s32 $_scs_section_size  }
0x9a: {  	s4 =	simm.s32 $_size__tile_overlayer_lowered;
	s5 =	simm.s32 $_tile_overlayer_lowered  }
0x9b: {  	s22 =	simm.s32 $0x1BFF;
	s21 =	sshll.u32 s5, $0x1;
	s2 =	sadd.s32 s19, s18  }
0x9c: {  	s6 =	simm.s32 $0x0;
	s20 =	sshll.u32 s4, $0x1;
	s4 =	sadd.s32 s21, s2  }
0x9d: {  	[timem:s6], [sflag:s22] =	dma.local [hbm:s4], s20  }
0x9e: {  	_ =	swait.ge [sflag:s22], s20  }
0x9f: {  	s3 =	ssub.s32 $0x0, s20;
	[sflag:s22] =	ssyncset.done $0x0  }
0xa0: {  	[sflag:s22] =	ssyncadd.s32 s3;
	_ =	sdelay $0x1  }
0xa1: {  	s23 =	simm.s32 $0x1B8B  }
0xa2: {  	_ =	swait.ge [sflag:s23], $0x1  }
0xa3: {  	[sflag:s23] =	ssyncset.done $0x0  }
0xa4: {  	s25 =	simm.s32 $0x1B8E;
	s24 =	sld [smem:$0x3FFE];
	[sflag:s23] =	ssyncadd.s32 $0xFFFFFFFF  }
0xa5: {  	s26 =	simm.s32 $execute0_lowered;
	[smem:$0x3FD2] =	sst s25  }
0xa6: {  	s4 =	sshll.u32 s26, $0x1;
	_ =	strace $0x80000052;
	[dreg:$0x1] =	wrdreg $0xFFFFFFFF  }
0xa7: {  	s28 =	simm.s32 $_size_execute0_lowered;
	s2 =	sadd.s32 s2, s4;
	[dreg:$0x0] =	wrdreg $0x0  }
0xa8: {  	s4 =	sshll.u32 s28, $0x1;
	[dreg:$0x2] =	wrdreg s2  }
0xa9: {  	[dreg:$0x3] =	wrdreg s4  }
0xaa: {  	[dreg:$0x4] =	wrdreg $0xC0  }
0xab: {  	_ =	task [dreg:s6], $0x5FFFF  }
0xac: {  	[dreg:$0x1] =	wrdreg $0xFFFFFFFF  }
0xad: {  	[dreg:$0x0] =	wrdreg $0x60  }
0xae: {  	[dreg:$0x2] =	wrdreg s24  }
0xaf: {  	[dreg:$0x3] =	wrdreg $0x82000  }
0xb0: {  	[dreg:$0x4] =	wrdreg $0x9  }
0xb1: {  	_ =	task.clear_ibuf [dreg:s6], $0x5FFFF;
	_ =	strace $0x90000052  }
0xb2: {  	s29 =	simm.s32 $0x9;
	_ =	strace $0x80000054  }
0xb3: {  	_ =	swait.ge [sflag:s29], $0x1  }
0xb4: {  	[sflag:s29] =	ssyncadd.s32 $0xFFFFFFFF  }
0xb5: {  	_ =	strace $0x90000054  }
0xb6: {  	_ =	sfence  }
0xb7: {  	s30 =	sld [smem:$0x0];
	_ =	sdelay $0x2  }
0xb8: {  	s31 =	sshll.u32 s1, $0xD;
	s1 =	sshrl.u32 s1, $0x2  }
0xb9: {  	s3 =	sand.u32 $0x4000, s31;
	s1 =	sadd.s32 s1, s30  }
0xba: {  	s0 =	sor.u32 s3, s0;
	s1 =	sshll.u32 s1, $0x11  }
0xbb: {  	s0 =	sor.u32 s1, s0  }
0xbc: {  	s0 =	sadd.s32 $0x8F2B, s0  }
0xbd: {  	[sflag:s0] =	ssyncadd.remote.s32 $0x1  }
0xbe: {  	_ =	sfence.sel $0xFFFF  }
0xbf: {  	[dreg:$0x0] =	wrdreg $0xFFFFFFFF;
	(pc) =	sbr.abs _section_cstart, $3  }
0xc0: {  	[dreg:$0x1] =	wrdreg $0xFFFFFFFF  }
0xc1: {  	_ =	task.clear_ibuf [dreg:s6], $0x2FFFF;
	_ =	strace $0x9FFFFFFF  }
0xc2: {  	(tm) =	ssettm $0x7FFFFFFF  }
0xc3: {  	_ =	shalt  }
tec
execute0_lowered:
.L_overlay_start_1:
0x0: {  	(tag) =	ssettag $0x1  }
0x1: {  	s5 =	rddreg [dreg:$0x0]  }
0x2: {  	s2 =	rddreg [dreg:$0x1]  }
0x3: {  	s0 =	srdreg.scid;
	s1 =	rddreg [dreg:$0x2]  }
0x4: {  	s3 =	simm.s32 $0x0;
	s13 =	simm.s32 $0x100;
	s14 =	simm.s32 $0x80  }
0x5: {  	s15 =	simm.s32 $0x180;
	s16 =	simm.s32 $0x1;
	s6 =	sand.u32 $0x1, s0  }
0x6: {  	s17 =	simm.s32 $0x200;
	s0 =	stileid.u32;
	s4 =	smul.u32 $0x28000, s6  }
0x7: {  	s18 =	simm.s32 $0x4200;
	s19 =	simm.s32 $0x2;
	s7 =	smul.u32 $0x2800, s0  }
0x8: {  	s20 =	simm.s32 $0x3;
	[smem:$0x7FF] =	sst s3;
	s26 =	smul.u32 $0x13C00, s0  }
0x9: {  	s21 =	simm.s32 $0x0;
	s8 =	smul.u32 $0x13C000, s6;
	_ =	strace $0x80000053  }
0xa: {  	s6 =	ssub.s32 $0x2, s6;
	s28 =	smul.u32 $0x4F000, s0;
	s31 =	sshll.u32 s0, $0x6  }
0xb: {  	s29 =	sshrl.u32 s6, $0x1;
	s4 =	sadd.s32 s7, s4;
	s9 =	sshrl.u32 s26, $0x3  }
0xc: {  	s7 =	sadd.s32 s26, s8;
	s11 =	ssub.s32 s6, s29;
	s30 =	sshrl.u32 s28, $0x2  }
0xd: {  	s6 =	sor.u32 $0x1C04, s31;
	s4 =	sshrl.u32 s4, $0x3;
	s7 =	sshrl.u32 s7, $0x3  }
0xe: {  	s9 =	sadd.s32 s9, s5;
	s12 =	sadd.s32 s30, s2;
	s8 =	smax.u32 s11, $0x1  }
0xf: {  	s10 =	sadd.s32 s4, s5;
	s4 =	sadd.s32 $0x92E00, s5;
	s7 =	sadd.s32 s7, s5  }
0x10: {  	s5 =	sadd.s32 $0x10E00, s9;
	s11 =	sshrl.u32 s12, $0x3;
	s12 =	simm.s32 $0x4  }
0x11: {  	s7 =	sadd.s32 $0xBA600, s7;
	s9 =	sadd.s32 $0x87E00, s10;
	s10 =	sadd.s32 $0x6E00, s10  }
.LBB2_1:
0x12: {  	[spmem:s11], [sflag:s6] =	dma.local [hbm:s5], $0x2780  }
0x13: {  	_ =	swait.ge [sflag:s12], $0x2780  }
0x14: {  	[sflag:s12] =	ssyncset.done $0x0  }
0x15: {  	[sflag:s12] =	ssyncadd.s32 $0xFFFFD880  }
0x16: {  	s22 =	sadd.s32 $0x0, s9;
	[bflag:$0x0] =	sbarrier.arrive $0xFFFF  }
0x17: {  	[tilespmem:s3], [sflag:$0x1] =	stream.linear.gather [hbm4b:s22+s3], $0x80, $0x38;
	[tilespmem:$0x1BE00] =	vst v63  }
0x18: {  	s23 =	sadd.s32 $0x0, s10  }
0x19: {  	[tilespmem:s13], [sflag:$0x1] =	stream.linear.gather [hbm4b:s23+s3], $0x80, $0x38;
	[tilespmem:$0x1BE00] =	vst v63  }
0x1a: {  	s22 =	sadd.s32 $0x10, s22  }
0x1b: {  	[tilespmem:s14], [sflag:$0x1] =	stream.linear.gather [hbm4b:s22+s3], $0x80, $0x38;
	[tilespmem:$0x1BE00] =	vst v63  }
0x1c: {  	s31 =	sadd.s32 $0x10, s23  }
0x1d: {  	[tilespmem:s15], [sflag:$0x1] =	stream.linear.gather [hbm4b:s31+s3], $0x80, $0x38;
	[tilespmem:$0x1BE00] =	vst v63  }
0x1e: {  	_ =	swait.ge [sflag:s16], $0x80  }
0x1f: {  	[sflag:s16] =	ssyncset.done $0x0  }
0x20: {  	[sflag:s16] =	ssyncadd.s32 $0xFFFFFF80  }
0x21: {  	_ =	swait.ge [sflag:s16], $0x80  }
0x22: {  	[sflag:s16] =	ssyncset.done $0x0  }
0x23: {  	[sflag:s16] =	ssyncadd.s32 $0xFFFFFF80  }
0x24: {  	_ =	swait.ge [sflag:s16], $0x80  }
0x25: {  	[sflag:s16] =	ssyncset.done $0x0  }
0x26: {  	[sflag:s16] =	ssyncadd.s32 $0xFFFFFF80  }
0x27: {  	_ =	swait.ge [sflag:s16], $0x80  }
0x28: {  	[sflag:s16] =	ssyncset.done $0x0  }
0x29: {  	[sflag:s16] =	ssyncadd.s32 $0xFFFFFF80  }
0x2a: {  	[tilespmem:s17], [sflag:$0x2] =	stream.indirect.gather [hbm4b:s4+s14], $0x80, s3, s14, $0xb8;
	[tilespmem:$0x1BE00] =	vst v63  }
0x2b: {  	_ = 	snop  }
0x2c: {  	[tilespmem:s18], [sflag:$0x2] =	stream.indirect.gather [hbm4b:s4+s14], $0x80, s14, s14, $0xb8;
	[tilespmem:$0x1BE00] =	vst v63  }
0x2d: {  	_ =	swait.ge [sflag:s19], $0x4000  }
0x2e: {  	[sflag:s19] =	ssyncset.done $0x0  }
0x2f: {  	[sflag:s19] =	ssyncadd.s32 $0xFFFFC000  }
0x30: {  	_ =	swait.ge [sflag:s19], $0x4000  }
0x31: {  	[sflag:s19] =	ssyncset.done $0x0  }
0x32: {  	[sflag:s19] =	ssyncadd.s32 $0xFFFFC000  }
0x33: {  	[spmem:s2] =	stream.indirect.scatter.add.f32 [tilespmem:s17], [sflag:$0x3], $0x80, s13, s14, $0xb8;
	[tilespmem:$0x1BE00] =	vst v63  }
0x34: {  	_ = 	snop  }
0x35: {  	[spmem:s2] =	stream.indirect.scatter.add.f32 [tilespmem:s18], [sflag:$0x3], $0x80, s15, s14, $0xb8;
	[tilespmem:$0x1BE00] =	vst v63  }
0x36: {  	_ =	swait.ge [sflag:s20], $0x4000  }
0x37: {  	[sflag:s20] =	ssyncset.done $0x0  }
0x38: {  	[sflag:s20] =	ssyncadd.s32 $0xFFFFC000  }
0x39: {  	_ =	swait.ge [sflag:s20], $0x4000  }
0x3a: {  	s24 =	simm.s32 $0x40;
	s22 =	simm.s32 $0x20;
	[sflag:s20] =	ssyncset.done $0x0  }
.LBB2_2:
0x3b: {  	s25 =	sadd.s32 s22, s9  }
0x3c: {  	[sflag:s20] =	ssyncadd.s32 $0xFFFFC000;
	s26 =	smov.u32 s24;
	s23 =	sadd.s32 $0x20, s24  }
0x3d: {  	[tilespmem:s3], [sflag:$0x1] =	stream.linear.gather [hbm4b:s25+s3], $0x80, $0x38;
	[tilespmem:$0x1BE00] =	vst v63  }
0x3e: {  	p0 =	sne.s32 s24, $0x4E0;
	s24 =	sadd.s32 s22, s10;
	s22 =	smov.u32 s26  }
0x3f: {  	[tilespmem:s13], [sflag:$0x1] =	stream.linear.gather [hbm4b:s24+s3], $0x80, $0x38;
	[tilespmem:$0x1BE00] =	vst v63  }
0x40: {  	s25 =	sadd.s32 $0x10, s25  }
0x41: {  	[tilespmem:s14], [sflag:$0x1] =	stream.linear.gather [hbm4b:s25+s3], $0x80, $0x38;
	[tilespmem:$0x1BE00] =	vst v63  }
0x42: {  	s24 =	sadd.s32 $0x10, s24  }
0x43: {  	[tilespmem:s15], [sflag:$0x1] =	stream.linear.gather [hbm4b:s24+s3], $0x80, $0x38;
	[tilespmem:$0x1BE00] =	vst v63  }
0x44: {  	_ =	swait.ge [sflag:s16], $0x80  }
0x45: {  	[sflag:s16] =	ssyncset.done $0x0  }
0x46: {  	[sflag:s16] =	ssyncadd.s32 $0xFFFFFF80  }
0x47: {  	_ =	swait.ge [sflag:s16], $0x80  }
0x48: {  	[sflag:s16] =	ssyncset.done $0x0  }
0x49: {  	[sflag:s16] =	ssyncadd.s32 $0xFFFFFF80  }
0x4a: {  	_ =	swait.ge [sflag:s16], $0x80  }
0x4b: {  	[sflag:s16] =	ssyncset.done $0x0  }
0x4c: {  	[sflag:s16] =	ssyncadd.s32 $0xFFFFFF80  }
0x4d: {  	_ =	swait.ge [sflag:s16], $0x80  }
0x4e: {  	[sflag:s16] =	ssyncset.done $0x0  }
0x4f: {  	[sflag:s16] =	ssyncadd.s32 $0xFFFFFF80  }
0x50: {  	[tilespmem:s17], [sflag:$0x2] =	stream.indirect.gather [hbm4b:s4+s14], $0x80, s3, s14, $0xb8;
	[tilespmem:$0x1BE00] =	vst v63  }
0x51: {  	_ = 	snop  }
0x52: {  	[tilespmem:s18], [sflag:$0x2] =	stream.indirect.gather [hbm4b:s4+s14], $0x80, s14, s14, $0xb8;
	[tilespmem:$0x1BE00] =	vst v63  }
0x53: {  	_ =	swait.ge [sflag:s19], $0x4000  }
0x54: {  	[sflag:s19] =	ssyncset.done $0x0  }
0x55: {  	[sflag:s19] =	ssyncadd.s32 $0xFFFFC000  }
0x56: {  	_ =	swait.ge [sflag:s19], $0x4000  }
0x57: {  	[sflag:s19] =	ssyncset.done $0x0  }
0x58: {  	[sflag:s19] =	ssyncadd.s32 $0xFFFFC000  }
0x59: {  	[spmem:s2] =	stream.indirect.scatter.add.f32 [tilespmem:s17], [sflag:$0x3], $0x80, s13, s14, $0xb8;
	[tilespmem:$0x1BE00] =	vst v63  }
0x5a: {  	_ = 	snop  }
0x5b: {  	[spmem:s2] =	stream.indirect.scatter.add.f32 [tilespmem:s18], [sflag:$0x3], $0x80, s15, s14, $0xb8;
	[tilespmem:$0x1BE00] =	vst v63  }
.Ltmp0:
0x5c: {  	_ =	swait.ge [sflag:s20], $0x4000;
	(pc) =	sbr.rel @p0 .LBB2_2-.Ltmp0, $4  }
0x5d: {  	[sflag:s20] =	ssyncset.done $0x0  }
0x5e: {  	[sflag:s20] =	ssyncadd.s32 $0xFFFFC000  }
0x5f: {  	_ =	swait.ge [sflag:s20], $0x4000  }
0x60: {  	s24 =	smov.u32 s23;
	[sflag:s20] =	ssyncset.done $0x0  }
0x61: {  	s23 =	sadd.s32 s22, s9;
	[sflag:s20] =	ssyncadd.s32 $0xFFFFC000  }
0x62: {  	[tilespmem:s3], [sflag:$0x1] =	stream.linear.gather [hbm4b:s23+s3], $0x80, $0x38;
	[tilespmem:$0x1BE00] =	vst v63  }
0x63: {  	s31 =	sadd.s32 s22, s10  }
0x64: {  	[tilespmem:s13], [sflag:$0x1] =	stream.linear.gather [hbm4b:s31+s3], $0x80, $0x38;
	[tilespmem:$0x1BE00] =	vst v63  }
0x65: {  	s23 =	sadd.s32 $0x10, s23  }
0x66: {  	[tilespmem:s14], [sflag:$0x1] =	stream.linear.gather [hbm4b:s23+s3], $0x80, $0x38;
	[tilespmem:$0x1BE00] =	vst v63  }
0x67: {  	s22 =	sadd.s32 $0x10, s31  }
0x68: {  	[tilespmem:s15], [sflag:$0x1] =	stream.linear.gather [hbm4b:s22+s3], $0x80, $0x38;
	[tilespmem:$0x1BE00] =	vst v63  }
0x69: {  	_ =	swait.ge [sflag:s16], $0x80  }
0x6a: {  	[sflag:s16] =	ssyncset.done $0x0  }
0x6b: {  	[sflag:s16] =	ssyncadd.s32 $0xFFFFFF80  }
0x6c: {  	_ =	swait.ge [sflag:s16], $0x80  }
0x6d: {  	[sflag:s16] =	ssyncset.done $0x0  }
0x6e: {  	[sflag:s16] =	ssyncadd.s32 $0xFFFFFF80  }
0x6f: {  	_ =	swait.ge [sflag:s16], $0x80  }
0x70: {  	[sflag:s16] =	ssyncset.done $0x0  }
0x71: {  	[sflag:s16] =	ssyncadd.s32 $0xFFFFFF80  }
0x72: {  	_ =	swait.ge [sflag:s16], $0x80  }
0x73: {  	[sflag:s16] =	ssyncset.done $0x0  }
0x74: {  	[sflag:s16] =	ssyncadd.s32 $0xFFFFFF80  }
0x75: {  	[tilespmem:s17], [sflag:$0x2] =	stream.indirect.gather [hbm4b:s4+s14], $0x80, s3, s14, $0xb8;
	[tilespmem:$0x1BE00] =	vst v63  }
0x76: {  	_ = 	snop  }
0x77: {  	[tilespmem:s18], [sflag:$0x2] =	stream.indirect.gather [hbm4b:s4+s14], $0x80, s14, s14, $0xb8;
	[tilespmem:$0x1BE00] =	vst v63  }
0x78: {  	_ =	swait.ge [sflag:s19], $0x4000  }
0x79: {  	[sflag:s19] =	ssyncset.done $0x0  }
0x7a: {  	[sflag:s19] =	ssyncadd.s32 $0xFFFFC000  }
0x7b: {  	_ =	swait.ge [sflag:s19], $0x4000  }
0x7c: {  	[sflag:s19] =	ssyncset.done $0x0  }
0x7d: {  	[sflag:s19] =	ssyncadd.s32 $0xFFFFC000  }
0x7e: {  	[spmem:s2] =	stream.indirect.scatter.add.f32 [tilespmem:s17], [sflag:$0x3], $0x80, s13, s14, $0xb8;
	[tilespmem:$0x1BE00] =	vst v63  }
0x7f: {  	_ = 	snop  }
0x80: {  	[spmem:s2] =	stream.indirect.scatter.add.f32 [tilespmem:s18], [sflag:$0x3], $0x80, s15, s14, $0xb8;
	[tilespmem:$0x1BE00] =	vst v63  }
0x81: {  	_ =	swait.ge [sflag:s20], $0x4000  }
0x82: {  	[sflag:s20] =	ssyncset.done $0x0  }
0x83: {  	[sflag:s20] =	ssyncadd.s32 $0xFFFFC000  }
0x84: {  	_ =	swait.ge [sflag:s20], $0x4000  }
0x85: {  	s21 =	sadd.s32 $0x1, s21;
	[sflag:s20] =	ssyncset.done $0x0  }
0x86: {  	p0 =	sne.s32 s21, s8;
	[sflag:s20] =	ssyncadd.s32 $0xFFFFC000  }
.Ltmp1:
0x87: {  	[bflag:$0x0] =	sbarrier.arrive $0xFFFF;
	(pc) =	sbr.rel @p0 .LBB2_1-.Ltmp1, $4  }
0x88: {  	[hbm:s7], [sflag:s6] =	dma.local [spmem:s11], $0x2780  }
0x89: {  	_ =	swait.ge [sflag:s12], $0x2780  }
0x8a: {  	[sflag:s12] =	ssyncset.done $0x0  }
0x8b: {  	[sflag:s12] =	ssyncadd.s32 $0xFFFFD880  }
0x8c: {  	_ =	sfence.sel $0x180000  }
0x8d: {  	[bflag:$0x0] =	sbarrier.arrive $0xFFFF  }
0x8e: {  	p0 =	sne.s32 s0, $0x0;
	_ =	strace $0x90000053  }
0x8f: {  	s0 =	sadd.s32 @!p0 $0x100000, s1;
	[bflag:$0x2] =	sbarrier.arrive $0xFFFF  }
0x90: {  	[sflag:s0] =	ssyncadd.tile.s32 @!p0 $0x1;
	_ =	shalt  }
.Lfunc_end2:
_tile_overlayer_lowered:
.L_overlay_start_2:
0x91: {  	(tag) =	ssettag $0x2  }
0x92: {  	s0 =	rddreg [dreg:$0x0];
	s2 =	stileid.u32  }
0x93: {  	s1 =	rddreg [dreg:$0x1];
	p0 =	sne.s32 s2, $0x0  }
0x94: {  	s3 =	rddreg [dreg:$0x2];
	[bflag:$0x3] =	sbarrier.arrive $0xFFFF;
	s2 =	simm.s32 @!p0 $0x1C04  }
0x95: {  	[timem:s3], [sflag:s2] =	dma.local @!p0 [hbm:s0], s1  }
0x96: {  	s0 =	simm.s32 @!p0 $0x4  }
0x97: {  	_ =	swait.ge @!p0 [sflag:s0], s1  }
0x98: {  	s1 =	ssub.s32 @!p0 $0x0, s1;
	[sflag:s0] =	ssyncset.done @!p0 $0x0  }
0x99: {  	[sflag:s0] =	ssyncadd.s32 @!p0 s1  }
0x9a: {  	[bflag:$0x3] =	sbarrier.arrive $0xFFFF  }
0x9b: {  	_ =	shalt  }

// kernel: kernel.35.cloned.1.call-start
scs
__scs_entry_jumppad:
0x0: {  	(pc) =	sbr.rel $0x88, $3  }
0x1: {  	(tag) =	ssettag $0x0;
	lr =	simm.s32 $0x1  }
0x2: {  	[smem:$0x3F9B] =	sst lr;
	_ =	strace $0xD0000000  }
0x3: {  	_ = 	snop  }
0x4: {  	_ = 	snop  }
0x5: {  	_ = 	snop  }
0x6: {  	_ = 	snop  }
0x7: {  	_ = 	snop  }
__scs_overlays_trampoline_lowered:
0x8: {  	[smem:$0x3FAA] =	sst s0  }
0x9: {  	[smem:$0x3FAB] =	sst s1  }
0xa: {  	[smem:$0x3FAC] =	sst s2  }
0xb: {  	[smem:$0x3FAD] =	sst s3  }
0xc: {  	[smem:$0x3FAE] =	sst s4  }
0xd: {  	[smem:$0x3FAF] =	sst s5  }
0xe: {  	[smem:$0x3FB0] =	sst s6  }
0xf: {  	[smem:$0x3FB1] =	sst s7  }
0x10: {  	[smem:$0x3FB2] =	sst s8  }
0x11: {  	[smem:$0x3FB3] =	sst s9;
	s0 =	simm.s32 @!p0 $0x0  }
0x12: {  	s1 =	sld [smem:$0x3F99];
	s0 =	simm.s32 @p0 $0x1  }
0x13: {  	[smem:$0x3FB4] =	sst s0;
	s0 =	simm.s32 @!p1 $0x0  }
0x14: {  	s2 =	sld [smem:$0x3F98];
	s0 =	simm.s32 @p1 $0x1  }
0x15: {  	[smem:$0x3FB5] =	sst s0;
	s0 =	simm.s32 @!p2 $0x0  }
0x16: {  	s3 =	sld [smem:$0x3FDB];
	s0 =	simm.s32 @p2 $0x1  }
0x17: {  	s4 =	simm.s32 $0x1BF5;
	[smem:$0x3FB7] =	sst s0  }
0x18: {  	s0 =	sld [smem:$0x3F9A];
	_ =	swait.ge [sflag:s4], $0x0  }
0x19: {  	s7 =	sld [smem:$0x3F9B]  }
0x1a: {  	s8 =	sadd.s32 $0xFFFFE003, lr  }
0x1b: {  	s9 =	sadd.s32 $0xFFFFFEF7, lr;
	s5 =	simm.s32 $0xFFFFFFFF;
	p2 =	slt.u32 s8, $0xFFFFF086  }
0x1c: {  	p1 =	slt.u32 s9, $0xF7A;
	s5 =	simm.s32 @!p2 $0x0  }
0x1d: {  	s5 =	simm.s32 @p1 $0x1;
	p0 =	seq.s32 s7, s2  }
0x1e: {  	s7 =	smul.u32 @!p0 $0xF7A, s2;
	p2 =	seq.s32 @!p0 s5, $0x0  }
0x1f: {  	s9 =	smul.u32 $0xF7A, s1;
	s8 =	simm.s32 @!p0 $0x1BF5;
	p2 =	por !p2, p0  }
0x20: {  	[sflag:s8] =	ssyncset.s32 @!p0 $0xFFFFF086;
	s6 =	sadd.s32 @!p0 s3, s7;
	s7 =	simm.s32 @!p0 $0x108  }
0x21: {  	s3 =	sadd.s32 s3, s9;
	s6 =	sadd.s32 @!p0 $0x88, s6;
	s7 =	simm.s32 @p2 $0x1082  }
0x22: {  	[simem:s7], [sflag:s8] =	dma.local @!p0 [hbm:s6], $0xF7A  }
0x23: {  	s9 =	sor.u32 $0xD0000000, s2;
	s6 =	simm.s32 $0x108;
	_ =	swait.ge @!p0 [sflag:s8], $0x0  }
0x24: {  	s3 =	sadd.s32 $0x88, s3;
	s6 =	simm.s32 @!p1 $0x1082;
	[sflag:s4] =	ssyncset.s32 $0xFFFFF086  }
0x25: {  	[simem:s6], [sflag:s4] =	dma.local [hbm:s3], $0xF7A  }
0x26: {  	[smem:$0x3F9B] =	sst s1;
	(tag) =	ssettag s2;
	_ =	strace s9  }
0x27: {  	s1 =	sld [smem:$0x3FAB]  }
0x28: {  	s2 =	sld [smem:$0x3FAC]  }
0x29: {  	s4 =	sld [smem:$0x3FAE]  }
0x2a: {  	p0 =	seq.s32 s5, $0x0;
	s5 =	sld [smem:$0x3FAF]  }
0x2b: {  	s6 =	sld [smem:$0x3FB0]  }
0x2c: {  	s7 =	sld [smem:$0x3FB1]  }
0x2d: {  	s3 =	simm.s32 $0x108;
	s8 =	sld [smem:$0x3FB2]  }
0x2e: {  	s3 =	simm.s32 @!p0 $0x1082;
	s9 =	sld [smem:$0x3FB3]  }
0x2f: {  	lr =	sadd.s32 s0, s3;
	s0 =	sld [smem:$0x3FAA]  }
0x30: {  	s3 =	sld [smem:$0x3FAD]  }
0x31: {  	[smem:$0x3FB6] =	sst s10  }
0x32: {  	s10 =	sld [smem:$0x3FB4];
	_ =	sdelay $0x3  }
0x33: {  	p0 =	seq.s32 s10, $0x1;
	s10 =	sld [smem:$0x3FB6];
	_ =	sdelay $0x3  }
0x34: {  	[smem:$0x3FB6] =	sst s10  }
0x35: {  	s10 =	sld [smem:$0x3FB5];
	_ =	sdelay $0x3  }
0x36: {  	p1 =	seq.s32 s10, $0x1;
	s10 =	sld [smem:$0x3FB6];
	_ =	sdelay $0x3  }
0x37: {  	[smem:$0x3FB6] =	sst s10  }
0x38: {  	s10 =	sld [smem:$0x3FB7]  }
0x39: {  	_ = 	snop;
	(pc) =	sbr.ind lr, $3  }
0x3a: {  	_ = 	snop  }
0x3b: {  	_ = 	snop  }
0x3c: {  	p2 =	seq.s32 s10, $0x1;
	s10 =	sld [smem:$0x3FB6]  }
0x3d: {  	_ =	shalt  }
0x3e: {  	_ =	shalt  }
0x3f: {  	_ =	shalt  }
0x40: {  	_ =	shalt  }
0x41: {  	_ =	shalt  }
0x42: {  	_ =	shalt  }
0x43: {  	_ =	shalt  }
0x44: {  	_ =	shalt  }
0x45: {  	_ =	shalt  }
0x46: {  	_ =	shalt  }
0x47: {  	_ =	shalt  }
0x48: {  	_ =	shalt  }
0x49: {  	_ =	shalt  }
0x4a: {  	_ =	shalt  }
0x4b: {  	_ =	shalt  }
0x4c: {  	_ =	shalt  }
0x4d: {  	_ =	shalt  }
0x4e: {  	_ =	shalt  }
0x4f: {  	_ =	shalt  }
0x50: {  	_ =	shalt  }
0x51: {  	_ =	shalt  }
0x52: {  	_ =	shalt  }
0x53: {  	_ =	shalt  }
0x54: {  	_ =	shalt  }
0x55: {  	_ =	shalt  }
0x56: {  	_ =	shalt  }
0x57: {  	_ =	shalt  }
0x58: {  	_ =	shalt  }
0x59: {  	_ =	shalt  }
0x5a: {  	_ =	shalt  }
0x5b: {  	_ =	shalt  }
0x5c: {  	_ =	shalt  }
0x5d: {  	_ =	shalt  }
0x5e: {  	_ =	shalt  }
0x5f: {  	_ =	shalt  }
0x60: {  	_ =	shalt  }
0x61: {  	_ =	shalt  }
0x62: {  	_ =	shalt  }
0x63: {  	_ =	shalt  }
0x64: {  	_ =	shalt  }
0x65: {  	_ =	shalt  }
0x66: {  	_ =	shalt  }
0x67: {  	_ =	shalt  }
0x68: {  	_ =	shalt  }
0x69: {  	_ =	shalt  }
0x6a: {  	_ =	shalt  }
0x6b: {  	_ =	shalt  }
0x6c: {  	_ =	shalt  }
0x6d: {  	_ =	shalt  }
0x6e: {  	_ =	shalt  }
0x6f: {  	_ =	shalt  }
0x70: {  	_ =	shalt  }
0x71: {  	_ =	shalt  }
0x72: {  	_ =	shalt  }
0x73: {  	_ =	shalt  }
0x74: {  	_ =	shalt  }
0x75: {  	_ =	shalt  }
0x76: {  	_ =	shalt  }
0x77: {  	_ =	shalt  }
0x78: {  	_ =	shalt  }
0x79: {  	_ =	shalt  }
0x7a: {  	_ =	shalt  }
0x7b: {  	_ =	shalt  }
0x7c: {  	_ =	shalt  }
0x7d: {  	_ =	shalt  }
0x7e: {  	_ =	shalt  }
0x7f: {  	_ =	shalt  }
0x80: {  	_ =	shalt  }
0x81: {  	_ =	shalt  }
0x82: {  	_ =	shalt  }
0x83: {  	_ =	shalt  }
0x84: {  	_ =	shalt  }
0x85: {  	_ =	shalt  }
0x86: {  	_ =	shalt  }
0x87: {  	_ =	shalt  }
.Lfunc_end0:
.L_simem_size_0:
called_computation.5_lowered:
.L_overlay_start_0:
0x88: {  	s2 =	sld [smem:$0x3FD9]  }
0x89: {  	s3 =	sld [smem:$0x3FFE];
	_ =	sdelay $0x1  }
0x8a: {  	s1 =	srdreg.scid  }
0x8b: {  	s0 =	sand.u32 $0x1, s1  }
0x8c: {  	s16 =	sshll.u32 s0, $0xA;
	s2 =	sadd.s32 s3, s2  }
0x8d: {  	s2 =	sadd.s32 s2, s16  }
0x8e: {  	[smem:$0x3FC2] =	sst s2  }
0x8f: {  	_ = 	snop  }
0x90: {  	(tm) =	ssettm $0x1  }
0x91: {  	s17 =	sld [smem:$0x3FFB];
	_ =	sdelay $0x3  }
0x92: {  	_ =	strace s17  }
0x93: {  	s2 =	sld [smem:$0x3FFC];
	_ =	sdelay $0x3  }
0x94: {  	_ =	strace s2  }
0x95: {  	s2 =	sld [smem:$0x3FFD];
	_ =	sdelay $0x3  }
0x96: {  	_ =	strace s2  }
0x97: {  	_ =	strace $0x8FFFFFFF  }
0x98: {  	s18 =	sld [smem:$0x3FDB];
	_ =	sdelay $0x1  }
0x99: {  	s19 =	simm.s32 $_scs_section_size  }
0x9a: {  	s4 =	simm.s32 $_size__tile_overlayer_lowered;
	s5 =	simm.s32 $_tile_overlayer_lowered  }
0x9b: {  	s22 =	simm.s32 $0x1BFF;
	s21 =	sshll.u32 s5, $0x1;
	s2 =	sadd.s32 s19, s18  }
0x9c: {  	s6 =	simm.s32 $0x0;
	s20 =	sshll.u32 s4, $0x1;
	s4 =	sadd.s32 s21, s2  }
0x9d: {  	[timem:s6], [sflag:s22] =	dma.local [hbm:s4], s20  }
0x9e: {  	_ =	swait.ge [sflag:s22], s20  }
0x9f: {  	s3 =	ssub.s32 $0x0, s20;
	[sflag:s22] =	ssyncset.done $0x0  }
0xa0: {  	[sflag:s22] =	ssyncadd.s32 s3;
	_ =	sdelay $0x1  }
0xa1: {  	s23 =	simm.s32 $0x1B8B  }
0xa2: {  	_ =	swait.ge [sflag:s23], $0x1  }
0xa3: {  	[sflag:s23] =	ssyncset.done $0x0  }
0xa4: {  	s25 =	simm.s32 $0x1B8E;
	s24 =	sld [smem:$0x3FFE];
	[sflag:s23] =	ssyncadd.s32 $0xFFFFFFFF  }
0xa5: {  	s26 =	simm.s32 $execute0_lowered;
	[smem:$0x3FD2] =	sst s25  }
0xa6: {  	s4 =	sshll.u32 s26, $0x1;
	_ =	strace $0x80000055;
	[dreg:$0x1] =	wrdreg $0xFFFFFFFF  }
0xa7: {  	s28 =	simm.s32 $_size_execute0_lowered;
	s2 =	sadd.s32 s2, s4;
	[dreg:$0x0] =	wrdreg $0x0  }
0xa8: {  	s4 =	sshll.u32 s28, $0x1;
	[dreg:$0x2] =	wrdreg s2  }
0xa9: {  	[dreg:$0x3] =	wrdreg s4  }
0xaa: {  	[dreg:$0x4] =	wrdreg $0xC0  }
0xab: {  	_ =	task [dreg:s6], $0x5FFFF  }
0xac: {  	[dreg:$0x1] =	wrdreg $0xFFFFFFFF  }
0xad: {  	[dreg:$0x0] =	wrdreg $0x60  }
0xae: {  	[dreg:$0x2] =	wrdreg s24  }
0xaf: {  	[dreg:$0x3] =	wrdreg $0x82000  }
0xb0: {  	[dreg:$0x4] =	wrdreg $0x9  }
0xb1: {  	_ =	task.clear_ibuf [dreg:s6], $0x5FFFF;
	_ =	strace $0x90000055  }
0xb2: {  	s29 =	simm.s32 $0x9;
	_ =	strace $0x80000057  }
0xb3: {  	_ =	swait.ge [sflag:s29], $0x1  }
0xb4: {  	[sflag:s29] =	ssyncadd.s32 $0xFFFFFFFF  }
0xb5: {  	_ =	strace $0x90000057  }
0xb6: {  	_ =	sfence  }
0xb7: {  	s30 =	sld [smem:$0x0];
	_ =	sdelay $0x2  }
0xb8: {  	s31 =	sshll.u32 s1, $0xD;
	s1 =	sshrl.u32 s1, $0x2  }
0xb9: {  	s3 =	sand.u32 $0x4000, s31;
	s1 =	sadd.s32 s1, s30  }
0xba: {  	s0 =	sor.u32 s3, s0;
	s1 =	sshll.u32 s1, $0x11  }
0xbb: {  	s0 =	sor.u32 s1, s0  }
0xbc: {  	s0 =	sadd.s32 $0x8F2B, s0  }
0xbd: {  	[sflag:s0] =	ssyncadd.remote.s32 $0x1  }
0xbe: {  	_ =	sfence.sel $0xFFFF  }
0xbf: {  	[dreg:$0x0] =	wrdreg $0xFFFFFFFF;
	(pc) =	sbr.abs _section_cstart, $3  }
0xc0: {  	[dreg:$0x1] =	wrdreg $0xFFFFFFFF  }
0xc1: {  	_ =	task.clear_ibuf [dreg:s6], $0x2FFFF;
	_ =	strace $0x9FFFFFFF  }
0xc2: {  	(tm) =	ssettm $0x7FFFFFFF  }
0xc3: {  	_ =	shalt  }
tec
execute0_lowered:
.L_overlay_start_1:
0x0: {  	(tag) =	ssettag $0x1  }
0x1: {  	s5 =	rddreg [dreg:$0x0]  }
0x2: {  	s2 =	rddreg [dreg:$0x1]  }
0x3: {  	s0 =	srdreg.scid;
	s1 =	rddreg [dreg:$0x2]  }
0x4: {  	s3 =	simm.s32 $0x0;
	s13 =	simm.s32 $0x100;
	s14 =	simm.s32 $0x80  }
0x5: {  	s15 =	simm.s32 $0x180;
	s16 =	simm.s32 $0x1;
	s6 =	sand.u32 $0x1, s0  }
0x6: {  	s17 =	simm.s32 $0x200;
	s0 =	stileid.u32;
	s4 =	smul.u32 $0x28000, s6  }
0x7: {  	s18 =	simm.s32 $0x4200;
	s19 =	simm.s32 $0x2;
	s7 =	smul.u32 $0x2800, s0  }
0x8: {  	s20 =	simm.s32 $0x3;
	[smem:$0x7FF] =	sst s3;
	s26 =	smul.u32 $0x13C00, s0  }
0x9: {  	s21 =	simm.s32 $0x0;
	s8 =	smul.u32 $0x13C000, s6;
	_ =	strace $0x80000056  }
0xa: {  	s6 =	ssub.s32 $0x2, s6;
	s28 =	smul.u32 $0x4F000, s0;
	s31 =	sshll.u32 s0, $0x6  }
0xb: {  	s29 =	sshrl.u32 s6, $0x1;
	s4 =	sadd.s32 s7, s4;
	s9 =	sshrl.u32 s26, $0x3  }
0xc: {  	s7 =	sadd.s32 s26, s8;
	s11 =	ssub.s32 s6, s29;
	s30 =	sshrl.u32 s28, $0x2  }
0xd: {  	s6 =	sor.u32 $0x1C04, s31;
	s4 =	sshrl.u32 s4, $0x3;
	s7 =	sshrl.u32 s7, $0x3  }
0xe: {  	s9 =	sadd.s32 s9, s5;
	s12 =	sadd.s32 s30, s2;
	s8 =	smax.u32 s11, $0x1  }
0xf: {  	s10 =	sadd.s32 s4, s5;
	s4 =	sadd.s32 $0x92E00, s5;
	s7 =	sadd.s32 s7, s5  }
0x10: {  	s5 =	sadd.s32 $0x10E00, s9;
	s11 =	sshrl.u32 s12, $0x3;
	s12 =	simm.s32 $0x4  }
0x11: {  	s7 =	sadd.s32 $0xBA600, s7;
	s9 =	sadd.s32 $0x87E00, s10;
	s10 =	sadd.s32 $0x6E00, s10  }
.LBB2_1:
0x12: {  	[spmem:s11], [sflag:s6] =	dma.local [hbm:s5], $0x2780  }
0x13: {  	_ =	swait.ge [sflag:s12], $0x2780  }
0x14: {  	[sflag:s12] =	ssyncset.done $0x0  }
0x15: {  	[sflag:s12] =	ssyncadd.s32 $0xFFFFD880  }
0x16: {  	s22 =	sadd.s32 $0x0, s9;
	[bflag:$0x0] =	sbarrier.arrive $0xFFFF  }
0x17: {  	[tilespmem:s3], [sflag:$0x1] =	stream.linear.gather [hbm4b:s22+s3], $0x80, $0x38;
	[tilespmem:$0x1BE00] =	vst v63  }
0x18: {  	s23 =	sadd.s32 $0x0, s10  }
0x19: {  	[tilespmem:s13], [sflag:$0x1] =	stream.linear.gather [hbm4b:s23+s3], $0x80, $0x38;
	[tilespmem:$0x1BE00] =	vst v63  }
0x1a: {  	s22 =	sadd.s32 $0x10, s22  }
0x1b: {  	[tilespmem:s14], [sflag:$0x1] =	stream.linear.gather [hbm4b:s22+s3], $0x80, $0x38;
	[tilespmem:$0x1BE00] =	vst v63  }
0x1c: {  	s31 =	sadd.s32 $0x10, s23  }
0x1d: {  	[tilespmem:s15], [sflag:$0x1] =	stream.linear.gather [hbm4b:s31+s3], $0x80, $0x38;
	[tilespmem:$0x1BE00] =	vst v63  }
0x1e: {  	_ =	swait.ge [sflag:s16], $0x80  }
0x1f: {  	[sflag:s16] =	ssyncset.done $0x0  }
0x20: {  	[sflag:s16] =	ssyncadd.s32 $0xFFFFFF80  }
0x21: {  	_ =	swait.ge [sflag:s16], $0x80  }
0x22: {  	[sflag:s16] =	ssyncset.done $0x0  }
0x23: {  	[sflag:s16] =	ssyncadd.s32 $0xFFFFFF80  }
0x24: {  	_ =	swait.ge [sflag:s16], $0x80  }
0x25: {  	[sflag:s16] =	ssyncset.done $0x0  }
0x26: {  	[sflag:s16] =	ssyncadd.s32 $0xFFFFFF80  }
0x27: {  	_ =	swait.ge [sflag:s16], $0x80  }
0x28: {  	[sflag:s16] =	ssyncset.done $0x0  }
0x29: {  	[sflag:s16] =	ssyncadd.s32 $0xFFFFFF80  }
0x2a: {  	[tilespmem:s17], [sflag:$0x2] =	stream.indirect.gather [hbm4b:s4+s14], $0x80, s3, s14, $0xb8;
	[tilespmem:$0x1BE00] =	vst v63  }
0x2b: {  	_ = 	snop  }
0x2c: {  	[tilespmem:s18], [sflag:$0x2] =	stream.indirect.gather [hbm4b:s4+s14], $0x80, s14, s14, $0xb8;
	[tilespmem:$0x1BE00] =	vst v63  }
0x2d: {  	_ =	swait.ge [sflag:s19], $0x4000  }
0x2e: {  	[sflag:s19] =	ssyncset.done $0x0  }
0x2f: {  	[sflag:s19] =	ssyncadd.s32 $0xFFFFC000  }
0x30: {  	_ =	swait.ge [sflag:s19], $0x4000  }
0x31: {  	[sflag:s19] =	ssyncset.done $0x0  }
0x32: {  	[sflag:s19] =	ssyncadd.s32 $0xFFFFC000  }
0x33: {  	[spmem:s2] =	stream.indirect.scatter.add.f32 [tilespmem:s17], [sflag:$0x3], $0x80, s13, s14, $0xb8;
	[tilespmem:$0x1BE00] =	vst v63  }
0x34: {  	_ = 	snop  }
0x35: {  	[spmem:s2] =	stream.indirect.scatter.add.f32 [tilespmem:s18], [sflag:$0x3], $0x80, s15, s14, $0xb8;
	[tilespmem:$0x1BE00] =	vst v63  }
0x36: {  	_ =	swait.ge [sflag:s20], $0x4000  }
0x37: {  	[sflag:s20] =	ssyncset.done $0x0  }
0x38: {  	[sflag:s20] =	ssyncadd.s32 $0xFFFFC000  }
0x39: {  	_ =	swait.ge [sflag:s20], $0x4000  }
0x3a: {  	s24 =	simm.s32 $0x40;
	s22 =	simm.s32 $0x20;
	[sflag:s20] =	ssyncset.done $0x0  }
.LBB2_2:
0x3b: {  	s25 =	sadd.s32 s22, s9  }
0x3c: {  	[sflag:s20] =	ssyncadd.s32 $0xFFFFC000;
	s26 =	smov.u32 s24;
	s23 =	sadd.s32 $0x20, s24  }
0x3d: {  	[tilespmem:s3], [sflag:$0x1] =	stream.linear.gather [hbm4b:s25+s3], $0x80, $0x38;
	[tilespmem:$0x1BE00] =	vst v63  }
0x3e: {  	p0 =	sne.s32 s24, $0x4E0;
	s24 =	sadd.s32 s22, s10;
	s22 =	smov.u32 s26  }
0x3f: {  	[tilespmem:s13], [sflag:$0x1] =	stream.linear.gather [hbm4b:s24+s3], $0x80, $0x38;
	[tilespmem:$0x1BE00] =	vst v63  }
0x40: {  	s25 =	sadd.s32 $0x10, s25  }
0x41: {  	[tilespmem:s14], [sflag:$0x1] =	stream.linear.gather [hbm4b:s25+s3], $0x80, $0x38;
	[tilespmem:$0x1BE00] =	vst v63  }
0x42: {  	s24 =	sadd.s32 $0x10, s24  }
0x43: {  	[tilespmem:s15], [sflag:$0x1] =	stream.linear.gather [hbm4b:s24+s3], $0x80, $0x38;
	[tilespmem:$0x1BE00] =	vst v63  }
0x44: {  	_ =	swait.ge [sflag:s16], $0x80  }
0x45: {  	[sflag:s16] =	ssyncset.done $0x0  }
0x46: {  	[sflag:s16] =	ssyncadd.s32 $0xFFFFFF80  }
0x47: {  	_ =	swait.ge [sflag:s16], $0x80  }
0x48: {  	[sflag:s16] =	ssyncset.done $0x0  }
0x49: {  	[sflag:s16] =	ssyncadd.s32 $0xFFFFFF80  }
0x4a: {  	_ =	swait.ge [sflag:s16], $0x80  }
0x4b: {  	[sflag:s16] =	ssyncset.done $0x0  }
0x4c: {  	[sflag:s16] =	ssyncadd.s32 $0xFFFFFF80  }
0x4d: {  	_ =	swait.ge [sflag:s16], $0x80  }
0x4e: {  	[sflag:s16] =	ssyncset.done $0x0  }
0x4f: {  	[sflag:s16] =	ssyncadd.s32 $0xFFFFFF80  }
0x50: {  	[tilespmem:s17], [sflag:$0x2] =	stream.indirect.gather [hbm4b:s4+s14], $0x80, s3, s14, $0xb8;
	[tilespmem:$0x1BE00] =	vst v63  }
0x51: {  	_ = 	snop  }
0x52: {  	[tilespmem:s18], [sflag:$0x2] =	stream.indirect.gather [hbm4b:s4+s14], $0x80, s14, s14, $0xb8;
	[tilespmem:$0x1BE00] =	vst v63  }
0x53: {  	_ =	swait.ge [sflag:s19], $0x4000  }
0x54: {  	[sflag:s19] =	ssyncset.done $0x0  }
0x55: {  	[sflag:s19] =	ssyncadd.s32 $0xFFFFC000  }
0x56: {  	_ =	swait.ge [sflag:s19], $0x4000  }
0x57: {  	[sflag:s19] =	ssyncset.done $0x0  }
0x58: {  	[sflag:s19] =	ssyncadd.s32 $0xFFFFC000  }
0x59: {  	[spmem:s2] =	stream.indirect.scatter.add.f32 [tilespmem:s17], [sflag:$0x3], $0x80, s13, s14, $0xb8;
	[tilespmem:$0x1BE00] =	vst v63  }
0x5a: {  	_ = 	snop  }
0x5b: {  	[spmem:s2] =	stream.indirect.scatter.add.f32 [tilespmem:s18], [sflag:$0x3], $0x80, s15, s14, $0xb8;
	[tilespmem:$0x1BE00] =	vst v63  }
.Ltmp0:
0x5c: {  	_ =	swait.ge [sflag:s20], $0x4000;
	(pc) =	sbr.rel @p0 .LBB2_2-.Ltmp0, $4  }
0x5d: {  	[sflag:s20] =	ssyncset.done $0x0  }
0x5e: {  	[sflag:s20] =	ssyncadd.s32 $0xFFFFC000  }
0x5f: {  	_ =	swait.ge [sflag:s20], $0x4000  }
0x60: {  	s24 =	smov.u32 s23;
	[sflag:s20] =	ssyncset.done $0x0  }
0x61: {  	s23 =	sadd.s32 s22, s9;
	[sflag:s20] =	ssyncadd.s32 $0xFFFFC000  }
0x62: {  	[tilespmem:s3], [sflag:$0x1] =	stream.linear.gather [hbm4b:s23+s3], $0x80, $0x38;
	[tilespmem:$0x1BE00] =	vst v63  }
0x63: {  	s31 =	sadd.s32 s22, s10  }
0x64: {  	[tilespmem:s13], [sflag:$0x1] =	stream.linear.gather [hbm4b:s31+s3], $0x80, $0x38;
	[tilespmem:$0x1BE00] =	vst v63  }
0x65: {  	s23 =	sadd.s32 $0x10, s23  }
0x66: {  	[tilespmem:s14], [sflag:$0x1] =	stream.linear.gather [hbm4b:s23+s3], $0x80, $0x38;
	[tilespmem:$0x1BE00] =	vst v63  }
0x67: {  	s22 =	sadd.s32 $0x10, s31  }
0x68: {  	[tilespmem:s15], [sflag:$0x1] =	stream.linear.gather [hbm4b:s22+s3], $0x80, $0x38;
	[tilespmem:$0x1BE00] =	vst v63  }
0x69: {  	_ =	swait.ge [sflag:s16], $0x80  }
0x6a: {  	[sflag:s16] =	ssyncset.done $0x0  }
0x6b: {  	[sflag:s16] =	ssyncadd.s32 $0xFFFFFF80  }
0x6c: {  	_ =	swait.ge [sflag:s16], $0x80  }
0x6d: {  	[sflag:s16] =	ssyncset.done $0x0  }
0x6e: {  	[sflag:s16] =	ssyncadd.s32 $0xFFFFFF80  }
0x6f: {  	_ =	swait.ge [sflag:s16], $0x80  }
0x70: {  	[sflag:s16] =	ssyncset.done $0x0  }
0x71: {  	[sflag:s16] =	ssyncadd.s32 $0xFFFFFF80  }
0x72: {  	_ =	swait.ge [sflag:s16], $0x80  }
0x73: {  	[sflag:s16] =	ssyncset.done $0x0  }
0x74: {  	[sflag:s16] =	ssyncadd.s32 $0xFFFFFF80  }
0x75: {  	[tilespmem:s17], [sflag:$0x2] =	stream.indirect.gather [hbm4b:s4+s14], $0x80, s3, s14, $0xb8;
	[tilespmem:$0x1BE00] =	vst v63  }
0x76: {  	_ = 	snop  }
0x77: {  	[tilespmem:s18], [sflag:$0x2] =	stream.indirect.gather [hbm4b:s4+s14], $0x80, s14, s14, $0xb8;
	[tilespmem:$0x1BE00] =	vst v63  }
0x78: {  	_ =	swait.ge [sflag:s19], $0x4000  }
0x79: {  	[sflag:s19] =	ssyncset.done $0x0  }
0x7a: {  	[sflag:s19] =	ssyncadd.s32 $0xFFFFC000  }
0x7b: {  	_ =	swait.ge [sflag:s19], $0x4000  }
0x7c: {  	[sflag:s19] =	ssyncset.done $0x0  }
0x7d: {  	[sflag:s19] =	ssyncadd.s32 $0xFFFFC000  }
0x7e: {  	[spmem:s2] =	stream.indirect.scatter.add.f32 [tilespmem:s17], [sflag:$0x3], $0x80, s13, s14, $0xb8;
	[tilespmem:$0x1BE00] =	vst v63  }
0x7f: {  	_ = 	snop  }
0x80: {  	[spmem:s2] =	stream.indirect.scatter.add.f32 [tilespmem:s18], [sflag:$0x3], $0x80, s15, s14, $0xb8;
	[tilespmem:$0x1BE00] =	vst v63  }
0x81: {  	_ =	swait.ge [sflag:s20], $0x4000  }
0x82: {  	[sflag:s20] =	ssyncset.done $0x0  }
0x83: {  	[sflag:s20] =	ssyncadd.s32 $0xFFFFC000  }
0x84: {  	_ =	swait.ge [sflag:s20], $0x4000  }
0x85: {  	s21 =	sadd.s32 $0x1, s21;
	[sflag:s20] =	ssyncset.done $0x0  }
0x86: {  	p0 =	sne.s32 s21, s8;
	[sflag:s20] =	ssyncadd.s32 $0xFFFFC000  }
.Ltmp1:
0x87: {  	[bflag:$0x0] =	sbarrier.arrive $0xFFFF;
	(pc) =	sbr.rel @p0 .LBB2_1-.Ltmp1, $4  }
0x88: {  	[hbm:s7], [sflag:s6] =	dma.local [spmem:s11], $0x2780  }
0x89: {  	_ =	swait.ge [sflag:s12], $0x2780  }
0x8a: {  	[sflag:s12] =	ssyncset.done $0x0  }
0x8b: {  	[sflag:s12] =	ssyncadd.s32 $0xFFFFD880  }
0x8c: {  	_ =	sfence.sel $0x180000  }
0x8d: {  	[bflag:$0x0] =	sbarrier.arrive $0xFFFF  }
0x8e: {  	p0 =	sne.s32 s0, $0x0;
	_ =	strace $0x90000056  }
0x8f: {  	s0 =	sadd.s32 @!p0 $0x100000, s1;
	[bflag:$0x2] =	sbarrier.arrive $0xFFFF  }
0x90: {  	[sflag:s0] =	ssyncadd.tile.s32 @!p0 $0x1;
	_ =	shalt  }
.Lfunc_end2:
_tile_overlayer_lowered:
.L_overlay_start_2:
0x91: {  	(tag) =	ssettag $0x2  }
0x92: {  	s0 =	rddreg [dreg:$0x0];
	s2 =	stileid.u32  }
0x93: {  	s1 =	rddreg [dreg:$0x1];
	p0 =	sne.s32 s2, $0x0  }
0x94: {  	s3 =	rddreg [dreg:$0x2];
	[bflag:$0x3] =	sbarrier.arrive $0xFFFF;
	s2 =	simm.s32 @!p0 $0x1C04  }
0x95: {  	[timem:s3], [sflag:s2] =	dma.local @!p0 [hbm:s0], s1  }
0x96: {  	s0 =	simm.s32 @!p0 $0x4  }
0x97: {  	_ =	swait.ge @!p0 [sflag:s0], s1  }
0x98: {  	s1 =	ssub.s32 @!p0 $0x0, s1;
	[sflag:s0] =	ssyncset.done @!p0 $0x0  }
0x99: {  	[sflag:s0] =	ssyncadd.s32 @!p0 s1  }
0x9a: {  	[bflag:$0x3] =	sbarrier.arrive $0xFFFF  }
0x9b: {  	_ =	shalt  }

// kernel: kernel.38.cloned.1.call-start
scs
__scs_entry_jumppad:
0x0: {  	(pc) =	sbr.rel $0x88, $3  }
0x1: {  	(tag) =	ssettag $0x0;
	lr =	simm.s32 $0x1  }
0x2: {  	[smem:$0x3F9B] =	sst lr;
	_ =	strace $0xD0000000  }
0x3: {  	_ = 	snop  }
0x4: {  	_ = 	snop  }
0x5: {  	_ = 	snop  }
0x6: {  	_ = 	snop  }
0x7: {  	_ = 	snop  }
__scs_overlays_trampoline_lowered:
0x8: {  	[smem:$0x3FAA] =	sst s0  }
0x9: {  	[smem:$0x3FAB] =	sst s1  }
0xa: {  	[smem:$0x3FAC] =	sst s2  }
0xb: {  	[smem:$0x3FAD] =	sst s3  }
0xc: {  	[smem:$0x3FAE] =	sst s4  }
0xd: {  	[smem:$0x3FAF] =	sst s5  }
0xe: {  	[smem:$0x3FB0] =	sst s6  }
0xf: {  	[smem:$0x3FB1] =	sst s7  }
0x10: {  	[smem:$0x3FB2] =	sst s8  }
0x11: {  	[smem:$0x3FB3] =	sst s9;
	s0 =	simm.s32 @!p0 $0x0  }
0x12: {  	s1 =	sld [smem:$0x3F99];
	s0 =	simm.s32 @p0 $0x1  }
0x13: {  	[smem:$0x3FB4] =	sst s0;
	s0 =	simm.s32 @!p1 $0x0  }
0x14: {  	s2 =	sld [smem:$0x3F98];
	s0 =	simm.s32 @p1 $0x1  }
0x15: {  	[smem:$0x3FB5] =	sst s0;
	s0 =	simm.s32 @!p2 $0x0  }
0x16: {  	s3 =	sld [smem:$0x3FDB];
	s0 =	simm.s32 @p2 $0x1  }
0x17: {  	s4 =	simm.s32 $0x1BF5;
	[smem:$0x3FB7] =	sst s0  }
0x18: {  	s0 =	sld [smem:$0x3F9A];
	_ =	swait.ge [sflag:s4], $0x0  }
0x19: {  	s7 =	sld [smem:$0x3F9B]  }
0x1a: {  	s8 =	sadd.s32 $0xFFFFE003, lr  }
0x1b: {  	s9 =	sadd.s32 $0xFFFFFEF7, lr;
	s5 =	simm.s32 $0xFFFFFFFF;
	p2 =	slt.u32 s8, $0xFFFFF086  }
0x1c: {  	p1 =	slt.u32 s9, $0xF7A;
	s5 =	simm.s32 @!p2 $0x0  }
0x1d: {  	s5 =	simm.s32 @p1 $0x1;
	p0 =	seq.s32 s7, s2  }
0x1e: {  	s7 =	smul.u32 @!p0 $0xF7A, s2;
	p2 =	seq.s32 @!p0 s5, $0x0  }
0x1f: {  	s9 =	smul.u32 $0xF7A, s1;
	s8 =	simm.s32 @!p0 $0x1BF5;
	p2 =	por !p2, p0  }
0x20: {  	[sflag:s8] =	ssyncset.s32 @!p0 $0xFFFFF086;
	s6 =	sadd.s32 @!p0 s3, s7;
	s7 =	simm.s32 @!p0 $0x108  }
0x21: {  	s3 =	sadd.s32 s3, s9;
	s6 =	sadd.s32 @!p0 $0x88, s6;
	s7 =	simm.s32 @p2 $0x1082  }
0x22: {  	[simem:s7], [sflag:s8] =	dma.local @!p0 [hbm:s6], $0xF7A  }
0x23: {  	s9 =	sor.u32 $0xD0000000, s2;
	s6 =	simm.s32 $0x108;
	_ =	swait.ge @!p0 [sflag:s8], $0x0  }
0x24: {  	s3 =	sadd.s32 $0x88, s3;
	s6 =	simm.s32 @!p1 $0x1082;
	[sflag:s4] =	ssyncset.s32 $0xFFFFF086  }
0x25: {  	[simem:s6], [sflag:s4] =	dma.local [hbm:s3], $0xF7A  }
0x26: {  	[smem:$0x3F9B] =	sst s1;
	(tag) =	ssettag s2;
	_ =	strace s9  }
0x27: {  	s1 =	sld [smem:$0x3FAB]  }
0x28: {  	s2 =	sld [smem:$0x3FAC]  }
0x29: {  	s4 =	sld [smem:$0x3FAE]  }
0x2a: {  	p0 =	seq.s32 s5, $0x0;
	s5 =	sld [smem:$0x3FAF]  }
0x2b: {  	s6 =	sld [smem:$0x3FB0]  }
0x2c: {  	s7 =	sld [smem:$0x3FB1]  }
0x2d: {  	s3 =	simm.s32 $0x108;
	s8 =	sld [smem:$0x3FB2]  }
0x2e: {  	s3 =	simm.s32 @!p0 $0x1082;
	s9 =	sld [smem:$0x3FB3]  }
0x2f: {  	lr =	sadd.s32 s0, s3;
	s0 =	sld [smem:$0x3FAA]  }
0x30: {  	s3 =	sld [smem:$0x3FAD]  }
0x31: {  	[smem:$0x3FB6] =	sst s10  }
0x32: {  	s10 =	sld [smem:$0x3FB4];
	_ =	sdelay $0x3  }
0x33: {  	p0 =	seq.s32 s10, $0x1;
	s10 =	sld [smem:$0x3FB6];
	_ =	sdelay $0x3  }
0x34: {  	[smem:$0x3FB6] =	sst s10  }
0x35: {  	s10 =	sld [smem:$0x3FB5];
	_ =	sdelay $0x3  }
0x36: {  	p1 =	seq.s32 s10, $0x1;
	s10 =	sld [smem:$0x3FB6];
	_ =	sdelay $0x3  }
0x37: {  	[smem:$0x3FB6] =	sst s10  }
0x38: {  	s10 =	sld [smem:$0x3FB7]  }
0x39: {  	_ = 	snop;
	(pc) =	sbr.ind lr, $3  }
0x3a: {  	_ = 	snop  }
0x3b: {  	_ = 	snop  }
0x3c: {  	p2 =	seq.s32 s10, $0x1;
	s10 =	sld [smem:$0x3FB6]  }
0x3d: {  	_ =	shalt  }
0x3e: {  	_ =	shalt  }
0x3f: {  	_ =	shalt  }
0x40: {  	_ =	shalt  }
0x41: {  	_ =	shalt  }
0x42: {  	_ =	shalt  }
0x43: {  	_ =	shalt  }
0x44: {  	_ =	shalt  }
0x45: {  	_ =	shalt  }
0x46: {  	_ =	shalt  }
0x47: {  	_ =	shalt  }
0x48: {  	_ =	shalt  }
0x49: {  	_ =	shalt  }
0x4a: {  	_ =	shalt  }
0x4b: {  	_ =	shalt  }
0x4c: {  	_ =	shalt  }
0x4d: {  	_ =	shalt  }
0x4e: {  	_ =	shalt  }
0x4f: {  	_ =	shalt  }
0x50: {  	_ =	shalt  }
0x51: {  	_ =	shalt  }
0x52: {  	_ =	shalt  }
0x53: {  	_ =	shalt  }
0x54: {  	_ =	shalt  }
0x55: {  	_ =	shalt  }
0x56: {  	_ =	shalt  }
0x57: {  	_ =	shalt  }
0x58: {  	_ =	shalt  }
0x59: {  	_ =	shalt  }
0x5a: {  	_ =	shalt  }
0x5b: {  	_ =	shalt  }
0x5c: {  	_ =	shalt  }
0x5d: {  	_ =	shalt  }
0x5e: {  	_ =	shalt  }
0x5f: {  	_ =	shalt  }
0x60: {  	_ =	shalt  }
0x61: {  	_ =	shalt  }
0x62: {  	_ =	shalt  }
0x63: {  	_ =	shalt  }
0x64: {  	_ =	shalt  }
0x65: {  	_ =	shalt  }
0x66: {  	_ =	shalt  }
0x67: {  	_ =	shalt  }
0x68: {  	_ =	shalt  }
0x69: {  	_ =	shalt  }
0x6a: {  	_ =	shalt  }
0x6b: {  	_ =	shalt  }
0x6c: {  	_ =	shalt  }
0x6d: {  	_ =	shalt  }
0x6e: {  	_ =	shalt  }
0x6f: {  	_ =	shalt  }
0x70: {  	_ =	shalt  }
0x71: {  	_ =	shalt  }
0x72: {  	_ =	shalt  }
0x73: {  	_ =	shalt  }
0x74: {  	_ =	shalt  }
0x75: {  	_ =	shalt  }
0x76: {  	_ =	shalt  }
0x77: {  	_ =	shalt  }
0x78: {  	_ =	shalt  }
0x79: {  	_ =	shalt  }
0x7a: {  	_ =	shalt  }
0x7b: {  	_ =	shalt  }
0x7c: {  	_ =	shalt  }
0x7d: {  	_ =	shalt  }
0x7e: {  	_ =	shalt  }
0x7f: {  	_ =	shalt  }
0x80: {  	_ =	shalt  }
0x81: {  	_ =	shalt  }
0x82: {  	_ =	shalt  }
0x83: {  	_ =	shalt  }
0x84: {  	_ =	shalt  }
0x85: {  	_ =	shalt  }
0x86: {  	_ =	shalt  }
0x87: {  	_ =	shalt  }
.Lfunc_end0:
.L_simem_size_0:
called_computation.6_lowered:
.L_overlay_start_0:
0x88: {  	s2 =	sld [smem:$0x3FD9]  }
0x89: {  	s3 =	sld [smem:$0x3FFE];
	_ =	sdelay $0x1  }
0x8a: {  	s1 =	srdreg.scid  }
0x8b: {  	s0 =	sand.u32 $0x1, s1  }
0x8c: {  	s16 =	sshll.u32 s0, $0xA;
	s2 =	sadd.s32 s3, s2  }
0x8d: {  	s2 =	sadd.s32 s2, s16  }
0x8e: {  	[smem:$0x3FC2] =	sst s2  }
0x8f: {  	_ = 	snop  }
0x90: {  	(tm) =	ssettm $0x1  }
0x91: {  	s17 =	sld [smem:$0x3FFB];
	_ =	sdelay $0x3  }
0x92: {  	_ =	strace s17  }
0x93: {  	s2 =	sld [smem:$0x3FFC];
	_ =	sdelay $0x3  }
0x94: {  	_ =	strace s2  }
0x95: {  	s2 =	sld [smem:$0x3FFD];
	_ =	sdelay $0x3  }
0x96: {  	_ =	strace s2  }
0x97: {  	_ =	strace $0x8FFFFFFF  }
0x98: {  	s18 =	sld [smem:$0x3FDB];
	_ =	sdelay $0x1  }
0x99: {  	s19 =	simm.s32 $_scs_section_size  }
0x9a: {  	s4 =	simm.s32 $_size__tile_overlayer_lowered;
	s5 =	simm.s32 $_tile_overlayer_lowered  }
0x9b: {  	s22 =	simm.s32 $0x1BFF;
	s21 =	sshll.u32 s5, $0x1;
	s2 =	sadd.s32 s19, s18  }
0x9c: {  	s6 =	simm.s32 $0x0;
	s20 =	sshll.u32 s4, $0x1;
	s4 =	sadd.s32 s21, s2  }
0x9d: {  	[timem:s6], [sflag:s22] =	dma.local [hbm:s4], s20  }
0x9e: {  	_ =	swait.ge [sflag:s22], s20  }
0x9f: {  	s3 =	ssub.s32 $0x0, s20;
	[sflag:s22] =	ssyncset.done $0x0  }
0xa0: {  	[sflag:s22] =	ssyncadd.s32 s3;
	_ =	sdelay $0x1  }
0xa1: {  	s23 =	simm.s32 $0x1B8B  }
0xa2: {  	_ =	swait.ge [sflag:s23], $0x1  }
0xa3: {  	[sflag:s23] =	ssyncset.done $0x0  }
0xa4: {  	s25 =	simm.s32 $0x1B8E;
	s24 =	sld [smem:$0x3FFE];
	[sflag:s23] =	ssyncadd.s32 $0xFFFFFFFF  }
0xa5: {  	s26 =	simm.s32 $execute0_lowered;
	[smem:$0x3FD2] =	sst s25  }
0xa6: {  	s4 =	sshll.u32 s26, $0x1;
	_ =	strace $0x80000058;
	[dreg:$0x1] =	wrdreg $0xFFFFFFFF  }
0xa7: {  	s28 =	simm.s32 $_size_execute0_lowered;
	s2 =	sadd.s32 s2, s4;
	[dreg:$0x0] =	wrdreg $0x0  }
0xa8: {  	s4 =	sshll.u32 s28, $0x1;
	[dreg:$0x2] =	wrdreg s2  }
0xa9: {  	[dreg:$0x3] =	wrdreg s4  }
0xaa: {  	[dreg:$0x4] =	wrdreg $0xC0  }
0xab: {  	_ =	task [dreg:s6], $0x5FFFF  }
0xac: {  	[dreg:$0x1] =	wrdreg $0xFFFFFFFF  }
0xad: {  	[dreg:$0x0] =	wrdreg $0x60  }
0xae: {  	[dreg:$0x2] =	wrdreg s24  }
0xaf: {  	[dreg:$0x3] =	wrdreg $0x82000  }
0xb0: {  	[dreg:$0x4] =	wrdreg $0x9  }
0xb1: {  	_ =	task.clear_ibuf [dreg:s6], $0x5FFFF;
	_ =	strace $0x90000058  }
0xb2: {  	s29 =	simm.s32 $0x9;
	_ =	strace $0x8000005A  }
0xb3: {  	_ =	swait.ge [sflag:s29], $0x1  }
0xb4: {  	[sflag:s29] =	ssyncadd.s32 $0xFFFFFFFF  }
0xb5: {  	_ =	strace $0x9000005A  }
0xb6: {  	_ =	sfence  }
0xb7: {  	s30 =	sld [smem:$0x0];
	_ =	sdelay $0x2  }
0xb8: {  	s31 =	sshll.u32 s1, $0xD;
	s1 =	sshrl.u32 s1, $0x2  }
0xb9: {  	s3 =	sand.u32 $0x4000, s31;
	s1 =	sadd.s32 s1, s30  }
0xba: {  	s0 =	sor.u32 s3, s0;
	s1 =	sshll.u32 s1, $0x11  }
0xbb: {  	s0 =	sor.u32 s1, s0  }
0xbc: {  	s0 =	sadd.s32 $0x8F2B, s0  }
0xbd: {  	[sflag:s0] =	ssyncadd.remote.s32 $0x1  }
0xbe: {  	_ =	sfence.sel $0xFFFF  }
0xbf: {  	[dreg:$0x0] =	wrdreg $0xFFFFFFFF;
	(pc) =	sbr.abs _section_cstart, $3  }
0xc0: {  	[dreg:$0x1] =	wrdreg $0xFFFFFFFF  }
0xc1: {  	_ =	task.clear_ibuf [dreg:s6], $0x2FFFF;
	_ =	strace $0x9FFFFFFF  }
0xc2: {  	(tm) =	ssettm $0x7FFFFFFF  }
0xc3: {  	_ =	shalt  }
tec
execute0_lowered:
.L_overlay_start_1:
0x0: {  	(tag) =	ssettag $0x1  }
0x1: {  	s5 =	rddreg [dreg:$0x0]  }
0x2: {  	s2 =	rddreg [dreg:$0x1]  }
0x3: {  	s0 =	srdreg.scid;
	s1 =	rddreg [dreg:$0x2]  }
0x4: {  	s3 =	simm.s32 $0x0;
	s13 =	simm.s32 $0x100;
	s14 =	simm.s32 $0x80  }
0x5: {  	s15 =	simm.s32 $0x180;
	s16 =	simm.s32 $0x1;
	s6 =	sand.u32 $0x1, s0  }
0x6: {  	s17 =	simm.s32 $0x200;
	s0 =	stileid.u32;
	s4 =	smul.u32 $0x28000, s6  }
0x7: {  	s18 =	simm.s32 $0x4200;
	s19 =	simm.s32 $0x2;
	s7 =	smul.u32 $0x2800, s0  }
0x8: {  	s20 =	simm.s32 $0x3;
	[smem:$0x7FF] =	sst s3;
	s26 =	smul.u32 $0x13C00, s0  }
0x9: {  	s21 =	simm.s32 $0x0;
	s8 =	smul.u32 $0x13C000, s6;
	_ =	strace $0x80000059  }
0xa: {  	s6 =	ssub.s32 $0x2, s6;
	s28 =	smul.u32 $0x4F000, s0;
	s31 =	sshll.u32 s0, $0x6  }
0xb: {  	s29 =	sshrl.u32 s6, $0x1;
	s4 =	sadd.s32 s7, s4;
	s9 =	sshrl.u32 s26, $0x3  }
0xc: {  	s7 =	sadd.s32 s26, s8;
	s11 =	ssub.s32 s6, s29;
	s30 =	sshrl.u32 s28, $0x2  }
0xd: {  	s6 =	sor.u32 $0x1C04, s31;
	s4 =	sshrl.u32 s4, $0x3;
	s7 =	sshrl.u32 s7, $0x3  }
0xe: {  	s9 =	sadd.s32 s9, s5;
	s12 =	sadd.s32 s30, s2;
	s8 =	smax.u32 s11, $0x1  }
0xf: {  	s10 =	sadd.s32 s4, s5;
	s4 =	sadd.s32 $0x92E00, s5;
	s7 =	sadd.s32 s7, s5  }
0x10: {  	s5 =	sadd.s32 $0x10E00, s9;
	s11 =	sshrl.u32 s12, $0x3;
	s12 =	simm.s32 $0x4  }
0x11: {  	s7 =	sadd.s32 $0xBA600, s7;
	s9 =	sadd.s32 $0x87E00, s10;
	s10 =	sadd.s32 $0x6E00, s10  }
.LBB2_1:
0x12: {  	[spmem:s11], [sflag:s6] =	dma.local [hbm:s5], $0x2780  }
0x13: {  	_ =	swait.ge [sflag:s12], $0x2780  }
0x14: {  	[sflag:s12] =	ssyncset.done $0x0  }
0x15: {  	[sflag:s12] =	ssyncadd.s32 $0xFFFFD880  }
0x16: {  	s22 =	sadd.s32 $0x0, s9;
	[bflag:$0x0] =	sbarrier.arrive $0xFFFF  }
0x17: {  	[tilespmem:s3], [sflag:$0x1] =	stream.linear.gather [hbm4b:s22+s3], $0x80, $0x38;
	[tilespmem:$0x1BE00] =	vst v63  }
0x18: {  	s23 =	sadd.s32 $0x0, s10  }
0x19: {  	[tilespmem:s13], [sflag:$0x1] =	stream.linear.gather [hbm4b:s23+s3], $0x80, $0x38;
	[tilespmem:$0x1BE00] =	vst v63  }
0x1a: {  	s22 =	sadd.s32 $0x10, s22  }
0x1b: {  	[tilespmem:s14], [sflag:$0x1] =	stream.linear.gather [hbm4b:s22+s3], $0x80, $0x38;
	[tilespmem:$0x1BE00] =	vst v63  }
0x1c: {  	s31 =	sadd.s32 $0x10, s23  }
0x1d: {  	[tilespmem:s15], [sflag:$0x1] =	stream.linear.gather [hbm4b:s31+s3], $0x80, $0x38;
	[tilespmem:$0x1BE00] =	vst v63  }
0x1e: {  	_ =	swait.ge [sflag:s16], $0x80  }
0x1f: {  	[sflag:s16] =	ssyncset.done $0x0  }
0x20: {  	[sflag:s16] =	ssyncadd.s32 $0xFFFFFF80  }
0x21: {  	_ =	swait.ge [sflag:s16], $0x80  }
0x22: {  	[sflag:s16] =	ssyncset.done $0x0  }
0x23: {  	[sflag:s16] =	ssyncadd.s32 $0xFFFFFF80  }
0x24: {  	_ =	swait.ge [sflag:s16], $0x80  }
0x25: {  	[sflag:s16] =	ssyncset.done $0x0  }
0x26: {  	[sflag:s16] =	ssyncadd.s32 $0xFFFFFF80  }
0x27: {  	_ =	swait.ge [sflag:s16], $0x80  }
0x28: {  	[sflag:s16] =	ssyncset.done $0x0  }
0x29: {  	[sflag:s16] =	ssyncadd.s32 $0xFFFFFF80  }
0x2a: {  	[tilespmem:s17], [sflag:$0x2] =	stream.indirect.gather [hbm4b:s4+s14], $0x80, s3, s14, $0xb8;
	[tilespmem:$0x1BE00] =	vst v63  }
0x2b: {  	_ = 	snop  }
0x2c: {  	[tilespmem:s18], [sflag:$0x2] =	stream.indirect.gather [hbm4b:s4+s14], $0x80, s14, s14, $0xb8;
	[tilespmem:$0x1BE00] =	vst v63  }
0x2d: {  	_ =	swait.ge [sflag:s19], $0x4000  }
0x2e: {  	[sflag:s19] =	ssyncset.done $0x0  }
0x2f: {  	[sflag:s19] =	ssyncadd.s32 $0xFFFFC000  }
0x30: {  	_ =	swait.ge [sflag:s19], $0x4000  }
0x31: {  	[sflag:s19] =	ssyncset.done $0x0  }
0x32: {  	[sflag:s19] =	ssyncadd.s32 $0xFFFFC000  }
0x33: {  	[spmem:s2] =	stream.indirect.scatter.add.f32 [tilespmem:s17], [sflag:$0x3], $0x80, s13, s14, $0xb8;
	[tilespmem:$0x1BE00] =	vst v63  }
0x34: {  	_ = 	snop  }
0x35: {  	[spmem:s2] =	stream.indirect.scatter.add.f32 [tilespmem:s18], [sflag:$0x3], $0x80, s15, s14, $0xb8;
	[tilespmem:$0x1BE00] =	vst v63  }
0x36: {  	_ =	swait.ge [sflag:s20], $0x4000  }
0x37: {  	[sflag:s20] =	ssyncset.done $0x0  }
0x38: {  	[sflag:s20] =	ssyncadd.s32 $0xFFFFC000  }
0x39: {  	_ =	swait.ge [sflag:s20], $0x4000  }
0x3a: {  	s24 =	simm.s32 $0x40;
	s22 =	simm.s32 $0x20;
	[sflag:s20] =	ssyncset.done $0x0  }
.LBB2_2:
0x3b: {  	s25 =	sadd.s32 s22, s9  }
0x3c: {  	[sflag:s20] =	ssyncadd.s32 $0xFFFFC000;
	s26 =	smov.u32 s24;
	s23 =	sadd.s32 $0x20, s24  }
0x3d: {  	[tilespmem:s3], [sflag:$0x1] =	stream.linear.gather [hbm4b:s25+s3], $0x80, $0x38;
	[tilespmem:$0x1BE00] =	vst v63  }
0x3e: {  	p0 =	sne.s32 s24, $0x4E0;
	s24 =	sadd.s32 s22, s10;
	s22 =	smov.u32 s26  }
0x3f: {  	[tilespmem:s13], [sflag:$0x1] =	stream.linear.gather [hbm4b:s24+s3], $0x80, $0x38;
	[tilespmem:$0x1BE00] =	vst v63  }
0x40: {  	s25 =	sadd.s32 $0x10, s25  }
0x41: {  	[tilespmem:s14], [sflag:$0x1] =	stream.linear.gather [hbm4b:s25+s3], $0x80, $0x38;
	[tilespmem:$0x1BE00] =	vst v63  }
0x42: {  	s24 =	sadd.s32 $0x10, s24  }
0x43: {  	[tilespmem:s15], [sflag:$0x1] =	stream.linear.gather [hbm4b:s24+s3], $0x80, $0x38;
	[tilespmem:$0x1BE00] =	vst v63  }
0x44: {  	_ =	swait.ge [sflag:s16], $0x80  }
0x45: {  	[sflag:s16] =	ssyncset.done $0x0  }
0x46: {  	[sflag:s16] =	ssyncadd.s32 $0xFFFFFF80  }
0x47: {  	_ =	swait.ge [sflag:s16], $0x80  }
0x48: {  	[sflag:s16] =	ssyncset.done $0x0  }
0x49: {  	[sflag:s16] =	ssyncadd.s32 $0xFFFFFF80  }
0x4a: {  	_ =	swait.ge [sflag:s16], $0x80  }
0x4b: {  	[sflag:s16] =	ssyncset.done $0x0  }
0x4c: {  	[sflag:s16] =	ssyncadd.s32 $0xFFFFFF80  }
0x4d: {  	_ =	swait.ge [sflag:s16], $0x80  }
0x4e: {  	[sflag:s16] =	ssyncset.done $0x0  }
0x4f: {  	[sflag:s16] =	ssyncadd.s32 $0xFFFFFF80  }
0x50: {  	[tilespmem:s17], [sflag:$0x2] =	stream.indirect.gather [hbm4b:s4+s14], $0x80, s3, s14, $0xb8;
	[tilespmem:$0x1BE00] =	vst v63  }
0x51: {  	_ = 	snop  }
0x52: {  	[tilespmem:s18], [sflag:$0x2] =	stream.indirect.gather [hbm4b:s4+s14], $0x80, s14, s14, $0xb8;
	[tilespmem:$0x1BE00] =	vst v63  }
0x53: {  	_ =	swait.ge [sflag:s19], $0x4000  }
0x54: {  	[sflag:s19] =	ssyncset.done $0x0  }
0x55: {  	[sflag:s19] =	ssyncadd.s32 $0xFFFFC000  }
0x56: {  	_ =	swait.ge [sflag:s19], $0x4000  }
0x57: {  	[sflag:s19] =	ssyncset.done $0x0  }
0x58: {  	[sflag:s19] =	ssyncadd.s32 $0xFFFFC000  }
0x59: {  	[spmem:s2] =	stream.indirect.scatter.add.f32 [tilespmem:s17], [sflag:$0x3], $0x80, s13, s14, $0xb8;
	[tilespmem:$0x1BE00] =	vst v63  }
0x5a: {  	_ = 	snop  }
0x5b: {  	[spmem:s2] =	stream.indirect.scatter.add.f32 [tilespmem:s18], [sflag:$0x3], $0x80, s15, s14, $0xb8;
	[tilespmem:$0x1BE00] =	vst v63  }
.Ltmp0:
0x5c: {  	_ =	swait.ge [sflag:s20], $0x4000;
	(pc) =	sbr.rel @p0 .LBB2_2-.Ltmp0, $4  }
0x5d: {  	[sflag:s20] =	ssyncset.done $0x0  }
0x5e: {  	[sflag:s20] =	ssyncadd.s32 $0xFFFFC000  }
0x5f: {  	_ =	swait.ge [sflag:s20], $0x4000  }
0x60: {  	s24 =	smov.u32 s23;
	[sflag:s20] =	ssyncset.done $0x0  }
0x61: {  	s23 =	sadd.s32 s22, s9;
	[sflag:s20] =	ssyncadd.s32 $0xFFFFC000  }
0x62: {  	[tilespmem:s3], [sflag:$0x1] =	stream.linear.gather [hbm4b:s23+s3], $0x80, $0x38;
	[tilespmem:$0x1BE00] =	vst v63  }
0x63: {  	s31 =	sadd.s32 s22, s10  }
0x64: {  	[tilespmem:s13], [sflag:$0x1] =	stream.linear.gather [hbm4b:s31+s3], $0x80, $0x38;
	[tilespmem:$0x1BE00] =	vst v63  }
0x65: {  	s23 =	sadd.s32 $0x10, s23  }
0x66: {  	[tilespmem:s14], [sflag:$0x1] =	stream.linear.gather [hbm4b:s23+s3], $0x80, $0x38;
	[tilespmem:$0x1BE00] =	vst v63  }
0x67: {  	s22 =	sadd.s32 $0x10, s31  }
0x68: {  	[tilespmem:s15], [sflag:$0x1] =	stream.linear.gather [hbm4b:s22+s3], $0x80, $0x38;
	[tilespmem:$0x1BE00] =	vst v63  }
0x69: {  	_ =	swait.ge [sflag:s16], $0x80  }
0x6a: {  	[sflag:s16] =	ssyncset.done $0x0  }
0x6b: {  	[sflag:s16] =	ssyncadd.s32 $0xFFFFFF80  }
0x6c: {  	_ =	swait.ge [sflag:s16], $0x80  }
0x6d: {  	[sflag:s16] =	ssyncset.done $0x0  }
0x6e: {  	[sflag:s16] =	ssyncadd.s32 $0xFFFFFF80  }
0x6f: {  	_ =	swait.ge [sflag:s16], $0x80  }
0x70: {  	[sflag:s16] =	ssyncset.done $0x0  }
0x71: {  	[sflag:s16] =	ssyncadd.s32 $0xFFFFFF80  }
0x72: {  	_ =	swait.ge [sflag:s16], $0x80  }
0x73: {  	[sflag:s16] =	ssyncset.done $0x0  }
0x74: {  	[sflag:s16] =	ssyncadd.s32 $0xFFFFFF80  }
0x75: {  	[tilespmem:s17], [sflag:$0x2] =	stream.indirect.gather [hbm4b:s4+s14], $0x80, s3, s14, $0xb8;
	[tilespmem:$0x1BE00] =	vst v63  }
0x76: {  	_ = 	snop  }
0x77: {  	[tilespmem:s18], [sflag:$0x2] =	stream.indirect.gather [hbm4b:s4+s14], $0x80, s14, s14, $0xb8;
	[tilespmem:$0x1BE00] =	vst v63  }
0x78: {  	_ =	swait.ge [sflag:s19], $0x4000  }
0x79: {  	[sflag:s19] =	ssyncset.done $0x0  }
0x7a: {  	[sflag:s19] =	ssyncadd.s32 $0xFFFFC000  }
0x7b: {  	_ =	swait.ge [sflag:s19], $0x4000  }
0x7c: {  	[sflag:s19] =	ssyncset.done $0x0  }
0x7d: {  	[sflag:s19] =	ssyncadd.s32 $0xFFFFC000  }
0x7e: {  	[spmem:s2] =	stream.indirect.scatter.add.f32 [tilespmem:s17], [sflag:$0x3], $0x80, s13, s14, $0xb8;
	[tilespmem:$0x1BE00] =	vst v63  }
0x7f: {  	_ = 	snop  }
0x80: {  	[spmem:s2] =	stream.indirect.scatter.add.f32 [tilespmem:s18], [sflag:$0x3], $0x80, s15, s14, $0xb8;
	[tilespmem:$0x1BE00] =	vst v63  }
0x81: {  	_ =	swait.ge [sflag:s20], $0x4000  }
0x82: {  	[sflag:s20] =	ssyncset.done $0x0  }
0x83: {  	[sflag:s20] =	ssyncadd.s32 $0xFFFFC000  }
0x84: {  	_ =	swait.ge [sflag:s20], $0x4000  }
0x85: {  	s21 =	sadd.s32 $0x1, s21;
	[sflag:s20] =	ssyncset.done $0x0  }
0x86: {  	p0 =	sne.s32 s21, s8;
	[sflag:s20] =	ssyncadd.s32 $0xFFFFC000  }
.Ltmp1:
0x87: {  	[bflag:$0x0] =	sbarrier.arrive $0xFFFF;
	(pc) =	sbr.rel @p0 .LBB2_1-.Ltmp1, $4  }
0x88: {  	[hbm:s7], [sflag:s6] =	dma.local [spmem:s11], $0x2780  }
0x89: {  	_ =	swait.ge [sflag:s12], $0x2780  }
0x8a: {  	[sflag:s12] =	ssyncset.done $0x0  }
0x8b: {  	[sflag:s12] =	ssyncadd.s32 $0xFFFFD880  }
0x8c: {  	_ =	sfence.sel $0x180000  }
0x8d: {  	[bflag:$0x0] =	sbarrier.arrive $0xFFFF  }
0x8e: {  	p0 =	sne.s32 s0, $0x0;
	_ =	strace $0x90000059  }
0x8f: {  	s0 =	sadd.s32 @!p0 $0x100000, s1;
	[bflag:$0x2] =	sbarrier.arrive $0xFFFF  }
0x90: {  	[sflag:s0] =	ssyncadd.tile.s32 @!p0 $0x1;
	_ =	shalt  }
.Lfunc_end2:
_tile_overlayer_lowered:
.L_overlay_start_2:
0x91: {  	(tag) =	ssettag $0x2  }
0x92: {  	s0 =	rddreg [dreg:$0x0];
	s2 =	stileid.u32  }
0x93: {  	s1 =	rddreg [dreg:$0x1];
	p0 =	sne.s32 s2, $0x0  }
0x94: {  	s3 =	rddreg [dreg:$0x2];
	[bflag:$0x3] =	sbarrier.arrive $0xFFFF;
	s2 =	simm.s32 @!p0 $0x1C04  }
0x95: {  	[timem:s3], [sflag:s2] =	dma.local @!p0 [hbm:s0], s1  }
0x96: {  	s0 =	simm.s32 @!p0 $0x4  }
0x97: {  	_ =	swait.ge @!p0 [sflag:s0], s1  }
0x98: {  	s1 =	ssub.s32 @!p0 $0x0, s1;
	[sflag:s0] =	ssyncset.done @!p0 $0x0  }
0x99: {  	[sflag:s0] =	ssyncadd.s32 @!p0 s1  }
0x9a: {  	[bflag:$0x3] =	sbarrier.arrive $0xFFFF  }
0x9b: {  	_ =	shalt  }

// kernel: kernel.41.cloned.1.call-start
scs
__scs_entry_jumppad:
0x0: {  	(pc) =	sbr.rel $0x88, $3  }
0x1: {  	(tag) =	ssettag $0x0;
	lr =	simm.s32 $0x1  }
0x2: {  	[smem:$0x3F9B] =	sst lr;
	_ =	strace $0xD0000000  }
0x3: {  	_ = 	snop  }
0x4: {  	_ = 	snop  }
0x5: {  	_ = 	snop  }
0x6: {  	_ = 	snop  }
0x7: {  	_ = 	snop  }
__scs_overlays_trampoline_lowered:
0x8: {  	[smem:$0x3FAA] =	sst s0  }
0x9: {  	[smem:$0x3FAB] =	sst s1  }
0xa: {  	[smem:$0x3FAC] =	sst s2  }
0xb: {  	[smem:$0x3FAD] =	sst s3  }
0xc: {  	[smem:$0x3FAE] =	sst s4  }
0xd: {  	[smem:$0x3FAF] =	sst s5  }
0xe: {  	[smem:$0x3FB0] =	sst s6  }
0xf: {  	[smem:$0x3FB1] =	sst s7  }
0x10: {  	[smem:$0x3FB2] =	sst s8  }
0x11: {  	[smem:$0x3FB3] =	sst s9;
	s0 =	simm.s32 @!p0 $0x0  }
0x12: {  	s1 =	sld [smem:$0x3F99];
	s0 =	simm.s32 @p0 $0x1  }
0x13: {  	[smem:$0x3FB4] =	sst s0;
	s0 =	simm.s32 @!p1 $0x0  }
0x14: {  	s2 =	sld [smem:$0x3F98];
	s0 =	simm.s32 @p1 $0x1  }
0x15: {  	[smem:$0x3FB5] =	sst s0;
	s0 =	simm.s32 @!p2 $0x0  }
0x16: {  	s3 =	sld [smem:$0x3FDB];
	s0 =	simm.s32 @p2 $0x1  }
0x17: {  	s4 =	simm.s32 $0x1BF5;
	[smem:$0x3FB7] =	sst s0  }
0x18: {  	s0 =	sld [smem:$0x3F9A];
	_ =	swait.ge [sflag:s4], $0x0  }
0x19: {  	s7 =	sld [smem:$0x3F9B]  }
0x1a: {  	s8 =	sadd.s32 $0xFFFFE003, lr  }
0x1b: {  	s9 =	sadd.s32 $0xFFFFFEF7, lr;
	s5 =	simm.s32 $0xFFFFFFFF;
	p2 =	slt.u32 s8, $0xFFFFF086  }
0x1c: {  	p1 =	slt.u32 s9, $0xF7A;
	s5 =	simm.s32 @!p2 $0x0  }
0x1d: {  	s5 =	simm.s32 @p1 $0x1;
	p0 =	seq.s32 s7, s2  }
0x1e: {  	s7 =	smul.u32 @!p0 $0xF7A, s2;
	p2 =	seq.s32 @!p0 s5, $0x0  }
0x1f: {  	s9 =	smul.u32 $0xF7A, s1;
	s8 =	simm.s32 @!p0 $0x1BF5;
	p2 =	por !p2, p0  }
0x20: {  	[sflag:s8] =	ssyncset.s32 @!p0 $0xFFFFF086;
	s6 =	sadd.s32 @!p0 s3, s7;
	s7 =	simm.s32 @!p0 $0x108  }
0x21: {  	s3 =	sadd.s32 s3, s9;
	s6 =	sadd.s32 @!p0 $0x88, s6;
	s7 =	simm.s32 @p2 $0x1082  }
0x22: {  	[simem:s7], [sflag:s8] =	dma.local @!p0 [hbm:s6], $0xF7A  }
0x23: {  	s9 =	sor.u32 $0xD0000000, s2;
	s6 =	simm.s32 $0x108;
	_ =	swait.ge @!p0 [sflag:s8], $0x0  }
0x24: {  	s3 =	sadd.s32 $0x88, s3;
	s6 =	simm.s32 @!p1 $0x1082;
	[sflag:s4] =	ssyncset.s32 $0xFFFFF086  }
0x25: {  	[simem:s6], [sflag:s4] =	dma.local [hbm:s3], $0xF7A  }
0x26: {  	[smem:$0x3F9B] =	sst s1;
	(tag) =	ssettag s2;
	_ =	strace s9  }
0x27: {  	s1 =	sld [smem:$0x3FAB]  }
0x28: {  	s2 =	sld [smem:$0x3FAC]  }
0x29: {  	s4 =	sld [smem:$0x3FAE]  }
0x2a: {  	p0 =	seq.s32 s5, $0x0;
	s5 =	sld [smem:$0x3FAF]  }
0x2b: {  	s6 =	sld [smem:$0x3FB0]  }
0x2c: {  	s7 =	sld [smem:$0x3FB1]  }
0x2d: {  	s3 =	simm.s32 $0x108;
	s8 =	sld [smem:$0x3FB2]  }
0x2e: {  	s3 =	simm.s32 @!p0 $0x1082;
	s9 =	sld [smem:$0x3FB3]  }
0x2f: {  	lr =	sadd.s32 s0, s3;
	s0 =	sld [smem:$0x3FAA]  }
0x30: {  	s3 =	sld [smem:$0x3FAD]  }
0x31: {  	[smem:$0x3FB6] =	sst s10  }
0x32: {  	s10 =	sld [smem:$0x3FB4];
	_ =	sdelay $0x3  }
0x33: {  	p0 =	seq.s32 s10, $0x1;
	s10 =	sld [smem:$0x3FB6];
	_ =	sdelay $0x3  }
0x34: {  	[smem:$0x3FB6] =	sst s10  }
0x35: {  	s10 =	sld [smem:$0x3FB5];
	_ =	sdelay $0x3  }
0x36: {  	p1 =	seq.s32 s10, $0x1;
	s10 =	sld [smem:$0x3FB6];
	_ =	sdelay $0x3  }
0x37: {  	[smem:$0x3FB6] =	sst s10  }
0x38: {  	s10 =	sld [smem:$0x3FB7]  }
0x39: {  	_ = 	snop;
	(pc) =	sbr.ind lr, $3  }
0x3a: {  	_ = 	snop  }
0x3b: {  	_ = 	snop  }
0x3c: {  	p2 =	seq.s32 s10, $0x1;
	s10 =	sld [smem:$0x3FB6]  }
0x3d: {  	_ =	shalt  }
0x3e: {  	_ =	shalt  }
0x3f: {  	_ =	shalt  }
0x40: {  	_ =	shalt  }
0x41: {  	_ =	shalt  }
0x42: {  	_ =	shalt  }
0x43: {  	_ =	shalt  }
0x44: {  	_ =	shalt  }
0x45: {  	_ =	shalt  }
0x46: {  	_ =	shalt  }
0x47: {  	_ =	shalt  }
0x48: {  	_ =	shalt  }
0x49: {  	_ =	shalt  }
0x4a: {  	_ =	shalt  }
0x4b: {  	_ =	shalt  }
0x4c: {  	_ =	shalt  }
0x4d: {  	_ =	shalt  }
0x4e: {  	_ =	shalt  }
0x4f: {  	_ =	shalt  }
0x50: {  	_ =	shalt  }
0x51: {  	_ =	shalt  }
0x52: {  	_ =	shalt  }
0x53: {  	_ =	shalt  }
0x54: {  	_ =	shalt  }
0x55: {  	_ =	shalt  }
0x56: {  	_ =	shalt  }
0x57: {  	_ =	shalt  }
0x58: {  	_ =	shalt  }
0x59: {  	_ =	shalt  }
0x5a: {  	_ =	shalt  }
0x5b: {  	_ =	shalt  }
0x5c: {  	_ =	shalt  }
0x5d: {  	_ =	shalt  }
0x5e: {  	_ =	shalt  }
0x5f: {  	_ =	shalt  }
0x60: {  	_ =	shalt  }
0x61: {  	_ =	shalt  }
0x62: {  	_ =	shalt  }
0x63: {  	_ =	shalt  }
0x64: {  	_ =	shalt  }
0x65: {  	_ =	shalt  }
0x66: {  	_ =	shalt  }
0x67: {  	_ =	shalt  }
0x68: {  	_ =	shalt  }
0x69: {  	_ =	shalt  }
0x6a: {  	_ =	shalt  }
0x6b: {  	_ =	shalt  }
0x6c: {  	_ =	shalt  }
0x6d: {  	_ =	shalt  }
0x6e: {  	_ =	shalt  }
0x6f: {  	_ =	shalt  }
0x70: {  	_ =	shalt  }
0x71: {  	_ =	shalt  }
0x72: {  	_ =	shalt  }
0x73: {  	_ =	shalt  }
0x74: {  	_ =	shalt  }
0x75: {  	_ =	shalt  }
0x76: {  	_ =	shalt  }
0x77: {  	_ =	shalt  }
0x78: {  	_ =	shalt  }
0x79: {  	_ =	shalt  }
0x7a: {  	_ =	shalt  }
0x7b: {  	_ =	shalt  }
0x7c: {  	_ =	shalt  }
0x7d: {  	_ =	shalt  }
0x7e: {  	_ =	shalt  }
0x7f: {  	_ =	shalt  }
0x80: {  	_ =	shalt  }
0x81: {  	_ =	shalt  }
0x82: {  	_ =	shalt  }
0x83: {  	_ =	shalt  }
0x84: {  	_ =	shalt  }
0x85: {  	_ =	shalt  }
0x86: {  	_ =	shalt  }
0x87: {  	_ =	shalt  }
.Lfunc_end0:
.L_simem_size_0:
called_computation.7_lowered:
.L_overlay_start_0:
0x88: {  	s2 =	sld [smem:$0x3FD9]  }
0x89: {  	s3 =	sld [smem:$0x3FFE];
	_ =	sdelay $0x1  }
0x8a: {  	s1 =	srdreg.scid  }
0x8b: {  	s0 =	sand.u32 $0x1, s1  }
0x8c: {  	s16 =	sshll.u32 s0, $0xA;
	s2 =	sadd.s32 s3, s2  }
0x8d: {  	s2 =	sadd.s32 s2, s16  }
0x8e: {  	[smem:$0x3FC2] =	sst s2  }
0x8f: {  	_ = 	snop  }
0x90: {  	(tm) =	ssettm $0x1  }
0x91: {  	s17 =	sld [smem:$0x3FFB];
	_ =	sdelay $0x3  }
0x92: {  	_ =	strace s17  }
0x93: {  	s2 =	sld [smem:$0x3FFC];
	_ =	sdelay $0x3  }
0x94: {  	_ =	strace s2  }
0x95: {  	s2 =	sld [smem:$0x3FFD];
	_ =	sdelay $0x3  }
0x96: {  	_ =	strace s2  }
0x97: {  	_ =	strace $0x8FFFFFFF  }
0x98: {  	s18 =	sld [smem:$0x3FDB];
	_ =	sdelay $0x1  }
0x99: {  	s19 =	simm.s32 $_scs_section_size  }
0x9a: {  	s4 =	simm.s32 $_size__tile_overlayer_lowered;
	s5 =	simm.s32 $_tile_overlayer_lowered  }
0x9b: {  	s22 =	simm.s32 $0x1BFF;
	s21 =	sshll.u32 s5, $0x1;
	s2 =	sadd.s32 s19, s18  }
0x9c: {  	s6 =	simm.s32 $0x0;
	s20 =	sshll.u32 s4, $0x1;
	s4 =	sadd.s32 s21, s2  }
0x9d: {  	[timem:s6], [sflag:s22] =	dma.local [hbm:s4], s20  }
0x9e: {  	_ =	swait.ge [sflag:s22], s20  }
0x9f: {  	s3 =	ssub.s32 $0x0, s20;
	[sflag:s22] =	ssyncset.done $0x0  }
0xa0: {  	[sflag:s22] =	ssyncadd.s32 s3;
	_ =	sdelay $0x1  }
0xa1: {  	s23 =	simm.s32 $0x1B8B  }
0xa2: {  	_ =	swait.ge [sflag:s23], $0x1  }
0xa3: {  	[sflag:s23] =	ssyncset.done $0x0  }
0xa4: {  	s25 =	simm.s32 $0x1B8E;
	s24 =	sld [smem:$0x3FFE];
	[sflag:s23] =	ssyncadd.s32 $0xFFFFFFFF  }
0xa5: {  	s26 =	simm.s32 $execute0_lowered;
	[smem:$0x3FD2] =	sst s25  }
0xa6: {  	s4 =	sshll.u32 s26, $0x1;
	_ =	strace $0x8000005B;
	[dreg:$0x1] =	wrdreg $0xFFFFFFFF  }
0xa7: {  	s28 =	simm.s32 $_size_execute0_lowered;
	s2 =	sadd.s32 s2, s4;
	[dreg:$0x0] =	wrdreg $0x0  }
0xa8: {  	s4 =	sshll.u32 s28, $0x1;
	[dreg:$0x2] =	wrdreg s2  }
0xa9: {  	[dreg:$0x3] =	wrdreg s4  }
0xaa: {  	[dreg:$0x4] =	wrdreg $0xC0  }
0xab: {  	_ =	task [dreg:s6], $0x5FFFF  }
0xac: {  	[dreg:$0x1] =	wrdreg $0xFFFFFFFF  }
0xad: {  	[dreg:$0x0] =	wrdreg $0x60  }
0xae: {  	[dreg:$0x2] =	wrdreg s24  }
0xaf: {  	[dreg:$0x3] =	wrdreg $0x82000  }
0xb0: {  	[dreg:$0x4] =	wrdreg $0x9  }
0xb1: {  	_ =	task.clear_ibuf [dreg:s6], $0x5FFFF;
	_ =	strace $0x9000005B  }
0xb2: {  	s29 =	simm.s32 $0x9;
	_ =	strace $0x8000005D  }
0xb3: {  	_ =	swait.ge [sflag:s29], $0x1  }
0xb4: {  	[sflag:s29] =	ssyncadd.s32 $0xFFFFFFFF  }
0xb5: {  	_ =	strace $0x9000005D  }
0xb6: {  	_ =	sfence  }
0xb7: {  	s30 =	sld [smem:$0x0];
	_ =	sdelay $0x2  }
0xb8: {  	s31 =	sshll.u32 s1, $0xD;
	s1 =	sshrl.u32 s1, $0x2  }
0xb9: {  	s3 =	sand.u32 $0x4000, s31;
	s1 =	sadd.s32 s1, s30  }
0xba: {  	s0 =	sor.u32 s3, s0;
	s1 =	sshll.u32 s1, $0x11  }
0xbb: {  	s0 =	sor.u32 s1, s0  }
0xbc: {  	s0 =	sadd.s32 $0x8F2B, s0  }
0xbd: {  	[sflag:s0] =	ssyncadd.remote.s32 $0x1  }
0xbe: {  	_ =	sfence.sel $0xFFFF  }
0xbf: {  	[dreg:$0x0] =	wrdreg $0xFFFFFFFF;
	(pc) =	sbr.abs _section_cstart, $3  }
0xc0: {  	[dreg:$0x1] =	wrdreg $0xFFFFFFFF  }
0xc1: {  	_ =	task.clear_ibuf [dreg:s6], $0x2FFFF;
	_ =	strace $0x9FFFFFFF  }
0xc2: {  	(tm) =	ssettm $0x7FFFFFFF  }
0xc3: {  	_ =	shalt  }
tec
execute0_lowered:
.L_overlay_start_1:
0x0: {  	(tag) =	ssettag $0x1  }
0x1: {  	s5 =	rddreg [dreg:$0x0]  }
0x2: {  	s2 =	rddreg [dreg:$0x1]  }
0x3: {  	s0 =	srdreg.scid;
	s1 =	rddreg [dreg:$0x2]  }
0x4: {  	s3 =	simm.s32 $0x0;
	s13 =	simm.s32 $0x100;
	s14 =	simm.s32 $0x80  }
0x5: {  	s15 =	simm.s32 $0x180;
	s16 =	simm.s32 $0x1;
	s6 =	sand.u32 $0x1, s0  }
0x6: {  	s17 =	simm.s32 $0x200;
	s0 =	stileid.u32;
	s4 =	smul.u32 $0x28000, s6  }
0x7: {  	s18 =	simm.s32 $0x4200;
	s19 =	simm.s32 $0x2;
	s7 =	smul.u32 $0x2800, s0  }
0x8: {  	s20 =	simm.s32 $0x3;
	[smem:$0x7FF] =	sst s3;
	s26 =	smul.u32 $0x13C00, s0  }
0x9: {  	s21 =	simm.s32 $0x0;
	s8 =	smul.u32 $0x13C000, s6;
	_ =	strace $0x8000005C  }
0xa: {  	s6 =	ssub.s32 $0x2, s6;
	s28 =	smul.u32 $0x4F000, s0;
	s31 =	sshll.u32 s0, $0x6  }
0xb: {  	s29 =	sshrl.u32 s6, $0x1;
	s4 =	sadd.s32 s7, s4;
	s9 =	sshrl.u32 s26, $0x3  }
0xc: {  	s7 =	sadd.s32 s26, s8;
	s11 =	ssub.s32 s6, s29;
	s30 =	sshrl.u32 s28, $0x2  }
0xd: {  	s6 =	sor.u32 $0x1C04, s31;
	s4 =	sshrl.u32 s4, $0x3;
	s7 =	sshrl.u32 s7, $0x3  }
0xe: {  	s9 =	sadd.s32 s9, s5;
	s12 =	sadd.s32 s30, s2;
	s8 =	smax.u32 s11, $0x1  }
0xf: {  	s10 =	sadd.s32 s4, s5;
	s4 =	sadd.s32 $0x91E00, s5;
	s7 =	sadd.s32 s7, s5  }
0x10: {  	s5 =	sadd.s32 $0x10E00, s9;
	s11 =	sshrl.u32 s12, $0x3;
	s12 =	simm.s32 $0x4  }
0x11: {  	s7 =	sadd.s32 $0xB9600, s7;
	s9 =	sadd.s32 $0x87E00, s10;
	s10 =	sadd.s32 $0x6E00, s10  }
.LBB2_1:
0x12: {  	[spmem:s11], [sflag:s6] =	dma.local [hbm:s5], $0x2780  }
0x13: {  	_ =	swait.ge [sflag:s12], $0x2780  }
0x14: {  	[sflag:s12] =	ssyncset.done $0x0  }
0x15: {  	[sflag:s12] =	ssyncadd.s32 $0xFFFFD880  }
0x16: {  	s22 =	sadd.s32 $0x0, s9;
	[bflag:$0x0] =	sbarrier.arrive $0xFFFF  }
0x17: {  	[tilespmem:s3], [sflag:$0x1] =	stream.linear.gather [hbm4b:s22+s3], $0x80, $0x38;
	[tilespmem:$0x1BE00] =	vst v63  }
0x18: {  	s23 =	sadd.s32 $0x0, s10  }
0x19: {  	[tilespmem:s13], [sflag:$0x1] =	stream.linear.gather [hbm4b:s23+s3], $0x80, $0x38;
	[tilespmem:$0x1BE00] =	vst v63  }
0x1a: {  	s22 =	sadd.s32 $0x10, s22  }
0x1b: {  	[tilespmem:s14], [sflag:$0x1] =	stream.linear.gather [hbm4b:s22+s3], $0x80, $0x38;
	[tilespmem:$0x1BE00] =	vst v63  }
0x1c: {  	s31 =	sadd.s32 $0x10, s23  }
0x1d: {  	[tilespmem:s15], [sflag:$0x1] =	stream.linear.gather [hbm4b:s31+s3], $0x80, $0x38;
	[tilespmem:$0x1BE00] =	vst v63  }
0x1e: {  	_ =	swait.ge [sflag:s16], $0x80  }
0x1f: {  	[sflag:s16] =	ssyncset.done $0x0  }
0x20: {  	[sflag:s16] =	ssyncadd.s32 $0xFFFFFF80  }
0x21: {  	_ =	swait.ge [sflag:s16], $0x80  }
0x22: {  	[sflag:s16] =	ssyncset.done $0x0  }
0x23: {  	[sflag:s16] =	ssyncadd.s32 $0xFFFFFF80  }
0x24: {  	_ =	swait.ge [sflag:s16], $0x80  }
0x25: {  	[sflag:s16] =	ssyncset.done $0x0  }
0x26: {  	[sflag:s16] =	ssyncadd.s32 $0xFFFFFF80  }
0x27: {  	_ =	swait.ge [sflag:s16], $0x80  }
0x28: {  	[sflag:s16] =	ssyncset.done $0x0  }
0x29: {  	[sflag:s16] =	ssyncadd.s32 $0xFFFFFF80  }
0x2a: {  	[tilespmem:s17], [sflag:$0x2] =	stream.indirect.gather [hbm4b:s4+s14], $0x80, s3, s14, $0xb8;
	[tilespmem:$0x1BE00] =	vst v63  }
0x2b: {  	_ = 	snop  }
0x2c: {  	[tilespmem:s18], [sflag:$0x2] =	stream.indirect.gather [hbm4b:s4+s14], $0x80, s14, s14, $0xb8;
	[tilespmem:$0x1BE00] =	vst v63  }
0x2d: {  	_ =	swait.ge [sflag:s19], $0x4000  }
0x2e: {  	[sflag:s19] =	ssyncset.done $0x0  }
0x2f: {  	[sflag:s19] =	ssyncadd.s32 $0xFFFFC000  }
0x30: {  	_ =	swait.ge [sflag:s19], $0x4000  }
0x31: {  	[sflag:s19] =	ssyncset.done $0x0  }
0x32: {  	[sflag:s19] =	ssyncadd.s32 $0xFFFFC000  }
0x33: {  	[spmem:s2] =	stream.indirect.scatter.add.f32 [tilespmem:s17], [sflag:$0x3], $0x80, s13, s14, $0xb8;
	[tilespmem:$0x1BE00] =	vst v63  }
0x34: {  	_ = 	snop  }
0x35: {  	[spmem:s2] =	stream.indirect.scatter.add.f32 [tilespmem:s18], [sflag:$0x3], $0x80, s15, s14, $0xb8;
	[tilespmem:$0x1BE00] =	vst v63  }
0x36: {  	_ =	swait.ge [sflag:s20], $0x4000  }
0x37: {  	[sflag:s20] =	ssyncset.done $0x0  }
0x38: {  	[sflag:s20] =	ssyncadd.s32 $0xFFFFC000  }
0x39: {  	_ =	swait.ge [sflag:s20], $0x4000  }
0x3a: {  	s24 =	simm.s32 $0x40;
	s22 =	simm.s32 $0x20;
	[sflag:s20] =	ssyncset.done $0x0  }
.LBB2_2:
0x3b: {  	s25 =	sadd.s32 s22, s9  }
0x3c: {  	[sflag:s20] =	ssyncadd.s32 $0xFFFFC000;
	s26 =	smov.u32 s24;
	s23 =	sadd.s32 $0x20, s24  }
0x3d: {  	[tilespmem:s3], [sflag:$0x1] =	stream.linear.gather [hbm4b:s25+s3], $0x80, $0x38;
	[tilespmem:$0x1BE00] =	vst v63  }
0x3e: {  	p0 =	sne.s32 s24, $0x4E0;
	s24 =	sadd.s32 s22, s10;
	s22 =	smov.u32 s26  }
0x3f: {  	[tilespmem:s13], [sflag:$0x1] =	stream.linear.gather [hbm4b:s24+s3], $0x80, $0x38;
	[tilespmem:$0x1BE00] =	vst v63  }
0x40: {  	s25 =	sadd.s32 $0x10, s25  }
0x41: {  	[tilespmem:s14], [sflag:$0x1] =	stream.linear.gather [hbm4b:s25+s3], $0x80, $0x38;
	[tilespmem:$0x1BE00] =	vst v63  }
0x42: {  	s24 =	sadd.s32 $0x10, s24  }
0x43: {  	[tilespmem:s15], [sflag:$0x1] =	stream.linear.gather [hbm4b:s24+s3], $0x80, $0x38;
	[tilespmem:$0x1BE00] =	vst v63  }
0x44: {  	_ =	swait.ge [sflag:s16], $0x80  }
0x45: {  	[sflag:s16] =	ssyncset.done $0x0  }
0x46: {  	[sflag:s16] =	ssyncadd.s32 $0xFFFFFF80  }
0x47: {  	_ =	swait.ge [sflag:s16], $0x80  }
0x48: {  	[sflag:s16] =	ssyncset.done $0x0  }
0x49: {  	[sflag:s16] =	ssyncadd.s32 $0xFFFFFF80  }
0x4a: {  	_ =	swait.ge [sflag:s16], $0x80  }
0x4b: {  	[sflag:s16] =	ssyncset.done $0x0  }
0x4c: {  	[sflag:s16] =	ssyncadd.s32 $0xFFFFFF80  }
0x4d: {  	_ =	swait.ge [sflag:s16], $0x80  }
0x4e: {  	[sflag:s16] =	ssyncset.done $0x0  }
0x4f: {  	[sflag:s16] =	ssyncadd.s32 $0xFFFFFF80  }
0x50: {  	[tilespmem:s17], [sflag:$0x2] =	stream.indirect.gather [hbm4b:s4+s14], $0x80, s3, s14, $0xb8;
	[tilespmem:$0x1BE00] =	vst v63  }
0x51: {  	_ = 	snop  }
0x52: {  	[tilespmem:s18], [sflag:$0x2] =	stream.indirect.gather [hbm4b:s4+s14], $0x80, s14, s14, $0xb8;
	[tilespmem:$0x1BE00] =	vst v63  }
0x53: {  	_ =	swait.ge [sflag:s19], $0x4000  }
0x54: {  	[sflag:s19] =	ssyncset.done $0x0  }
0x55: {  	[sflag:s19] =	ssyncadd.s32 $0xFFFFC000  }
0x56: {  	_ =	swait.ge [sflag:s19], $0x4000  }
0x57: {  	[sflag:s19] =	ssyncset.done $0x0  }
0x58: {  	[sflag:s19] =	ssyncadd.s32 $0xFFFFC000  }
0x59: {  	[spmem:s2] =	stream.indirect.scatter.add.f32 [tilespmem:s17], [sflag:$0x3], $0x80, s13, s14, $0xb8;
	[tilespmem:$0x1BE00] =	vst v63  }
0x5a: {  	_ = 	snop  }
0x5b: {  	[spmem:s2] =	stream.indirect.scatter.add.f32 [tilespmem:s18], [sflag:$0x3], $0x80, s15, s14, $0xb8;
	[tilespmem:$0x1BE00] =	vst v63  }
.Ltmp0:
0x5c: {  	_ =	swait.ge [sflag:s20], $0x4000;
	(pc) =	sbr.rel @p0 .LBB2_2-.Ltmp0, $4  }
0x5d: {  	[sflag:s20] =	ssyncset.done $0x0  }
0x5e: {  	[sflag:s20] =	ssyncadd.s32 $0xFFFFC000  }
0x5f: {  	_ =	swait.ge [sflag:s20], $0x4000  }
0x60: {  	s24 =	smov.u32 s23;
	[sflag:s20] =	ssyncset.done $0x0  }
0x61: {  	s23 =	sadd.s32 s22, s9;
	[sflag:s20] =	ssyncadd.s32 $0xFFFFC000  }
0x62: {  	[tilespmem:s3], [sflag:$0x1] =	stream.linear.gather [hbm4b:s23+s3], $0x80, $0x38;
	[tilespmem:$0x1BE00] =	vst v63  }
0x63: {  	s31 =	sadd.s32 s22, s10  }
0x64: {  	[tilespmem:s13], [sflag:$0x1] =	stream.linear.gather [hbm4b:s31+s3], $0x80, $0x38;
	[tilespmem:$0x1BE00] =	vst v63  }
0x65: {  	s23 =	sadd.s32 $0x10, s23  }
0x66: {  	[tilespmem:s14], [sflag:$0x1] =	stream.linear.gather [hbm4b:s23+s3], $0x80, $0x38;
	[tilespmem:$0x1BE00] =	vst v63  }
0x67: {  	s22 =	sadd.s32 $0x10, s31  }
0x68: {  	[tilespmem:s15], [sflag:$0x1] =	stream.linear.gather [hbm4b:s22+s3], $0x80, $0x38;
	[tilespmem:$0x1BE00] =	vst v63  }
0x69: {  	_ =	swait.ge [sflag:s16], $0x80  }
0x6a: {  	[sflag:s16] =	ssyncset.done $0x0  }
0x6b: {  	[sflag:s16] =	ssyncadd.s32 $0xFFFFFF80  }
0x6c: {  	_ =	swait.ge [sflag:s16], $0x80  }
0x6d: {  	[sflag:s16] =	ssyncset.done $0x0  }
0x6e: {  	[sflag:s16] =	ssyncadd.s32 $0xFFFFFF80  }
0x6f: {  	_ =	swait.ge [sflag:s16], $0x80  }
0x70: {  	[sflag:s16] =	ssyncset.done $0x0  }
0x71: {  	[sflag:s16] =	ssyncadd.s32 $0xFFFFFF80  }
0x72: {  	_ =	swait.ge [sflag:s16], $0x80  }
0x73: {  	[sflag:s16] =	ssyncset.done $0x0  }
0x74: {  	[sflag:s16] =	ssyncadd.s32 $0xFFFFFF80  }
0x75: {  	[tilespmem:s17], [sflag:$0x2] =	stream.indirect.gather [hbm4b:s4+s14], $0x80, s3, s14, $0xb8;
	[tilespmem:$0x1BE00] =	vst v63  }
0x76: {  	_ = 	snop  }
0x77: {  	[tilespmem:s18], [sflag:$0x2] =	stream.indirect.gather [hbm4b:s4+s14], $0x80, s14, s14, $0xb8;
	[tilespmem:$0x1BE00] =	vst v63  }
0x78: {  	_ =	swait.ge [sflag:s19], $0x4000  }
0x79: {  	[sflag:s19] =	ssyncset.done $0x0  }
0x7a: {  	[sflag:s19] =	ssyncadd.s32 $0xFFFFC000  }
0x7b: {  	_ =	swait.ge [sflag:s19], $0x4000  }
0x7c: {  	[sflag:s19] =	ssyncset.done $0x0  }
0x7d: {  	[sflag:s19] =	ssyncadd.s32 $0xFFFFC000  }
0x7e: {  	[spmem:s2] =	stream.indirect.scatter.add.f32 [tilespmem:s17], [sflag:$0x3], $0x80, s13, s14, $0xb8;
	[tilespmem:$0x1BE00] =	vst v63  }
0x7f: {  	_ = 	snop  }
0x80: {  	[spmem:s2] =	stream.indirect.scatter.add.f32 [tilespmem:s18], [sflag:$0x3], $0x80, s15, s14, $0xb8;
	[tilespmem:$0x1BE00] =	vst v63  }
0x81: {  	_ =	swait.ge [sflag:s20], $0x4000  }
0x82: {  	[sflag:s20] =	ssyncset.done $0x0  }
0x83: {  	[sflag:s20] =	ssyncadd.s32 $0xFFFFC000  }
0x84: {  	_ =	swait.ge [sflag:s20], $0x4000  }
0x85: {  	s21 =	sadd.s32 $0x1, s21;
	[sflag:s20] =	ssyncset.done $0x0  }
0x86: {  	p0 =	sne.s32 s21, s8;
	[sflag:s20] =	ssyncadd.s32 $0xFFFFC000  }
.Ltmp1:
0x87: {  	[bflag:$0x0] =	sbarrier.arrive $0xFFFF;
	(pc) =	sbr.rel @p0 .LBB2_1-.Ltmp1, $4  }
0x88: {  	[hbm:s7], [sflag:s6] =	dma.local [spmem:s11], $0x2780  }
0x89: {  	_ =	swait.ge [sflag:s12], $0x2780  }
0x8a: {  	[sflag:s12] =	ssyncset.done $0x0  }
0x8b: {  	[sflag:s12] =	ssyncadd.s32 $0xFFFFD880  }
0x8c: {  	_ =	sfence.sel $0x180000  }
0x8d: {  	[bflag:$0x0] =	sbarrier.arrive $0xFFFF  }
0x8e: {  	p0 =	sne.s32 s0, $0x0;
	_ =	strace $0x9000005C  }
0x8f: {  	s0 =	sadd.s32 @!p0 $0x100000, s1;
	[bflag:$0x2] =	sbarrier.arrive $0xFFFF  }
0x90: {  	[sflag:s0] =	ssyncadd.tile.s32 @!p0 $0x1;
	_ =	shalt  }
.Lfunc_end2:
_tile_overlayer_lowered:
.L_overlay_start_2:
0x91: {  	(tag) =	ssettag $0x2  }
0x92: {  	s0 =	rddreg [dreg:$0x0];
	s2 =	stileid.u32  }
0x93: {  	s1 =	rddreg [dreg:$0x1];
	p0 =	sne.s32 s2, $0x0  }
0x94: {  	s3 =	rddreg [dreg:$0x2];
	[bflag:$0x3] =	sbarrier.arrive $0xFFFF;
	s2 =	simm.s32 @!p0 $0x1C04  }
0x95: {  	[timem:s3], [sflag:s2] =	dma.local @!p0 [hbm:s0], s1  }
0x96: {  	s0 =	simm.s32 @!p0 $0x4  }
0x97: {  	_ =	swait.ge @!p0 [sflag:s0], s1  }
0x98: {  	s1 =	ssub.s32 @!p0 $0x0, s1;
	[sflag:s0] =	ssyncset.done @!p0 $0x0  }
0x99: {  	[sflag:s0] =	ssyncadd.s32 @!p0 s1  }
0x9a: {  	[bflag:$0x3] =	sbarrier.arrive $0xFFFF  }
0x9b: {  	_ =	shalt  }

// kernel: kernel.44.cloned.1.call-start
scs
__scs_entry_jumppad:
0x0: {  	(pc) =	sbr.rel $0x88, $3  }
0x1: {  	(tag) =	ssettag $0x0;
	lr =	simm.s32 $0x1  }
0x2: {  	[smem:$0x3F9B] =	sst lr;
	_ =	strace $0xD0000000  }
0x3: {  	_ = 	snop  }
0x4: {  	_ = 	snop  }
0x5: {  	_ = 	snop  }
0x6: {  	_ = 	snop  }
0x7: {  	_ = 	snop  }
__scs_overlays_trampoline_lowered:
0x8: {  	[smem:$0x3FAA] =	sst s0  }
0x9: {  	[smem:$0x3FAB] =	sst s1  }
0xa: {  	[smem:$0x3FAC] =	sst s2  }
0xb: {  	[smem:$0x3FAD] =	sst s3  }
0xc: {  	[smem:$0x3FAE] =	sst s4  }
0xd: {  	[smem:$0x3FAF] =	sst s5  }
0xe: {  	[smem:$0x3FB0] =	sst s6  }
0xf: {  	[smem:$0x3FB1] =	sst s7  }
0x10: {  	[smem:$0x3FB2] =	sst s8  }
0x11: {  	[smem:$0x3FB3] =	sst s9;
	s0 =	simm.s32 @!p0 $0x0  }
0x12: {  	s1 =	sld [smem:$0x3F99];
	s0 =	simm.s32 @p0 $0x1  }
0x13: {  	[smem:$0x3FB4] =	sst s0;
	s0 =	simm.s32 @!p1 $0x0  }
0x14: {  	s2 =	sld [smem:$0x3F98];
	s0 =	simm.s32 @p1 $0x1  }
0x15: {  	[smem:$0x3FB5] =	sst s0;
	s0 =	simm.s32 @!p2 $0x0  }
0x16: {  	s3 =	sld [smem:$0x3FDB];
	s0 =	simm.s32 @p2 $0x1  }
0x17: {  	s4 =	simm.s32 $0x1BF5;
	[smem:$0x3FB7] =	sst s0  }
0x18: {  	s0 =	sld [smem:$0x3F9A];
	_ =	swait.ge [sflag:s4], $0x0  }
0x19: {  	s7 =	sld [smem:$0x3F9B]  }
0x1a: {  	s8 =	sadd.s32 $0xFFFFE003, lr  }
0x1b: {  	s9 =	sadd.s32 $0xFFFFFEF7, lr;
	s5 =	simm.s32 $0xFFFFFFFF;
	p2 =	slt.u32 s8, $0xFFFFF086  }
0x1c: {  	p1 =	slt.u32 s9, $0xF7A;
	s5 =	simm.s32 @!p2 $0x0  }
0x1d: {  	s5 =	simm.s32 @p1 $0x1;
	p0 =	seq.s32 s7, s2  }
0x1e: {  	s7 =	smul.u32 @!p0 $0xF7A, s2;
	p2 =	seq.s32 @!p0 s5, $0x0  }
0x1f: {  	s9 =	smul.u32 $0xF7A, s1;
	s8 =	simm.s32 @!p0 $0x1BF5;
	p2 =	por !p2, p0  }
0x20: {  	[sflag:s8] =	ssyncset.s32 @!p0 $0xFFFFF086;
	s6 =	sadd.s32 @!p0 s3, s7;
	s7 =	simm.s32 @!p0 $0x108  }
0x21: {  	s3 =	sadd.s32 s3, s9;
	s6 =	sadd.s32 @!p0 $0x88, s6;
	s7 =	simm.s32 @p2 $0x1082  }
0x22: {  	[simem:s7], [sflag:s8] =	dma.local @!p0 [hbm:s6], $0xF7A  }
0x23: {  	s9 =	sor.u32 $0xD0000000, s2;
	s6 =	simm.s32 $0x108;
	_ =	swait.ge @!p0 [sflag:s8], $0x0  }
0x24: {  	s3 =	sadd.s32 $0x88, s3;
	s6 =	simm.s32 @!p1 $0x1082;
	[sflag:s4] =	ssyncset.s32 $0xFFFFF086  }
0x25: {  	[simem:s6], [sflag:s4] =	dma.local [hbm:s3], $0xF7A  }
0x26: {  	[smem:$0x3F9B] =	sst s1;
	(tag) =	ssettag s2;
	_ =	strace s9  }
0x27: {  	s1 =	sld [smem:$0x3FAB]  }
0x28: {  	s2 =	sld [smem:$0x3FAC]  }
0x29: {  	s4 =	sld [smem:$0x3FAE]  }
0x2a: {  	p0 =	seq.s32 s5, $0x0;
	s5 =	sld [smem:$0x3FAF]  }
0x2b: {  	s6 =	sld [smem:$0x3FB0]  }
0x2c: {  	s7 =	sld [smem:$0x3FB1]  }
0x2d: {  	s3 =	simm.s32 $0x108;
	s8 =	sld [smem:$0x3FB2]  }
0x2e: {  	s3 =	simm.s32 @!p0 $0x1082;
	s9 =	sld [smem:$0x3FB3]  }
0x2f: {  	lr =	sadd.s32 s0, s3;
	s0 =	sld [smem:$0x3FAA]  }
0x30: {  	s3 =	sld [smem:$0x3FAD]  }
0x31: {  	[smem:$0x3FB6] =	sst s10  }
0x32: {  	s10 =	sld [smem:$0x3FB4];
	_ =	sdelay $0x3  }
0x33: {  	p0 =	seq.s32 s10, $0x1;
	s10 =	sld [smem:$0x3FB6];
	_ =	sdelay $0x3  }
0x34: {  	[smem:$0x3FB6] =	sst s10  }
0x35: {  	s10 =	sld [smem:$0x3FB5];
	_ =	sdelay $0x3  }
0x36: {  	p1 =	seq.s32 s10, $0x1;
	s10 =	sld [smem:$0x3FB6];
	_ =	sdelay $0x3  }
0x37: {  	[smem:$0x3FB6] =	sst s10  }
0x38: {  	s10 =	sld [smem:$0x3FB7]  }
0x39: {  	_ = 	snop;
	(pc) =	sbr.ind lr, $3  }
0x3a: {  	_ = 	snop  }
0x3b: {  	_ = 	snop  }
0x3c: {  	p2 =	seq.s32 s10, $0x1;
	s10 =	sld [smem:$0x3FB6]  }
0x3d: {  	_ =	shalt  }
0x3e: {  	_ =	shalt  }
0x3f: {  	_ =	shalt  }
0x40: {  	_ =	shalt  }
0x41: {  	_ =	shalt  }
0x42: {  	_ =	shalt  }
0x43: {  	_ =	shalt  }
0x44: {  	_ =	shalt  }
0x45: {  	_ =	shalt  }
0x46: {  	_ =	shalt  }
0x47: {  	_ =	shalt  }
0x48: {  	_ =	shalt  }
0x49: {  	_ =	shalt  }
0x4a: {  	_ =	shalt  }
0x4b: {  	_ =	shalt  }
0x4c: {  	_ =	shalt  }
0x4d: {  	_ =	shalt  }
0x4e: {  	_ =	shalt  }
0x4f: {  	_ =	shalt  }
0x50: {  	_ =	shalt  }
0x51: {  	_ =	shalt  }
0x52: {  	_ =	shalt  }
0x53: {  	_ =	shalt  }
0x54: {  	_ =	shalt  }
0x55: {  	_ =	shalt  }
0x56: {  	_ =	shalt  }
0x57: {  	_ =	shalt  }
0x58: {  	_ =	shalt  }
0x59: {  	_ =	shalt  }
0x5a: {  	_ =	shalt  }
0x5b: {  	_ =	shalt  }
0x5c: {  	_ =	shalt  }
0x5d: {  	_ =	shalt  }
0x5e: {  	_ =	shalt  }
0x5f: {  	_ =	shalt  }
0x60: {  	_ =	shalt  }
0x61: {  	_ =	shalt  }
0x62: {  	_ =	shalt  }
0x63: {  	_ =	shalt  }
0x64: {  	_ =	shalt  }
0x65: {  	_ =	shalt  }
0x66: {  	_ =	shalt  }
0x67: {  	_ =	shalt  }
0x68: {  	_ =	shalt  }
0x69: {  	_ =	shalt  }
0x6a: {  	_ =	shalt  }
0x6b: {  	_ =	shalt  }
0x6c: {  	_ =	shalt  }
0x6d: {  	_ =	shalt  }
0x6e: {  	_ =	shalt  }
0x6f: {  	_ =	shalt  }
0x70: {  	_ =	shalt  }
0x71: {  	_ =	shalt  }
0x72: {  	_ =	shalt  }
0x73: {  	_ =	shalt  }
0x74: {  	_ =	shalt  }
0x75: {  	_ =	shalt  }
0x76: {  	_ =	shalt  }
0x77: {  	_ =	shalt  }
0x78: {  	_ =	shalt  }
0x79: {  	_ =	shalt  }
0x7a: {  	_ =	shalt  }
0x7b: {  	_ =	shalt  }
0x7c: {  	_ =	shalt  }
0x7d: {  	_ =	shalt  }
0x7e: {  	_ =	shalt  }
0x7f: {  	_ =	shalt  }
0x80: {  	_ =	shalt  }
0x81: {  	_ =	shalt  }
0x82: {  	_ =	shalt  }
0x83: {  	_ =	shalt  }
0x84: {  	_ =	shalt  }
0x85: {  	_ =	shalt  }
0x86: {  	_ =	shalt  }
0x87: {  	_ =	shalt  }
.Lfunc_end0:
.L_simem_size_0:
called_computation.8_lowered:
.L_overlay_start_0:
0x88: {  	s2 =	sld [smem:$0x3FD9]  }
0x89: {  	s3 =	sld [smem:$0x3FFE];
	_ =	sdelay $0x1  }
0x8a: {  	s1 =	srdreg.scid  }
0x8b: {  	s0 =	sand.u32 $0x1, s1  }
0x8c: {  	s16 =	sshll.u32 s0, $0xA;
	s2 =	sadd.s32 s3, s2  }
0x8d: {  	s2 =	sadd.s32 s2, s16  }
0x8e: {  	[smem:$0x3FC2] =	sst s2  }
0x8f: {  	_ = 	snop  }
0x90: {  	(tm) =	ssettm $0x1  }
0x91: {  	s17 =	sld [smem:$0x3FFB];
	_ =	sdelay $0x3  }
0x92: {  	_ =	strace s17  }
0x93: {  	s2 =	sld [smem:$0x3FFC];
	_ =	sdelay $0x3  }
0x94: {  	_ =	strace s2  }
0x95: {  	s2 =	sld [smem:$0x3FFD];
	_ =	sdelay $0x3  }
0x96: {  	_ =	strace s2  }
0x97: {  	_ =	strace $0x8FFFFFFF  }
0x98: {  	s18 =	sld [smem:$0x3FDB];
	_ =	sdelay $0x1  }
0x99: {  	s19 =	simm.s32 $_scs_section_size  }
0x9a: {  	s4 =	simm.s32 $_size__tile_overlayer_lowered;
	s5 =	simm.s32 $_tile_overlayer_lowered  }
0x9b: {  	s22 =	simm.s32 $0x1BFF;
	s21 =	sshll.u32 s5, $0x1;
	s2 =	sadd.s32 s19, s18  }
0x9c: {  	s6 =	simm.s32 $0x0;
	s20 =	sshll.u32 s4, $0x1;
	s4 =	sadd.s32 s21, s2  }
0x9d: {  	[timem:s6], [sflag:s22] =	dma.local [hbm:s4], s20  }
0x9e: {  	_ =	swait.ge [sflag:s22], s20  }
0x9f: {  	s3 =	ssub.s32 $0x0, s20;
	[sflag:s22] =	ssyncset.done $0x0  }
0xa0: {  	[sflag:s22] =	ssyncadd.s32 s3;
	_ =	sdelay $0x1  }
0xa1: {  	s23 =	simm.s32 $0x1B8B  }
0xa2: {  	_ =	swait.ge [sflag:s23], $0x1  }
0xa3: {  	[sflag:s23] =	ssyncset.done $0x0  }
0xa4: {  	s25 =	simm.s32 $0x1B8E;
	s24 =	sld [smem:$0x3FFE];
	[sflag:s23] =	ssyncadd.s32 $0xFFFFFFFF  }
0xa5: {  	s26 =	simm.s32 $execute0_lowered;
	[smem:$0x3FD2] =	sst s25  }
0xa6: {  	s4 =	sshll.u32 s26, $0x1;
	_ =	strace $0x8000005E;
	[dreg:$0x1] =	wrdreg $0xFFFFFFFF  }
0xa7: {  	s28 =	simm.s32 $_size_execute0_lowered;
	s2 =	sadd.s32 s2, s4;
	[dreg:$0x0] =	wrdreg $0x0  }
0xa8: {  	s4 =	sshll.u32 s28, $0x1;
	[dreg:$0x2] =	wrdreg s2  }
0xa9: {  	[dreg:$0x3] =	wrdreg s4  }
0xaa: {  	[dreg:$0x4] =	wrdreg $0xC0  }
0xab: {  	_ =	task [dreg:s6], $0x5FFFF  }
0xac: {  	[dreg:$0x1] =	wrdreg $0xFFFFFFFF  }
0xad: {  	[dreg:$0x0] =	wrdreg $0x60  }
0xae: {  	[dreg:$0x2] =	wrdreg s24  }
0xaf: {  	[dreg:$0x3] =	wrdreg $0x82000  }
0xb0: {  	[dreg:$0x4] =	wrdreg $0x9  }
0xb1: {  	_ =	task.clear_ibuf [dreg:s6], $0x5FFFF;
	_ =	strace $0x9000005E  }
0xb2: {  	s29 =	simm.s32 $0x9;
	_ =	strace $0x80000060  }
0xb3: {  	_ =	swait.ge [sflag:s29], $0x1  }
0xb4: {  	[sflag:s29] =	ssyncadd.s32 $0xFFFFFFFF  }
0xb5: {  	_ =	strace $0x90000060  }
0xb6: {  	_ =	sfence  }
0xb7: {  	s30 =	sld [smem:$0x0];
	_ =	sdelay $0x2  }
0xb8: {  	s31 =	sshll.u32 s1, $0xD;
	s1 =	sshrl.u32 s1, $0x2  }
0xb9: {  	s3 =	sand.u32 $0x4000, s31;
	s1 =	sadd.s32 s1, s30  }
0xba: {  	s0 =	sor.u32 s3, s0;
	s1 =	sshll.u32 s1, $0x11  }
0xbb: {  	s0 =	sor.u32 s1, s0  }
0xbc: {  	s0 =	sadd.s32 $0x8F2B, s0  }
0xbd: {  	[sflag:s0] =	ssyncadd.remote.s32 $0x1  }
0xbe: {  	_ =	sfence.sel $0xFFFF  }
0xbf: {  	[dreg:$0x0] =	wrdreg $0xFFFFFFFF;
	(pc) =	sbr.abs _section_cstart, $3  }
0xc0: {  	[dreg:$0x1] =	wrdreg $0xFFFFFFFF  }
0xc1: {  	_ =	task.clear_ibuf [dreg:s6], $0x2FFFF;
	_ =	strace $0x9FFFFFFF  }
0xc2: {  	(tm) =	ssettm $0x7FFFFFFF  }
0xc3: {  	_ =	shalt  }
tec
execute0_lowered:
.L_overlay_start_1:
0x0: {  	(tag) =	ssettag $0x1  }
0x1: {  	s5 =	rddreg [dreg:$0x0]  }
0x2: {  	s2 =	rddreg [dreg:$0x1]  }
0x3: {  	s0 =	srdreg.scid;
	s1 =	rddreg [dreg:$0x2]  }
0x4: {  	s3 =	simm.s32 $0x0;
	s13 =	simm.s32 $0x100;
	s14 =	simm.s32 $0x80  }
0x5: {  	s15 =	simm.s32 $0x180;
	s16 =	simm.s32 $0x1;
	s6 =	sand.u32 $0x1, s0  }
0x6: {  	s17 =	simm.s32 $0x200;
	s0 =	stileid.u32;
	s4 =	smul.u32 $0x28000, s6  }
0x7: {  	s18 =	simm.s32 $0x4200;
	s19 =	simm.s32 $0x2;
	s7 =	smul.u32 $0x2800, s0  }
0x8: {  	s20 =	simm.s32 $0x3;
	[smem:$0x7FF] =	sst s3;
	s26 =	smul.u32 $0x13C00, s0  }
0x9: {  	s21 =	simm.s32 $0x0;
	s8 =	smul.u32 $0x13C000, s6;
	_ =	strace $0x8000005F  }
0xa: {  	s6 =	ssub.s32 $0x2, s6;
	s28 =	smul.u32 $0x4F000, s0;
	s31 =	sshll.u32 s0, $0x6  }
0xb: {  	s29 =	sshrl.u32 s6, $0x1;
	s4 =	sadd.s32 s7, s4;
	s9 =	sshrl.u32 s26, $0x3  }
0xc: {  	s7 =	sadd.s32 s26, s8;
	s11 =	ssub.s32 s6, s29;
	s30 =	sshrl.u32 s28, $0x2  }
0xd: {  	s6 =	sor.u32 $0x1C04, s31;
	s4 =	sshrl.u32 s4, $0x3;
	s7 =	sshrl.u32 s7, $0x3  }
0xe: {  	s9 =	sadd.s32 s9, s5;
	s12 =	sadd.s32 s30, s2;
	s8 =	smax.u32 s11, $0x1  }
0xf: {  	s10 =	sadd.s32 s4, s5;
	s4 =	sadd.s32 $0x91E00, s5;
	s7 =	sadd.s32 s7, s5  }
0x10: {  	s5 =	sadd.s32 $0x10E00, s9;
	s11 =	sshrl.u32 s12, $0x3;
	s12 =	simm.s32 $0x4  }
0x11: {  	s7 =	sadd.s32 $0xB9600, s7;
	s9 =	sadd.s32 $0x87E00, s10;
	s10 =	sadd.s32 $0x6E00, s10  }
.LBB2_1:
0x12: {  	[spmem:s11], [sflag:s6] =	dma.local [hbm:s5], $0x2780  }
0x13: {  	_ =	swait.ge [sflag:s12], $0x2780  }
0x14: {  	[sflag:s12] =	ssyncset.done $0x0  }
0x15: {  	[sflag:s12] =	ssyncadd.s32 $0xFFFFD880  }
0x16: {  	s22 =	sadd.s32 $0x0, s9;
	[bflag:$0x0] =	sbarrier.arrive $0xFFFF  }
0x17: {  	[tilespmem:s3], [sflag:$0x1] =	stream.linear.gather [hbm4b:s22+s3], $0x80, $0x38;
	[tilespmem:$0x1BE00] =	vst v63  }
0x18: {  	s23 =	sadd.s32 $0x0, s10  }
0x19: {  	[tilespmem:s13], [sflag:$0x1] =	stream.linear.gather [hbm4b:s23+s3], $0x80, $0x38;
	[tilespmem:$0x1BE00] =	vst v63  }
0x1a: {  	s22 =	sadd.s32 $0x10, s22  }
0x1b: {  	[tilespmem:s14], [sflag:$0x1] =	stream.linear.gather [hbm4b:s22+s3], $0x80, $0x38;
	[tilespmem:$0x1BE00] =	vst v63  }
0x1c: {  	s31 =	sadd.s32 $0x10, s23  }
0x1d: {  	[tilespmem:s15], [sflag:$0x1] =	stream.linear.gather [hbm4b:s31+s3], $0x80, $0x38;
	[tilespmem:$0x1BE00] =	vst v63  }
0x1e: {  	_ =	swait.ge [sflag:s16], $0x80  }
0x1f: {  	[sflag:s16] =	ssyncset.done $0x0  }
0x20: {  	[sflag:s16] =	ssyncadd.s32 $0xFFFFFF80  }
0x21: {  	_ =	swait.ge [sflag:s16], $0x80  }
0x22: {  	[sflag:s16] =	ssyncset.done $0x0  }
0x23: {  	[sflag:s16] =	ssyncadd.s32 $0xFFFFFF80  }
0x24: {  	_ =	swait.ge [sflag:s16], $0x80  }
0x25: {  	[sflag:s16] =	ssyncset.done $0x0  }
0x26: {  	[sflag:s16] =	ssyncadd.s32 $0xFFFFFF80  }
0x27: {  	_ =	swait.ge [sflag:s16], $0x80  }
0x28: {  	[sflag:s16] =	ssyncset.done $0x0  }
0x29: {  	[sflag:s16] =	ssyncadd.s32 $0xFFFFFF80  }
0x2a: {  	[tilespmem:s17], [sflag:$0x2] =	stream.indirect.gather [hbm4b:s4+s14], $0x80, s3, s14, $0xb8;
	[tilespmem:$0x1BE00] =	vst v63  }
0x2b: {  	_ = 	snop  }
0x2c: {  	[tilespmem:s18], [sflag:$0x2] =	stream.indirect.gather [hbm4b:s4+s14], $0x80, s14, s14, $0xb8;
	[tilespmem:$0x1BE00] =	vst v63  }
0x2d: {  	_ =	swait.ge [sflag:s19], $0x4000  }
0x2e: {  	[sflag:s19] =	ssyncset.done $0x0  }
0x2f: {  	[sflag:s19] =	ssyncadd.s32 $0xFFFFC000  }
0x30: {  	_ =	swait.ge [sflag:s19], $0x4000  }
0x31: {  	[sflag:s19] =	ssyncset.done $0x0  }
0x32: {  	[sflag:s19] =	ssyncadd.s32 $0xFFFFC000  }
0x33: {  	[spmem:s2] =	stream.indirect.scatter.add.f32 [tilespmem:s17], [sflag:$0x3], $0x80, s13, s14, $0xb8;
	[tilespmem:$0x1BE00] =	vst v63  }
0x34: {  	_ = 	snop  }
0x35: {  	[spmem:s2] =	stream.indirect.scatter.add.f32 [tilespmem:s18], [sflag:$0x3], $0x80, s15, s14, $0xb8;
	[tilespmem:$0x1BE00] =	vst v63  }
0x36: {  	_ =	swait.ge [sflag:s20], $0x4000  }
0x37: {  	[sflag:s20] =	ssyncset.done $0x0  }
0x38: {  	[sflag:s20] =	ssyncadd.s32 $0xFFFFC000  }
0x39: {  	_ =	swait.ge [sflag:s20], $0x4000  }
0x3a: {  	s24 =	simm.s32 $0x40;
	s22 =	simm.s32 $0x20;
	[sflag:s20] =	ssyncset.done $0x0  }
.LBB2_2:
0x3b: {  	s25 =	sadd.s32 s22, s9  }
0x3c: {  	[sflag:s20] =	ssyncadd.s32 $0xFFFFC000;
	s26 =	smov.u32 s24;
	s23 =	sadd.s32 $0x20, s24  }
0x3d: {  	[tilespmem:s3], [sflag:$0x1] =	stream.linear.gather [hbm4b:s25+s3], $0x80, $0x38;
	[tilespmem:$0x1BE00] =	vst v63  }
0x3e: {  	p0 =	sne.s32 s24, $0x4E0;
	s24 =	sadd.s32 s22, s10;
	s22 =	smov.u32 s26  }
0x3f: {  	[tilespmem:s13], [sflag:$0x1] =	stream.linear.gather [hbm4b:s24+s3], $0x80, $0x38;
	[tilespmem:$0x1BE00] =	vst v63  }
0x40: {  	s25 =	sadd.s32 $0x10, s25  }
0x41: {  	[tilespmem:s14], [sflag:$0x1] =	stream.linear.gather [hbm4b:s25+s3], $0x80, $0x38;
	[tilespmem:$0x1BE00] =	vst v63  }
0x42: {  	s24 =	sadd.s32 $0x10, s24  }
0x43: {  	[tilespmem:s15], [sflag:$0x1] =	stream.linear.gather [hbm4b:s24+s3], $0x80, $0x38;
	[tilespmem:$0x1BE00] =	vst v63  }
0x44: {  	_ =	swait.ge [sflag:s16], $0x80  }
0x45: {  	[sflag:s16] =	ssyncset.done $0x0  }
0x46: {  	[sflag:s16] =	ssyncadd.s32 $0xFFFFFF80  }
0x47: {  	_ =	swait.ge [sflag:s16], $0x80  }
0x48: {  	[sflag:s16] =	ssyncset.done $0x0  }
0x49: {  	[sflag:s16] =	ssyncadd.s32 $0xFFFFFF80  }
0x4a: {  	_ =	swait.ge [sflag:s16], $0x80  }
0x4b: {  	[sflag:s16] =	ssyncset.done $0x0  }
0x4c: {  	[sflag:s16] =	ssyncadd.s32 $0xFFFFFF80  }
0x4d: {  	_ =	swait.ge [sflag:s16], $0x80  }
0x4e: {  	[sflag:s16] =	ssyncset.done $0x0  }
0x4f: {  	[sflag:s16] =	ssyncadd.s32 $0xFFFFFF80  }
0x50: {  	[tilespmem:s17], [sflag:$0x2] =	stream.indirect.gather [hbm4b:s4+s14], $0x80, s3, s14, $0xb8;
	[tilespmem:$0x1BE00] =	vst v63  }
0x51: {  	_ = 	snop  }
0x52: {  	[tilespmem:s18], [sflag:$0x2] =	stream.indirect.gather [hbm4b:s4+s14], $0x80, s14, s14, $0xb8;
	[tilespmem:$0x1BE00] =	vst v63  }
0x53: {  	_ =	swait.ge [sflag:s19], $0x4000  }
0x54: {  	[sflag:s19] =	ssyncset.done $0x0  }
0x55: {  	[sflag:s19] =	ssyncadd.s32 $0xFFFFC000  }
0x56: {  	_ =	swait.ge [sflag:s19], $0x4000  }
0x57: {  	[sflag:s19] =	ssyncset.done $0x0  }
0x58: {  	[sflag:s19] =	ssyncadd.s32 $0xFFFFC000  }
0x59: {  	[spmem:s2] =	stream.indirect.scatter.add.f32 [tilespmem:s17], [sflag:$0x3], $0x80, s13, s14, $0xb8;
	[tilespmem:$0x1BE00] =	vst v63  }
0x5a: {  	_ = 	snop  }
0x5b: {  	[spmem:s2] =	stream.indirect.scatter.add.f32 [tilespmem:s18], [sflag:$0x3], $0x80, s15, s14, $0xb8;
	[tilespmem:$0x1BE00] =	vst v63  }
.Ltmp0:
0x5c: {  	_ =	swait.ge [sflag:s20], $0x4000;
	(pc) =	sbr.rel @p0 .LBB2_2-.Ltmp0, $4  }
0x5d: {  	[sflag:s20] =	ssyncset.done $0x0  }
0x5e: {  	[sflag:s20] =	ssyncadd.s32 $0xFFFFC000  }
0x5f: {  	_ =	swait.ge [sflag:s20], $0x4000  }
0x60: {  	s24 =	smov.u32 s23;
	[sflag:s20] =	ssyncset.done $0x0  }
0x61: {  	s23 =	sadd.s32 s22, s9;
	[sflag:s20] =	ssyncadd.s32 $0xFFFFC000  }
0x62: {  	[tilespmem:s3], [sflag:$0x1] =	stream.linear.gather [hbm4b:s23+s3], $0x80, $0x38;
	[tilespmem:$0x1BE00] =	vst v63  }
0x63: {  	s31 =	sadd.s32 s22, s10  }
0x64: {  	[tilespmem:s13], [sflag:$0x1] =	stream.linear.gather [hbm4b:s31+s3], $0x80, $0x38;
	[tilespmem:$0x1BE00] =	vst v63  }
0x65: {  	s23 =	sadd.s32 $0x10, s23  }
0x66: {  	[tilespmem:s14], [sflag:$0x1] =	stream.linear.gather [hbm4b:s23+s3], $0x80, $0x38;
	[tilespmem:$0x1BE00] =	vst v63  }
0x67: {  	s22 =	sadd.s32 $0x10, s31  }
0x68: {  	[tilespmem:s15], [sflag:$0x1] =	stream.linear.gather [hbm4b:s22+s3], $0x80, $0x38;
	[tilespmem:$0x1BE00] =	vst v63  }
0x69: {  	_ =	swait.ge [sflag:s16], $0x80  }
0x6a: {  	[sflag:s16] =	ssyncset.done $0x0  }
0x6b: {  	[sflag:s16] =	ssyncadd.s32 $0xFFFFFF80  }
0x6c: {  	_ =	swait.ge [sflag:s16], $0x80  }
0x6d: {  	[sflag:s16] =	ssyncset.done $0x0  }
0x6e: {  	[sflag:s16] =	ssyncadd.s32 $0xFFFFFF80  }
0x6f: {  	_ =	swait.ge [sflag:s16], $0x80  }
0x70: {  	[sflag:s16] =	ssyncset.done $0x0  }
0x71: {  	[sflag:s16] =	ssyncadd.s32 $0xFFFFFF80  }
0x72: {  	_ =	swait.ge [sflag:s16], $0x80  }
0x73: {  	[sflag:s16] =	ssyncset.done $0x0  }
0x74: {  	[sflag:s16] =	ssyncadd.s32 $0xFFFFFF80  }
0x75: {  	[tilespmem:s17], [sflag:$0x2] =	stream.indirect.gather [hbm4b:s4+s14], $0x80, s3, s14, $0xb8;
	[tilespmem:$0x1BE00] =	vst v63  }
0x76: {  	_ = 	snop  }
0x77: {  	[tilespmem:s18], [sflag:$0x2] =	stream.indirect.gather [hbm4b:s4+s14], $0x80, s14, s14, $0xb8;
	[tilespmem:$0x1BE00] =	vst v63  }
0x78: {  	_ =	swait.ge [sflag:s19], $0x4000  }
0x79: {  	[sflag:s19] =	ssyncset.done $0x0  }
0x7a: {  	[sflag:s19] =	ssyncadd.s32 $0xFFFFC000  }
0x7b: {  	_ =	swait.ge [sflag:s19], $0x4000  }
0x7c: {  	[sflag:s19] =	ssyncset.done $0x0  }
0x7d: {  	[sflag:s19] =	ssyncadd.s32 $0xFFFFC000  }
0x7e: {  	[spmem:s2] =	stream.indirect.scatter.add.f32 [tilespmem:s17], [sflag:$0x3], $0x80, s13, s14, $0xb8;
	[tilespmem:$0x1BE00] =	vst v63  }
0x7f: {  	_ = 	snop  }
0x80: {  	[spmem:s2] =	stream.indirect.scatter.add.f32 [tilespmem:s18], [sflag:$0x3], $0x80, s15, s14, $0xb8;
	[tilespmem:$0x1BE00] =	vst v63  }
0x81: {  	_ =	swait.ge [sflag:s20], $0x4000  }
0x82: {  	[sflag:s20] =	ssyncset.done $0x0  }
0x83: {  	[sflag:s20] =	ssyncadd.s32 $0xFFFFC000  }
0x84: {  	_ =	swait.ge [sflag:s20], $0x4000  }
0x85: {  	s21 =	sadd.s32 $0x1, s21;
	[sflag:s20] =	ssyncset.done $0x0  }
0x86: {  	p0 =	sne.s32 s21, s8;
	[sflag:s20] =	ssyncadd.s32 $0xFFFFC000  }
.Ltmp1:
0x87: {  	[bflag:$0x0] =	sbarrier.arrive $0xFFFF;
	(pc) =	sbr.rel @p0 .LBB2_1-.Ltmp1, $4  }
0x88: {  	[hbm:s7], [sflag:s6] =	dma.local [spmem:s11], $0x2780  }
0x89: {  	_ =	swait.ge [sflag:s12], $0x2780  }
0x8a: {  	[sflag:s12] =	ssyncset.done $0x0  }
0x8b: {  	[sflag:s12] =	ssyncadd.s32 $0xFFFFD880  }
0x8c: {  	_ =	sfence.sel $0x180000  }
0x8d: {  	[bflag:$0x0] =	sbarrier.arrive $0xFFFF  }
0x8e: {  	p0 =	sne.s32 s0, $0x0;
	_ =	strace $0x9000005F  }
0x8f: {  	s0 =	sadd.s32 @!p0 $0x100000, s1;
	[bflag:$0x2] =	sbarrier.arrive $0xFFFF  }
0x90: {  	[sflag:s0] =	ssyncadd.tile.s32 @!p0 $0x1;
	_ =	shalt  }
.Lfunc_end2:
_tile_overlayer_lowered:
.L_overlay_start_2:
0x91: {  	(tag) =	ssettag $0x2  }
0x92: {  	s0 =	rddreg [dreg:$0x0];
	s2 =	stileid.u32  }
0x93: {  	s1 =	rddreg [dreg:$0x1];
	p0 =	sne.s32 s2, $0x0  }
0x94: {  	s3 =	rddreg [dreg:$0x2];
	[bflag:$0x3] =	sbarrier.arrive $0xFFFF;
	s2 =	simm.s32 @!p0 $0x1C04  }
0x95: {  	[timem:s3], [sflag:s2] =	dma.local @!p0 [hbm:s0], s1  }
0x96: {  	s0 =	simm.s32 @!p0 $0x4  }
0x97: {  	_ =	swait.ge @!p0 [sflag:s0], s1  }
0x98: {  	s1 =	ssub.s32 @!p0 $0x0, s1;
	[sflag:s0] =	ssyncset.done @!p0 $0x0  }
0x99: {  	[sflag:s0] =	ssyncadd.s32 @!p0 s1  }
0x9a: {  	[bflag:$0x3] =	sbarrier.arrive $0xFFFF  }
0x9b: {  	_ =	shalt  }

</sc_bundles>
